<compile_context>
chip_gen: v7x
topology: tpu7x:2x2x1
jax: 0.10.2.dev20260603
libtpu: 0.0.44.dev20260713+nightly
codegen_flags: <defaults>
</compile_context>

<pallas_src>
import functools

import jax
import jax.numpy as jnp
from jax import lax
from jax.experimental import pallas as pl
from jax.experimental.pallas import tpu as pltpu
from jax.experimental.pallas import tpu_sc as plsc

N = 10000
E = 320000
D = 128
NC = 2
NS = 16
NW = NC * NS
CH = 128
NCHUNK = 84
EPAD = NW * NCHUNK * CH
NPAD = 10016
ZROWS = 640
LROWS = NPAD - 15 * ZROWS
DEGW = 8
NB = 3
NI = 6

_sc_mesh = plsc.VectorSubcoreMesh(core_axis_name="c", subcore_axis_name="s")


NPAD_DEG = 10240


@functools.partial(
    pl.kernel,
    mesh=_sc_mesh,
    out_type=jax.ShapeDtypeStruct((NC, NPAD_DEG, DEGW), jnp.float32),
    scratch_types=[
        pltpu.VMEM_SHARED((NPAD_DEG, DEGW), jnp.float32),
        pltpu.VMEM((NCHUNK, 2, CH), jnp.int32),
        pltpu.VMEM((CH, DEGW), jnp.float32),
    ],
)
def _deg_sc(edges_t, ones_hbm, zeros_hbm, deg_out, deg_sp, edges_v, ones_v):
    c = lax.axis_index("c")
    s = lax.axis_index("s")
    w = c * NS + s
    pltpu.sync_copy(edges_t.at[w], edges_v)
    pltpu.sync_copy(ones_hbm, ones_v)
    pltpu.sync_copy(zeros_hbm, deg_sp.at[pl.ds(s * 640, 640)])
    plsc.subcore_barrier()

    @pl.loop(0, NCHUNK)
    def _(j):
        pltpu.sync_copy(ones_v, deg_sp.at[edges_v.at[j, 1]], add=True)

    plsc.subcore_barrier()
    pltpu.sync_copy(deg_sp.at[pl.ds(s * 640, 640)],
                    deg_out.at[c, pl.ds(s * 640, 640)])


@functools.partial(
    pl.kernel,
    mesh=_sc_mesh,
    out_type=jax.ShapeDtypeStruct((NC, NPAD, D), jnp.float32),
    scratch_types=[pltpu.VMEM_SHARED((NPAD, D), jnp.float32)]
    + [pltpu.VMEM((CH, D), jnp.float32) for _ in range(NB)]
    + [pltpu.VMEM((2, CH), jnp.int32) for _ in range(NI)]
    + [pltpu.SemaphoreType.DMA for _ in range(2 * NB + NI)],
)
def _agg_sc(hp, edges_t, zeros_hbm, y_out, y_sp, *bufs):
    rows = bufs[:NB]
    ebuf = bufs[NB:NB + NI]
    gsem = bufs[NB + NI:NB + NI + NB]
    ssem = bufs[NB + NI + NB:NB + NI + 2 * NB]
    isem = bufs[NB + NI + 2 * NB:]
    c = lax.axis_index("c")
    s = lax.axis_index("s")
    w = c * NS + s

    @pl.when(s < NS - 1)
    def _():
        pltpu.sync_copy(zeros_hbm, y_sp.at[pl.ds(s * ZROWS, ZROWS)])

    @pl.when(s == NS - 1)
    def _():
        pltpu.sync_copy(zeros_hbm.at[pl.ds(0, LROWS)],
                        y_sp.at[pl.ds((NS - 1) * ZROWS, LROWS)])

    plsc.subcore_barrier()

    for k in range(3):
        pltpu.async_copy(edges_t.at[w, k], ebuf[k], isem[k])

    @pl.loop(0, NCHUNK // NI)
    def _(jj):
        j0 = jj * NI
        for k in range(NI):
            j = j0 + k
            p, q = k % NB, k % NI
            pm1, qm1 = (k - 1) % NB, (k - 1) % NI

            @pl.when(j >= NB)
            def _():
                pltpu.make_async_copy(
                    rows[p], y_sp.at[ebuf[(q + 3) % NI].at[1]], ssem[p]
                ).wait()

            pltpu.make_async_copy(edges_t.at[w, j], ebuf[q], isem[q]).wait()
            pltpu.async_copy(hp.at[ebuf[q].at[0]], rows[p], gsem[p])

            @pl.when(j + 3 < NCHUNK)
            def _():
                pltpu.async_copy(edges_t.at[w, j + 3], ebuf[(k + 3) % NI],
                                 isem[(k + 3) % NI])

            @pl.when(j >= 1)
            def _():
                pltpu.make_async_copy(
                    hp.at[ebuf[qm1].at[0]], rows[pm1], gsem[pm1]).wait()
                pltpu.async_copy(rows[pm1], y_sp.at[ebuf[qm1].at[1]],
                                 ssem[pm1], add=True)

    lp, lq = (NCHUNK - 1) % NB, (NCHUNK - 1) % NI
    pltpu.make_async_copy(hp.at[ebuf[lq].at[0]], rows[lp], gsem[lp]).wait()
    pltpu.async_copy(rows[lp], y_sp.at[ebuf[lq].at[1]], ssem[lp], add=True)
    for j in (NCHUNK - 3, NCHUNK - 2, NCHUNK - 1):
        pltpu.make_async_copy(
            rows[j % NB], y_sp.at[ebuf[j % NI].at[1]], ssem[j % NB]).wait()

    plsc.subcore_barrier()

    @pl.when(s < NS - 1)
    def _():
        pltpu.sync_copy(y_sp.at[pl.ds(s * ZROWS, ZROWS)],
                        y_out.at[c, pl.ds(s * ZROWS, ZROWS)])

    @pl.when(s == NS - 1)
    def _():
        pltpu.sync_copy(y_sp.at[pl.ds((NS - 1) * ZROWS, LROWS)],
                        y_out.at[c, pl.ds((NS - 1) * ZROWS, LROWS)])


def _dinv_body(deg_ref, out_ref):
    d = deg_ref[0] + deg_ref[1] + 1.0
    v = lax.rsqrt(d)
    out_ref[...] = v[:N, 0:1]


def _dinv_tc(deg):
    return pl.pallas_call(
        _dinv_body,
        out_shape=jax.ShapeDtypeStruct((N, 1), jnp.float32),
    )(deg)


_RB = 2000
_GRID = N // _RB


def _mm_scale_body(x_ref, w_ref, dinv_ref, out_ref):
    h = jnp.dot(x_ref[...], w_ref[...], preferred_element_type=jnp.float32)
    out_ref[...] = dinv_ref[...] * h


def _mm_scale(x, W, dinv):
    return pl.pallas_call(
        _mm_scale_body,
        grid=(_GRID,),
        in_specs=[
            pl.BlockSpec((_RB, D), lambda i: (i, 0)),
            pl.BlockSpec((D, D), lambda i: (0, 0)),
            pl.BlockSpec((_RB, 1), lambda i: (i, 0)),
        ],
        out_specs=pl.BlockSpec((_RB, D), lambda i: (i, 0)),
        out_shape=jax.ShapeDtypeStruct((N, D), jnp.float32),
    )(x, W, dinv)


def _combine_mm_body(y_ref, hp_ref, dinv_ref, b_ref, w_ref, out_ref):
    t = dinv_ref[...] * (y_ref[0] + y_ref[1] + hp_ref[...]) + b_ref[...]
    t = jnp.maximum(t, 0.0)
    h = jnp.dot(t, w_ref[...], preferred_element_type=jnp.float32)
    out_ref[...] = dinv_ref[...] * h


def _combine_mm(y, hp, dinv, b, W):
    return pl.pallas_call(
        _combine_mm_body,
        grid=(_GRID,),
        in_specs=[
            pl.BlockSpec((NC, _RB, D), lambda i: (0, i, 0)),
            pl.BlockSpec((_RB, D), lambda i: (i, 0)),
            pl.BlockSpec((_RB, 1), lambda i: (i, 0)),
            pl.BlockSpec((1, D), lambda i: (0, 0)),
            pl.BlockSpec((D, D), lambda i: (0, 0)),
        ],
        out_specs=pl.BlockSpec((_RB, D), lambda i: (i, 0)),
        out_shape=jax.ShapeDtypeStruct((N, D), jnp.float32),
    )(y, hp, dinv, b, W)


def _head_body(y_ref, hp_ref, dinv_ref, b_ref, wh_ref, bh_ref, out_ref, acc_ref):
    i = pl.program_id(0)
    ps = jnp.sum(dinv_ref[...] * (y_ref[0] + y_ref[1] + hp_ref[...]),
                 axis=0, keepdims=True)
    acc_ref[...] = jnp.where(i == 0, ps, acc_ref[...] + ps)

    @pl.when(i == _GRID - 1)
    def _():
        g = acc_ref[...] * (1.0 / N) + b_ref[...]
        out_ref[...] = (
            jnp.dot(g, wh_ref[...], preferred_element_type=jnp.float32)
            + bh_ref[...]
        )


def _head(y, hp, dinv, b, Wh, bh):
    return pl.pallas_call(
        _head_body,
        grid=(_GRID,),
        in_specs=[
            pl.BlockSpec((NC, _RB, D), lambda i: (0, i, 0)),
            pl.BlockSpec((_RB, D), lambda i: (i, 0)),
            pl.BlockSpec((_RB, 1), lambda i: (i, 0)),
            pl.BlockSpec((1, D), lambda i: (0, 0)),
            pl.BlockSpec((D, D), lambda i: (0, 0)),
            pl.BlockSpec((1, D), lambda i: (0, 0)),
        ],
        out_specs=pl.BlockSpec((1, D), lambda i: (0, 0)),
        out_shape=jax.ShapeDtypeStruct((1, D), jnp.float32),
        scratch_shapes=[pltpu.VMEM((1, D), jnp.float32)],
    )(y, hp, dinv, b, Wh, bh)


def kernel(x, edge_index, W1, b1, W2, b2, W3, b3, Wh, bh):
    src = edge_index[0].astype(jnp.int32)
    dst = edge_index[1].astype(jnp.int32)
    npad = EPAD - E
    fill = jnp.arange(npad, dtype=jnp.int32) % 16
    src_t = jnp.concatenate([src, fill])
    dst_t = jnp.concatenate([dst, N + fill])
    edges_t = jnp.stack(
        [src_t.reshape(NW, NCHUNK, CH), dst_t.reshape(NW, NCHUNK, CH)], axis=2
    )

    ones = jnp.ones((CH, DEGW), jnp.float32)
    zeros_d = jnp.zeros((640, DEGW), jnp.float32)
    zeros_y = jnp.zeros((ZROWS, D), jnp.float32)

    deg = _deg_sc(edges_t, ones, zeros_d)
    dinv = _dinv_tc(deg)

    hp1 = _mm_scale(x, W1, dinv)
    y1 = _agg_sc(hp1, edges_t, zeros_y)
    hp2 = _combine_mm(y1, hp1, dinv, b1.reshape(1, D), W2)
    y2 = _agg_sc(hp2, edges_t, zeros_y)
    hp3 = _combine_mm(y2, hp2, dinv, b2.reshape(1, D), W3)
    y3 = _agg_sc(hp3, edges_t, zeros_y)
    return _head(y3, hp3, dinv, b3.reshape(1, D), Wh, bh.reshape(1, D))

# --- scband reference (transcript-rebuilt; emitter-appended) ---
"""Pipeline reference for scband-gcn-88089779241192 (READ-ONLY COPY).

The authoritative reference and input builder live on the scoring server;
editing this copy changes nothing except your own understanding.
"""

import jax, jax.numpy as jnp
import numpy as np

N = 10000
E = 320000
D_IN = 128
D_HID = 128
D_OUT = 128


def gcn_conv(x, edge_index, W, b):
    # PyG GCNConv: add self-loops, symmetric normalization, linear transform,
    # sum aggregation, bias added after aggregation.
    n = x.shape[0]
    loop = jnp.arange(n, dtype=edge_index.dtype)
    src = jnp.concatenate([edge_index[0], loop])
    dst = jnp.concatenate([edge_index[1], loop])
    deg = jnp.zeros((n,), x.dtype).at[dst].add(1.0)
    dinv = jnp.where(deg > 0, 1.0 / jnp.sqrt(deg), 0.0)
    norm = dinv[src] * dinv[dst]
    h = x @ W
    msg = h[src] * norm[:, None]
    out = jnp.zeros((n, h.shape[1]), h.dtype).at[dst].add(msg)
    return out + b


def setup_inputs(seed: int = 0) -> dict:
    key = jax.random.key(seed)
    ks = jax.random.split(key, 12)
    x = jax.random.normal(ks[0], (N, D_IN), dtype=jnp.float32)
    edge_index = jax.random.randint(ks[1], (2, E), 0, N, dtype=jnp.int64)
    s_in = 1.0 / np.sqrt(D_IN)
    s_hid = 1.0 / np.sqrt(D_HID)
    W1 = jax.random.normal(ks[2], (D_IN, D_HID), dtype=jnp.float32) * s_in
    b1 = jnp.zeros((D_HID,), jnp.float32)
    W2 = jax.random.normal(ks[3], (D_HID, D_HID), dtype=jnp.float32) * s_hid
    b2 = jnp.zeros((D_HID,), jnp.float32)
    W3 = jax.random.normal(ks[4], (D_HID, D_HID), dtype=jnp.float32) * s_hid
    b3 = jnp.zeros((D_HID,), jnp.float32)
    Wh = jax.random.normal(ks[5], (D_HID, D_OUT), dtype=jnp.float32) * s_hid
    bh = jnp.zeros((D_OUT,), jnp.float32)
    return {"x": x, "edge_index": edge_index, "W1": W1, "b1": b1,
            "W2": W2, "b2": b2, "W3": W3, "b3": b3, "Wh": Wh, "bh": bh}


def reference(x, edge_index, W1, b1, W2, b2, W3, b3, Wh, bh):
    # num_layers=3, dropout=0.0 (no-op), no batch_norm, no residual, batch=None
    h = gcn_conv(x, edge_index, W1, b1)
    h = jax.nn.relu(h)
    h = gcn_conv(h, edge_index, W2, b2)
    h = jax.nn.relu(h)
    h = gcn_conv(h, edge_index, W3, b3)
    g = jnp.mean(h, axis=0, keepdims=True)
    # prediction head: single Linear (head_depth=1)
    return g @ Wh + bh

if __name__ == "__main__":
    import jax
    _d = setup_inputs()
    print(jax.jit(kernel)(*tuple(_d.values())))

</pallas_src>

<mosaic_0001>
#map = affine_map<(d0, d1) -> (0, 0, 0, 0)>
#map1 = affine_map<(d0, d1) -> (0, 0)>
#map2 = affine_map<(d0, d1) -> (0, 0, 0)>
module attributes {stable_mosaic.version = 14 : i64} {
  func.func @_deg_sc(%arg0: i32, %arg1: i32, %arg2: memref<32x84x2x128xi32, #tpu.memory_space<hbm>>, %arg3: memref<128x8xf32, #tpu.memory_space<hbm>>, %arg4: memref<640x8xf32, #tpu.memory_space<hbm>>, %arg5: memref<2x10240x8xf32, #tpu.memory_space<hbm>>, %arg6: memref<10240x8xf32, #tpu.memory_space<vmem_shared>>, %arg7: memref<84x2x128xi32, #tpu.memory_space<vmem>>, %arg8: memref<128x8xf32, #tpu.memory_space<vmem>>) attributes {dimension_semantics = [#tpu.dimension_semantics<core_parallel>, #tpu.dimension_semantics<subcore_parallel>], iteration_bounds = array<i64: 2, 16>, scalar_prefetch = 0 : i64, scratch_operands = 3 : i64, tpu.core_type = #tpu.core_type<sc_vector_subcore>, window_params = [{transform_indices = #map}, {transform_indices = #map1}, {transform_indices = #map1}, {transform_indices = #map2}]} {
    %mul3A = arith.constant 16 : i32
    %mul3A_0 = arith.muli %arg0, %mul3A : i32
    %add3A = arith.addi %mul3A_0, %arg1 : i32
    "tpu.region"() ({
      %run_scoped3A = tpu.sem_alloc : memref<!tpu.dma_semaphore, #tpu.memory_space<semaphore_mem>>
      %dma_start3A = arith.constant 0 : i32
      %dma_start3A_12 = arith.constant 0 : i32
      %dma_start3A_13 = arith.constant 0 : i32
      %dma_start3A_14 = tpu.memref_slice %arg2[%add3A, %dma_start3A, %dma_start3A_12, %dma_start3A_13] : memref<32x84x2x128xi32, #tpu.memory_space<hbm>> -> memref<1x84x2x128xi32, #tpu.memory_space<hbm>>
      %dma_start3A_15 = tpu.memref_squeeze %dma_start3A_14 : memref<1x84x2x128xi32, #tpu.memory_space<hbm>> -> memref<84x2x128xi32, #tpu.memory_space<hbm>>
      %dma_start3A_16 = arith.constant 0 : i32
      %dma_start3A_17 = arith.constant 0 : i32
      %dma_start3A_18 = arith.constant 0 : i32
      %dma_start3A_19 = tpu.memref_slice %arg2[%add3A, %dma_start3A_16, %dma_start3A_17, %dma_start3A_18] : memref<32x84x2x128xi32, #tpu.memory_space<hbm>> -> memref<1x84x2x128xi32, #tpu.memory_space<hbm>>
      %dma_start3A_20 = tpu.memref_squeeze %dma_start3A_19 : memref<1x84x2x128xi32, #tpu.memory_space<hbm>> -> memref<84x2x128xi32, #tpu.memory_space<hbm>>
      tpu.enqueue_dma source(%dma_start3A_20 : memref<84x2x128xi32, #tpu.memory_space<hbm>>) target(%arg7 : memref<84x2x128xi32, #tpu.memory_space<vmem>>) target_semaphore(%run_scoped3A : memref<!tpu.dma_semaphore, #tpu.memory_space<semaphore_mem>>)
      %dma_wait3A = arith.constant 0 : i32
      %dma_wait3A_21 = arith.constant 0 : i32
      %dma_wait3A_22 = arith.constant 0 : i32
      %dma_wait3A_23 = tpu.memref_slice %arg2[%add3A, %dma_wait3A, %dma_wait3A_21, %dma_wait3A_22] : memref<32x84x2x128xi32, #tpu.memory_space<hbm>> -> memref<1x84x2x128xi32, #tpu.memory_space<hbm>>
      %dma_wait3A_24 = tpu.memref_squeeze %dma_wait3A_23 : memref<1x84x2x128xi32, #tpu.memory_space<hbm>> -> memref<84x2x128xi32, #tpu.memory_space<hbm>>
      %dma_wait3A_25 = arith.constant 0 : i32
      %dma_wait3A_26 = arith.constant 0 : i32
      %dma_wait3A_27 = arith.constant 0 : i32
      %dma_wait3A_28 = tpu.memref_slice %arg2[%add3A, %dma_wait3A_25, %dma_wait3A_26, %dma_wait3A_27] : memref<32x84x2x128xi32, #tpu.memory_space<hbm>> -> memref<1x84x2x128xi32, #tpu.memory_space<hbm>>
      %dma_wait3A_29 = tpu.memref_squeeze %dma_wait3A_28 : memref<1x84x2x128xi32, #tpu.memory_space<hbm>> -> memref<84x2x128xi32, #tpu.memory_space<hbm>>
      tpu.wait_dma2 semaphore(%run_scoped3A : memref<!tpu.dma_semaphore, #tpu.memory_space<semaphore_mem>>) src(%dma_wait3A_29 : memref<84x2x128xi32, #tpu.memory_space<hbm>>) dst(%arg7 : memref<84x2x128xi32, #tpu.memory_space<vmem>>)
      tpu.yield
    }) : () -> ()
    "tpu.region"() ({
      %run_scoped3A = tpu.sem_alloc : memref<!tpu.dma_semaphore, #tpu.memory_space<semaphore_mem>>
      tpu.enqueue_dma source(%arg3 : memref<128x8xf32, #tpu.memory_space<hbm>>) target(%arg8 : memref<128x8xf32, #tpu.memory_space<vmem>>) target_semaphore(%run_scoped3A : memref<!tpu.dma_semaphore, #tpu.memory_space<semaphore_mem>>)
      tpu.wait_dma2 semaphore(%run_scoped3A : memref<!tpu.dma_semaphore, #tpu.memory_space<semaphore_mem>>) src(%arg3 : memref<128x8xf32, #tpu.memory_space<hbm>>) dst(%arg8 : memref<128x8xf32, #tpu.memory_space<vmem>>)
      tpu.yield
    }) : () -> ()
    %mul3A_1 = arith.constant 640 : i32
    %mul3A_2 = arith.muli %arg1, %mul3A_1 : i32
    "tpu.region"() ({
      %run_scoped3A = tpu.sem_alloc : memref<!tpu.dma_semaphore, #tpu.memory_space<semaphore_mem>>
      %dma_start3A = arith.constant 0 : i32
      %dma_start3A_12 = tpu.memref_slice %arg6[%mul3A_2, %dma_start3A] : memref<10240x8xf32, #tpu.memory_space<vmem_shared>> -> memref<640x8xf32, #tpu.memory_space<vmem_shared>>
      tpu.enqueue_dma source(%arg4 : memref<640x8xf32, #tpu.memory_space<hbm>>) target(%dma_start3A_12 : memref<640x8xf32, #tpu.memory_space<vmem_shared>>) target_semaphore(%run_scoped3A : memref<!tpu.dma_semaphore, #tpu.memory_space<semaphore_mem>>)
      %dma_wait3A = arith.constant 0 : i32
      %dma_wait3A_13 = tpu.memref_slice %arg6[%mul3A_2, %dma_wait3A] : memref<10240x8xf32, #tpu.memory_space<vmem_shared>> -> memref<640x8xf32, #tpu.memory_space<vmem_shared>>
      tpu.wait_dma2 semaphore(%run_scoped3A : memref<!tpu.dma_semaphore, #tpu.memory_space<semaphore_mem>>) src(%arg4 : memref<640x8xf32, #tpu.memory_space<hbm>>) dst(%dma_wait3A_13 : memref<640x8xf32, #tpu.memory_space<vmem_shared>>)
      tpu.yield
    }) : () -> ()
    %barrier3A = arith.constant 0 : index
    tpu.barrier barrier_id(%barrier3A)
    %scan3A = arith.constant 0 : i32
    %scan3A_3 = arith.constant 84 : i32
    %scan3A_4 = arith.addi %scan3A, %scan3A_3 : i32
    %scan3A_5 = arith.constant 1 : i32
    scf.for %scan3A_12 = %scan3A to %scan3A_4 step %scan3A_5  : i32 {
      %mul3A_13 = arith.constant 1 : i32
      %mul3A_14 = arith.muli %scan3A_12, %mul3A_13 : i32
      %add3A_15 = arith.constant 0 : i32
      %add3A_16 = arith.addi %add3A_15, %mul3A_14 : i32
      %run_scoped3A = arith.constant 1 : i32
      "tpu.region"() ({
        %run_scoped3A_17 = tpu.sem_alloc : memref<!tpu.dma_semaphore, #tpu.memory_space<semaphore_mem>>
        %dma_start3A = arith.constant 0 : i32
        %dma_start3A_18 = tpu.memref_slice %arg7[%add3A_16, %run_scoped3A, %dma_start3A] : memref<84x2x128xi32, #tpu.memory_space<vmem>> -> memref<1x1x128xi32, #tpu.memory_space<vmem>>
        %dma_start3A_19 = tpu.memref_squeeze %dma_start3A_18 : memref<1x1x128xi32, #tpu.memory_space<vmem>> -> memref<128xi32, #tpu.memory_space<vmem>>
        %dma_start3A_20 = arith.constant 0 : i32
        %dma_start3A_21 = arith.constant 0 : i32
        %dma_start3A_22 = tpu.memref_slice %arg6[%dma_start3A_20, %dma_start3A_21] : memref<10240x8xf32, #tpu.memory_space<vmem_shared>> -> memref<10240x8xf32, #tpu.memory_space<vmem_shared>>
        tpu.enqueue_indirect_dma source(%arg8 : memref<128x8xf32, #tpu.memory_space<vmem>>) target(%dma_start3A_22 : memref<10240x8xf32, #tpu.memory_space<vmem_shared>>) offsets(%dma_start3A_19 : memref<128xi32, #tpu.memory_space<vmem>>) semaphore(%run_scoped3A_17 : memref<!tpu.dma_semaphore, #tpu.memory_space<semaphore_mem>>) {add = true}
        %dma_wait3A = arith.constant 0 : i32
        %dma_wait3A_23 = tpu.memref_slice %arg7[%add3A_16, %run_scoped3A, %dma_wait3A] : memref<84x2x128xi32, #tpu.memory_space<vmem>> -> memref<1x1x128xi32, #tpu.memory_space<vmem>>
        %dma_wait3A_24 = tpu.memref_squeeze %dma_wait3A_23 : memref<1x1x128xi32, #tpu.memory_space<vmem>> -> memref<128xi32, #tpu.memory_space<vmem>>
        %dma_wait3A_25 = arith.constant 0 : i32
        %dma_wait3A_26 = arith.constant 0 : i32
        %dma_wait3A_27 = tpu.memref_slice %arg6[%dma_wait3A_25, %dma_wait3A_26] : memref<10240x8xf32, #tpu.memory_space<vmem_shared>> -> memref<10240x8xf32, #tpu.memory_space<vmem_shared>>
        tpu.wait_indirect_dma semaphore(%run_scoped3A_17 : memref<!tpu.dma_semaphore, #tpu.memory_space<semaphore_mem>>) src(%arg8 : memref<128x8xf32, #tpu.memory_space<vmem>>) dst(%dma_wait3A_27 : memref<10240x8xf32, #tpu.memory_space<vmem_shared>>)
        tpu.yield
      }) : () -> ()
    }
    %scan3A_6 = arith.constant 84 : i32
    %barrier3A_7 = arith.constant 0 : index
    tpu.barrier barrier_id(%barrier3A_7)
    %mul3A_8 = arith.constant 640 : i32
    %mul3A_9 = arith.muli %arg1, %mul3A_8 : i32
    %mul3A_10 = arith.constant 640 : i32
    %mul3A_11 = arith.muli %arg1, %mul3A_10 : i32
    "tpu.region"() ({
      %run_scoped3A = tpu.sem_alloc : memref<!tpu.dma_semaphore, #tpu.memory_space<semaphore_mem>>
      %dma_start3A = arith.constant 0 : i32
      %dma_start3A_12 = tpu.memref_slice %arg5[%arg0, %mul3A_11, %dma_start3A] : memref<2x10240x8xf32, #tpu.memory_space<hbm>> -> memref<1x640x8xf32, #tpu.memory_space<hbm>>
      %dma_start3A_13 = tpu.memref_squeeze %dma_start3A_12 : memref<1x640x8xf32, #tpu.memory_space<hbm>> -> memref<640x8xf32, #tpu.memory_space<hbm>>
      %dma_start3A_14 = arith.constant 0 : i32
      %dma_start3A_15 = tpu.memref_slice %arg6[%mul3A_9, %dma_start3A_14] : memref<10240x8xf32, #tpu.memory_space<vmem_shared>> -> memref<640x8xf32, #tpu.memory_space<vmem_shared>>
      tpu.enqueue_dma source(%dma_start3A_15 : memref<640x8xf32, #tpu.memory_space<vmem_shared>>) target(%dma_start3A_13 : memref<640x8xf32, #tpu.memory_space<hbm>>) target_semaphore(%run_scoped3A : memref<!tpu.dma_semaphore, #tpu.memory_space<semaphore_mem>>)
      %dma_wait3A = arith.constant 0 : i32
      %dma_wait3A_16 = tpu.memref_slice %arg5[%arg0, %mul3A_11, %dma_wait3A] : memref<2x10240x8xf32, #tpu.memory_space<hbm>> -> memref<1x640x8xf32, #tpu.memory_space<hbm>>
      %dma_wait3A_17 = tpu.memref_squeeze %dma_wait3A_16 : memref<1x640x8xf32, #tpu.memory_space<hbm>> -> memref<640x8xf32, #tpu.memory_space<hbm>>
      %dma_wait3A_18 = arith.constant 0 : i32
      %dma_wait3A_19 = tpu.memref_slice %arg6[%mul3A_9, %dma_wait3A_18] : memref<10240x8xf32, #tpu.memory_space<vmem_shared>> -> memref<640x8xf32, #tpu.memory_space<vmem_shared>>
      tpu.wait_dma2 semaphore(%run_scoped3A : memref<!tpu.dma_semaphore, #tpu.memory_space<semaphore_mem>>) src(%dma_wait3A_19 : memref<640x8xf32, #tpu.memory_space<vmem_shared>>) dst(%dma_wait3A_17 : memref<640x8xf32, #tpu.memory_space<hbm>>)
      tpu.yield
    }) : () -> ()
    return
  }
}

#map = affine_map<(d0, d1) -> (0, 0)>
#map1 = affine_map<(d0, d1) -> (0, 0, 0, 0)>
#map2 = affine_map<(d0, d1) -> (0, 0, 0)>
module attributes {stable_mosaic.version = 14 : i64} {
  func.func @_agg_sc(%arg0: i32, %arg1: i32, %arg2: memref<10000x128xf32, #tpu.memory_space<hbm>>, %arg3: memref<32x84x2x128xi32, #tpu.memory_space<hbm>>, %arg4: memref<640x128xf32, #tpu.memory_space<hbm>>, %arg5: memref<2x10016x128xf32, #tpu.memory_space<hbm>>, %arg6: memref<10016x128xf32, #tpu.memory_space<vmem_shared>>, %arg7: memref<128x128xf32, #tpu.memory_space<vmem>>, %arg8: memref<128x128xf32, #tpu.memory_space<vmem>>, %arg9: memref<128x128xf32, #tpu.memory_space<vmem>>, %arg10: memref<2x128xi32, #tpu.memory_space<vmem>>, %arg11: memref<2x128xi32, #tpu.memory_space<vmem>>, %arg12: memref<2x128xi32, #tpu.memory_space<vmem>>, %arg13: memref<2x128xi32, #tpu.memory_space<vmem>>, %arg14: memref<2x128xi32, #tpu.memory_space<vmem>>, %arg15: memref<2x128xi32, #tpu.memory_space<vmem>>, %arg16: memref<!tpu.dma_semaphore, #tpu.memory_space<semaphore_mem>>, %arg17: memref<!tpu.dma_semaphore, #tpu.memory_space<semaphore_mem>>, %arg18: memref<!tpu.dma_semaphore, #tpu.memory_space<semaphore_mem>>, %arg19: memref<!tpu.dma_semaphore, #tpu.memory_space<semaphore_mem>>, %arg20: memref<!tpu.dma_semaphore, #tpu.memory_space<semaphore_mem>>, %arg21: memref<!tpu.dma_semaphore, #tpu.memory_space<semaphore_mem>>, %arg22: memref<!tpu.dma_semaphore, #tpu.memory_space<semaphore_mem>>, %arg23: memref<!tpu.dma_semaphore, #tpu.memory_space<semaphore_mem>>, %arg24: memref<!tpu.dma_semaphore, #tpu.memory_space<semaphore_mem>>, %arg25: memref<!tpu.dma_semaphore, #tpu.memory_space<semaphore_mem>>, %arg26: memref<!tpu.dma_semaphore, #tpu.memory_space<semaphore_mem>>, %arg27: memref<!tpu.dma_semaphore, #tpu.memory_space<semaphore_mem>>) attributes {dimension_semantics = [#tpu.dimension_semantics<core_parallel>, #tpu.dimension_semantics<subcore_parallel>], iteration_bounds = array<i64: 2, 16>, scalar_prefetch = 0 : i64, scratch_operands = 22 : i64, tpu.core_type = #tpu.core_type<sc_vector_subcore>, window_params = [{transform_indices = #map}, {transform_indices = #map1}, {transform_indices = #map}, {transform_indices = #map2}]} {
    %mul3A = arith.constant 16 : i32
    %mul3A_0 = arith.muli %arg0, %mul3A : i32
    %add3A = arith.addi %mul3A_0, %arg1 : i32
    %lt3A = arith.constant 15 : i32
    %lt3A_1 = arith.cmpi slt, %arg1, %lt3A : i32
    %convert_element_type3A = arith.extui %lt3A_1 : i1 to i32
    %cond3A = arith.constant 0 : i32
    %cond3A_2 = arith.cmpi ne, %convert_element_type3A, %cond3A : i32
    scf.if %cond3A_2 {
      %mul3A_82 = arith.constant 640 : i32
      %mul3A_83 = arith.muli %arg1, %mul3A_82 : i32
      "tpu.region"() ({
        %run_scoped3A = tpu.sem_alloc : memref<!tpu.dma_semaphore, #tpu.memory_space<semaphore_mem>>
        %dma_start3A_84 = arith.constant 0 : i32
        %dma_start3A_85 = tpu.memref_slice %arg6[%mul3A_83, %dma_start3A_84] : memref<10016x128xf32, #tpu.memory_space<vmem_shared>> -> memref<640x128xf32, #tpu.memory_space<vmem_shared>>
        tpu.enqueue_dma source(%arg4 : memref<640x128xf32, #tpu.memory_space<hbm>>) target(%dma_start3A_85 : memref<640x128xf32, #tpu.memory_space<vmem_shared>>) target_semaphore(%run_scoped3A : memref<!tpu.dma_semaphore, #tpu.memory_space<semaphore_mem>>)
        %dma_wait3A_86 = arith.constant 0 : i32
        %dma_wait3A_87 = tpu.memref_slice %arg6[%mul3A_83, %dma_wait3A_86] : memref<10016x128xf32, #tpu.memory_space<vmem_shared>> -> memref<640x128xf32, #tpu.memory_space<vmem_shared>>
        tpu.wait_dma2 semaphore(%run_scoped3A : memref<!tpu.dma_semaphore, #tpu.memory_space<semaphore_mem>>) src(%arg4 : memref<640x128xf32, #tpu.memory_space<hbm>>) dst(%dma_wait3A_87 : memref<640x128xf32, #tpu.memory_space<vmem_shared>>)
        tpu.yield
      }) : () -> ()
    } else {
    }
    %eq3A = arith.constant 15 : i32
    %eq3A_3 = arith.cmpi eq, %arg1, %eq3A : i32
    %convert_element_type3A_4 = arith.extui %eq3A_3 : i1 to i32
    %cond3A_5 = arith.constant 0 : i32
    %cond3A_6 = arith.cmpi ne, %convert_element_type3A_4, %cond3A_5 : i32
    scf.if %cond3A_6 {
      "tpu.region"() ({
        %run_scoped3A = tpu.sem_alloc : memref<!tpu.dma_semaphore, #tpu.memory_space<semaphore_mem>>
        %dma_start3A_82 = arith.constant 9600 : i32
        %dma_start3A_83 = arith.constant 0 : i32
        %dma_start3A_84 = tpu.memref_slice %arg6[%dma_start3A_82, %dma_start3A_83] : memref<10016x128xf32, #tpu.memory_space<vmem_shared>> -> memref<416x128xf32, #tpu.memory_space<vmem_shared>>
        %dma_start3A_85 = arith.constant 0 : i32
        %dma_start3A_86 = arith.constant 0 : i32
        %dma_start3A_87 = tpu.memref_slice %arg4[%dma_start3A_85, %dma_start3A_86] : memref<640x128xf32, #tpu.memory_space<hbm>> -> memref<416x128xf32, #tpu.memory_space<hbm>>
        tpu.enqueue_dma source(%dma_start3A_87 : memref<416x128xf32, #tpu.memory_space<hbm>>) target(%dma_start3A_84 : memref<416x128xf32, #tpu.memory_space<vmem_shared>>) target_semaphore(%run_scoped3A : memref<!tpu.dma_semaphore, #tpu.memory_space<semaphore_mem>>)
        %dma_wait3A_88 = arith.constant 9600 : i32
        %dma_wait3A_89 = arith.constant 0 : i32
        %dma_wait3A_90 = tpu.memref_slice %arg6[%dma_wait3A_88, %dma_wait3A_89] : memref<10016x128xf32, #tpu.memory_space<vmem_shared>> -> memref<416x128xf32, #tpu.memory_space<vmem_shared>>
        %dma_wait3A_91 = arith.constant 0 : i32
        %dma_wait3A_92 = arith.constant 0 : i32
        %dma_wait3A_93 = tpu.memref_slice %arg4[%dma_wait3A_91, %dma_wait3A_92] : memref<640x128xf32, #tpu.memory_space<hbm>> -> memref<416x128xf32, #tpu.memory_space<hbm>>
        tpu.wait_dma2 semaphore(%run_scoped3A : memref<!tpu.dma_semaphore, #tpu.memory_space<semaphore_mem>>) src(%dma_wait3A_93 : memref<416x128xf32, #tpu.memory_space<hbm>>) dst(%dma_wait3A_90 : memref<416x128xf32, #tpu.memory_space<vmem_shared>>)
        tpu.yield
      }) : () -> ()
    } else {
    }
    %barrier3A = arith.constant 0 : index
    tpu.barrier barrier_id(%barrier3A)
    %dma_start3A = arith.constant 0 : i32
    %dma_start3A_7 = arith.constant 0 : i32
    %dma_start3A_8 = arith.constant 0 : i32
    %dma_start3A_9 = tpu.memref_slice %arg3[%add3A, %dma_start3A, %dma_start3A_7, %dma_start3A_8] : memref<32x84x2x128xi32, #tpu.memory_space<hbm>> -> memref<1x1x2x128xi32, #tpu.memory_space<hbm>>
    %dma_start3A_10 = tpu.memref_squeeze %dma_start3A_9 : memref<1x1x2x128xi32, #tpu.memory_space<hbm>> -> memref<2x128xi32, #tpu.memory_space<hbm>>
    %dma_start3A_11 = arith.constant 0 : i32
    %dma_start3A_12 = arith.constant 0 : i32
    %dma_start3A_13 = tpu.memref_slice %arg3[%add3A, %dma_start3A, %dma_start3A_11, %dma_start3A_12] : memref<32x84x2x128xi32, #tpu.memory_space<hbm>> -> memref<1x1x2x128xi32, #tpu.memory_space<hbm>>
    %dma_start3A_14 = tpu.memref_squeeze %dma_start3A_13 : memref<1x1x2x128xi32, #tpu.memory_space<hbm>> -> memref<2x128xi32, #tpu.memory_space<hbm>>
    tpu.enqueue_dma source(%dma_start3A_14 : memref<2x128xi32, #tpu.memory_space<hbm>>) target(%arg10 : memref<2x128xi32, #tpu.memory_space<vmem>>) target_semaphore(%arg22 : memref<!tpu.dma_semaphore, #tpu.memory_space<semaphore_mem>>)
    %dma_start3A_15 = arith.constant 1 : i32
    %dma_start3A_16 = arith.constant 0 : i32
    %dma_start3A_17 = arith.constant 0 : i32
    %dma_start3A_18 = tpu.memref_slice %arg3[%add3A, %dma_start3A_15, %dma_start3A_16, %dma_start3A_17] : memref<32x84x2x128xi32, #tpu.memory_space<hbm>> -> memref<1x1x2x128xi32, #tpu.memory_space<hbm>>
    %dma_start3A_19 = tpu.memref_squeeze %dma_start3A_18 : memref<1x1x2x128xi32, #tpu.memory_space<hbm>> -> memref<2x128xi32, #tpu.memory_space<hbm>>
    %dma_start3A_20 = arith.constant 0 : i32
    %dma_start3A_21 = arith.constant 0 : i32
    %dma_start3A_22 = tpu.memref_slice %arg3[%add3A, %dma_start3A_15, %dma_start3A_20, %dma_start3A_21] : memref<32x84x2x128xi32, #tpu.memory_space<hbm>> -> memref<1x1x2x128xi32, #tpu.memory_space<hbm>>
    %dma_start3A_23 = tpu.memref_squeeze %dma_start3A_22 : memref<1x1x2x128xi32, #tpu.memory_space<hbm>> -> memref<2x128xi32, #tpu.memory_space<hbm>>
    tpu.enqueue_dma source(%dma_start3A_23 : memref<2x128xi32, #tpu.memory_space<hbm>>) target(%arg11 : memref<2x128xi32, #tpu.memory_space<vmem>>) target_semaphore(%arg23 : memref<!tpu.dma_semaphore, #tpu.memory_space<semaphore_mem>>)
    %dma_start3A_24 = arith.constant 2 : i32
    %dma_start3A_25 = arith.constant 0 : i32
    %dma_start3A_26 = arith.constant 0 : i32
    %dma_start3A_27 = tpu.memref_slice %arg3[%add3A, %dma_start3A_24, %dma_start3A_25, %dma_start3A_26] : memref<32x84x2x128xi32, #tpu.memory_space<hbm>> -> memref<1x1x2x128xi32, #tpu.memory_space<hbm>>
    %dma_start3A_28 = tpu.memref_squeeze %dma_start3A_27 : memref<1x1x2x128xi32, #tpu.memory_space<hbm>> -> memref<2x128xi32, #tpu.memory_space<hbm>>
    %dma_start3A_29 = arith.constant 0 : i32
    %dma_start3A_30 = arith.constant 0 : i32
    %dma_start3A_31 = tpu.memref_slice %arg3[%add3A, %dma_start3A_24, %dma_start3A_29, %dma_start3A_30] : memref<32x84x2x128xi32, #tpu.memory_space<hbm>> -> memref<1x1x2x128xi32, #tpu.memory_space<hbm>>
    %dma_start3A_32 = tpu.memref_squeeze %dma_start3A_31 : memref<1x1x2x128xi32, #tpu.memory_space<hbm>> -> memref<2x128xi32, #tpu.memory_space<hbm>>
    tpu.enqueue_dma source(%dma_start3A_32 : memref<2x128xi32, #tpu.memory_space<hbm>>) target(%arg12 : memref<2x128xi32, #tpu.memory_space<vmem>>) target_semaphore(%arg24 : memref<!tpu.dma_semaphore, #tpu.memory_space<semaphore_mem>>)
    %scan3A = arith.constant 0 : i32
    %scan3A_33 = arith.constant 14 : i32
    %scan3A_34 = arith.addi %scan3A, %scan3A_33 : i32
    %scan3A_35 = arith.constant 1 : i32
    scf.for %scan3A_82 = %scan3A to %scan3A_34 step %scan3A_35  : i32 {
      %mul3A_83 = arith.constant 1 : i32
      %mul3A_84 = arith.muli %scan3A_82, %mul3A_83 : i32
      %add3A_85 = arith.constant 0 : i32
      %add3A_86 = arith.addi %add3A_85, %mul3A_84 : i32
      %mul3A_87 = arith.constant 6 : i32
      %mul3A_88 = arith.muli %add3A_86, %mul3A_87 : i32
      %add3A_89 = arith.constant 0 : i32
      %add3A_90 = arith.addi %mul3A_88, %add3A_89 : i32
      %ge3A = arith.constant 3 : i32
      %ge3A_91 = arith.cmpi sge, %add3A_90, %ge3A : i32
      %convert_element_type3A_92 = arith.extui %ge3A_91 : i1 to i32
      %cond3A_93 = arith.constant 0 : i32
      %cond3A_94 = arith.cmpi ne, %convert_element_type3A_92, %cond3A_93 : i32
      scf.if %cond3A_94 {
        %dma_wait3A_292 = arith.constant 1 : i32
        %dma_wait3A_293 = arith.constant 0 : i32
        %dma_wait3A_294 = tpu.memref_slice %arg13[%dma_wait3A_292, %dma_wait3A_293] : memref<2x128xi32, #tpu.memory_space<vmem>> -> memref<1x128xi32, #tpu.memory_space<vmem>>
        %dma_wait3A_295 = tpu.memref_squeeze %dma_wait3A_294 : memref<1x128xi32, #tpu.memory_space<vmem>> -> memref<128xi32, #tpu.memory_space<vmem>>
        %dma_wait3A_296 = arith.constant 0 : i32
        %dma_wait3A_297 = arith.constant 0 : i32
        %dma_wait3A_298 = tpu.memref_slice %arg6[%dma_wait3A_296, %dma_wait3A_297] : memref<10016x128xf32, #tpu.memory_space<vmem_shared>> -> memref<10016x128xf32, #tpu.memory_space<vmem_shared>>
        tpu.wait_indirect_dma semaphore(%arg19 : memref<!tpu.dma_semaphore, #tpu.memory_space<semaphore_mem>>) src(%arg7 : memref<128x128xf32, #tpu.memory_space<vmem>>) dst(%dma_wait3A_298 : memref<10016x128xf32, #tpu.memory_space<vmem_shared>>)
      } else {
      }
      %dma_wait3A_95 = arith.constant 0 : i32
      %dma_wait3A_96 = arith.constant 0 : i32
      %dma_wait3A_97 = tpu.memref_slice %arg3[%add3A, %add3A_90, %dma_wait3A_95, %dma_wait3A_96] : memref<32x84x2x128xi32, #tpu.memory_space<hbm>> -> memref<1x1x2x128xi32, #tpu.memory_space<hbm>>
      %dma_wait3A_98 = tpu.memref_squeeze %dma_wait3A_97 : memref<1x1x2x128xi32, #tpu.memory_space<hbm>> -> memref<2x128xi32, #tpu.memory_space<hbm>>
      %dma_wait3A_99 = arith.constant 0 : i32
      %dma_wait3A_100 = arith.constant 0 : i32
      %dma_wait3A_101 = tpu.memref_slice %arg3[%add3A, %add3A_90, %dma_wait3A_99, %dma_wait3A_100] : memref<32x84x2x128xi32, #tpu.memory_space<hbm>> -> memref<1x1x2x128xi32, #tpu.memory_space<hbm>>
      %dma_wait3A_102 = tpu.memref_squeeze %dma_wait3A_101 : memref<1x1x2x128xi32, #tpu.memory_space<hbm>> -> memref<2x128xi32, #tpu.memory_space<hbm>>
      tpu.wait_dma2 semaphore(%arg22 : memref<!tpu.dma_semaphore, #tpu.memory_space<semaphore_mem>>) src(%dma_wait3A_102 : memref<2x128xi32, #tpu.memory_space<hbm>>) dst(%arg10 : memref<2x128xi32, #tpu.memory_space<vmem>>)
      %dma_start3A_103 = arith.constant 0 : i32
      %dma_start3A_104 = arith.constant 0 : i32
      %dma_start3A_105 = tpu.memref_slice %arg10[%dma_start3A_103, %dma_start3A_104] : memref<2x128xi32, #tpu.memory_space<vmem>> -> memref<1x128xi32, #tpu.memory_space<vmem>>
      %dma_start3A_106 = tpu.memref_squeeze %dma_start3A_105 : memref<1x128xi32, #tpu.memory_space<vmem>> -> memref<128xi32, #tpu.memory_space<vmem>>
      %dma_start3A_107 = arith.constant 0 : i32
      %dma_start3A_108 = arith.constant 0 : i32
      %dma_start3A_109 = tpu.memref_slice %arg2[%dma_start3A_107, %dma_start3A_108] : memref<10000x128xf32, #tpu.memory_space<hbm>> -> memref<10000x128xf32, #tpu.memory_space<hbm>>
      tpu.enqueue_indirect_dma source(%dma_start3A_109 : memref<10000x128xf32, #tpu.memory_space<hbm>>) target(%arg7 : memref<128x128xf32, #tpu.memory_space<vmem>>) offsets(%dma_start3A_106 : memref<128xi32, #tpu.memory_space<vmem>>) semaphore(%arg16 : memref<!tpu.dma_semaphore, #tpu.memory_space<semaphore_mem>>)
      %add3A_110 = arith.constant 3 : i32
      %add3A_111 = arith.addi %add3A_90, %add3A_110 : i32
      %lt3A_112 = arith.constant 84 : i32
      %lt3A_113 = arith.cmpi slt, %add3A_111, %lt3A_112 : i32
      %convert_element_type3A_114 = arith.extui %lt3A_113 : i1 to i32
      %cond3A_115 = arith.constant 0 : i32
      %cond3A_116 = arith.cmpi ne, %convert_element_type3A_114, %cond3A_115 : i32
      scf.if %cond3A_116 {
        %add3A_292 = arith.constant 3 : i32
        %add3A_293 = arith.addi %add3A_90, %add3A_292 : i32
        %dma_start3A_294 = arith.constant 0 : i32
        %dma_start3A_295 = arith.constant 0 : i32
        %dma_start3A_296 = tpu.memref_slice %arg3[%add3A, %add3A_293, %dma_start3A_294, %dma_start3A_295] : memref<32x84x2x128xi32, #tpu.memory_space<hbm>> -> memref<1x1x2x128xi32, #tpu.memory_space<hbm>>
        %dma_start3A_297 = tpu.memref_squeeze %dma_start3A_296 : memref<1x1x2x128xi32, #tpu.memory_space<hbm>> -> memref<2x128xi32, #tpu.memory_space<hbm>>
        %dma_start3A_298 = arith.constant 0 : i32
        %dma_start3A_299 = arith.constant 0 : i32
        %dma_start3A_300 = tpu.memref_slice %arg3[%add3A, %add3A_293, %dma_start3A_298, %dma_start3A_299] : memref<32x84x2x128xi32, #tpu.memory_space<hbm>> -> memref<1x1x2x128xi32, #tpu.memory_space<hbm>>
        %dma_start3A_301 = tpu.memref_squeeze %dma_start3A_300 : memref<1x1x2x128xi32, #tpu.memory_space<hbm>> -> memref<2x128xi32, #tpu.memory_space<hbm>>
        tpu.enqueue_dma source(%dma_start3A_301 : memref<2x128xi32, #tpu.memory_space<hbm>>) target(%arg13 : memref<2x128xi32, #tpu.memory_space<vmem>>) target_semaphore(%arg25 : memref<!tpu.dma_semaphore, #tpu.memory_space<semaphore_mem>>)
      } else {
      }
      %ge3A_117 = arith.constant 1 : i32
      %ge3A_118 = arith.cmpi sge, %add3A_90, %ge3A_117 : i32
      %convert_element_type3A_119 = arith.extui %ge3A_118 : i1 to i32
      %cond3A_120 = arith.constant 0 : i32
      %cond3A_121 = arith.cmpi ne, %convert_element_type3A_119, %cond3A_120 : i32
      scf.if %cond3A_121 {
        %dma_wait3A_292 = arith.constant 0 : i32
        %dma_wait3A_293 = arith.constant 0 : i32
        %dma_wait3A_294 = tpu.memref_slice %arg15[%dma_wait3A_292, %dma_wait3A_293] : memref<2x128xi32, #tpu.memory_space<vmem>> -> memref<1x128xi32, #tpu.memory_space<vmem>>
        %dma_wait3A_295 = tpu.memref_squeeze %dma_wait3A_294 : memref<1x128xi32, #tpu.memory_space<vmem>> -> memref<128xi32, #tpu.memory_space<vmem>>
        %dma_wait3A_296 = arith.constant 0 : i32
        %dma_wait3A_297 = arith.constant 0 : i32
        %dma_wait3A_298 = tpu.memref_slice %arg2[%dma_wait3A_296, %dma_wait3A_297] : memref<10000x128xf32, #tpu.memory_space<hbm>> -> memref<10000x128xf32, #tpu.memory_space<hbm>>
        tpu.wait_indirect_dma semaphore(%arg18 : memref<!tpu.dma_semaphore, #tpu.memory_space<semaphore_mem>>) src(%dma_wait3A_298 : memref<10000x128xf32, #tpu.memory_space<hbm>>) dst(%arg9 : memref<128x128xf32, #tpu.memory_space<vmem>>)
        %dma_start3A_299 = arith.constant 1 : i32
        %dma_start3A_300 = arith.constant 0 : i32
        %dma_start3A_301 = tpu.memref_slice %arg15[%dma_start3A_299, %dma_start3A_300] : memref<2x128xi32, #tpu.memory_space<vmem>> -> memref<1x128xi32, #tpu.memory_space<vmem>>
        %dma_start3A_302 = tpu.memref_squeeze %dma_start3A_301 : memref<1x128xi32, #tpu.memory_space<vmem>> -> memref<128xi32, #tpu.memory_space<vmem>>
        %dma_start3A_303 = arith.constant 0 : i32
        %dma_start3A_304 = arith.constant 0 : i32
        %dma_start3A_305 = tpu.memref_slice %arg6[%dma_start3A_303, %dma_start3A_304] : memref<10016x128xf32, #tpu.memory_space<vmem_shared>> -> memref<10016x128xf32, #tpu.memory_space<vmem_shared>>
        tpu.enqueue_indirect_dma source(%arg9 : memref<128x128xf32, #tpu.memory_space<vmem>>) target(%dma_start3A_305 : memref<10016x128xf32, #tpu.memory_space<vmem_shared>>) offsets(%dma_start3A_302 : memref<128xi32, #tpu.memory_space<vmem>>) semaphore(%arg21 : memref<!tpu.dma_semaphore, #tpu.memory_space<semaphore_mem>>) {add = true}
      } else {
      }
      %add3A_122 = arith.constant 1 : i32
      %add3A_123 = arith.addi %mul3A_88, %add3A_122 : i32
      %ge3A_124 = arith.constant 3 : i32
      %ge3A_125 = arith.cmpi sge, %add3A_123, %ge3A_124 : i32
      %convert_element_type3A_126 = arith.extui %ge3A_125 : i1 to i32
      %cond3A_127 = arith.constant 0 : i32
      %cond3A_128 = arith.cmpi ne, %convert_element_type3A_126, %cond3A_127 : i32
      scf.if %cond3A_128 {
        %dma_wait3A_292 = arith.constant 1 : i32
        %dma_wait3A_293 = arith.constant 0 : i32
        %dma_wait3A_294 = tpu.memref_slice %arg14[%dma_wait3A_292, %dma_wait3A_293] : memref<2x128xi32, #tpu.memory_space<vmem>> -> memref<1x128xi32, #tpu.memory_space<vmem>>
        %dma_wait3A_295 = tpu.memref_squeeze %dma_wait3A_294 : memref<1x128xi32, #tpu.memory_space<vmem>> -> memref<128xi32, #tpu.memory_space<vmem>>
        %dma_wait3A_296 = arith.constant 0 : i32
        %dma_wait3A_297 = arith.constant 0 : i32
        %dma_wait3A_298 = tpu.memref_slice %arg6[%dma_wait3A_296, %dma_wait3A_297] : memref<10016x128xf32, #tpu.memory_space<vmem_shared>> -> memref<10016x128xf32, #tpu.memory_space<vmem_shared>>
        tpu.wait_indirect_dma semaphore(%arg20 : memref<!tpu.dma_semaphore, #tpu.memory_space<semaphore_mem>>) src(%arg8 : memref<128x128xf32, #tpu.memory_space<vmem>>) dst(%dma_wait3A_298 : memref<10016x128xf32, #tpu.memory_space<vmem_shared>>)
      } else {
      }
      %dma_wait3A_129 = arith.constant 0 : i32
      %dma_wait3A_130 = arith.constant 0 : i32
      %dma_wait3A_131 = tpu.memref_slice %arg3[%add3A, %add3A_123, %dma_wait3A_129, %dma_wait3A_130] : memref<32x84x2x128xi32, #tpu.memory_space<hbm>> -> memref<1x1x2x128xi32, #tpu.memory_space<hbm>>
      %dma_wait3A_132 = tpu.memref_squeeze %dma_wait3A_131 : memref<1x1x2x128xi32, #tpu.memory_space<hbm>> -> memref<2x128xi32, #tpu.memory_space<hbm>>
      %dma_wait3A_133 = arith.constant 0 : i32
      %dma_wait3A_134 = arith.constant 0 : i32
      %dma_wait3A_135 = tpu.memref_slice %arg3[%add3A, %add3A_123, %dma_wait3A_133, %dma_wait3A_134] : memref<32x84x2x128xi32, #tpu.memory_space<hbm>> -> memref<1x1x2x128xi32, #tpu.memory_space<hbm>>
      %dma_wait3A_136 = tpu.memref_squeeze %dma_wait3A_135 : memref<1x1x2x128xi32, #tpu.memory_space<hbm>> -> memref<2x128xi32, #tpu.memory_space<hbm>>
      tpu.wait_dma2 semaphore(%arg23 : memref<!tpu.dma_semaphore, #tpu.memory_space<semaphore_mem>>) src(%dma_wait3A_136 : memref<2x128xi32, #tpu.memory_space<hbm>>) dst(%arg11 : memref<2x128xi32, #tpu.memory_space<vmem>>)
      %dma_start3A_137 = arith.constant 0 : i32
      %dma_start3A_138 = arith.constant 0 : i32
      %dma_start3A_139 = tpu.memref_slice %arg11[%dma_start3A_137, %dma_start3A_138] : memref<2x128xi32, #tpu.memory_space<vmem>> -> memref<1x128xi32, #tpu.memory_space<vmem>>
      %dma_start3A_140 = tpu.memref_squeeze %dma_start3A_139 : memref<1x128xi32, #tpu.memory_space<vmem>> -> memref<128xi32, #tpu.memory_space<vmem>>
      %dma_start3A_141 = arith.constant 0 : i32
      %dma_start3A_142 = arith.constant 0 : i32
      %dma_start3A_143 = tpu.memref_slice %arg2[%dma_start3A_141, %dma_start3A_142] : memref<10000x128xf32, #tpu.memory_space<hbm>> -> memref<10000x128xf32, #tpu.memory_space<hbm>>
      tpu.enqueue_indirect_dma source(%dma_start3A_143 : memref<10000x128xf32, #tpu.memory_space<hbm>>) target(%arg8 : memref<128x128xf32, #tpu.memory_space<vmem>>) offsets(%dma_start3A_140 : memref<128xi32, #tpu.memory_space<vmem>>) semaphore(%arg17 : memref<!tpu.dma_semaphore, #tpu.memory_space<semaphore_mem>>)
      %add3A_144 = arith.constant 3 : i32
      %add3A_145 = arith.addi %add3A_123, %add3A_144 : i32
      %lt3A_146 = arith.constant 84 : i32
      %lt3A_147 = arith.cmpi slt, %add3A_145, %lt3A_146 : i32
      %convert_element_type3A_148 = arith.extui %lt3A_147 : i1 to i32
      %cond3A_149 = arith.constant 0 : i32
      %cond3A_150 = arith.cmpi ne, %convert_element_type3A_148, %cond3A_149 : i32
      scf.if %cond3A_150 {
        %add3A_292 = arith.constant 3 : i32
        %add3A_293 = arith.addi %add3A_123, %add3A_292 : i32
        %dma_start3A_294 = arith.constant 0 : i32
        %dma_start3A_295 = arith.constant 0 : i32
        %dma_start3A_296 = tpu.memref_slice %arg3[%add3A, %add3A_293, %dma_start3A_294, %dma_start3A_295] : memref<32x84x2x128xi32, #tpu.memory_space<hbm>> -> memref<1x1x2x128xi32, #tpu.memory_space<hbm>>
        %dma_start3A_297 = tpu.memref_squeeze %dma_start3A_296 : memref<1x1x2x128xi32, #tpu.memory_space<hbm>> -> memref<2x128xi32, #tpu.memory_space<hbm>>
        %dma_start3A_298 = arith.constant 0 : i32
        %dma_start3A_299 = arith.constant 0 : i32
        %dma_start3A_300 = tpu.memref_slice %arg3[%add3A, %add3A_293, %dma_start3A_298, %dma_start3A_299] : memref<32x84x2x128xi32, #tpu.memory_space<hbm>> -> memref<1x1x2x128xi32, #tpu.memory_space<hbm>>
        %dma_start3A_301 = tpu.memref_squeeze %dma_start3A_300 : memref<1x1x2x128xi32, #tpu.memory_space<hbm>> -> memref<2x128xi32, #tpu.memory_space<hbm>>
        tpu.enqueue_dma source(%dma_start3A_301 : memref<2x128xi32, #tpu.memory_space<hbm>>) target(%arg14 : memref<2x128xi32, #tpu.memory_space<vmem>>) target_semaphore(%arg26 : memref<!tpu.dma_semaphore, #tpu.memory_space<semaphore_mem>>)
      } else {
      }
      %ge3A_151 = arith.constant 1 : i32
      %ge3A_152 = arith.cmpi sge, %add3A_123, %ge3A_151 : i32
      %convert_element_type3A_153 = arith.extui %ge3A_152 : i1 to i32
      %cond3A_154 = arith.constant 0 : i32
      %cond3A_155 = arith.cmpi ne, %convert_element_type3A_153, %cond3A_154 : i32
      scf.if %cond3A_155 {
        %dma_wait3A_292 = arith.constant 0 : i32
        %dma_wait3A_293 = arith.constant 0 : i32
        %dma_wait3A_294 = tpu.memref_slice %arg10[%dma_wait3A_292, %dma_wait3A_293] : memref<2x128xi32, #tpu.memory_space<vmem>> -> memref<1x128xi32, #tpu.memory_space<vmem>>
        %dma_wait3A_295 = tpu.memref_squeeze %dma_wait3A_294 : memref<1x128xi32, #tpu.memory_space<vmem>> -> memref<128xi32, #tpu.memory_space<vmem>>
        %dma_wait3A_296 = arith.constant 0 : i32
        %dma_wait3A_297 = arith.constant 0 : i32
        %dma_wait3A_298 = tpu.memref_slice %arg2[%dma_wait3A_296, %dma_wait3A_297] : memref<10000x128xf32, #tpu.memory_space<hbm>> -> memref<10000x128xf32, #tpu.memory_space<hbm>>
        tpu.wait_indirect_dma semaphore(%arg16 : memref<!tpu.dma_semaphore, #tpu.memory_space<semaphore_mem>>) src(%dma_wait3A_298 : memref<10000x128xf32, #tpu.memory_space<hbm>>) dst(%arg7 : memref<128x128xf32, #tpu.memory_space<vmem>>)
        %dma_start3A_299 = arith.constant 1 : i32
        %dma_start3A_300 = arith.constant 0 : i32
        %dma_start3A_301 = tpu.memref_slice %arg10[%dma_start3A_299, %dma_start3A_300] : memref<2x128xi32, #tpu.memory_space<vmem>> -> memref<1x128xi32, #tpu.memory_space<vmem>>
        %dma_start3A_302 = tpu.memref_squeeze %dma_start3A_301 : memref<1x128xi32, #tpu.memory_space<vmem>> -> memref<128xi32, #tpu.memory_space<vmem>>
        %dma_start3A_303 = arith.constant 0 : i32
        %dma_start3A_304 = arith.constant 0 : i32
        %dma_start3A_305 = tpu.memref_slice %arg6[%dma_start3A_303, %dma_start3A_304] : memref<10016x128xf32, #tpu.memory_space<vmem_shared>> -> memref<10016x128xf32, #tpu.memory_space<vmem_shared>>
        tpu.enqueue_indirect_dma source(%arg7 : memref<128x128xf32, #tpu.memory_space<vmem>>) target(%dma_start3A_305 : memref<10016x128xf32, #tpu.memory_space<vmem_shared>>) offsets(%dma_start3A_302 : memref<128xi32, #tpu.memory_space<vmem>>) semaphore(%arg19 : memref<!tpu.dma_semaphore, #tpu.memory_space<semaphore_mem>>) {add = true}
      } else {
      }
      %add3A_156 = arith.constant 2 : i32
      %add3A_157 = arith.addi %mul3A_88, %add3A_156 : i32
      %ge3A_158 = arith.constant 3 : i32
      %ge3A_159 = arith.cmpi sge, %add3A_157, %ge3A_158 : i32
      %convert_element_type3A_160 = arith.extui %ge3A_159 : i1 to i32
      %cond3A_161 = arith.constant 0 : i32
      %cond3A_162 = arith.cmpi ne, %convert_element_type3A_160, %cond3A_161 : i32
      scf.if %cond3A_162 {
        %dma_wait3A_292 = arith.constant 1 : i32
        %dma_wait3A_293 = arith.constant 0 : i32
        %dma_wait3A_294 = tpu.memref_slice %arg15[%dma_wait3A_292, %dma_wait3A_293] : memref<2x128xi32, #tpu.memory_space<vmem>> -> memref<1x128xi32, #tpu.memory_space<vmem>>
        %dma_wait3A_295 = tpu.memref_squeeze %dma_wait3A_294 : memref<1x128xi32, #tpu.memory_space<vmem>> -> memref<128xi32, #tpu.memory_space<vmem>>
        %dma_wait3A_296 = arith.constant 0 : i32
        %dma_wait3A_297 = arith.constant 0 : i32
        %dma_wait3A_298 = tpu.memref_slice %arg6[%dma_wait3A_296, %dma_wait3A_297] : memref<10016x128xf32, #tpu.memory_space<vmem_shared>> -> memref<10016x128xf32, #tpu.memory_space<vmem_shared>>
        tpu.wait_indirect_dma semaphore(%arg21 : memref<!tpu.dma_semaphore, #tpu.memory_space<semaphore_mem>>) src(%arg9 : memref<128x128xf32, #tpu.memory_space<vmem>>) dst(%dma_wait3A_298 : memref<10016x128xf32, #tpu.memory_space<vmem_shared>>)
      } else {
      }
      %dma_wait3A_163 = arith.constant 0 : i32
      %dma_wait3A_164 = arith.constant 0 : i32
      %dma_wait3A_165 = tpu.memref_slice %arg3[%add3A, %add3A_157, %dma_wait3A_163, %dma_wait3A_164] : memref<32x84x2x128xi32, #tpu.memory_space<hbm>> -> memref<1x1x2x128xi32, #tpu.memory_space<hbm>>
      %dma_wait3A_166 = tpu.memref_squeeze %dma_wait3A_165 : memref<1x1x2x128xi32, #tpu.memory_space<hbm>> -> memref<2x128xi32, #tpu.memory_space<hbm>>
      %dma_wait3A_167 = arith.constant 0 : i32
      %dma_wait3A_168 = arith.constant 0 : i32
      %dma_wait3A_169 = tpu.memref_slice %arg3[%add3A, %add3A_157, %dma_wait3A_167, %dma_wait3A_168] : memref<32x84x2x128xi32, #tpu.memory_space<hbm>> -> memref<1x1x2x128xi32, #tpu.memory_space<hbm>>
      %dma_wait3A_170 = tpu.memref_squeeze %dma_wait3A_169 : memref<1x1x2x128xi32, #tpu.memory_space<hbm>> -> memref<2x128xi32, #tpu.memory_space<hbm>>
      tpu.wait_dma2 semaphore(%arg24 : memref<!tpu.dma_semaphore, #tpu.memory_space<semaphore_mem>>) src(%dma_wait3A_170 : memref<2x128xi32, #tpu.memory_space<hbm>>) dst(%arg12 : memref<2x128xi32, #tpu.memory_space<vmem>>)
      %dma_start3A_171 = arith.constant 0 : i32
      %dma_start3A_172 = arith.constant 0 : i32
      %dma_start3A_173 = tpu.memref_slice %arg12[%dma_start3A_171, %dma_start3A_172] : memref<2x128xi32, #tpu.memory_space<vmem>> -> memref<1x128xi32, #tpu.memory_space<vmem>>
      %dma_start3A_174 = tpu.memref_squeeze %dma_start3A_173 : memref<1x128xi32, #tpu.memory_space<vmem>> -> memref<128xi32, #tpu.memory_space<vmem>>
      %dma_start3A_175 = arith.constant 0 : i32
      %dma_start3A_176 = arith.constant 0 : i32
      %dma_start3A_177 = tpu.memref_slice %arg2[%dma_start3A_175, %dma_start3A_176] : memref<10000x128xf32, #tpu.memory_space<hbm>> -> memref<10000x128xf32, #tpu.memory_space<hbm>>
      tpu.enqueue_indirect_dma source(%dma_start3A_177 : memref<10000x128xf32, #tpu.memory_space<hbm>>) target(%arg9 : memref<128x128xf32, #tpu.memory_space<vmem>>) offsets(%dma_start3A_174 : memref<128xi32, #tpu.memory_space<vmem>>) semaphore(%arg18 : memref<!tpu.dma_semaphore, #tpu.memory_space<semaphore_mem>>)
      %add3A_178 = arith.constant 3 : i32
      %add3A_179 = arith.addi %add3A_157, %add3A_178 : i32
      %lt3A_180 = arith.constant 84 : i32
      %lt3A_181 = arith.cmpi slt, %add3A_179, %lt3A_180 : i32
      %convert_element_type3A_182 = arith.extui %lt3A_181 : i1 to i32
      %cond3A_183 = arith.constant 0 : i32
      %cond3A_184 = arith.cmpi ne, %convert_element_type3A_182, %cond3A_183 : i32
      scf.if %cond3A_184 {
        %add3A_292 = arith.constant 3 : i32
        %add3A_293 = arith.addi %add3A_157, %add3A_292 : i32
        %dma_start3A_294 = arith.constant 0 : i32
        %dma_start3A_295 = arith.constant 0 : i32
        %dma_start3A_296 = tpu.memref_slice %arg3[%add3A, %add3A_293, %dma_start3A_294, %dma_start3A_295] : memref<32x84x2x128xi32, #tpu.memory_space<hbm>> -> memref<1x1x2x128xi32, #tpu.memory_space<hbm>>
        %dma_start3A_297 = tpu.memref_squeeze %dma_start3A_296 : memref<1x1x2x128xi32, #tpu.memory_space<hbm>> -> memref<2x128xi32, #tpu.memory_space<hbm>>
        %dma_start3A_298 = arith.constant 0 : i32
        %dma_start3A_299 = arith.constant 0 : i32
        %dma_start3A_300 = tpu.memref_slice %arg3[%add3A, %add3A_293, %dma_start3A_298, %dma_start3A_299] : memref<32x84x2x128xi32, #tpu.memory_space<hbm>> -> memref<1x1x2x128xi32, #tpu.memory_space<hbm>>
        %dma_start3A_301 = tpu.memref_squeeze %dma_start3A_300 : memref<1x1x2x128xi32, #tpu.memory_space<hbm>> -> memref<2x128xi32, #tpu.memory_space<hbm>>
        tpu.enqueue_dma source(%dma_start3A_301 : memref<2x128xi32, #tpu.memory_space<hbm>>) target(%arg15 : memref<2x128xi32, #tpu.memory_space<vmem>>) target_semaphore(%arg27 : memref<!tpu.dma_semaphore, #tpu.memory_space<semaphore_mem>>)
      } else {
      }
      %ge3A_185 = arith.constant 1 : i32
      %ge3A_186 = arith.cmpi sge, %add3A_157, %ge3A_185 : i32
      %convert_element_type3A_187 = arith.extui %ge3A_186 : i1 to i32
      %cond3A_188 = arith.constant 0 : i32
      %cond3A_189 = arith.cmpi ne, %convert_element_type3A_187, %cond3A_188 : i32
      scf.if %cond3A_189 {
        %dma_wait3A_292 = arith.constant 0 : i32
        %dma_wait3A_293 = arith.constant 0 : i32
        %dma_wait3A_294 = tpu.memref_slice %arg11[%dma_wait3A_292, %dma_wait3A_293] : memref<2x128xi32, #tpu.memory_space<vmem>> -> memref<1x128xi32, #tpu.memory_space<vmem>>
        %dma_wait3A_295 = tpu.memref_squeeze %dma_wait3A_294 : memref<1x128xi32, #tpu.memory_space<vmem>> -> memref<128xi32, #tpu.memory_space<vmem>>
        %dma_wait3A_296 = arith.constant 0 : i32
        %dma_wait3A_297 = arith.constant 0 : i32
        %dma_wait3A_298 = tpu.memref_slice %arg2[%dma_wait3A_296, %dma_wait3A_297] : memref<10000x128xf32, #tpu.memory_space<hbm>> -> memref<10000x128xf32, #tpu.memory_space<hbm>>
        tpu.wait_indirect_dma semaphore(%arg17 : memref<!tpu.dma_semaphore, #tpu.memory_space<semaphore_mem>>) src(%dma_wait3A_298 : memref<10000x128xf32, #tpu.memory_space<hbm>>) dst(%arg8 : memref<128x128xf32, #tpu.memory_space<vmem>>)
        %dma_start3A_299 = arith.constant 1 : i32
        %dma_start3A_300 = arith.constant 0 : i32
        %dma_start3A_301 = tpu.memref_slice %arg11[%dma_start3A_299, %dma_start3A_300] : memref<2x128xi32, #tpu.memory_space<vmem>> -> memref<1x128xi32, #tpu.memory_space<vmem>>
        %dma_start3A_302 = tpu.memref_squeeze %dma_start3A_301 : memref<1x128xi32, #tpu.memory_space<vmem>> -> memref<128xi32, #tpu.memory_space<vmem>>
        %dma_start3A_303 = arith.constant 0 : i32
        %dma_start3A_304 = arith.constant 0 : i32
        %dma_start3A_305 = tpu.memref_slice %arg6[%dma_start3A_303, %dma_start3A_304] : memref<10016x128xf32, #tpu.memory_space<vmem_shared>> -> memref<10016x128xf32, #tpu.memory_space<vmem_shared>>
        tpu.enqueue_indirect_dma source(%arg8 : memref<128x128xf32, #tpu.memory_space<vmem>>) target(%dma_start3A_305 : memref<10016x128xf32, #tpu.memory_space<vmem_shared>>) offsets(%dma_start3A_302 : memref<128xi32, #tpu.memory_space<vmem>>) semaphore(%arg20 : memref<!tpu.dma_semaphore, #tpu.memory_space<semaphore_mem>>) {add = true}
      } else {
      }
      %add3A_190 = arith.constant 3 : i32
      %add3A_191 = arith.addi %mul3A_88, %add3A_190 : i32
      %ge3A_192 = arith.constant 3 : i32
      %ge3A_193 = arith.cmpi sge, %add3A_191, %ge3A_192 : i32
      %convert_element_type3A_194 = arith.extui %ge3A_193 : i1 to i32
      %cond3A_195 = arith.constant 0 : i32
      %cond3A_196 = arith.cmpi ne, %convert_element_type3A_194, %cond3A_195 : i32
      scf.if %cond3A_196 {
        %dma_wait3A_292 = arith.constant 1 : i32
        %dma_wait3A_293 = arith.constant 0 : i32
        %dma_wait3A_294 = tpu.memref_slice %arg10[%dma_wait3A_292, %dma_wait3A_293] : memref<2x128xi32, #tpu.memory_space<vmem>> -> memref<1x128xi32, #tpu.memory_space<vmem>>
        %dma_wait3A_295 = tpu.memref_squeeze %dma_wait3A_294 : memref<1x128xi32, #tpu.memory_space<vmem>> -> memref<128xi32, #tpu.memory_space<vmem>>
        %dma_wait3A_296 = arith.constant 0 : i32
        %dma_wait3A_297 = arith.constant 0 : i32
        %dma_wait3A_298 = tpu.memref_slice %arg6[%dma_wait3A_296, %dma_wait3A_297] : memref<10016x128xf32, #tpu.memory_space<vmem_shared>> -> memref<10016x128xf32, #tpu.memory_space<vmem_shared>>
        tpu.wait_indirect_dma semaphore(%arg19 : memref<!tpu.dma_semaphore, #tpu.memory_space<semaphore_mem>>) src(%arg7 : memref<128x128xf32, #tpu.memory_space<vmem>>) dst(%dma_wait3A_298 : memref<10016x128xf32, #tpu.memory_space<vmem_shared>>)
      } else {
      }
      %dma_wait3A_197 = arith.constant 0 : i32
      %dma_wait3A_198 = arith.constant 0 : i32
      %dma_wait3A_199 = tpu.memref_slice %arg3[%add3A, %add3A_191, %dma_wait3A_197, %dma_wait3A_198] : memref<32x84x2x128xi32, #tpu.memory_space<hbm>> -> memref<1x1x2x128xi32, #tpu.memory_space<hbm>>
      %dma_wait3A_200 = tpu.memref_squeeze %dma_wait3A_199 : memref<1x1x2x128xi32, #tpu.memory_space<hbm>> -> memref<2x128xi32, #tpu.memory_space<hbm>>
      %dma_wait3A_201 = arith.constant 0 : i32
      %dma_wait3A_202 = arith.constant 0 : i32
      %dma_wait3A_203 = tpu.memref_slice %arg3[%add3A, %add3A_191, %dma_wait3A_201, %dma_wait3A_202] : memref<32x84x2x128xi32, #tpu.memory_space<hbm>> -> memref<1x1x2x128xi32, #tpu.memory_space<hbm>>
      %dma_wait3A_204 = tpu.memref_squeeze %dma_wait3A_203 : memref<1x1x2x128xi32, #tpu.memory_space<hbm>> -> memref<2x128xi32, #tpu.memory_space<hbm>>
      tpu.wait_dma2 semaphore(%arg25 : memref<!tpu.dma_semaphore, #tpu.memory_space<semaphore_mem>>) src(%dma_wait3A_204 : memref<2x128xi32, #tpu.memory_space<hbm>>) dst(%arg13 : memref<2x128xi32, #tpu.memory_space<vmem>>)
      %dma_start3A_205 = arith.constant 0 : i32
      %dma_start3A_206 = arith.constant 0 : i32
      %dma_start3A_207 = tpu.memref_slice %arg13[%dma_start3A_205, %dma_start3A_206] : memref<2x128xi32, #tpu.memory_space<vmem>> -> memref<1x128xi32, #tpu.memory_space<vmem>>
      %dma_start3A_208 = tpu.memref_squeeze %dma_start3A_207 : memref<1x128xi32, #tpu.memory_space<vmem>> -> memref<128xi32, #tpu.memory_space<vmem>>
      %dma_start3A_209 = arith.constant 0 : i32
      %dma_start3A_210 = arith.constant 0 : i32
      %dma_start3A_211 = tpu.memref_slice %arg2[%dma_start3A_209, %dma_start3A_210] : memref<10000x128xf32, #tpu.memory_space<hbm>> -> memref<10000x128xf32, #tpu.memory_space<hbm>>
      tpu.enqueue_indirect_dma source(%dma_start3A_211 : memref<10000x128xf32, #tpu.memory_space<hbm>>) target(%arg7 : memref<128x128xf32, #tpu.memory_space<vmem>>) offsets(%dma_start3A_208 : memref<128xi32, #tpu.memory_space<vmem>>) semaphore(%arg16 : memref<!tpu.dma_semaphore, #tpu.memory_space<semaphore_mem>>)
      %add3A_212 = arith.constant 3 : i32
      %add3A_213 = arith.addi %add3A_191, %add3A_212 : i32
      %lt3A_214 = arith.constant 84 : i32
      %lt3A_215 = arith.cmpi slt, %add3A_213, %lt3A_214 : i32
      %convert_element_type3A_216 = arith.extui %lt3A_215 : i1 to i32
      %cond3A_217 = arith.constant 0 : i32
      %cond3A_218 = arith.cmpi ne, %convert_element_type3A_216, %cond3A_217 : i32
      scf.if %cond3A_218 {
        %add3A_292 = arith.constant 3 : i32
        %add3A_293 = arith.addi %add3A_191, %add3A_292 : i32
        %dma_start3A_294 = arith.constant 0 : i32
        %dma_start3A_295 = arith.constant 0 : i32
        %dma_start3A_296 = tpu.memref_slice %arg3[%add3A, %add3A_293, %dma_start3A_294, %dma_start3A_295] : memref<32x84x2x128xi32, #tpu.memory_space<hbm>> -> memref<1x1x2x128xi32, #tpu.memory_space<hbm>>
        %dma_start3A_297 = tpu.memref_squeeze %dma_start3A_296 : memref<1x1x2x128xi32, #tpu.memory_space<hbm>> -> memref<2x128xi32, #tpu.memory_space<hbm>>
        %dma_start3A_298 = arith.constant 0 : i32
        %dma_start3A_299 = arith.constant 0 : i32
        %dma_start3A_300 = tpu.memref_slice %arg3[%add3A, %add3A_293, %dma_start3A_298, %dma_start3A_299] : memref<32x84x2x128xi32, #tpu.memory_space<hbm>> -> memref<1x1x2x128xi32, #tpu.memory_space<hbm>>
        %dma_start3A_301 = tpu.memref_squeeze %dma_start3A_300 : memref<1x1x2x128xi32, #tpu.memory_space<hbm>> -> memref<2x128xi32, #tpu.memory_space<hbm>>
        tpu.enqueue_dma source(%dma_start3A_301 : memref<2x128xi32, #tpu.memory_space<hbm>>) target(%arg10 : memref<2x128xi32, #tpu.memory_space<vmem>>) target_semaphore(%arg22 : memref<!tpu.dma_semaphore, #tpu.memory_space<semaphore_mem>>)
      } else {
      }
      %ge3A_219 = arith.constant 1 : i32
      %ge3A_220 = arith.cmpi sge, %add3A_191, %ge3A_219 : i32
      %convert_element_type3A_221 = arith.extui %ge3A_220 : i1 to i32
      %cond3A_222 = arith.constant 0 : i32
      %cond3A_223 = arith.cmpi ne, %convert_element_type3A_221, %cond3A_222 : i32
      scf.if %cond3A_223 {
        %dma_wait3A_292 = arith.constant 0 : i32
        %dma_wait3A_293 = arith.constant 0 : i32
        %dma_wait3A_294 = tpu.memref_slice %arg12[%dma_wait3A_292, %dma_wait3A_293] : memref<2x128xi32, #tpu.memory_space<vmem>> -> memref<1x128xi32, #tpu.memory_space<vmem>>
        %dma_wait3A_295 = tpu.memref_squeeze %dma_wait3A_294 : memref<1x128xi32, #tpu.memory_space<vmem>> -> memref<128xi32, #tpu.memory_space<vmem>>
        %dma_wait3A_296 = arith.constant 0 : i32
        %dma_wait3A_297 = arith.constant 0 : i32
        %dma_wait3A_298 = tpu.memref_slice %arg2[%dma_wait3A_296, %dma_wait3A_297] : memref<10000x128xf32, #tpu.memory_space<hbm>> -> memref<10000x128xf32, #tpu.memory_space<hbm>>
        tpu.wait_indirect_dma semaphore(%arg18 : memref<!tpu.dma_semaphore, #tpu.memory_space<semaphore_mem>>) src(%dma_wait3A_298 : memref<10000x128xf32, #tpu.memory_space<hbm>>) dst(%arg9 : memref<128x128xf32, #tpu.memory_space<vmem>>)
        %dma_start3A_299 = arith.constant 1 : i32
        %dma_start3A_300 = arith.constant 0 : i32
        %dma_start3A_301 = tpu.memref_slice %arg12[%dma_start3A_299, %dma_start3A_300] : memref<2x128xi32, #tpu.memory_space<vmem>> -> memref<1x128xi32, #tpu.memory_space<vmem>>
        %dma_start3A_302 = tpu.memref_squeeze %dma_start3A_301 : memref<1x128xi32, #tpu.memory_space<vmem>> -> memref<128xi32, #tpu.memory_space<vmem>>
        %dma_start3A_303 = arith.constant 0 : i32
        %dma_start3A_304 = arith.constant 0 : i32
        %dma_start3A_305 = tpu.memref_slice %arg6[%dma_start3A_303, %dma_start3A_304] : memref<10016x128xf32, #tpu.memory_space<vmem_shared>> -> memref<10016x128xf32, #tpu.memory_space<vmem_shared>>
        tpu.enqueue_indirect_dma source(%arg9 : memref<128x128xf32, #tpu.memory_space<vmem>>) target(%dma_start3A_305 : memref<10016x128xf32, #tpu.memory_space<vmem_shared>>) offsets(%dma_start3A_302 : memref<128xi32, #tpu.memory_space<vmem>>) semaphore(%arg21 : memref<!tpu.dma_semaphore, #tpu.memory_space<semaphore_mem>>) {add = true}
      } else {
      }
      %add3A_224 = arith.constant 4 : i32
      %add3A_225 = arith.addi %mul3A_88, %add3A_224 : i32
      %ge3A_226 = arith.constant 3 : i32
      %ge3A_227 = arith.cmpi sge, %add3A_225, %ge3A_226 : i32
      %convert_element_type3A_228 = arith.extui %ge3A_227 : i1 to i32
      %cond3A_229 = arith.constant 0 : i32
      %cond3A_230 = arith.cmpi ne, %convert_element_type3A_228, %cond3A_229 : i32
      scf.if %cond3A_230 {
        %dma_wait3A_292 = arith.constant 1 : i32
        %dma_wait3A_293 = arith.constant 0 : i32
        %dma_wait3A_294 = tpu.memref_slice %arg11[%dma_wait3A_292, %dma_wait3A_293] : memref<2x128xi32, #tpu.memory_space<vmem>> -> memref<1x128xi32, #tpu.memory_space<vmem>>
        %dma_wait3A_295 = tpu.memref_squeeze %dma_wait3A_294 : memref<1x128xi32, #tpu.memory_space<vmem>> -> memref<128xi32, #tpu.memory_space<vmem>>
        %dma_wait3A_296 = arith.constant 0 : i32
        %dma_wait3A_297 = arith.constant 0 : i32
        %dma_wait3A_298 = tpu.memref_slice %arg6[%dma_wait3A_296, %dma_wait3A_297] : memref<10016x128xf32, #tpu.memory_space<vmem_shared>> -> memref<10016x128xf32, #tpu.memory_space<vmem_shared>>
        tpu.wait_indirect_dma semaphore(%arg20 : memref<!tpu.dma_semaphore, #tpu.memory_space<semaphore_mem>>) src(%arg8 : memref<128x128xf32, #tpu.memory_space<vmem>>) dst(%dma_wait3A_298 : memref<10016x128xf32, #tpu.memory_space<vmem_shared>>)
      } else {
      }
      %dma_wait3A_231 = arith.constant 0 : i32
      %dma_wait3A_232 = arith.constant 0 : i32
      %dma_wait3A_233 = tpu.memref_slice %arg3[%add3A, %add3A_225, %dma_wait3A_231, %dma_wait3A_232] : memref<32x84x2x128xi32, #tpu.memory_space<hbm>> -> memref<1x1x2x128xi32, #tpu.memory_space<hbm>>
      %dma_wait3A_234 = tpu.memref_squeeze %dma_wait3A_233 : memref<1x1x2x128xi32, #tpu.memory_space<hbm>> -> memref<2x128xi32, #tpu.memory_space<hbm>>
      %dma_wait3A_235 = arith.constant 0 : i32
      %dma_wait3A_236 = arith.constant 0 : i32
      %dma_wait3A_237 = tpu.memref_slice %arg3[%add3A, %add3A_225, %dma_wait3A_235, %dma_wait3A_236] : memref<32x84x2x128xi32, #tpu.memory_space<hbm>> -> memref<1x1x2x128xi32, #tpu.memory_space<hbm>>
      %dma_wait3A_238 = tpu.memref_squeeze %dma_wait3A_237 : memref<1x1x2x128xi32, #tpu.memory_space<hbm>> -> memref<2x128xi32, #tpu.memory_space<hbm>>
      tpu.wait_dma2 semaphore(%arg26 : memref<!tpu.dma_semaphore, #tpu.memory_space<semaphore_mem>>) src(%dma_wait3A_238 : memref<2x128xi32, #tpu.memory_space<hbm>>) dst(%arg14 : memref<2x128xi32, #tpu.memory_space<vmem>>)
      %dma_start3A_239 = arith.constant 0 : i32
      %dma_start3A_240 = arith.constant 0 : i32
      %dma_start3A_241 = tpu.memref_slice %arg14[%dma_start3A_239, %dma_start3A_240] : memref<2x128xi32, #tpu.memory_space<vmem>> -> memref<1x128xi32, #tpu.memory_space<vmem>>
      %dma_start3A_242 = tpu.memref_squeeze %dma_start3A_241 : memref<1x128xi32, #tpu.memory_space<vmem>> -> memref<128xi32, #tpu.memory_space<vmem>>
      %dma_start3A_243 = arith.constant 0 : i32
      %dma_start3A_244 = arith.constant 0 : i32
      %dma_start3A_245 = tpu.memref_slice %arg2[%dma_start3A_243, %dma_start3A_244] : memref<10000x128xf32, #tpu.memory_space<hbm>> -> memref<10000x128xf32, #tpu.memory_space<hbm>>
      tpu.enqueue_indirect_dma source(%dma_start3A_245 : memref<10000x128xf32, #tpu.memory_space<hbm>>) target(%arg8 : memref<128x128xf32, #tpu.memory_space<vmem>>) offsets(%dma_start3A_242 : memref<128xi32, #tpu.memory_space<vmem>>) semaphore(%arg17 : memref<!tpu.dma_semaphore, #tpu.memory_space<semaphore_mem>>)
      %add3A_246 = arith.constant 3 : i32
      %add3A_247 = arith.addi %add3A_225, %add3A_246 : i32
      %lt3A_248 = arith.constant 84 : i32
      %lt3A_249 = arith.cmpi slt, %add3A_247, %lt3A_248 : i32
      %convert_element_type3A_250 = arith.extui %lt3A_249 : i1 to i32
      %cond3A_251 = arith.constant 0 : i32
      %cond3A_252 = arith.cmpi ne, %convert_element_type3A_250, %cond3A_251 : i32
      scf.if %cond3A_252 {
        %add3A_292 = arith.constant 3 : i32
        %add3A_293 = arith.addi %add3A_225, %add3A_292 : i32
        %dma_start3A_294 = arith.constant 0 : i32
        %dma_start3A_295 = arith.constant 0 : i32
        %dma_start3A_296 = tpu.memref_slice %arg3[%add3A, %add3A_293, %dma_start3A_294, %dma_start3A_295] : memref<32x84x2x128xi32, #tpu.memory_space<hbm>> -> memref<1x1x2x128xi32, #tpu.memory_space<hbm>>
        %dma_start3A_297 = tpu.memref_squeeze %dma_start3A_296 : memref<1x1x2x128xi32, #tpu.memory_space<hbm>> -> memref<2x128xi32, #tpu.memory_space<hbm>>
        %dma_start3A_298 = arith.constant 0 : i32
        %dma_start3A_299 = arith.constant 0 : i32
        %dma_start3A_300 = tpu.memref_slice %arg3[%add3A, %add3A_293, %dma_start3A_298, %dma_start3A_299] : memref<32x84x2x128xi32, #tpu.memory_space<hbm>> -> memref<1x1x2x128xi32, #tpu.memory_space<hbm>>
        %dma_start3A_301 = tpu.memref_squeeze %dma_start3A_300 : memref<1x1x2x128xi32, #tpu.memory_space<hbm>> -> memref<2x128xi32, #tpu.memory_space<hbm>>
        tpu.enqueue_dma source(%dma_start3A_301 : memref<2x128xi32, #tpu.memory_space<hbm>>) target(%arg11 : memref<2x128xi32, #tpu.memory_space<vmem>>) target_semaphore(%arg23 : memref<!tpu.dma_semaphore, #tpu.memory_space<semaphore_mem>>)
      } else {
      }
      %ge3A_253 = arith.constant 1 : i32
      %ge3A_254 = arith.cmpi sge, %add3A_225, %ge3A_253 : i32
      %convert_element_type3A_255 = arith.extui %ge3A_254 : i1 to i32
      %cond3A_256 = arith.constant 0 : i32
      %cond3A_257 = arith.cmpi ne, %convert_element_type3A_255, %cond3A_256 : i32
      scf.if %cond3A_257 {
        %dma_wait3A_292 = arith.constant 0 : i32
        %dma_wait3A_293 = arith.constant 0 : i32
        %dma_wait3A_294 = tpu.memref_slice %arg13[%dma_wait3A_292, %dma_wait3A_293] : memref<2x128xi32, #tpu.memory_space<vmem>> -> memref<1x128xi32, #tpu.memory_space<vmem>>
        %dma_wait3A_295 = tpu.memref_squeeze %dma_wait3A_294 : memref<1x128xi32, #tpu.memory_space<vmem>> -> memref<128xi32, #tpu.memory_space<vmem>>
        %dma_wait3A_296 = arith.constant 0 : i32
        %dma_wait3A_297 = arith.constant 0 : i32
        %dma_wait3A_298 = tpu.memref_slice %arg2[%dma_wait3A_296, %dma_wait3A_297] : memref<10000x128xf32, #tpu.memory_space<hbm>> -> memref<10000x128xf32, #tpu.memory_space<hbm>>
        tpu.wait_indirect_dma semaphore(%arg16 : memref<!tpu.dma_semaphore, #tpu.memory_space<semaphore_mem>>) src(%dma_wait3A_298 : memref<10000x128xf32, #tpu.memory_space<hbm>>) dst(%arg7 : memref<128x128xf32, #tpu.memory_space<vmem>>)
        %dma_start3A_299 = arith.constant 1 : i32
        %dma_start3A_300 = arith.constant 0 : i32
        %dma_start3A_301 = tpu.memref_slice %arg13[%dma_start3A_299, %dma_start3A_300] : memref<2x128xi32, #tpu.memory_space<vmem>> -> memref<1x128xi32, #tpu.memory_space<vmem>>
        %dma_start3A_302 = tpu.memref_squeeze %dma_start3A_301 : memref<1x128xi32, #tpu.memory_space<vmem>> -> memref<128xi32, #tpu.memory_space<vmem>>
        %dma_start3A_303 = arith.constant 0 : i32
        %dma_start3A_304 = arith.constant 0 : i32
        %dma_start3A_305 = tpu.memref_slice %arg6[%dma_start3A_303, %dma_start3A_304] : memref<10016x128xf32, #tpu.memory_space<vmem_shared>> -> memref<10016x128xf32, #tpu.memory_space<vmem_shared>>
        tpu.enqueue_indirect_dma source(%arg7 : memref<128x128xf32, #tpu.memory_space<vmem>>) target(%dma_start3A_305 : memref<10016x128xf32, #tpu.memory_space<vmem_shared>>) offsets(%dma_start3A_302 : memref<128xi32, #tpu.memory_space<vmem>>) semaphore(%arg19 : memref<!tpu.dma_semaphore, #tpu.memory_space<semaphore_mem>>) {add = true}
      } else {
      }
      %add3A_258 = arith.constant 5 : i32
      %add3A_259 = arith.addi %mul3A_88, %add3A_258 : i32
      %ge3A_260 = arith.constant 3 : i32
      %ge3A_261 = arith.cmpi sge, %add3A_259, %ge3A_260 : i32
      %convert_element_type3A_262 = arith.extui %ge3A_261 : i1 to i32
      %cond3A_263 = arith.constant 0 : i32
      %cond3A_264 = arith.cmpi ne, %convert_element_type3A_262, %cond3A_263 : i32
      scf.if %cond3A_264 {
        %dma_wait3A_292 = arith.constant 1 : i32
        %dma_wait3A_293 = arith.constant 0 : i32
        %dma_wait3A_294 = tpu.memref_slice %arg12[%dma_wait3A_292, %dma_wait3A_293] : memref<2x128xi32, #tpu.memory_space<vmem>> -> memref<1x128xi32, #tpu.memory_space<vmem>>
        %dma_wait3A_295 = tpu.memref_squeeze %dma_wait3A_294 : memref<1x128xi32, #tpu.memory_space<vmem>> -> memref<128xi32, #tpu.memory_space<vmem>>
        %dma_wait3A_296 = arith.constant 0 : i32
        %dma_wait3A_297 = arith.constant 0 : i32
        %dma_wait3A_298 = tpu.memref_slice %arg6[%dma_wait3A_296, %dma_wait3A_297] : memref<10016x128xf32, #tpu.memory_space<vmem_shared>> -> memref<10016x128xf32, #tpu.memory_space<vmem_shared>>
        tpu.wait_indirect_dma semaphore(%arg21 : memref<!tpu.dma_semaphore, #tpu.memory_space<semaphore_mem>>) src(%arg9 : memref<128x128xf32, #tpu.memory_space<vmem>>) dst(%dma_wait3A_298 : memref<10016x128xf32, #tpu.memory_space<vmem_shared>>)
      } else {
      }
      %dma_wait3A_265 = arith.constant 0 : i32
      %dma_wait3A_266 = arith.constant 0 : i32
      %dma_wait3A_267 = tpu.memref_slice %arg3[%add3A, %add3A_259, %dma_wait3A_265, %dma_wait3A_266] : memref<32x84x2x128xi32, #tpu.memory_space<hbm>> -> memref<1x1x2x128xi32, #tpu.memory_space<hbm>>
      %dma_wait3A_268 = tpu.memref_squeeze %dma_wait3A_267 : memref<1x1x2x128xi32, #tpu.memory_space<hbm>> -> memref<2x128xi32, #tpu.memory_space<hbm>>
      %dma_wait3A_269 = arith.constant 0 : i32
      %dma_wait3A_270 = arith.constant 0 : i32
      %dma_wait3A_271 = tpu.memref_slice %arg3[%add3A, %add3A_259, %dma_wait3A_269, %dma_wait3A_270] : memref<32x84x2x128xi32, #tpu.memory_space<hbm>> -> memref<1x1x2x128xi32, #tpu.memory_space<hbm>>
      %dma_wait3A_272 = tpu.memref_squeeze %dma_wait3A_271 : memref<1x1x2x128xi32, #tpu.memory_space<hbm>> -> memref<2x128xi32, #tpu.memory_space<hbm>>
      tpu.wait_dma2 semaphore(%arg27 : memref<!tpu.dma_semaphore, #tpu.memory_space<semaphore_mem>>) src(%dma_wait3A_272 : memref<2x128xi32, #tpu.memory_space<hbm>>) dst(%arg15 : memref<2x128xi32, #tpu.memory_space<vmem>>)
      %dma_start3A_273 = arith.constant 0 : i32
      %dma_start3A_274 = arith.constant 0 : i32
      %dma_start3A_275 = tpu.memref_slice %arg15[%dma_start3A_273, %dma_start3A_274] : memref<2x128xi32, #tpu.memory_space<vmem>> -> memref<1x128xi32, #tpu.memory_space<vmem>>
      %dma_start3A_276 = tpu.memref_squeeze %dma_start3A_275 : memref<1x128xi32, #tpu.memory_space<vmem>> -> memref<128xi32, #tpu.memory_space<vmem>>
      %dma_start3A_277 = arith.constant 0 : i32
      %dma_start3A_278 = arith.constant 0 : i32
      %dma_start3A_279 = tpu.memref_slice %arg2[%dma_start3A_277, %dma_start3A_278] : memref<10000x128xf32, #tpu.memory_space<hbm>> -> memref<10000x128xf32, #tpu.memory_space<hbm>>
      tpu.enqueue_indirect_dma source(%dma_start3A_279 : memref<10000x128xf32, #tpu.memory_space<hbm>>) target(%arg9 : memref<128x128xf32, #tpu.memory_space<vmem>>) offsets(%dma_start3A_276 : memref<128xi32, #tpu.memory_space<vmem>>) semaphore(%arg18 : memref<!tpu.dma_semaphore, #tpu.memory_space<semaphore_mem>>)
      %add3A_280 = arith.constant 3 : i32
      %add3A_281 = arith.addi %add3A_259, %add3A_280 : i32
      %lt3A_282 = arith.constant 84 : i32
      %lt3A_283 = arith.cmpi slt, %add3A_281, %lt3A_282 : i32
      %convert_element_type3A_284 = arith.extui %lt3A_283 : i1 to i32
      %cond3A_285 = arith.constant 0 : i32
      %cond3A_286 = arith.cmpi ne, %convert_element_type3A_284, %cond3A_285 : i32
      scf.if %cond3A_286 {
        %add3A_292 = arith.constant 3 : i32
        %add3A_293 = arith.addi %add3A_259, %add3A_292 : i32
        %dma_start3A_294 = arith.constant 0 : i32
        %dma_start3A_295 = arith.constant 0 : i32
        %dma_start3A_296 = tpu.memref_slice %arg3[%add3A, %add3A_293, %dma_start3A_294, %dma_start3A_295] : memref<32x84x2x128xi32, #tpu.memory_space<hbm>> -> memref<1x1x2x128xi32, #tpu.memory_space<hbm>>
        %dma_start3A_297 = tpu.memref_squeeze %dma_start3A_296 : memref<1x1x2x128xi32, #tpu.memory_space<hbm>> -> memref<2x128xi32, #tpu.memory_space<hbm>>
        %dma_start3A_298 = arith.constant 0 : i32
        %dma_start3A_299 = arith.constant 0 : i32
        %dma_start3A_300 = tpu.memref_slice %arg3[%add3A, %add3A_293, %dma_start3A_298, %dma_start3A_299] : memref<32x84x2x128xi32, #tpu.memory_space<hbm>> -> memref<1x1x2x128xi32, #tpu.memory_space<hbm>>
        %dma_start3A_301 = tpu.memref_squeeze %dma_start3A_300 : memref<1x1x2x128xi32, #tpu.memory_space<hbm>> -> memref<2x128xi32, #tpu.memory_space<hbm>>
        tpu.enqueue_dma source(%dma_start3A_301 : memref<2x128xi32, #tpu.memory_space<hbm>>) target(%arg12 : memref<2x128xi32, #tpu.memory_space<vmem>>) target_semaphore(%arg24 : memref<!tpu.dma_semaphore, #tpu.memory_space<semaphore_mem>>)
      } else {
      }
      %ge3A_287 = arith.constant 1 : i32
      %ge3A_288 = arith.cmpi sge, %add3A_259, %ge3A_287 : i32
      %convert_element_type3A_289 = arith.extui %ge3A_288 : i1 to i32
      %cond3A_290 = arith.constant 0 : i32
      %cond3A_291 = arith.cmpi ne, %convert_element_type3A_289, %cond3A_290 : i32
      scf.if %cond3A_291 {
        %dma_wait3A_292 = arith.constant 0 : i32
        %dma_wait3A_293 = arith.constant 0 : i32
        %dma_wait3A_294 = tpu.memref_slice %arg14[%dma_wait3A_292, %dma_wait3A_293] : memref<2x128xi32, #tpu.memory_space<vmem>> -> memref<1x128xi32, #tpu.memory_space<vmem>>
        %dma_wait3A_295 = tpu.memref_squeeze %dma_wait3A_294 : memref<1x128xi32, #tpu.memory_space<vmem>> -> memref<128xi32, #tpu.memory_space<vmem>>
        %dma_wait3A_296 = arith.constant 0 : i32
        %dma_wait3A_297 = arith.constant 0 : i32
        %dma_wait3A_298 = tpu.memref_slice %arg2[%dma_wait3A_296, %dma_wait3A_297] : memref<10000x128xf32, #tpu.memory_space<hbm>> -> memref<10000x128xf32, #tpu.memory_space<hbm>>
        tpu.wait_indirect_dma semaphore(%arg17 : memref<!tpu.dma_semaphore, #tpu.memory_space<semaphore_mem>>) src(%dma_wait3A_298 : memref<10000x128xf32, #tpu.memory_space<hbm>>) dst(%arg8 : memref<128x128xf32, #tpu.memory_space<vmem>>)
        %dma_start3A_299 = arith.constant 1 : i32
        %dma_start3A_300 = arith.constant 0 : i32
        %dma_start3A_301 = tpu.memref_slice %arg14[%dma_start3A_299, %dma_start3A_300] : memref<2x128xi32, #tpu.memory_space<vmem>> -> memref<1x128xi32, #tpu.memory_space<vmem>>
        %dma_start3A_302 = tpu.memref_squeeze %dma_start3A_301 : memref<1x128xi32, #tpu.memory_space<vmem>> -> memref<128xi32, #tpu.memory_space<vmem>>
        %dma_start3A_303 = arith.constant 0 : i32
        %dma_start3A_304 = arith.constant 0 : i32
        %dma_start3A_305 = tpu.memref_slice %arg6[%dma_start3A_303, %dma_start3A_304] : memref<10016x128xf32, #tpu.memory_space<vmem_shared>> -> memref<10016x128xf32, #tpu.memory_space<vmem_shared>>
        tpu.enqueue_indirect_dma source(%arg8 : memref<128x128xf32, #tpu.memory_space<vmem>>) target(%dma_start3A_305 : memref<10016x128xf32, #tpu.memory_space<vmem_shared>>) offsets(%dma_start3A_302 : memref<128xi32, #tpu.memory_space<vmem>>) semaphore(%arg20 : memref<!tpu.dma_semaphore, #tpu.memory_space<semaphore_mem>>) {add = true}
      } else {
      }
    }
    %scan3A_36 = arith.constant 14 : i32
    %dma_wait3A = arith.constant 0 : i32
    %dma_wait3A_37 = arith.constant 0 : i32
    %dma_wait3A_38 = tpu.memref_slice %arg15[%dma_wait3A, %dma_wait3A_37] : memref<2x128xi32, #tpu.memory_space<vmem>> -> memref<1x128xi32, #tpu.memory_space<vmem>>
    %dma_wait3A_39 = tpu.memref_squeeze %dma_wait3A_38 : memref<1x128xi32, #tpu.memory_space<vmem>> -> memref<128xi32, #tpu.memory_space<vmem>>
    %dma_wait3A_40 = arith.constant 0 : i32
    %dma_wait3A_41 = arith.constant 0 : i32
    %dma_wait3A_42 = tpu.memref_slice %arg2[%dma_wait3A_40, %dma_wait3A_41] : memref<10000x128xf32, #tpu.memory_space<hbm>> -> memref<10000x128xf32, #tpu.memory_space<hbm>>
    tpu.wait_indirect_dma semaphore(%arg18 : memref<!tpu.dma_semaphore, #tpu.memory_space<semaphore_mem>>) src(%dma_wait3A_42 : memref<10000x128xf32, #tpu.memory_space<hbm>>) dst(%arg9 : memref<128x128xf32, #tpu.memory_space<vmem>>)
    %dma_start3A_43 = arith.constant 1 : i32
    %dma_start3A_44 = arith.constant 0 : i32
    %dma_start3A_45 = tpu.memref_slice %arg15[%dma_start3A_43, %dma_start3A_44] : memref<2x128xi32, #tpu.memory_space<vmem>> -> memref<1x128xi32, #tpu.memory_space<vmem>>
    %dma_start3A_46 = tpu.memref_squeeze %dma_start3A_45 : memref<1x128xi32, #tpu.memory_space<vmem>> -> memref<128xi32, #tpu.memory_space<vmem>>
    %dma_start3A_47 = arith.constant 0 : i32
    %dma_start3A_48 = arith.constant 0 : i32
    %dma_start3A_49 = tpu.memref_slice %arg6[%dma_start3A_47, %dma_start3A_48] : memref<10016x128xf32, #tpu.memory_space<vmem_shared>> -> memref<10016x128xf32, #tpu.memory_space<vmem_shared>>
    tpu.enqueue_indirect_dma source(%arg9 : memref<128x128xf32, #tpu.memory_space<vmem>>) target(%dma_start3A_49 : memref<10016x128xf32, #tpu.memory_space<vmem_shared>>) offsets(%dma_start3A_46 : memref<128xi32, #tpu.memory_space<vmem>>) semaphore(%arg21 : memref<!tpu.dma_semaphore, #tpu.memory_space<semaphore_mem>>) {add = true}
    %dma_wait3A_50 = arith.constant 1 : i32
    %dma_wait3A_51 = arith.constant 0 : i32
    %dma_wait3A_52 = tpu.memref_slice %arg13[%dma_wait3A_50, %dma_wait3A_51] : memref<2x128xi32, #tpu.memory_space<vmem>> -> memref<1x128xi32, #tpu.memory_space<vmem>>
    %dma_wait3A_53 = tpu.memref_squeeze %dma_wait3A_52 : memref<1x128xi32, #tpu.memory_space<vmem>> -> memref<128xi32, #tpu.memory_space<vmem>>
    %dma_wait3A_54 = arith.constant 0 : i32
    %dma_wait3A_55 = arith.constant 0 : i32
    %dma_wait3A_56 = tpu.memref_slice %arg6[%dma_wait3A_54, %dma_wait3A_55] : memref<10016x128xf32, #tpu.memory_space<vmem_shared>> -> memref<10016x128xf32, #tpu.memory_space<vmem_shared>>
    tpu.wait_indirect_dma semaphore(%arg19 : memref<!tpu.dma_semaphore, #tpu.memory_space<semaphore_mem>>) src(%arg7 : memref<128x128xf32, #tpu.memory_space<vmem>>) dst(%dma_wait3A_56 : memref<10016x128xf32, #tpu.memory_space<vmem_shared>>)
    %dma_wait3A_57 = arith.constant 1 : i32
    %dma_wait3A_58 = arith.constant 0 : i32
    %dma_wait3A_59 = tpu.memref_slice %arg14[%dma_wait3A_57, %dma_wait3A_58] : memref<2x128xi32, #tpu.memory_space<vmem>> -> memref<1x128xi32, #tpu.memory_space<vmem>>
    %dma_wait3A_60 = tpu.memref_squeeze %dma_wait3A_59 : memref<1x128xi32, #tpu.memory_space<vmem>> -> memref<128xi32, #tpu.memory_space<vmem>>
    %dma_wait3A_61 = arith.constant 0 : i32
    %dma_wait3A_62 = arith.constant 0 : i32
    %dma_wait3A_63 = tpu.memref_slice %arg6[%dma_wait3A_61, %dma_wait3A_62] : memref<10016x128xf32, #tpu.memory_space<vmem_shared>> -> memref<10016x128xf32, #tpu.memory_space<vmem_shared>>
    tpu.wait_indirect_dma semaphore(%arg20 : memref<!tpu.dma_semaphore, #tpu.memory_space<semaphore_mem>>) src(%arg8 : memref<128x128xf32, #tpu.memory_space<vmem>>) dst(%dma_wait3A_63 : memref<10016x128xf32, #tpu.memory_space<vmem_shared>>)
    %dma_wait3A_64 = arith.constant 1 : i32
    %dma_wait3A_65 = arith.constant 0 : i32
    %dma_wait3A_66 = tpu.memref_slice %arg15[%dma_wait3A_64, %dma_wait3A_65] : memref<2x128xi32, #tpu.memory_space<vmem>> -> memref<1x128xi32, #tpu.memory_space<vmem>>
    %dma_wait3A_67 = tpu.memref_squeeze %dma_wait3A_66 : memref<1x128xi32, #tpu.memory_space<vmem>> -> memref<128xi32, #tpu.memory_space<vmem>>
    %dma_wait3A_68 = arith.constant 0 : i32
    %dma_wait3A_69 = arith.constant 0 : i32
    %dma_wait3A_70 = tpu.memref_slice %arg6[%dma_wait3A_68, %dma_wait3A_69] : memref<10016x128xf32, #tpu.memory_space<vmem_shared>> -> memref<10016x128xf32, #tpu.memory_space<vmem_shared>>
    tpu.wait_indirect_dma semaphore(%arg21 : memref<!tpu.dma_semaphore, #tpu.memory_space<semaphore_mem>>) src(%arg9 : memref<128x128xf32, #tpu.memory_space<vmem>>) dst(%dma_wait3A_70 : memref<10016x128xf32, #tpu.memory_space<vmem_shared>>)
    %barrier3A_71 = arith.constant 0 : index
    tpu.barrier barrier_id(%barrier3A_71)
    %lt3A_72 = arith.constant 15 : i32
    %lt3A_73 = arith.cmpi slt, %arg1, %lt3A_72 : i32
    %convert_element_type3A_74 = arith.extui %lt3A_73 : i1 to i32
    %cond3A_75 = arith.constant 0 : i32
    %cond3A_76 = arith.cmpi ne, %convert_element_type3A_74, %cond3A_75 : i32
    scf.if %cond3A_76 {
      %mul3A_82 = arith.constant 640 : i32
      %mul3A_83 = arith.muli %arg1, %mul3A_82 : i32
      %mul3A_84 = arith.constant 640 : i32
      %mul3A_85 = arith.muli %arg1, %mul3A_84 : i32
      "tpu.region"() ({
        %run_scoped3A = tpu.sem_alloc : memref<!tpu.dma_semaphore, #tpu.memory_space<semaphore_mem>>
        %dma_start3A_86 = arith.constant 0 : i32
        %dma_start3A_87 = tpu.memref_slice %arg5[%arg0, %mul3A_85, %dma_start3A_86] : memref<2x10016x128xf32, #tpu.memory_space<hbm>> -> memref<1x640x128xf32, #tpu.memory_space<hbm>>
        %dma_start3A_88 = tpu.memref_squeeze %dma_start3A_87 : memref<1x640x128xf32, #tpu.memory_space<hbm>> -> memref<640x128xf32, #tpu.memory_space<hbm>>
        %dma_start3A_89 = arith.constant 0 : i32
        %dma_start3A_90 = tpu.memref_slice %arg6[%mul3A_83, %dma_start3A_89] : memref<10016x128xf32, #tpu.memory_space<vmem_shared>> -> memref<640x128xf32, #tpu.memory_space<vmem_shared>>
        tpu.enqueue_dma source(%dma_start3A_90 : memref<640x128xf32, #tpu.memory_space<vmem_shared>>) target(%dma_start3A_88 : memref<640x128xf32, #tpu.memory_space<hbm>>) target_semaphore(%run_scoped3A : memref<!tpu.dma_semaphore, #tpu.memory_space<semaphore_mem>>)
        %dma_wait3A_91 = arith.constant 0 : i32
        %dma_wait3A_92 = tpu.memref_slice %arg5[%arg0, %mul3A_85, %dma_wait3A_91] : memref<2x10016x128xf32, #tpu.memory_space<hbm>> -> memref<1x640x128xf32, #tpu.memory_space<hbm>>
        %dma_wait3A_93 = tpu.memref_squeeze %dma_wait3A_92 : memref<1x640x128xf32, #tpu.memory_space<hbm>> -> memref<640x128xf32, #tpu.memory_space<hbm>>
        %dma_wait3A_94 = arith.constant 0 : i32
        %dma_wait3A_95 = tpu.memref_slice %arg6[%mul3A_83, %dma_wait3A_94] : memref<10016x128xf32, #tpu.memory_space<vmem_shared>> -> memref<640x128xf32, #tpu.memory_space<vmem_shared>>
        tpu.wait_dma2 semaphore(%run_scoped3A : memref<!tpu.dma_semaphore, #tpu.memory_space<semaphore_mem>>) src(%dma_wait3A_95 : memref<640x128xf32, #tpu.memory_space<vmem_shared>>) dst(%dma_wait3A_93 : memref<640x128xf32, #tpu.memory_space<hbm>>)
        tpu.yield
      }) : () -> ()
    } else {
    }
    %eq3A_77 = arith.constant 15 : i32
    %eq3A_78 = arith.cmpi eq, %arg1, %eq3A_77 : i32
    %convert_element_type3A_79 = arith.extui %eq3A_78 : i1 to i32
    %cond3A_80 = arith.constant 0 : i32
    %cond3A_81 = arith.cmpi ne, %convert_element_type3A_79, %cond3A_80 : i32
    scf.if %cond3A_81 {
      "tpu.region"() ({
        %run_scoped3A = tpu.sem_alloc : memref<!tpu.dma_semaphore, #tpu.memory_space<semaphore_mem>>
        %dma_start3A_82 = arith.constant 9600 : i32
        %dma_start3A_83 = arith.constant 0 : i32
        %dma_start3A_84 = tpu.memref_slice %arg5[%arg0, %dma_start3A_82, %dma_start3A_83] : memref<2x10016x128xf32, #tpu.memory_space<hbm>> -> memref<1x416x128xf32, #tpu.memory_space<hbm>>
        %dma_start3A_85 = tpu.memref_squeeze %dma_start3A_84 : memref<1x416x128xf32, #tpu.memory_space<hbm>> -> memref<416x128xf32, #tpu.memory_space<hbm>>
        %dma_start3A_86 = arith.constant 9600 : i32
        %dma_start3A_87 = arith.constant 0 : i32
        %dma_start3A_88 = tpu.memref_slice %arg6[%dma_start3A_86, %dma_start3A_87] : memref<10016x128xf32, #tpu.memory_space<vmem_shared>> -> memref<416x128xf32, #tpu.memory_space<vmem_shared>>
        tpu.enqueue_dma source(%dma_start3A_88 : memref<416x128xf32, #tpu.memory_space<vmem_shared>>) target(%dma_start3A_85 : memref<416x128xf32, #tpu.memory_space<hbm>>) target_semaphore(%run_scoped3A : memref<!tpu.dma_semaphore, #tpu.memory_space<semaphore_mem>>)
        %dma_wait3A_89 = arith.constant 9600 : i32
        %dma_wait3A_90 = arith.constant 0 : i32
        %dma_wait3A_91 = tpu.memref_slice %arg5[%arg0, %dma_wait3A_89, %dma_wait3A_90] : memref<2x10016x128xf32, #tpu.memory_space<hbm>> -> memref<1x416x128xf32, #tpu.memory_space<hbm>>
        %dma_wait3A_92 = tpu.memref_squeeze %dma_wait3A_91 : memref<1x416x128xf32, #tpu.memory_space<hbm>> -> memref<416x128xf32, #tpu.memory_space<hbm>>
        %dma_wait3A_93 = arith.constant 9600 : i32
        %dma_wait3A_94 = arith.constant 0 : i32
        %dma_wait3A_95 = tpu.memref_slice %arg6[%dma_wait3A_93, %dma_wait3A_94] : memref<10016x128xf32, #tpu.memory_space<vmem_shared>> -> memref<416x128xf32, #tpu.memory_space<vmem_shared>>
        tpu.wait_dma2 semaphore(%run_scoped3A : memref<!tpu.dma_semaphore, #tpu.memory_space<semaphore_mem>>) src(%dma_wait3A_95 : memref<416x128xf32, #tpu.memory_space<vmem_shared>>) dst(%dma_wait3A_92 : memref<416x128xf32, #tpu.memory_space<hbm>>)
        tpu.yield
      }) : () -> ()
    } else {
    }
    return
  }
}

#map = affine_map<(d0, d1) -> (0, 0)>
#map1 = affine_map<(d0, d1) -> (0, 0, 0, 0)>
#map2 = affine_map<(d0, d1) -> (0, 0, 0)>
module attributes {stable_mosaic.version = 14 : i64} {
  func.func @_agg_sc(%arg0: i32, %arg1: i32, %arg2: memref<10000x128xf32, #tpu.memory_space<hbm>>, %arg3: memref<32x84x2x128xi32, #tpu.memory_space<hbm>>, %arg4: memref<640x128xf32, #tpu.memory_space<hbm>>, %arg5: memref<2x10016x128xf32, #tpu.memory_space<hbm>>, %arg6: memref<10016x128xf32, #tpu.memory_space<vmem_shared>>, %arg7: memref<128x128xf32, #tpu.memory_space<vmem>>, %arg8: memref<128x128xf32, #tpu.memory_space<vmem>>, %arg9: memref<128x128xf32, #tpu.memory_space<vmem>>, %arg10: memref<2x128xi32, #tpu.memory_space<vmem>>, %arg11: memref<2x128xi32, #tpu.memory_space<vmem>>, %arg12: memref<2x128xi32, #tpu.memory_space<vmem>>, %arg13: memref<2x128xi32, #tpu.memory_space<vmem>>, %arg14: memref<2x128xi32, #tpu.memory_space<vmem>>, %arg15: memref<2x128xi32, #tpu.memory_space<vmem>>, %arg16: memref<!tpu.dma_semaphore, #tpu.memory_space<semaphore_mem>>, %arg17: memref<!tpu.dma_semaphore, #tpu.memory_space<semaphore_mem>>, %arg18: memref<!tpu.dma_semaphore, #tpu.memory_space<semaphore_mem>>, %arg19: memref<!tpu.dma_semaphore, #tpu.memory_space<semaphore_mem>>, %arg20: memref<!tpu.dma_semaphore, #tpu.memory_space<semaphore_mem>>, %arg21: memref<!tpu.dma_semaphore, #tpu.memory_space<semaphore_mem>>, %arg22: memref<!tpu.dma_semaphore, #tpu.memory_space<semaphore_mem>>, %arg23: memref<!tpu.dma_semaphore, #tpu.memory_space<semaphore_mem>>, %arg24: memref<!tpu.dma_semaphore, #tpu.memory_space<semaphore_mem>>, %arg25: memref<!tpu.dma_semaphore, #tpu.memory_space<semaphore_mem>>, %arg26: memref<!tpu.dma_semaphore, #tpu.memory_space<semaphore_mem>>, %arg27: memref<!tpu.dma_semaphore, #tpu.memory_space<semaphore_mem>>) attributes {dimension_semantics = [#tpu.dimension_semantics<core_parallel>, #tpu.dimension_semantics<subcore_parallel>], iteration_bounds = array<i64: 2, 16>, scalar_prefetch = 0 : i64, scratch_operands = 22 : i64, tpu.core_type = #tpu.core_type<sc_vector_subcore>, window_params = [{transform_indices = #map}, {transform_indices = #map1}, {transform_indices = #map}, {transform_indices = #map2}]} {
    %mul3A = arith.constant 16 : i32
    %mul3A_0 = arith.muli %arg0, %mul3A : i32
    %add3A = arith.addi %mul3A_0, %arg1 : i32
    %lt3A = arith.constant 15 : i32
    %lt3A_1 = arith.cmpi slt, %arg1, %lt3A : i32
    %convert_element_type3A = arith.extui %lt3A_1 : i1 to i32
    %cond3A = arith.constant 0 : i32
    %cond3A_2 = arith.cmpi ne, %convert_element_type3A, %cond3A : i32
    scf.if %cond3A_2 {
      %mul3A_82 = arith.constant 640 : i32
      %mul3A_83 = arith.muli %arg1, %mul3A_82 : i32
      "tpu.region"() ({
        %run_scoped3A = tpu.sem_alloc : memref<!tpu.dma_semaphore, #tpu.memory_space<semaphore_mem>>
        %dma_start3A_84 = arith.constant 0 : i32
        %dma_start3A_85 = tpu.memref_slice %arg6[%mul3A_83, %dma_start3A_84] : memref<10016x128xf32, #tpu.memory_space<vmem_shared>> -> memref<640x128xf32, #tpu.memory_space<vmem_shared>>
        tpu.enqueue_dma source(%arg4 : memref<640x128xf32, #tpu.memory_space<hbm>>) target(%dma_start3A_85 : memref<640x128xf32, #tpu.memory_space<vmem_shared>>) target_semaphore(%run_scoped3A : memref<!tpu.dma_semaphore, #tpu.memory_space<semaphore_mem>>)
        %dma_wait3A_86 = arith.constant 0 : i32
        %dma_wait3A_87 = tpu.memref_slice %arg6[%mul3A_83, %dma_wait3A_86] : memref<10016x128xf32, #tpu.memory_space<vmem_shared>> -> memref<640x128xf32, #tpu.memory_space<vmem_shared>>
        tpu.wait_dma2 semaphore(%run_scoped3A : memref<!tpu.dma_semaphore, #tpu.memory_space<semaphore_mem>>) src(%arg4 : memref<640x128xf32, #tpu.memory_space<hbm>>) dst(%dma_wait3A_87 : memref<640x128xf32, #tpu.memory_space<vmem_shared>>)
        tpu.yield
      }) : () -> ()
    } else {
    }
    %eq3A = arith.constant 15 : i32
    %eq3A_3 = arith.cmpi eq, %arg1, %eq3A : i32
    %convert_element_type3A_4 = arith.extui %eq3A_3 : i1 to i32
    %cond3A_5 = arith.constant 0 : i32
    %cond3A_6 = arith.cmpi ne, %convert_element_type3A_4, %cond3A_5 : i32
    scf.if %cond3A_6 {
      "tpu.region"() ({
        %run_scoped3A = tpu.sem_alloc : memref<!tpu.dma_semaphore, #tpu.memory_space<semaphore_mem>>
        %dma_start3A_82 = arith.constant 9600 : i32
        %dma_start3A_83 = arith.constant 0 : i32
        %dma_start3A_84 = tpu.memref_slice %arg6[%dma_start3A_82, %dma_start3A_83] : memref<10016x128xf32, #tpu.memory_space<vmem_shared>> -> memref<416x128xf32, #tpu.memory_space<vmem_shared>>
        %dma_start3A_85 = arith.constant 0 : i32
        %dma_start3A_86 = arith.constant 0 : i32
        %dma_start3A_87 = tpu.memref_slice %arg4[%dma_start3A_85, %dma_start3A_86] : memref<640x128xf32, #tpu.memory_space<hbm>> -> memref<416x128xf32, #tpu.memory_space<hbm>>
        tpu.enqueue_dma source(%dma_start3A_87 : memref<416x128xf32, #tpu.memory_space<hbm>>) target(%dma_start3A_84 : memref<416x128xf32, #tpu.memory_space<vmem_shared>>) target_semaphore(%run_scoped3A : memref<!tpu.dma_semaphore, #tpu.memory_space<semaphore_mem>>)
        %dma_wait3A_88 = arith.constant 9600 : i32
        %dma_wait3A_89 = arith.constant 0 : i32
        %dma_wait3A_90 = tpu.memref_slice %arg6[%dma_wait3A_88, %dma_wait3A_89] : memref<10016x128xf32, #tpu.memory_space<vmem_shared>> -> memref<416x128xf32, #tpu.memory_space<vmem_shared>>
        %dma_wait3A_91 = arith.constant 0 : i32
        %dma_wait3A_92 = arith.constant 0 : i32
        %dma_wait3A_93 = tpu.memref_slice %arg4[%dma_wait3A_91, %dma_wait3A_92] : memref<640x128xf32, #tpu.memory_space<hbm>> -> memref<416x128xf32, #tpu.memory_space<hbm>>
        tpu.wait_dma2 semaphore(%run_scoped3A : memref<!tpu.dma_semaphore, #tpu.memory_space<semaphore_mem>>) src(%dma_wait3A_93 : memref<416x128xf32, #tpu.memory_space<hbm>>) dst(%dma_wait3A_90 : memref<416x128xf32, #tpu.memory_space<vmem_shared>>)
        tpu.yield
      }) : () -> ()
    } else {
    }
    %barrier3A = arith.constant 0 : index
    tpu.barrier barrier_id(%barrier3A)
    %dma_start3A = arith.constant 0 : i32
    %dma_start3A_7 = arith.constant 0 : i32
    %dma_start3A_8 = arith.constant 0 : i32
    %dma_start3A_9 = tpu.memref_slice %arg3[%add3A, %dma_start3A, %dma_start3A_7, %dma_start3A_8] : memref<32x84x2x128xi32, #tpu.memory_space<hbm>> -> memref<1x1x2x128xi32, #tpu.memory_space<hbm>>
    %dma_start3A_10 = tpu.memref_squeeze %dma_start3A_9 : memref<1x1x2x128xi32, #tpu.memory_space<hbm>> -> memref<2x128xi32, #tpu.memory_space<hbm>>
    %dma_start3A_11 = arith.constant 0 : i32
    %dma_start3A_12 = arith.constant 0 : i32
    %dma_start3A_13 = tpu.memref_slice %arg3[%add3A, %dma_start3A, %dma_start3A_11, %dma_start3A_12] : memref<32x84x2x128xi32, #tpu.memory_space<hbm>> -> memref<1x1x2x128xi32, #tpu.memory_space<hbm>>
    %dma_start3A_14 = tpu.memref_squeeze %dma_start3A_13 : memref<1x1x2x128xi32, #tpu.memory_space<hbm>> -> memref<2x128xi32, #tpu.memory_space<hbm>>
    tpu.enqueue_dma source(%dma_start3A_14 : memref<2x128xi32, #tpu.memory_space<hbm>>) target(%arg10 : memref<2x128xi32, #tpu.memory_space<vmem>>) target_semaphore(%arg22 : memref<!tpu.dma_semaphore, #tpu.memory_space<semaphore_mem>>)
    %dma_start3A_15 = arith.constant 1 : i32
    %dma_start3A_16 = arith.constant 0 : i32
    %dma_start3A_17 = arith.constant 0 : i32
    %dma_start3A_18 = tpu.memref_slice %arg3[%add3A, %dma_start3A_15, %dma_start3A_16, %dma_start3A_17] : memref<32x84x2x128xi32, #tpu.memory_space<hbm>> -> memref<1x1x2x128xi32, #tpu.memory_space<hbm>>
    %dma_start3A_19 = tpu.memref_squeeze %dma_start3A_18 : memref<1x1x2x128xi32, #tpu.memory_space<hbm>> -> memref<2x128xi32, #tpu.memory_space<hbm>>
    %dma_start3A_20 = arith.constant 0 : i32
    %dma_start3A_21 = arith.constant 0 : i32
    %dma_start3A_22 = tpu.memref_slice %arg3[%add3A, %dma_start3A_15, %dma_start3A_20, %dma_start3A_21] : memref<32x84x2x128xi32, #tpu.memory_space<hbm>> -> memref<1x1x2x128xi32, #tpu.memory_space<hbm>>
    %dma_start3A_23 = tpu.memref_squeeze %dma_start3A_22 : memref<1x1x2x128xi32, #tpu.memory_space<hbm>> -> memref<2x128xi32, #tpu.memory_space<hbm>>
    tpu.enqueue_dma source(%dma_start3A_23 : memref<2x128xi32, #tpu.memory_space<hbm>>) target(%arg11 : memref<2x128xi32, #tpu.memory_space<vmem>>) target_semaphore(%arg23 : memref<!tpu.dma_semaphore, #tpu.memory_space<semaphore_mem>>)
    %dma_start3A_24 = arith.constant 2 : i32
    %dma_start3A_25 = arith.constant 0 : i32
    %dma_start3A_26 = arith.constant 0 : i32
    %dma_start3A_27 = tpu.memref_slice %arg3[%add3A, %dma_start3A_24, %dma_start3A_25, %dma_start3A_26] : memref<32x84x2x128xi32, #tpu.memory_space<hbm>> -> memref<1x1x2x128xi32, #tpu.memory_space<hbm>>
    %dma_start3A_28 = tpu.memref_squeeze %dma_start3A_27 : memref<1x1x2x128xi32, #tpu.memory_space<hbm>> -> memref<2x128xi32, #tpu.memory_space<hbm>>
    %dma_start3A_29 = arith.constant 0 : i32
    %dma_start3A_30 = arith.constant 0 : i32
    %dma_start3A_31 = tpu.memref_slice %arg3[%add3A, %dma_start3A_24, %dma_start3A_29, %dma_start3A_30] : memref<32x84x2x128xi32, #tpu.memory_space<hbm>> -> memref<1x1x2x128xi32, #tpu.memory_space<hbm>>
    %dma_start3A_32 = tpu.memref_squeeze %dma_start3A_31 : memref<1x1x2x128xi32, #tpu.memory_space<hbm>> -> memref<2x128xi32, #tpu.memory_space<hbm>>
    tpu.enqueue_dma source(%dma_start3A_32 : memref<2x128xi32, #tpu.memory_space<hbm>>) target(%arg12 : memref<2x128xi32, #tpu.memory_space<vmem>>) target_semaphore(%arg24 : memref<!tpu.dma_semaphore, #tpu.memory_space<semaphore_mem>>)
    %scan3A = arith.constant 0 : i32
    %scan3A_33 = arith.constant 14 : i32
    %scan3A_34 = arith.addi %scan3A, %scan3A_33 : i32
    %scan3A_35 = arith.constant 1 : i32
    scf.for %scan3A_82 = %scan3A to %scan3A_34 step %scan3A_35  : i32 {
      %mul3A_83 = arith.constant 1 : i32
      %mul3A_84 = arith.muli %scan3A_82, %mul3A_83 : i32
      %add3A_85 = arith.constant 0 : i32
      %add3A_86 = arith.addi %add3A_85, %mul3A_84 : i32
      %mul3A_87 = arith.constant 6 : i32
      %mul3A_88 = arith.muli %add3A_86, %mul3A_87 : i32
      %add3A_89 = arith.constant 0 : i32
      %add3A_90 = arith.addi %mul3A_88, %add3A_89 : i32
      %ge3A = arith.constant 3 : i32
      %ge3A_91 = arith.cmpi sge, %add3A_90, %ge3A : i32
      %convert_element_type3A_92 = arith.extui %ge3A_91 : i1 to i32
      %cond3A_93 = arith.constant 0 : i32
      %cond3A_94 = arith.cmpi ne, %convert_element_type3A_92, %cond3A_93 : i32
      scf.if %cond3A_94 {
        %dma_wait3A_292 = arith.constant 1 : i32
        %dma_wait3A_293 = arith.constant 0 : i32
        %dma_wait3A_294 = tpu.memref_slice %arg13[%dma_wait3A_292, %dma_wait3A_293] : memref<2x128xi32, #tpu.memory_space<vmem>> -> memref<1x128xi32, #tpu.memory_space<vmem>>
        %dma_wait3A_295 = tpu.memref_squeeze %dma_wait3A_294 : memref<1x128xi32, #tpu.memory_space<vmem>> -> memref<128xi32, #tpu.memory_space<vmem>>
        %dma_wait3A_296 = arith.constant 0 : i32
        %dma_wait3A_297 = arith.constant 0 : i32
        %dma_wait3A_298 = tpu.memref_slice %arg6[%dma_wait3A_296, %dma_wait3A_297] : memref<10016x128xf32, #tpu.memory_space<vmem_shared>> -> memref<10016x128xf32, #tpu.memory_space<vmem_shared>>
        tpu.wait_indirect_dma semaphore(%arg19 : memref<!tpu.dma_semaphore, #tpu.memory_space<semaphore_mem>>) src(%arg7 : memref<128x128xf32, #tpu.memory_space<vmem>>) dst(%dma_wait3A_298 : memref<10016x128xf32, #tpu.memory_space<vmem_shared>>)
      } else {
      }
      %dma_wait3A_95 = arith.constant 0 : i32
      %dma_wait3A_96 = arith.constant 0 : i32
      %dma_wait3A_97 = tpu.memref_slice %arg3[%add3A, %add3A_90, %dma_wait3A_95, %dma_wait3A_96] : memref<32x84x2x128xi32, #tpu.memory_space<hbm>> -> memref<1x1x2x128xi32, #tpu.memory_space<hbm>>
      %dma_wait3A_98 = tpu.memref_squeeze %dma_wait3A_97 : memref<1x1x2x128xi32, #tpu.memory_space<hbm>> -> memref<2x128xi32, #tpu.memory_space<hbm>>
      %dma_wait3A_99 = arith.constant 0 : i32
      %dma_wait3A_100 = arith.constant 0 : i32
      %dma_wait3A_101 = tpu.memref_slice %arg3[%add3A, %add3A_90, %dma_wait3A_99, %dma_wait3A_100] : memref<32x84x2x128xi32, #tpu.memory_space<hbm>> -> memref<1x1x2x128xi32, #tpu.memory_space<hbm>>
      %dma_wait3A_102 = tpu.memref_squeeze %dma_wait3A_101 : memref<1x1x2x128xi32, #tpu.memory_space<hbm>> -> memref<2x128xi32, #tpu.memory_space<hbm>>
      tpu.wait_dma2 semaphore(%arg22 : memref<!tpu.dma_semaphore, #tpu.memory_space<semaphore_mem>>) src(%dma_wait3A_102 : memref<2x128xi32, #tpu.memory_space<hbm>>) dst(%arg10 : memref<2x128xi32, #tpu.memory_space<vmem>>)
      %dma_start3A_103 = arith.constant 0 : i32
      %dma_start3A_104 = arith.constant 0 : i32
      %dma_start3A_105 = tpu.memref_slice %arg10[%dma_start3A_103, %dma_start3A_104] : memref<2x128xi32, #tpu.memory_space<vmem>> -> memref<1x128xi32, #tpu.memory_space<vmem>>
      %dma_start3A_106 = tpu.memref_squeeze %dma_start3A_105 : memref<1x128xi32, #tpu.memory_space<vmem>> -> memref<128xi32, #tpu.memory_space<vmem>>
      %dma_start3A_107 = arith.constant 0 : i32
      %dma_start3A_108 = arith.constant 0 : i32
      %dma_start3A_109 = tpu.memref_slice %arg2[%dma_start3A_107, %dma_start3A_108] : memref<10000x128xf32, #tpu.memory_space<hbm>> -> memref<10000x128xf32, #tpu.memory_space<hbm>>
      tpu.enqueue_indirect_dma source(%dma_start3A_109 : memref<10000x128xf32, #tpu.memory_space<hbm>>) target(%arg7 : memref<128x128xf32, #tpu.memory_space<vmem>>) offsets(%dma_start3A_106 : memref<128xi32, #tpu.memory_space<vmem>>) semaphore(%arg16 : memref<!tpu.dma_semaphore, #tpu.memory_space<semaphore_mem>>)
      %add3A_110 = arith.constant 3 : i32
      %add3A_111 = arith.addi %add3A_90, %add3A_110 : i32
      %lt3A_112 = arith.constant 84 : i32
      %lt3A_113 = arith.cmpi slt, %add3A_111, %lt3A_112 : i32
      %convert_element_type3A_114 = arith.extui %lt3A_113 : i1 to i32
      %cond3A_115 = arith.constant 0 : i32
      %cond3A_116 = arith.cmpi ne, %convert_element_type3A_114, %cond3A_115 : i32
      scf.if %cond3A_116 {
        %add3A_292 = arith.constant 3 : i32
        %add3A_293 = arith.addi %add3A_90, %add3A_292 : i32
        %dma_start3A_294 = arith.constant 0 : i32
        %dma_start3A_295 = arith.constant 0 : i32
        %dma_start3A_296 = tpu.memref_slice %arg3[%add3A, %add3A_293, %dma_start3A_294, %dma_start3A_295] : memref<32x84x2x128xi32, #tpu.memory_space<hbm>> -> memref<1x1x2x128xi32, #tpu.memory_space<hbm>>
        %dma_start3A_297 = tpu.memref_squeeze %dma_start3A_296 : memref<1x1x2x128xi32, #tpu.memory_space<hbm>> -> memref<2x128xi32, #tpu.memory_space<hbm>>
        %dma_start3A_298 = arith.constant 0 : i32
        %dma_start3A_299 = arith.constant 0 : i32
        %dma_start3A_300 = tpu.memref_slice %arg3[%add3A, %add3A_293, %dma_start3A_298, %dma_start3A_299] : memref<32x84x2x128xi32, #tpu.memory_space<hbm>> -> memref<1x1x2x128xi32, #tpu.memory_space<hbm>>
        %dma_start3A_301 = tpu.memref_squeeze %dma_start3A_300 : memref<1x1x2x128xi32, #tpu.memory_space<hbm>> -> memref<2x128xi32, #tpu.memory_space<hbm>>
        tpu.enqueue_dma source(%dma_start3A_301 : memref<2x128xi32, #tpu.memory_space<hbm>>) target(%arg13 : memref<2x128xi32, #tpu.memory_space<vmem>>) target_semaphore(%arg25 : memref<!tpu.dma_semaphore, #tpu.memory_space<semaphore_mem>>)
      } else {
      }
      %ge3A_117 = arith.constant 1 : i32
      %ge3A_118 = arith.cmpi sge, %add3A_90, %ge3A_117 : i32
      %convert_element_type3A_119 = arith.extui %ge3A_118 : i1 to i32
      %cond3A_120 = arith.constant 0 : i32
      %cond3A_121 = arith.cmpi ne, %convert_element_type3A_119, %cond3A_120 : i32
      scf.if %cond3A_121 {
        %dma_wait3A_292 = arith.constant 0 : i32
        %dma_wait3A_293 = arith.constant 0 : i32
        %dma_wait3A_294 = tpu.memref_slice %arg15[%dma_wait3A_292, %dma_wait3A_293] : memref<2x128xi32, #tpu.memory_space<vmem>> -> memref<1x128xi32, #tpu.memory_space<vmem>>
        %dma_wait3A_295 = tpu.memref_squeeze %dma_wait3A_294 : memref<1x128xi32, #tpu.memory_space<vmem>> -> memref<128xi32, #tpu.memory_space<vmem>>
        %dma_wait3A_296 = arith.constant 0 : i32
        %dma_wait3A_297 = arith.constant 0 : i32
        %dma_wait3A_298 = tpu.memref_slice %arg2[%dma_wait3A_296, %dma_wait3A_297] : memref<10000x128xf32, #tpu.memory_space<hbm>> -> memref<10000x128xf32, #tpu.memory_space<hbm>>
        tpu.wait_indirect_dma semaphore(%arg18 : memref<!tpu.dma_semaphore, #tpu.memory_space<semaphore_mem>>) src(%dma_wait3A_298 : memref<10000x128xf32, #tpu.memory_space<hbm>>) dst(%arg9 : memref<128x128xf32, #tpu.memory_space<vmem>>)
        %dma_start3A_299 = arith.constant 1 : i32
        %dma_start3A_300 = arith.constant 0 : i32
        %dma_start3A_301 = tpu.memref_slice %arg15[%dma_start3A_299, %dma_start3A_300] : memref<2x128xi32, #tpu.memory_space<vmem>> -> memref<1x128xi32, #tpu.memory_space<vmem>>
        %dma_start3A_302 = tpu.memref_squeeze %dma_start3A_301 : memref<1x128xi32, #tpu.memory_space<vmem>> -> memref<128xi32, #tpu.memory_space<vmem>>
        %dma_start3A_303 = arith.constant 0 : i32
        %dma_start3A_304 = arith.constant 0 : i32
        %dma_start3A_305 = tpu.memref_slice %arg6[%dma_start3A_303, %dma_start3A_304] : memref<10016x128xf32, #tpu.memory_space<vmem_shared>> -> memref<10016x128xf32, #tpu.memory_space<vmem_shared>>
        tpu.enqueue_indirect_dma source(%arg9 : memref<128x128xf32, #tpu.memory_space<vmem>>) target(%dma_start3A_305 : memref<10016x128xf32, #tpu.memory_space<vmem_shared>>) offsets(%dma_start3A_302 : memref<128xi32, #tpu.memory_space<vmem>>) semaphore(%arg21 : memref<!tpu.dma_semaphore, #tpu.memory_space<semaphore_mem>>) {add = true}
      } else {
      }
      %add3A_122 = arith.constant 1 : i32
      %add3A_123 = arith.addi %mul3A_88, %add3A_122 : i32
      %ge3A_124 = arith.constant 3 : i32
      %ge3A_125 = arith.cmpi sge, %add3A_123, %ge3A_124 : i32
      %convert_element_type3A_126 = arith.extui %ge3A_125 : i1 to i32
      %cond3A_127 = arith.constant 0 : i32
      %cond3A_128 = arith.cmpi ne, %convert_element_type3A_126, %cond3A_127 : i32
      scf.if %cond3A_128 {
        %dma_wait3A_292 = arith.constant 1 : i32
        %dma_wait3A_293 = arith.constant 0 : i32
        %dma_wait3A_294 = tpu.memref_slice %arg14[%dma_wait3A_292, %dma_wait3A_293] : memref<2x128xi32, #tpu.memory_space<vmem>> -> memref<1x128xi32, #tpu.memory_space<vmem>>
        %dma_wait3A_295 = tpu.memref_squeeze %dma_wait3A_294 : memref<1x128xi32, #tpu.memory_space<vmem>> -> memref<128xi32, #tpu.memory_space<vmem>>
        %dma_wait3A_296 = arith.constant 0 : i32
        %dma_wait3A_297 = arith.constant 0 : i32
        %dma_wait3A_298 = tpu.memref_slice %arg6[%dma_wait3A_296, %dma_wait3A_297] : memref<10016x128xf32, #tpu.memory_space<vmem_shared>> -> memref<10016x128xf32, #tpu.memory_space<vmem_shared>>
        tpu.wait_indirect_dma semaphore(%arg20 : memref<!tpu.dma_semaphore, #tpu.memory_space<semaphore_mem>>) src(%arg8 : memref<128x128xf32, #tpu.memory_space<vmem>>) dst(%dma_wait3A_298 : memref<10016x128xf32, #tpu.memory_space<vmem_shared>>)
      } else {
      }
      %dma_wait3A_129 = arith.constant 0 : i32
      %dma_wait3A_130 = arith.constant 0 : i32
      %dma_wait3A_131 = tpu.memref_slice %arg3[%add3A, %add3A_123, %dma_wait3A_129, %dma_wait3A_130] : memref<32x84x2x128xi32, #tpu.memory_space<hbm>> -> memref<1x1x2x128xi32, #tpu.memory_space<hbm>>
      %dma_wait3A_132 = tpu.memref_squeeze %dma_wait3A_131 : memref<1x1x2x128xi32, #tpu.memory_space<hbm>> -> memref<2x128xi32, #tpu.memory_space<hbm>>
      %dma_wait3A_133 = arith.constant 0 : i32
      %dma_wait3A_134 = arith.constant 0 : i32
      %dma_wait3A_135 = tpu.memref_slice %arg3[%add3A, %add3A_123, %dma_wait3A_133, %dma_wait3A_134] : memref<32x84x2x128xi32, #tpu.memory_space<hbm>> -> memref<1x1x2x128xi32, #tpu.memory_space<hbm>>
      %dma_wait3A_136 = tpu.memref_squeeze %dma_wait3A_135 : memref<1x1x2x128xi32, #tpu.memory_space<hbm>> -> memref<2x128xi32, #tpu.memory_space<hbm>>
      tpu.wait_dma2 semaphore(%arg23 : memref<!tpu.dma_semaphore, #tpu.memory_space<semaphore_mem>>) src(%dma_wait3A_136 : memref<2x128xi32, #tpu.memory_space<hbm>>) dst(%arg11 : memref<2x128xi32, #tpu.memory_space<vmem>>)
      %dma_start3A_137 = arith.constant 0 : i32
      %dma_start3A_138 = arith.constant 0 : i32
      %dma_start3A_139 = tpu.memref_slice %arg11[%dma_start3A_137, %dma_start3A_138] : memref<2x128xi32, #tpu.memory_space<vmem>> -> memref<1x128xi32, #tpu.memory_space<vmem>>
      %dma_start3A_140 = tpu.memref_squeeze %dma_start3A_139 : memref<1x128xi32, #tpu.memory_space<vmem>> -> memref<128xi32, #tpu.memory_space<vmem>>
      %dma_start3A_141 = arith.constant 0 : i32
      %dma_start3A_142 = arith.constant 0 : i32
      %dma_start3A_143 = tpu.memref_slice %arg2[%dma_start3A_141, %dma_start3A_142] : memref<10000x128xf32, #tpu.memory_space<hbm>> -> memref<10000x128xf32, #tpu.memory_space<hbm>>
      tpu.enqueue_indirect_dma source(%dma_start3A_143 : memref<10000x128xf32, #tpu.memory_space<hbm>>) target(%arg8 : memref<128x128xf32, #tpu.memory_space<vmem>>) offsets(%dma_start3A_140 : memref<128xi32, #tpu.memory_space<vmem>>) semaphore(%arg17 : memref<!tpu.dma_semaphore, #tpu.memory_space<semaphore_mem>>)
      %add3A_144 = arith.constant 3 : i32
      %add3A_145 = arith.addi %add3A_123, %add3A_144 : i32
      %lt3A_146 = arith.constant 84 : i32
      %lt3A_147 = arith.cmpi slt, %add3A_145, %lt3A_146 : i32
      %convert_element_type3A_148 = arith.extui %lt3A_147 : i1 to i32
      %cond3A_149 = arith.constant 0 : i32
      %cond3A_150 = arith.cmpi ne, %convert_element_type3A_148, %cond3A_149 : i32
      scf.if %cond3A_150 {
        %add3A_292 = arith.constant 3 : i32
        %add3A_293 = arith.addi %add3A_123, %add3A_292 : i32
        %dma_start3A_294 = arith.constant 0 : i32
        %dma_start3A_295 = arith.constant 0 : i32
        %dma_start3A_296 = tpu.memref_slice %arg3[%add3A, %add3A_293, %dma_start3A_294, %dma_start3A_295] : memref<32x84x2x128xi32, #tpu.memory_space<hbm>> -> memref<1x1x2x128xi32, #tpu.memory_space<hbm>>
        %dma_start3A_297 = tpu.memref_squeeze %dma_start3A_296 : memref<1x1x2x128xi32, #tpu.memory_space<hbm>> -> memref<2x128xi32, #tpu.memory_space<hbm>>
        %dma_start3A_298 = arith.constant 0 : i32
        %dma_start3A_299 = arith.constant 0 : i32
        %dma_start3A_300 = tpu.memref_slice %arg3[%add3A, %add3A_293, %dma_start3A_298, %dma_start3A_299] : memref<32x84x2x128xi32, #tpu.memory_space<hbm>> -> memref<1x1x2x128xi32, #tpu.memory_space<hbm>>
        %dma_start3A_301 = tpu.memref_squeeze %dma_start3A_300 : memref<1x1x2x128xi32, #tpu.memory_space<hbm>> -> memref<2x128xi32, #tpu.memory_space<hbm>>
        tpu.enqueue_dma source(%dma_start3A_301 : memref<2x128xi32, #tpu.memory_space<hbm>>) target(%arg14 : memref<2x128xi32, #tpu.memory_space<vmem>>) target_semaphore(%arg26 : memref<!tpu.dma_semaphore, #tpu.memory_space<semaphore_mem>>)
      } else {
      }
      %ge3A_151 = arith.constant 1 : i32
      %ge3A_152 = arith.cmpi sge, %add3A_123, %ge3A_151 : i32
      %convert_element_type3A_153 = arith.extui %ge3A_152 : i1 to i32
      %cond3A_154 = arith.constant 0 : i32
      %cond3A_155 = arith.cmpi ne, %convert_element_type3A_153, %cond3A_154 : i32
      scf.if %cond3A_155 {
        %dma_wait3A_292 = arith.constant 0 : i32
        %dma_wait3A_293 = arith.constant 0 : i32
        %dma_wait3A_294 = tpu.memref_slice %arg10[%dma_wait3A_292, %dma_wait3A_293] : memref<2x128xi32, #tpu.memory_space<vmem>> -> memref<1x128xi32, #tpu.memory_space<vmem>>
        %dma_wait3A_295 = tpu.memref_squeeze %dma_wait3A_294 : memref<1x128xi32, #tpu.memory_space<vmem>> -> memref<128xi32, #tpu.memory_space<vmem>>
        %dma_wait3A_296 = arith.constant 0 : i32
        %dma_wait3A_297 = arith.constant 0 : i32
        %dma_wait3A_298 = tpu.memref_slice %arg2[%dma_wait3A_296, %dma_wait3A_297] : memref<10000x128xf32, #tpu.memory_space<hbm>> -> memref<10000x128xf32, #tpu.memory_space<hbm>>
        tpu.wait_indirect_dma semaphore(%arg16 : memref<!tpu.dma_semaphore, #tpu.memory_space<semaphore_mem>>) src(%dma_wait3A_298 : memref<10000x128xf32, #tpu.memory_space<hbm>>) dst(%arg7 : memref<128x128xf32, #tpu.memory_space<vmem>>)
        %dma_start3A_299 = arith.constant 1 : i32
        %dma_start3A_300 = arith.constant 0 : i32
        %dma_start3A_301 = tpu.memref_slice %arg10[%dma_start3A_299, %dma_start3A_300] : memref<2x128xi32, #tpu.memory_space<vmem>> -> memref<1x128xi32, #tpu.memory_space<vmem>>
        %dma_start3A_302 = tpu.memref_squeeze %dma_start3A_301 : memref<1x128xi32, #tpu.memory_space<vmem>> -> memref<128xi32, #tpu.memory_space<vmem>>
        %dma_start3A_303 = arith.constant 0 : i32
        %dma_start3A_304 = arith.constant 0 : i32
        %dma_start3A_305 = tpu.memref_slice %arg6[%dma_start3A_303, %dma_start3A_304] : memref<10016x128xf32, #tpu.memory_space<vmem_shared>> -> memref<10016x128xf32, #tpu.memory_space<vmem_shared>>
        tpu.enqueue_indirect_dma source(%arg7 : memref<128x128xf32, #tpu.memory_space<vmem>>) target(%dma_start3A_305 : memref<10016x128xf32, #tpu.memory_space<vmem_shared>>) offsets(%dma_start3A_302 : memref<128xi32, #tpu.memory_space<vmem>>) semaphore(%arg19 : memref<!tpu.dma_semaphore, #tpu.memory_space<semaphore_mem>>) {add = true}
      } else {
      }
      %add3A_156 = arith.constant 2 : i32
      %add3A_157 = arith.addi %mul3A_88, %add3A_156 : i32
      %ge3A_158 = arith.constant 3 : i32
      %ge3A_159 = arith.cmpi sge, %add3A_157, %ge3A_158 : i32
      %convert_element_type3A_160 = arith.extui %ge3A_159 : i1 to i32
      %cond3A_161 = arith.constant 0 : i32
      %cond3A_162 = arith.cmpi ne, %convert_element_type3A_160, %cond3A_161 : i32
      scf.if %cond3A_162 {
        %dma_wait3A_292 = arith.constant 1 : i32
        %dma_wait3A_293 = arith.constant 0 : i32
        %dma_wait3A_294 = tpu.memref_slice %arg15[%dma_wait3A_292, %dma_wait3A_293] : memref<2x128xi32, #tpu.memory_space<vmem>> -> memref<1x128xi32, #tpu.memory_space<vmem>>
        %dma_wait3A_295 = tpu.memref_squeeze %dma_wait3A_294 : memref<1x128xi32, #tpu.memory_space<vmem>> -> memref<128xi32, #tpu.memory_space<vmem>>
        %dma_wait3A_296 = arith.constant 0 : i32
        %dma_wait3A_297 = arith.constant 0 : i32
        %dma_wait3A_298 = tpu.memref_slice %arg6[%dma_wait3A_296, %dma_wait3A_297] : memref<10016x128xf32, #tpu.memory_space<vmem_shared>> -> memref<10016x128xf32, #tpu.memory_space<vmem_shared>>
        tpu.wait_indirect_dma semaphore(%arg21 : memref<!tpu.dma_semaphore, #tpu.memory_space<semaphore_mem>>) src(%arg9 : memref<128x128xf32, #tpu.memory_space<vmem>>) dst(%dma_wait3A_298 : memref<10016x128xf32, #tpu.memory_space<vmem_shared>>)
      } else {
      }
      %dma_wait3A_163 = arith.constant 0 : i32
      %dma_wait3A_164 = arith.constant 0 : i32
      %dma_wait3A_165 = tpu.memref_slice %arg3[%add3A, %add3A_157, %dma_wait3A_163, %dma_wait3A_164] : memref<32x84x2x128xi32, #tpu.memory_space<hbm>> -> memref<1x1x2x128xi32, #tpu.memory_space<hbm>>
      %dma_wait3A_166 = tpu.memref_squeeze %dma_wait3A_165 : memref<1x1x2x128xi32, #tpu.memory_space<hbm>> -> memref<2x128xi32, #tpu.memory_space<hbm>>
      %dma_wait3A_167 = arith.constant 0 : i32
      %dma_wait3A_168 = arith.constant 0 : i32
      %dma_wait3A_169 = tpu.memref_slice %arg3[%add3A, %add3A_157, %dma_wait3A_167, %dma_wait3A_168] : memref<32x84x2x128xi32, #tpu.memory_space<hbm>> -> memref<1x1x2x128xi32, #tpu.memory_space<hbm>>
      %dma_wait3A_170 = tpu.memref_squeeze %dma_wait3A_169 : memref<1x1x2x128xi32, #tpu.memory_space<hbm>> -> memref<2x128xi32, #tpu.memory_space<hbm>>
      tpu.wait_dma2 semaphore(%arg24 : memref<!tpu.dma_semaphore, #tpu.memory_space<semaphore_mem>>) src(%dma_wait3A_170 : memref<2x128xi32, #tpu.memory_space<hbm>>) dst(%arg12 : memref<2x128xi32, #tpu.memory_space<vmem>>)
      %dma_start3A_171 = arith.constant 0 : i32
      %dma_start3A_172 = arith.constant 0 : i32
      %dma_start3A_173 = tpu.memref_slice %arg12[%dma_start3A_171, %dma_start3A_172] : memref<2x128xi32, #tpu.memory_space<vmem>> -> memref<1x128xi32, #tpu.memory_space<vmem>>
      %dma_start3A_174 = tpu.memref_squeeze %dma_start3A_173 : memref<1x128xi32, #tpu.memory_space<vmem>> -> memref<128xi32, #tpu.memory_space<vmem>>
      %dma_start3A_175 = arith.constant 0 : i32
      %dma_start3A_176 = arith.constant 0 : i32
      %dma_start3A_177 = tpu.memref_slice %arg2[%dma_start3A_175, %dma_start3A_176] : memref<10000x128xf32, #tpu.memory_space<hbm>> -> memref<10000x128xf32, #tpu.memory_space<hbm>>
      tpu.enqueue_indirect_dma source(%dma_start3A_177 : memref<10000x128xf32, #tpu.memory_space<hbm>>) target(%arg9 : memref<128x128xf32, #tpu.memory_space<vmem>>) offsets(%dma_start3A_174 : memref<128xi32, #tpu.memory_space<vmem>>) semaphore(%arg18 : memref<!tpu.dma_semaphore, #tpu.memory_space<semaphore_mem>>)
      %add3A_178 = arith.constant 3 : i32
      %add3A_179 = arith.addi %add3A_157, %add3A_178 : i32
      %lt3A_180 = arith.constant 84 : i32
      %lt3A_181 = arith.cmpi slt, %add3A_179, %lt3A_180 : i32
      %convert_element_type3A_182 = arith.extui %lt3A_181 : i1 to i32
      %cond3A_183 = arith.constant 0 : i32
      %cond3A_184 = arith.cmpi ne, %convert_element_type3A_182, %cond3A_183 : i32
      scf.if %cond3A_184 {
        %add3A_292 = arith.constant 3 : i32
        %add3A_293 = arith.addi %add3A_157, %add3A_292 : i32
        %dma_start3A_294 = arith.constant 0 : i32
        %dma_start3A_295 = arith.constant 0 : i32
        %dma_start3A_296 = tpu.memref_slice %arg3[%add3A, %add3A_293, %dma_start3A_294, %dma_start3A_295] : memref<32x84x2x128xi32, #tpu.memory_space<hbm>> -> memref<1x1x2x128xi32, #tpu.memory_space<hbm>>
        %dma_start3A_297 = tpu.memref_squeeze %dma_start3A_296 : memref<1x1x2x128xi32, #tpu.memory_space<hbm>> -> memref<2x128xi32, #tpu.memory_space<hbm>>
        %dma_start3A_298 = arith.constant 0 : i32
        %dma_start3A_299 = arith.constant 0 : i32
        %dma_start3A_300 = tpu.memref_slice %arg3[%add3A, %add3A_293, %dma_start3A_298, %dma_start3A_299] : memref<32x84x2x128xi32, #tpu.memory_space<hbm>> -> memref<1x1x2x128xi32, #tpu.memory_space<hbm>>
        %dma_start3A_301 = tpu.memref_squeeze %dma_start3A_300 : memref<1x1x2x128xi32, #tpu.memory_space<hbm>> -> memref<2x128xi32, #tpu.memory_space<hbm>>
        tpu.enqueue_dma source(%dma_start3A_301 : memref<2x128xi32, #tpu.memory_space<hbm>>) target(%arg15 : memref<2x128xi32, #tpu.memory_space<vmem>>) target_semaphore(%arg27 : memref<!tpu.dma_semaphore, #tpu.memory_space<semaphore_mem>>)
      } else {
      }
      %ge3A_185 = arith.constant 1 : i32
      %ge3A_186 = arith.cmpi sge, %add3A_157, %ge3A_185 : i32
      %convert_element_type3A_187 = arith.extui %ge3A_186 : i1 to i32
      %cond3A_188 = arith.constant 0 : i32
      %cond3A_189 = arith.cmpi ne, %convert_element_type3A_187, %cond3A_188 : i32
      scf.if %cond3A_189 {
        %dma_wait3A_292 = arith.constant 0 : i32
        %dma_wait3A_293 = arith.constant 0 : i32
        %dma_wait3A_294 = tpu.memref_slice %arg11[%dma_wait3A_292, %dma_wait3A_293] : memref<2x128xi32, #tpu.memory_space<vmem>> -> memref<1x128xi32, #tpu.memory_space<vmem>>
        %dma_wait3A_295 = tpu.memref_squeeze %dma_wait3A_294 : memref<1x128xi32, #tpu.memory_space<vmem>> -> memref<128xi32, #tpu.memory_space<vmem>>
        %dma_wait3A_296 = arith.constant 0 : i32
        %dma_wait3A_297 = arith.constant 0 : i32
        %dma_wait3A_298 = tpu.memref_slice %arg2[%dma_wait3A_296, %dma_wait3A_297] : memref<10000x128xf32, #tpu.memory_space<hbm>> -> memref<10000x128xf32, #tpu.memory_space<hbm>>
        tpu.wait_indirect_dma semaphore(%arg17 : memref<!tpu.dma_semaphore, #tpu.memory_space<semaphore_mem>>) src(%dma_wait3A_298 : memref<10000x128xf32, #tpu.memory_space<hbm>>) dst(%arg8 : memref<128x128xf32, #tpu.memory_space<vmem>>)
        %dma_start3A_299 = arith.constant 1 : i32
        %dma_start3A_300 = arith.constant 0 : i32
        %dma_start3A_301 = tpu.memref_slice %arg11[%dma_start3A_299, %dma_start3A_300] : memref<2x128xi32, #tpu.memory_space<vmem>> -> memref<1x128xi32, #tpu.memory_space<vmem>>
        %dma_start3A_302 = tpu.memref_squeeze %dma_start3A_301 : memref<1x128xi32, #tpu.memory_space<vmem>> -> memref<128xi32, #tpu.memory_space<vmem>>
        %dma_start3A_303 = arith.constant 0 : i32
        %dma_start3A_304 = arith.constant 0 : i32
        %dma_start3A_305 = tpu.memref_slice %arg6[%dma_start3A_303, %dma_start3A_304] : memref<10016x128xf32, #tpu.memory_space<vmem_shared>> -> memref<10016x128xf32, #tpu.memory_space<vmem_shared>>
        tpu.enqueue_indirect_dma source(%arg8 : memref<128x128xf32, #tpu.memory_space<vmem>>) target(%dma_start3A_305 : memref<10016x128xf32, #tpu.memory_space<vmem_shared>>) offsets(%dma_start3A_302 : memref<128xi32, #tpu.memory_space<vmem>>) semaphore(%arg20 : memref<!tpu.dma_semaphore, #tpu.memory_space<semaphore_mem>>) {add = true}
      } else {
      }
      %add3A_190 = arith.constant 3 : i32
      %add3A_191 = arith.addi %mul3A_88, %add3A_190 : i32
      %ge3A_192 = arith.constant 3 : i32
      %ge3A_193 = arith.cmpi sge, %add3A_191, %ge3A_192 : i32
      %convert_element_type3A_194 = arith.extui %ge3A_193 : i1 to i32
      %cond3A_195 = arith.constant 0 : i32
      %cond3A_196 = arith.cmpi ne, %convert_element_type3A_194, %cond3A_195 : i32
      scf.if %cond3A_196 {
        %dma_wait3A_292 = arith.constant 1 : i32
        %dma_wait3A_293 = arith.constant 0 : i32
        %dma_wait3A_294 = tpu.memref_slice %arg10[%dma_wait3A_292, %dma_wait3A_293] : memref<2x128xi32, #tpu.memory_space<vmem>> -> memref<1x128xi32, #tpu.memory_space<vmem>>
        %dma_wait3A_295 = tpu.memref_squeeze %dma_wait3A_294 : memref<1x128xi32, #tpu.memory_space<vmem>> -> memref<128xi32, #tpu.memory_space<vmem>>
        %dma_wait3A_296 = arith.constant 0 : i32
        %dma_wait3A_297 = arith.constant 0 : i32
        %dma_wait3A_298 = tpu.memref_slice %arg6[%dma_wait3A_296, %dma_wait3A_297] : memref<10016x128xf32, #tpu.memory_space<vmem_shared>> -> memref<10016x128xf32, #tpu.memory_space<vmem_shared>>
        tpu.wait_indirect_dma semaphore(%arg19 : memref<!tpu.dma_semaphore, #tpu.memory_space<semaphore_mem>>) src(%arg7 : memref<128x128xf32, #tpu.memory_space<vmem>>) dst(%dma_wait3A_298 : memref<10016x128xf32, #tpu.memory_space<vmem_shared>>)
      } else {
      }
      %dma_wait3A_197 = arith.constant 0 : i32
      %dma_wait3A_198 = arith.constant 0 : i32
      %dma_wait3A_199 = tpu.memref_slice %arg3[%add3A, %add3A_191, %dma_wait3A_197, %dma_wait3A_198] : memref<32x84x2x128xi32, #tpu.memory_space<hbm>> -> memref<1x1x2x128xi32, #tpu.memory_space<hbm>>
      %dma_wait3A_200 = tpu.memref_squeeze %dma_wait3A_199 : memref<1x1x2x128xi32, #tpu.memory_space<hbm>> -> memref<2x128xi32, #tpu.memory_space<hbm>>
      %dma_wait3A_201 = arith.constant 0 : i32
      %dma_wait3A_202 = arith.constant 0 : i32
      %dma_wait3A_203 = tpu.memref_slice %arg3[%add3A, %add3A_191, %dma_wait3A_201, %dma_wait3A_202] : memref<32x84x2x128xi32, #tpu.memory_space<hbm>> -> memref<1x1x2x128xi32, #tpu.memory_space<hbm>>
      %dma_wait3A_204 = tpu.memref_squeeze %dma_wait3A_203 : memref<1x1x2x128xi32, #tpu.memory_space<hbm>> -> memref<2x128xi32, #tpu.memory_space<hbm>>
      tpu.wait_dma2 semaphore(%arg25 : memref<!tpu.dma_semaphore, #tpu.memory_space<semaphore_mem>>) src(%dma_wait3A_204 : memref<2x128xi32, #tpu.memory_space<hbm>>) dst(%arg13 : memref<2x128xi32, #tpu.memory_space<vmem>>)
      %dma_start3A_205 = arith.constant 0 : i32
      %dma_start3A_206 = arith.constant 0 : i32
      %dma_start3A_207 = tpu.memref_slice %arg13[%dma_start3A_205, %dma_start3A_206] : memref<2x128xi32, #tpu.memory_space<vmem>> -> memref<1x128xi32, #tpu.memory_space<vmem>>
      %dma_start3A_208 = tpu.memref_squeeze %dma_start3A_207 : memref<1x128xi32, #tpu.memory_space<vmem>> -> memref<128xi32, #tpu.memory_space<vmem>>
      %dma_start3A_209 = arith.constant 0 : i32
      %dma_start3A_210 = arith.constant 0 : i32
      %dma_start3A_211 = tpu.memref_slice %arg2[%dma_start3A_209, %dma_start3A_210] : memref<10000x128xf32, #tpu.memory_space<hbm>> -> memref<10000x128xf32, #tpu.memory_space<hbm>>
      tpu.enqueue_indirect_dma source(%dma_start3A_211 : memref<10000x128xf32, #tpu.memory_space<hbm>>) target(%arg7 : memref<128x128xf32, #tpu.memory_space<vmem>>) offsets(%dma_start3A_208 : memref<128xi32, #tpu.memory_space<vmem>>) semaphore(%arg16 : memref<!tpu.dma_semaphore, #tpu.memory_space<semaphore_mem>>)
      %add3A_212 = arith.constant 3 : i32
      %add3A_213 = arith.addi %add3A_191, %add3A_212 : i32
      %lt3A_214 = arith.constant 84 : i32
      %lt3A_215 = arith.cmpi slt, %add3A_213, %lt3A_214 : i32
      %convert_element_type3A_216 = arith.extui %lt3A_215 : i1 to i32
      %cond3A_217 = arith.constant 0 : i32
      %cond3A_218 = arith.cmpi ne, %convert_element_type3A_216, %cond3A_217 : i32
      scf.if %cond3A_218 {
        %add3A_292 = arith.constant 3 : i32
        %add3A_293 = arith.addi %add3A_191, %add3A_292 : i32
        %dma_start3A_294 = arith.constant 0 : i32
        %dma_start3A_295 = arith.constant 0 : i32
        %dma_start3A_296 = tpu.memref_slice %arg3[%add3A, %add3A_293, %dma_start3A_294, %dma_start3A_295] : memref<32x84x2x128xi32, #tpu.memory_space<hbm>> -> memref<1x1x2x128xi32, #tpu.memory_space<hbm>>
        %dma_start3A_297 = tpu.memref_squeeze %dma_start3A_296 : memref<1x1x2x128xi32, #tpu.memory_space<hbm>> -> memref<2x128xi32, #tpu.memory_space<hbm>>
        %dma_start3A_298 = arith.constant 0 : i32
        %dma_start3A_299 = arith.constant 0 : i32
        %dma_start3A_300 = tpu.memref_slice %arg3[%add3A, %add3A_293, %dma_start3A_298, %dma_start3A_299] : memref<32x84x2x128xi32, #tpu.memory_space<hbm>> -> memref<1x1x2x128xi32, #tpu.memory_space<hbm>>
        %dma_start3A_301 = tpu.memref_squeeze %dma_start3A_300 : memref<1x1x2x128xi32, #tpu.memory_space<hbm>> -> memref<2x128xi32, #tpu.memory_space<hbm>>
        tpu.enqueue_dma source(%dma_start3A_301 : memref<2x128xi32, #tpu.memory_space<hbm>>) target(%arg10 : memref<2x128xi32, #tpu.memory_space<vmem>>) target_semaphore(%arg22 : memref<!tpu.dma_semaphore, #tpu.memory_space<semaphore_mem>>)
      } else {
      }
      %ge3A_219 = arith.constant 1 : i32
      %ge3A_220 = arith.cmpi sge, %add3A_191, %ge3A_219 : i32
      %convert_element_type3A_221 = arith.extui %ge3A_220 : i1 to i32
      %cond3A_222 = arith.constant 0 : i32
      %cond3A_223 = arith.cmpi ne, %convert_element_type3A_221, %cond3A_222 : i32
      scf.if %cond3A_223 {
        %dma_wait3A_292 = arith.constant 0 : i32
        %dma_wait3A_293 = arith.constant 0 : i32
        %dma_wait3A_294 = tpu.memref_slice %arg12[%dma_wait3A_292, %dma_wait3A_293] : memref<2x128xi32, #tpu.memory_space<vmem>> -> memref<1x128xi32, #tpu.memory_space<vmem>>
        %dma_wait3A_295 = tpu.memref_squeeze %dma_wait3A_294 : memref<1x128xi32, #tpu.memory_space<vmem>> -> memref<128xi32, #tpu.memory_space<vmem>>
        %dma_wait3A_296 = arith.constant 0 : i32
        %dma_wait3A_297 = arith.constant 0 : i32
        %dma_wait3A_298 = tpu.memref_slice %arg2[%dma_wait3A_296, %dma_wait3A_297] : memref<10000x128xf32, #tpu.memory_space<hbm>> -> memref<10000x128xf32, #tpu.memory_space<hbm>>
        tpu.wait_indirect_dma semaphore(%arg18 : memref<!tpu.dma_semaphore, #tpu.memory_space<semaphore_mem>>) src(%dma_wait3A_298 : memref<10000x128xf32, #tpu.memory_space<hbm>>) dst(%arg9 : memref<128x128xf32, #tpu.memory_space<vmem>>)
        %dma_start3A_299 = arith.constant 1 : i32
        %dma_start3A_300 = arith.constant 0 : i32
        %dma_start3A_301 = tpu.memref_slice %arg12[%dma_start3A_299, %dma_start3A_300] : memref<2x128xi32, #tpu.memory_space<vmem>> -> memref<1x128xi32, #tpu.memory_space<vmem>>
        %dma_start3A_302 = tpu.memref_squeeze %dma_start3A_301 : memref<1x128xi32, #tpu.memory_space<vmem>> -> memref<128xi32, #tpu.memory_space<vmem>>
        %dma_start3A_303 = arith.constant 0 : i32
        %dma_start3A_304 = arith.constant 0 : i32
        %dma_start3A_305 = tpu.memref_slice %arg6[%dma_start3A_303, %dma_start3A_304] : memref<10016x128xf32, #tpu.memory_space<vmem_shared>> -> memref<10016x128xf32, #tpu.memory_space<vmem_shared>>
        tpu.enqueue_indirect_dma source(%arg9 : memref<128x128xf32, #tpu.memory_space<vmem>>) target(%dma_start3A_305 : memref<10016x128xf32, #tpu.memory_space<vmem_shared>>) offsets(%dma_start3A_302 : memref<128xi32, #tpu.memory_space<vmem>>) semaphore(%arg21 : memref<!tpu.dma_semaphore, #tpu.memory_space<semaphore_mem>>) {add = true}
      } else {
      }
      %add3A_224 = arith.constant 4 : i32
      %add3A_225 = arith.addi %mul3A_88, %add3A_224 : i32
      %ge3A_226 = arith.constant 3 : i32
      %ge3A_227 = arith.cmpi sge, %add3A_225, %ge3A_226 : i32
      %convert_element_type3A_228 = arith.extui %ge3A_227 : i1 to i32
      %cond3A_229 = arith.constant 0 : i32
      %cond3A_230 = arith.cmpi ne, %convert_element_type3A_228, %cond3A_229 : i32
      scf.if %cond3A_230 {
        %dma_wait3A_292 = arith.constant 1 : i32
        %dma_wait3A_293 = arith.constant 0 : i32
        %dma_wait3A_294 = tpu.memref_slice %arg11[%dma_wait3A_292, %dma_wait3A_293] : memref<2x128xi32, #tpu.memory_space<vmem>> -> memref<1x128xi32, #tpu.memory_space<vmem>>
        %dma_wait3A_295 = tpu.memref_squeeze %dma_wait3A_294 : memref<1x128xi32, #tpu.memory_space<vmem>> -> memref<128xi32, #tpu.memory_space<vmem>>
        %dma_wait3A_296 = arith.constant 0 : i32
        %dma_wait3A_297 = arith.constant 0 : i32
        %dma_wait3A_298 = tpu.memref_slice %arg6[%dma_wait3A_296, %dma_wait3A_297] : memref<10016x128xf32, #tpu.memory_space<vmem_shared>> -> memref<10016x128xf32, #tpu.memory_space<vmem_shared>>
        tpu.wait_indirect_dma semaphore(%arg20 : memref<!tpu.dma_semaphore, #tpu.memory_space<semaphore_mem>>) src(%arg8 : memref<128x128xf32, #tpu.memory_space<vmem>>) dst(%dma_wait3A_298 : memref<10016x128xf32, #tpu.memory_space<vmem_shared>>)
      } else {
      }
      %dma_wait3A_231 = arith.constant 0 : i32
      %dma_wait3A_232 = arith.constant 0 : i32
      %dma_wait3A_233 = tpu.memref_slice %arg3[%add3A, %add3A_225, %dma_wait3A_231, %dma_wait3A_232] : memref<32x84x2x128xi32, #tpu.memory_space<hbm>> -> memref<1x1x2x128xi32, #tpu.memory_space<hbm>>
      %dma_wait3A_234 = tpu.memref_squeeze %dma_wait3A_233 : memref<1x1x2x128xi32, #tpu.memory_space<hbm>> -> memref<2x128xi32, #tpu.memory_space<hbm>>
      %dma_wait3A_235 = arith.constant 0 : i32
      %dma_wait3A_236 = arith.constant 0 : i32
      %dma_wait3A_237 = tpu.memref_slice %arg3[%add3A, %add3A_225, %dma_wait3A_235, %dma_wait3A_236] : memref<32x84x2x128xi32, #tpu.memory_space<hbm>> -> memref<1x1x2x128xi32, #tpu.memory_space<hbm>>
      %dma_wait3A_238 = tpu.memref_squeeze %dma_wait3A_237 : memref<1x1x2x128xi32, #tpu.memory_space<hbm>> -> memref<2x128xi32, #tpu.memory_space<hbm>>
      tpu.wait_dma2 semaphore(%arg26 : memref<!tpu.dma_semaphore, #tpu.memory_space<semaphore_mem>>) src(%dma_wait3A_238 : memref<2x128xi32, #tpu.memory_space<hbm>>) dst(%arg14 : memref<2x128xi32, #tpu.memory_space<vmem>>)
      %dma_start3A_239 = arith.constant 0 : i32
      %dma_start3A_240 = arith.constant 0 : i32
      %dma_start3A_241 = tpu.memref_slice %arg14[%dma_start3A_239, %dma_start3A_240] : memref<2x128xi32, #tpu.memory_space<vmem>> -> memref<1x128xi32, #tpu.memory_space<vmem>>
      %dma_start3A_242 = tpu.memref_squeeze %dma_start3A_241 : memref<1x128xi32, #tpu.memory_space<vmem>> -> memref<128xi32, #tpu.memory_space<vmem>>
      %dma_start3A_243 = arith.constant 0 : i32
      %dma_start3A_244 = arith.constant 0 : i32
      %dma_start3A_245 = tpu.memref_slice %arg2[%dma_start3A_243, %dma_start3A_244] : memref<10000x128xf32, #tpu.memory_space<hbm>> -> memref<10000x128xf32, #tpu.memory_space<hbm>>
      tpu.enqueue_indirect_dma source(%dma_start3A_245 : memref<10000x128xf32, #tpu.memory_space<hbm>>) target(%arg8 : memref<128x128xf32, #tpu.memory_space<vmem>>) offsets(%dma_start3A_242 : memref<128xi32, #tpu.memory_space<vmem>>) semaphore(%arg17 : memref<!tpu.dma_semaphore, #tpu.memory_space<semaphore_mem>>)
      %add3A_246 = arith.constant 3 : i32
      %add3A_247 = arith.addi %add3A_225, %add3A_246 : i32
      %lt3A_248 = arith.constant 84 : i32
      %lt3A_249 = arith.cmpi slt, %add3A_247, %lt3A_248 : i32
      %convert_element_type3A_250 = arith.extui %lt3A_249 : i1 to i32
      %cond3A_251 = arith.constant 0 : i32
      %cond3A_252 = arith.cmpi ne, %convert_element_type3A_250, %cond3A_251 : i32
      scf.if %cond3A_252 {
        %add3A_292 = arith.constant 3 : i32
        %add3A_293 = arith.addi %add3A_225, %add3A_292 : i32
        %dma_start3A_294 = arith.constant 0 : i32
        %dma_start3A_295 = arith.constant 0 : i32
        %dma_start3A_296 = tpu.memref_slice %arg3[%add3A, %add3A_293, %dma_start3A_294, %dma_start3A_295] : memref<32x84x2x128xi32, #tpu.memory_space<hbm>> -> memref<1x1x2x128xi32, #tpu.memory_space<hbm>>
        %dma_start3A_297 = tpu.memref_squeeze %dma_start3A_296 : memref<1x1x2x128xi32, #tpu.memory_space<hbm>> -> memref<2x128xi32, #tpu.memory_space<hbm>>
        %dma_start3A_298 = arith.constant 0 : i32
        %dma_start3A_299 = arith.constant 0 : i32
        %dma_start3A_300 = tpu.memref_slice %arg3[%add3A, %add3A_293, %dma_start3A_298, %dma_start3A_299] : memref<32x84x2x128xi32, #tpu.memory_space<hbm>> -> memref<1x1x2x128xi32, #tpu.memory_space<hbm>>
        %dma_start3A_301 = tpu.memref_squeeze %dma_start3A_300 : memref<1x1x2x128xi32, #tpu.memory_space<hbm>> -> memref<2x128xi32, #tpu.memory_space<hbm>>
        tpu.enqueue_dma source(%dma_start3A_301 : memref<2x128xi32, #tpu.memory_space<hbm>>) target(%arg11 : memref<2x128xi32, #tpu.memory_space<vmem>>) target_semaphore(%arg23 : memref<!tpu.dma_semaphore, #tpu.memory_space<semaphore_mem>>)
      } else {
      }
      %ge3A_253 = arith.constant 1 : i32
      %ge3A_254 = arith.cmpi sge, %add3A_225, %ge3A_253 : i32
      %convert_element_type3A_255 = arith.extui %ge3A_254 : i1 to i32
      %cond3A_256 = arith.constant 0 : i32
      %cond3A_257 = arith.cmpi ne, %convert_element_type3A_255, %cond3A_256 : i32
      scf.if %cond3A_257 {
        %dma_wait3A_292 = arith.constant 0 : i32
        %dma_wait3A_293 = arith.constant 0 : i32
        %dma_wait3A_294 = tpu.memref_slice %arg13[%dma_wait3A_292, %dma_wait3A_293] : memref<2x128xi32, #tpu.memory_space<vmem>> -> memref<1x128xi32, #tpu.memory_space<vmem>>
        %dma_wait3A_295 = tpu.memref_squeeze %dma_wait3A_294 : memref<1x128xi32, #tpu.memory_space<vmem>> -> memref<128xi32, #tpu.memory_space<vmem>>
        %dma_wait3A_296 = arith.constant 0 : i32
        %dma_wait3A_297 = arith.constant 0 : i32
        %dma_wait3A_298 = tpu.memref_slice %arg2[%dma_wait3A_296, %dma_wait3A_297] : memref<10000x128xf32, #tpu.memory_space<hbm>> -> memref<10000x128xf32, #tpu.memory_space<hbm>>
        tpu.wait_indirect_dma semaphore(%arg16 : memref<!tpu.dma_semaphore, #tpu.memory_space<semaphore_mem>>) src(%dma_wait3A_298 : memref<10000x128xf32, #tpu.memory_space<hbm>>) dst(%arg7 : memref<128x128xf32, #tpu.memory_space<vmem>>)
        %dma_start3A_299 = arith.constant 1 : i32
        %dma_start3A_300 = arith.constant 0 : i32
        %dma_start3A_301 = tpu.memref_slice %arg13[%dma_start3A_299, %dma_start3A_300] : memref<2x128xi32, #tpu.memory_space<vmem>> -> memref<1x128xi32, #tpu.memory_space<vmem>>
        %dma_start3A_302 = tpu.memref_squeeze %dma_start3A_301 : memref<1x128xi32, #tpu.memory_space<vmem>> -> memref<128xi32, #tpu.memory_space<vmem>>
        %dma_start3A_303 = arith.constant 0 : i32
        %dma_start3A_304 = arith.constant 0 : i32
        %dma_start3A_305 = tpu.memref_slice %arg6[%dma_start3A_303, %dma_start3A_304] : memref<10016x128xf32, #tpu.memory_space<vmem_shared>> -> memref<10016x128xf32, #tpu.memory_space<vmem_shared>>
        tpu.enqueue_indirect_dma source(%arg7 : memref<128x128xf32, #tpu.memory_space<vmem>>) target(%dma_start3A_305 : memref<10016x128xf32, #tpu.memory_space<vmem_shared>>) offsets(%dma_start3A_302 : memref<128xi32, #tpu.memory_space<vmem>>) semaphore(%arg19 : memref<!tpu.dma_semaphore, #tpu.memory_space<semaphore_mem>>) {add = true}
      } else {
      }
      %add3A_258 = arith.constant 5 : i32
      %add3A_259 = arith.addi %mul3A_88, %add3A_258 : i32
      %ge3A_260 = arith.constant 3 : i32
      %ge3A_261 = arith.cmpi sge, %add3A_259, %ge3A_260 : i32
      %convert_element_type3A_262 = arith.extui %ge3A_261 : i1 to i32
      %cond3A_263 = arith.constant 0 : i32
      %cond3A_264 = arith.cmpi ne, %convert_element_type3A_262, %cond3A_263 : i32
      scf.if %cond3A_264 {
        %dma_wait3A_292 = arith.constant 1 : i32
        %dma_wait3A_293 = arith.constant 0 : i32
        %dma_wait3A_294 = tpu.memref_slice %arg12[%dma_wait3A_292, %dma_wait3A_293] : memref<2x128xi32, #tpu.memory_space<vmem>> -> memref<1x128xi32, #tpu.memory_space<vmem>>
        %dma_wait3A_295 = tpu.memref_squeeze %dma_wait3A_294 : memref<1x128xi32, #tpu.memory_space<vmem>> -> memref<128xi32, #tpu.memory_space<vmem>>
        %dma_wait3A_296 = arith.constant 0 : i32
        %dma_wait3A_297 = arith.constant 0 : i32
        %dma_wait3A_298 = tpu.memref_slice %arg6[%dma_wait3A_296, %dma_wait3A_297] : memref<10016x128xf32, #tpu.memory_space<vmem_shared>> -> memref<10016x128xf32, #tpu.memory_space<vmem_shared>>
        tpu.wait_indirect_dma semaphore(%arg21 : memref<!tpu.dma_semaphore, #tpu.memory_space<semaphore_mem>>) src(%arg9 : memref<128x128xf32, #tpu.memory_space<vmem>>) dst(%dma_wait3A_298 : memref<10016x128xf32, #tpu.memory_space<vmem_shared>>)
      } else {
      }
      %dma_wait3A_265 = arith.constant 0 : i32
      %dma_wait3A_266 = arith.constant 0 : i32
      %dma_wait3A_267 = tpu.memref_slice %arg3[%add3A, %add3A_259, %dma_wait3A_265, %dma_wait3A_266] : memref<32x84x2x128xi32, #tpu.memory_space<hbm>> -> memref<1x1x2x128xi32, #tpu.memory_space<hbm>>
      %dma_wait3A_268 = tpu.memref_squeeze %dma_wait3A_267 : memref<1x1x2x128xi32, #tpu.memory_space<hbm>> -> memref<2x128xi32, #tpu.memory_space<hbm>>
      %dma_wait3A_269 = arith.constant 0 : i32
      %dma_wait3A_270 = arith.constant 0 : i32
      %dma_wait3A_271 = tpu.memref_slice %arg3[%add3A, %add3A_259, %dma_wait3A_269, %dma_wait3A_270] : memref<32x84x2x128xi32, #tpu.memory_space<hbm>> -> memref<1x1x2x128xi32, #tpu.memory_space<hbm>>
      %dma_wait3A_272 = tpu.memref_squeeze %dma_wait3A_271 : memref<1x1x2x128xi32, #tpu.memory_space<hbm>> -> memref<2x128xi32, #tpu.memory_space<hbm>>
      tpu.wait_dma2 semaphore(%arg27 : memref<!tpu.dma_semaphore, #tpu.memory_space<semaphore_mem>>) src(%dma_wait3A_272 : memref<2x128xi32, #tpu.memory_space<hbm>>) dst(%arg15 : memref<2x128xi32, #tpu.memory_space<vmem>>)
      %dma_start3A_273 = arith.constant 0 : i32
      %dma_start3A_274 = arith.constant 0 : i32
      %dma_start3A_275 = tpu.memref_slice %arg15[%dma_start3A_273, %dma_start3A_274] : memref<2x128xi32, #tpu.memory_space<vmem>> -> memref<1x128xi32, #tpu.memory_space<vmem>>
      %dma_start3A_276 = tpu.memref_squeeze %dma_start3A_275 : memref<1x128xi32, #tpu.memory_space<vmem>> -> memref<128xi32, #tpu.memory_space<vmem>>
      %dma_start3A_277 = arith.constant 0 : i32
      %dma_start3A_278 = arith.constant 0 : i32
      %dma_start3A_279 = tpu.memref_slice %arg2[%dma_start3A_277, %dma_start3A_278] : memref<10000x128xf32, #tpu.memory_space<hbm>> -> memref<10000x128xf32, #tpu.memory_space<hbm>>
      tpu.enqueue_indirect_dma source(%dma_start3A_279 : memref<10000x128xf32, #tpu.memory_space<hbm>>) target(%arg9 : memref<128x128xf32, #tpu.memory_space<vmem>>) offsets(%dma_start3A_276 : memref<128xi32, #tpu.memory_space<vmem>>) semaphore(%arg18 : memref<!tpu.dma_semaphore, #tpu.memory_space<semaphore_mem>>)
      %add3A_280 = arith.constant 3 : i32
      %add3A_281 = arith.addi %add3A_259, %add3A_280 : i32
      %lt3A_282 = arith.constant 84 : i32
      %lt3A_283 = arith.cmpi slt, %add3A_281, %lt3A_282 : i32
      %convert_element_type3A_284 = arith.extui %lt3A_283 : i1 to i32
      %cond3A_285 = arith.constant 0 : i32
      %cond3A_286 = arith.cmpi ne, %convert_element_type3A_284, %cond3A_285 : i32
      scf.if %cond3A_286 {
        %add3A_292 = arith.constant 3 : i32
        %add3A_293 = arith.addi %add3A_259, %add3A_292 : i32
        %dma_start3A_294 = arith.constant 0 : i32
        %dma_start3A_295 = arith.constant 0 : i32
        %dma_start3A_296 = tpu.memref_slice %arg3[%add3A, %add3A_293, %dma_start3A_294, %dma_start3A_295] : memref<32x84x2x128xi32, #tpu.memory_space<hbm>> -> memref<1x1x2x128xi32, #tpu.memory_space<hbm>>
        %dma_start3A_297 = tpu.memref_squeeze %dma_start3A_296 : memref<1x1x2x128xi32, #tpu.memory_space<hbm>> -> memref<2x128xi32, #tpu.memory_space<hbm>>
        %dma_start3A_298 = arith.constant 0 : i32
        %dma_start3A_299 = arith.constant 0 : i32
        %dma_start3A_300 = tpu.memref_slice %arg3[%add3A, %add3A_293, %dma_start3A_298, %dma_start3A_299] : memref<32x84x2x128xi32, #tpu.memory_space<hbm>> -> memref<1x1x2x128xi32, #tpu.memory_space<hbm>>
        %dma_start3A_301 = tpu.memref_squeeze %dma_start3A_300 : memref<1x1x2x128xi32, #tpu.memory_space<hbm>> -> memref<2x128xi32, #tpu.memory_space<hbm>>
        tpu.enqueue_dma source(%dma_start3A_301 : memref<2x128xi32, #tpu.memory_space<hbm>>) target(%arg12 : memref<2x128xi32, #tpu.memory_space<vmem>>) target_semaphore(%arg24 : memref<!tpu.dma_semaphore, #tpu.memory_space<semaphore_mem>>)
      } else {
      }
      %ge3A_287 = arith.constant 1 : i32
      %ge3A_288 = arith.cmpi sge, %add3A_259, %ge3A_287 : i32
      %convert_element_type3A_289 = arith.extui %ge3A_288 : i1 to i32
      %cond3A_290 = arith.constant 0 : i32
      %cond3A_291 = arith.cmpi ne, %convert_element_type3A_289, %cond3A_290 : i32
      scf.if %cond3A_291 {
        %dma_wait3A_292 = arith.constant 0 : i32
        %dma_wait3A_293 = arith.constant 0 : i32
        %dma_wait3A_294 = tpu.memref_slice %arg14[%dma_wait3A_292, %dma_wait3A_293] : memref<2x128xi32, #tpu.memory_space<vmem>> -> memref<1x128xi32, #tpu.memory_space<vmem>>
        %dma_wait3A_295 = tpu.memref_squeeze %dma_wait3A_294 : memref<1x128xi32, #tpu.memory_space<vmem>> -> memref<128xi32, #tpu.memory_space<vmem>>
        %dma_wait3A_296 = arith.constant 0 : i32
        %dma_wait3A_297 = arith.constant 0 : i32
        %dma_wait3A_298 = tpu.memref_slice %arg2[%dma_wait3A_296, %dma_wait3A_297] : memref<10000x128xf32, #tpu.memory_space<hbm>> -> memref<10000x128xf32, #tpu.memory_space<hbm>>
        tpu.wait_indirect_dma semaphore(%arg17 : memref<!tpu.dma_semaphore, #tpu.memory_space<semaphore_mem>>) src(%dma_wait3A_298 : memref<10000x128xf32, #tpu.memory_space<hbm>>) dst(%arg8 : memref<128x128xf32, #tpu.memory_space<vmem>>)
        %dma_start3A_299 = arith.constant 1 : i32
        %dma_start3A_300 = arith.constant 0 : i32
        %dma_start3A_301 = tpu.memref_slice %arg14[%dma_start3A_299, %dma_start3A_300] : memref<2x128xi32, #tpu.memory_space<vmem>> -> memref<1x128xi32, #tpu.memory_space<vmem>>
        %dma_start3A_302 = tpu.memref_squeeze %dma_start3A_301 : memref<1x128xi32, #tpu.memory_space<vmem>> -> memref<128xi32, #tpu.memory_space<vmem>>
        %dma_start3A_303 = arith.constant 0 : i32
        %dma_start3A_304 = arith.constant 0 : i32
        %dma_start3A_305 = tpu.memref_slice %arg6[%dma_start3A_303, %dma_start3A_304] : memref<10016x128xf32, #tpu.memory_space<vmem_shared>> -> memref<10016x128xf32, #tpu.memory_space<vmem_shared>>
        tpu.enqueue_indirect_dma source(%arg8 : memref<128x128xf32, #tpu.memory_space<vmem>>) target(%dma_start3A_305 : memref<10016x128xf32, #tpu.memory_space<vmem_shared>>) offsets(%dma_start3A_302 : memref<128xi32, #tpu.memory_space<vmem>>) semaphore(%arg20 : memref<!tpu.dma_semaphore, #tpu.memory_space<semaphore_mem>>) {add = true}
      } else {
      }
    }
    %scan3A_36 = arith.constant 14 : i32
    %dma_wait3A = arith.constant 0 : i32
    %dma_wait3A_37 = arith.constant 0 : i32
    %dma_wait3A_38 = tpu.memref_slice %arg15[%dma_wait3A, %dma_wait3A_37] : memref<2x128xi32, #tpu.memory_space<vmem>> -> memref<1x128xi32, #tpu.memory_space<vmem>>
    %dma_wait3A_39 = tpu.memref_squeeze %dma_wait3A_38 : memref<1x128xi32, #tpu.memory_space<vmem>> -> memref<128xi32, #tpu.memory_space<vmem>>
    %dma_wait3A_40 = arith.constant 0 : i32
    %dma_wait3A_41 = arith.constant 0 : i32
    %dma_wait3A_42 = tpu.memref_slice %arg2[%dma_wait3A_40, %dma_wait3A_41] : memref<10000x128xf32, #tpu.memory_space<hbm>> -> memref<10000x128xf32, #tpu.memory_space<hbm>>
    tpu.wait_indirect_dma semaphore(%arg18 : memref<!tpu.dma_semaphore, #tpu.memory_space<semaphore_mem>>) src(%dma_wait3A_42 : memref<10000x128xf32, #tpu.memory_space<hbm>>) dst(%arg9 : memref<128x128xf32, #tpu.memory_space<vmem>>)
    %dma_start3A_43 = arith.constant 1 : i32
    %dma_start3A_44 = arith.constant 0 : i32
    %dma_start3A_45 = tpu.memref_slice %arg15[%dma_start3A_43, %dma_start3A_44] : memref<2x128xi32, #tpu.memory_space<vmem>> -> memref<1x128xi32, #tpu.memory_space<vmem>>
    %dma_start3A_46 = tpu.memref_squeeze %dma_start3A_45 : memref<1x128xi32, #tpu.memory_space<vmem>> -> memref<128xi32, #tpu.memory_space<vmem>>
    %dma_start3A_47 = arith.constant 0 : i32
    %dma_start3A_48 = arith.constant 0 : i32
    %dma_start3A_49 = tpu.memref_slice %arg6[%dma_start3A_47, %dma_start3A_48] : memref<10016x128xf32, #tpu.memory_space<vmem_shared>> -> memref<10016x128xf32, #tpu.memory_space<vmem_shared>>
    tpu.enqueue_indirect_dma source(%arg9 : memref<128x128xf32, #tpu.memory_space<vmem>>) target(%dma_start3A_49 : memref<10016x128xf32, #tpu.memory_space<vmem_shared>>) offsets(%dma_start3A_46 : memref<128xi32, #tpu.memory_space<vmem>>) semaphore(%arg21 : memref<!tpu.dma_semaphore, #tpu.memory_space<semaphore_mem>>) {add = true}
    %dma_wait3A_50 = arith.constant 1 : i32
    %dma_wait3A_51 = arith.constant 0 : i32
    %dma_wait3A_52 = tpu.memref_slice %arg13[%dma_wait3A_50, %dma_wait3A_51] : memref<2x128xi32, #tpu.memory_space<vmem>> -> memref<1x128xi32, #tpu.memory_space<vmem>>
    %dma_wait3A_53 = tpu.memref_squeeze %dma_wait3A_52 : memref<1x128xi32, #tpu.memory_space<vmem>> -> memref<128xi32, #tpu.memory_space<vmem>>
    %dma_wait3A_54 = arith.constant 0 : i32
    %dma_wait3A_55 = arith.constant 0 : i32
    %dma_wait3A_56 = tpu.memref_slice %arg6[%dma_wait3A_54, %dma_wait3A_55] : memref<10016x128xf32, #tpu.memory_space<vmem_shared>> -> memref<10016x128xf32, #tpu.memory_space<vmem_shared>>
    tpu.wait_indirect_dma semaphore(%arg19 : memref<!tpu.dma_semaphore, #tpu.memory_space<semaphore_mem>>) src(%arg7 : memref<128x128xf32, #tpu.memory_space<vmem>>) dst(%dma_wait3A_56 : memref<10016x128xf32, #tpu.memory_space<vmem_shared>>)
    %dma_wait3A_57 = arith.constant 1 : i32
    %dma_wait3A_58 = arith.constant 0 : i32
    %dma_wait3A_59 = tpu.memref_slice %arg14[%dma_wait3A_57, %dma_wait3A_58] : memref<2x128xi32, #tpu.memory_space<vmem>> -> memref<1x128xi32, #tpu.memory_space<vmem>>
    %dma_wait3A_60 = tpu.memref_squeeze %dma_wait3A_59 : memref<1x128xi32, #tpu.memory_space<vmem>> -> memref<128xi32, #tpu.memory_space<vmem>>
    %dma_wait3A_61 = arith.constant 0 : i32
    %dma_wait3A_62 = arith.constant 0 : i32
    %dma_wait3A_63 = tpu.memref_slice %arg6[%dma_wait3A_61, %dma_wait3A_62] : memref<10016x128xf32, #tpu.memory_space<vmem_shared>> -> memref<10016x128xf32, #tpu.memory_space<vmem_shared>>
    tpu.wait_indirect_dma semaphore(%arg20 : memref<!tpu.dma_semaphore, #tpu.memory_space<semaphore_mem>>) src(%arg8 : memref<128x128xf32, #tpu.memory_space<vmem>>) dst(%dma_wait3A_63 : memref<10016x128xf32, #tpu.memory_space<vmem_shared>>)
    %dma_wait3A_64 = arith.constant 1 : i32
    %dma_wait3A_65 = arith.constant 0 : i32
    %dma_wait3A_66 = tpu.memref_slice %arg15[%dma_wait3A_64, %dma_wait3A_65] : memref<2x128xi32, #tpu.memory_space<vmem>> -> memref<1x128xi32, #tpu.memory_space<vmem>>
    %dma_wait3A_67 = tpu.memref_squeeze %dma_wait3A_66 : memref<1x128xi32, #tpu.memory_space<vmem>> -> memref<128xi32, #tpu.memory_space<vmem>>
    %dma_wait3A_68 = arith.constant 0 : i32
    %dma_wait3A_69 = arith.constant 0 : i32
    %dma_wait3A_70 = tpu.memref_slice %arg6[%dma_wait3A_68, %dma_wait3A_69] : memref<10016x128xf32, #tpu.memory_space<vmem_shared>> -> memref<10016x128xf32, #tpu.memory_space<vmem_shared>>
    tpu.wait_indirect_dma semaphore(%arg21 : memref<!tpu.dma_semaphore, #tpu.memory_space<semaphore_mem>>) src(%arg9 : memref<128x128xf32, #tpu.memory_space<vmem>>) dst(%dma_wait3A_70 : memref<10016x128xf32, #tpu.memory_space<vmem_shared>>)
    %barrier3A_71 = arith.constant 0 : index
    tpu.barrier barrier_id(%barrier3A_71)
    %lt3A_72 = arith.constant 15 : i32
    %lt3A_73 = arith.cmpi slt, %arg1, %lt3A_72 : i32
    %convert_element_type3A_74 = arith.extui %lt3A_73 : i1 to i32
    %cond3A_75 = arith.constant 0 : i32
    %cond3A_76 = arith.cmpi ne, %convert_element_type3A_74, %cond3A_75 : i32
    scf.if %cond3A_76 {
      %mul3A_82 = arith.constant 640 : i32
      %mul3A_83 = arith.muli %arg1, %mul3A_82 : i32
      %mul3A_84 = arith.constant 640 : i32
      %mul3A_85 = arith.muli %arg1, %mul3A_84 : i32
      "tpu.region"() ({
        %run_scoped3A = tpu.sem_alloc : memref<!tpu.dma_semaphore, #tpu.memory_space<semaphore_mem>>
        %dma_start3A_86 = arith.constant 0 : i32
        %dma_start3A_87 = tpu.memref_slice %arg5[%arg0, %mul3A_85, %dma_start3A_86] : memref<2x10016x128xf32, #tpu.memory_space<hbm>> -> memref<1x640x128xf32, #tpu.memory_space<hbm>>
        %dma_start3A_88 = tpu.memref_squeeze %dma_start3A_87 : memref<1x640x128xf32, #tpu.memory_space<hbm>> -> memref<640x128xf32, #tpu.memory_space<hbm>>
        %dma_start3A_89 = arith.constant 0 : i32
        %dma_start3A_90 = tpu.memref_slice %arg6[%mul3A_83, %dma_start3A_89] : memref<10016x128xf32, #tpu.memory_space<vmem_shared>> -> memref<640x128xf32, #tpu.memory_space<vmem_shared>>
        tpu.enqueue_dma source(%dma_start3A_90 : memref<640x128xf32, #tpu.memory_space<vmem_shared>>) target(%dma_start3A_88 : memref<640x128xf32, #tpu.memory_space<hbm>>) target_semaphore(%run_scoped3A : memref<!tpu.dma_semaphore, #tpu.memory_space<semaphore_mem>>)
        %dma_wait3A_91 = arith.constant 0 : i32
        %dma_wait3A_92 = tpu.memref_slice %arg5[%arg0, %mul3A_85, %dma_wait3A_91] : memref<2x10016x128xf32, #tpu.memory_space<hbm>> -> memref<1x640x128xf32, #tpu.memory_space<hbm>>
        %dma_wait3A_93 = tpu.memref_squeeze %dma_wait3A_92 : memref<1x640x128xf32, #tpu.memory_space<hbm>> -> memref<640x128xf32, #tpu.memory_space<hbm>>
        %dma_wait3A_94 = arith.constant 0 : i32
        %dma_wait3A_95 = tpu.memref_slice %arg6[%mul3A_83, %dma_wait3A_94] : memref<10016x128xf32, #tpu.memory_space<vmem_shared>> -> memref<640x128xf32, #tpu.memory_space<vmem_shared>>
        tpu.wait_dma2 semaphore(%run_scoped3A : memref<!tpu.dma_semaphore, #tpu.memory_space<semaphore_mem>>) src(%dma_wait3A_95 : memref<640x128xf32, #tpu.memory_space<vmem_shared>>) dst(%dma_wait3A_93 : memref<640x128xf32, #tpu.memory_space<hbm>>)
        tpu.yield
      }) : () -> ()
    } else {
    }
    %eq3A_77 = arith.constant 15 : i32
    %eq3A_78 = arith.cmpi eq, %arg1, %eq3A_77 : i32
    %convert_element_type3A_79 = arith.extui %eq3A_78 : i1 to i32
    %cond3A_80 = arith.constant 0 : i32
    %cond3A_81 = arith.cmpi ne, %convert_element_type3A_79, %cond3A_80 : i32
    scf.if %cond3A_81 {
      "tpu.region"() ({
        %run_scoped3A = tpu.sem_alloc : memref<!tpu.dma_semaphore, #tpu.memory_space<semaphore_mem>>
        %dma_start3A_82 = arith.constant 9600 : i32
        %dma_start3A_83 = arith.constant 0 : i32
        %dma_start3A_84 = tpu.memref_slice %arg5[%arg0, %dma_start3A_82, %dma_start3A_83] : memref<2x10016x128xf32, #tpu.memory_space<hbm>> -> memref<1x416x128xf32, #tpu.memory_space<hbm>>
        %dma_start3A_85 = tpu.memref_squeeze %dma_start3A_84 : memref<1x416x128xf32, #tpu.memory_space<hbm>> -> memref<416x128xf32, #tpu.memory_space<hbm>>
        %dma_start3A_86 = arith.constant 9600 : i32
        %dma_start3A_87 = arith.constant 0 : i32
        %dma_start3A_88 = tpu.memref_slice %arg6[%dma_start3A_86, %dma_start3A_87] : memref<10016x128xf32, #tpu.memory_space<vmem_shared>> -> memref<416x128xf32, #tpu.memory_space<vmem_shared>>
        tpu.enqueue_dma source(%dma_start3A_88 : memref<416x128xf32, #tpu.memory_space<vmem_shared>>) target(%dma_start3A_85 : memref<416x128xf32, #tpu.memory_space<hbm>>) target_semaphore(%run_scoped3A : memref<!tpu.dma_semaphore, #tpu.memory_space<semaphore_mem>>)
        %dma_wait3A_89 = arith.constant 9600 : i32
        %dma_wait3A_90 = arith.constant 0 : i32
        %dma_wait3A_91 = tpu.memref_slice %arg5[%arg0, %dma_wait3A_89, %dma_wait3A_90] : memref<2x10016x128xf32, #tpu.memory_space<hbm>> -> memref<1x416x128xf32, #tpu.memory_space<hbm>>
        %dma_wait3A_92 = tpu.memref_squeeze %dma_wait3A_91 : memref<1x416x128xf32, #tpu.memory_space<hbm>> -> memref<416x128xf32, #tpu.memory_space<hbm>>
        %dma_wait3A_93 = arith.constant 9600 : i32
        %dma_wait3A_94 = arith.constant 0 : i32
        %dma_wait3A_95 = tpu.memref_slice %arg6[%dma_wait3A_93, %dma_wait3A_94] : memref<10016x128xf32, #tpu.memory_space<vmem_shared>> -> memref<416x128xf32, #tpu.memory_space<vmem_shared>>
        tpu.wait_dma2 semaphore(%run_scoped3A : memref<!tpu.dma_semaphore, #tpu.memory_space<semaphore_mem>>) src(%dma_wait3A_95 : memref<416x128xf32, #tpu.memory_space<vmem_shared>>) dst(%dma_wait3A_92 : memref<416x128xf32, #tpu.memory_space<hbm>>)
        tpu.yield
      }) : () -> ()
    } else {
    }
    return
  }
}

#map = affine_map<(d0, d1) -> (0, 0)>
#map1 = affine_map<(d0, d1) -> (0, 0, 0, 0)>
#map2 = affine_map<(d0, d1) -> (0, 0, 0)>
module attributes {stable_mosaic.version = 14 : i64} {
  func.func @_agg_sc(%arg0: i32, %arg1: i32, %arg2: memref<10000x128xf32, #tpu.memory_space<hbm>>, %arg3: memref<32x84x2x128xi32, #tpu.memory_space<hbm>>, %arg4: memref<640x128xf32, #tpu.memory_space<hbm>>, %arg5: memref<2x10016x128xf32, #tpu.memory_space<hbm>>, %arg6: memref<10016x128xf32, #tpu.memory_space<vmem_shared>>, %arg7: memref<128x128xf32, #tpu.memory_space<vmem>>, %arg8: memref<128x128xf32, #tpu.memory_space<vmem>>, %arg9: memref<128x128xf32, #tpu.memory_space<vmem>>, %arg10: memref<2x128xi32, #tpu.memory_space<vmem>>, %arg11: memref<2x128xi32, #tpu.memory_space<vmem>>, %arg12: memref<2x128xi32, #tpu.memory_space<vmem>>, %arg13: memref<2x128xi32, #tpu.memory_space<vmem>>, %arg14: memref<2x128xi32, #tpu.memory_space<vmem>>, %arg15: memref<2x128xi32, #tpu.memory_space<vmem>>, %arg16: memref<!tpu.dma_semaphore, #tpu.memory_space<semaphore_mem>>, %arg17: memref<!tpu.dma_semaphore, #tpu.memory_space<semaphore_mem>>, %arg18: memref<!tpu.dma_semaphore, #tpu.memory_space<semaphore_mem>>, %arg19: memref<!tpu.dma_semaphore, #tpu.memory_space<semaphore_mem>>, %arg20: memref<!tpu.dma_semaphore, #tpu.memory_space<semaphore_mem>>, %arg21: memref<!tpu.dma_semaphore, #tpu.memory_space<semaphore_mem>>, %arg22: memref<!tpu.dma_semaphore, #tpu.memory_space<semaphore_mem>>, %arg23: memref<!tpu.dma_semaphore, #tpu.memory_space<semaphore_mem>>, %arg24: memref<!tpu.dma_semaphore, #tpu.memory_space<semaphore_mem>>, %arg25: memref<!tpu.dma_semaphore, #tpu.memory_space<semaphore_mem>>, %arg26: memref<!tpu.dma_semaphore, #tpu.memory_space<semaphore_mem>>, %arg27: memref<!tpu.dma_semaphore, #tpu.memory_space<semaphore_mem>>) attributes {dimension_semantics = [#tpu.dimension_semantics<core_parallel>, #tpu.dimension_semantics<subcore_parallel>], iteration_bounds = array<i64: 2, 16>, scalar_prefetch = 0 : i64, scratch_operands = 22 : i64, tpu.core_type = #tpu.core_type<sc_vector_subcore>, window_params = [{transform_indices = #map}, {transform_indices = #map1}, {transform_indices = #map}, {transform_indices = #map2}]} {
    %mul3A = arith.constant 16 : i32
    %mul3A_0 = arith.muli %arg0, %mul3A : i32
    %add3A = arith.addi %mul3A_0, %arg1 : i32
    %lt3A = arith.constant 15 : i32
    %lt3A_1 = arith.cmpi slt, %arg1, %lt3A : i32
    %convert_element_type3A = arith.extui %lt3A_1 : i1 to i32
    %cond3A = arith.constant 0 : i32
    %cond3A_2 = arith.cmpi ne, %convert_element_type3A, %cond3A : i32
    scf.if %cond3A_2 {
      %mul3A_82 = arith.constant 640 : i32
      %mul3A_83 = arith.muli %arg1, %mul3A_82 : i32
      "tpu.region"() ({
        %run_scoped3A = tpu.sem_alloc : memref<!tpu.dma_semaphore, #tpu.memory_space<semaphore_mem>>
        %dma_start3A_84 = arith.constant 0 : i32
        %dma_start3A_85 = tpu.memref_slice %arg6[%mul3A_83, %dma_start3A_84] : memref<10016x128xf32, #tpu.memory_space<vmem_shared>> -> memref<640x128xf32, #tpu.memory_space<vmem_shared>>
        tpu.enqueue_dma source(%arg4 : memref<640x128xf32, #tpu.memory_space<hbm>>) target(%dma_start3A_85 : memref<640x128xf32, #tpu.memory_space<vmem_shared>>) target_semaphore(%run_scoped3A : memref<!tpu.dma_semaphore, #tpu.memory_space<semaphore_mem>>)
        %dma_wait3A_86 = arith.constant 0 : i32
        %dma_wait3A_87 = tpu.memref_slice %arg6[%mul3A_83, %dma_wait3A_86] : memref<10016x128xf32, #tpu.memory_space<vmem_shared>> -> memref<640x128xf32, #tpu.memory_space<vmem_shared>>
        tpu.wait_dma2 semaphore(%run_scoped3A : memref<!tpu.dma_semaphore, #tpu.memory_space<semaphore_mem>>) src(%arg4 : memref<640x128xf32, #tpu.memory_space<hbm>>) dst(%dma_wait3A_87 : memref<640x128xf32, #tpu.memory_space<vmem_shared>>)
        tpu.yield
      }) : () -> ()
    } else {
    }
    %eq3A = arith.constant 15 : i32
    %eq3A_3 = arith.cmpi eq, %arg1, %eq3A : i32
    %convert_element_type3A_4 = arith.extui %eq3A_3 : i1 to i32
    %cond3A_5 = arith.constant 0 : i32
    %cond3A_6 = arith.cmpi ne, %convert_element_type3A_4, %cond3A_5 : i32
    scf.if %cond3A_6 {
      "tpu.region"() ({
        %run_scoped3A = tpu.sem_alloc : memref<!tpu.dma_semaphore, #tpu.memory_space<semaphore_mem>>
        %dma_start3A_82 = arith.constant 9600 : i32
        %dma_start3A_83 = arith.constant 0 : i32
        %dma_start3A_84 = tpu.memref_slice %arg6[%dma_start3A_82, %dma_start3A_83] : memref<10016x128xf32, #tpu.memory_space<vmem_shared>> -> memref<416x128xf32, #tpu.memory_space<vmem_shared>>
        %dma_start3A_85 = arith.constant 0 : i32
        %dma_start3A_86 = arith.constant 0 : i32
        %dma_start3A_87 = tpu.memref_slice %arg4[%dma_start3A_85, %dma_start3A_86] : memref<640x128xf32, #tpu.memory_space<hbm>> -> memref<416x128xf32, #tpu.memory_space<hbm>>
        tpu.enqueue_dma source(%dma_start3A_87 : memref<416x128xf32, #tpu.memory_space<hbm>>) target(%dma_start3A_84 : memref<416x128xf32, #tpu.memory_space<vmem_shared>>) target_semaphore(%run_scoped3A : memref<!tpu.dma_semaphore, #tpu.memory_space<semaphore_mem>>)
        %dma_wait3A_88 = arith.constant 9600 : i32
        %dma_wait3A_89 = arith.constant 0 : i32
        %dma_wait3A_90 = tpu.memref_slice %arg6[%dma_wait3A_88, %dma_wait3A_89] : memref<10016x128xf32, #tpu.memory_space<vmem_shared>> -> memref<416x128xf32, #tpu.memory_space<vmem_shared>>
        %dma_wait3A_91 = arith.constant 0 : i32
        %dma_wait3A_92 = arith.constant 0 : i32
        %dma_wait3A_93 = tpu.memref_slice %arg4[%dma_wait3A_91, %dma_wait3A_92] : memref<640x128xf32, #tpu.memory_space<hbm>> -> memref<416x128xf32, #tpu.memory_space<hbm>>
        tpu.wait_dma2 semaphore(%run_scoped3A : memref<!tpu.dma_semaphore, #tpu.memory_space<semaphore_mem>>) src(%dma_wait3A_93 : memref<416x128xf32, #tpu.memory_space<hbm>>) dst(%dma_wait3A_90 : memref<416x128xf32, #tpu.memory_space<vmem_shared>>)
        tpu.yield
      }) : () -> ()
    } else {
    }
    %barrier3A = arith.constant 0 : index
    tpu.barrier barrier_id(%barrier3A)
    %dma_start3A = arith.constant 0 : i32
    %dma_start3A_7 = arith.constant 0 : i32
    %dma_start3A_8 = arith.constant 0 : i32
    %dma_start3A_9 = tpu.memref_slice %arg3[%add3A, %dma_start3A, %dma_start3A_7, %dma_start3A_8] : memref<32x84x2x128xi32, #tpu.memory_space<hbm>> -> memref<1x1x2x128xi32, #tpu.memory_space<hbm>>
    %dma_start3A_10 = tpu.memref_squeeze %dma_start3A_9 : memref<1x1x2x128xi32, #tpu.memory_space<hbm>> -> memref<2x128xi32, #tpu.memory_space<hbm>>
    %dma_start3A_11 = arith.constant 0 : i32
    %dma_start3A_12 = arith.constant 0 : i32
    %dma_start3A_13 = tpu.memref_slice %arg3[%add3A, %dma_start3A, %dma_start3A_11, %dma_start3A_12] : memref<32x84x2x128xi32, #tpu.memory_space<hbm>> -> memref<1x1x2x128xi32, #tpu.memory_space<hbm>>
    %dma_start3A_14 = tpu.memref_squeeze %dma_start3A_13 : memref<1x1x2x128xi32, #tpu.memory_space<hbm>> -> memref<2x128xi32, #tpu.memory_space<hbm>>
    tpu.enqueue_dma source(%dma_start3A_14 : memref<2x128xi32, #tpu.memory_space<hbm>>) target(%arg10 : memref<2x128xi32, #tpu.memory_space<vmem>>) target_semaphore(%arg22 : memref<!tpu.dma_semaphore, #tpu.memory_space<semaphore_mem>>)
    %dma_start3A_15 = arith.constant 1 : i32
    %dma_start3A_16 = arith.constant 0 : i32
    %dma_start3A_17 = arith.constant 0 : i32
    %dma_start3A_18 = tpu.memref_slice %arg3[%add3A, %dma_start3A_15, %dma_start3A_16, %dma_start3A_17] : memref<32x84x2x128xi32, #tpu.memory_space<hbm>> -> memref<1x1x2x128xi32, #tpu.memory_space<hbm>>
    %dma_start3A_19 = tpu.memref_squeeze %dma_start3A_18 : memref<1x1x2x128xi32, #tpu.memory_space<hbm>> -> memref<2x128xi32, #tpu.memory_space<hbm>>
    %dma_start3A_20 = arith.constant 0 : i32
    %dma_start3A_21 = arith.constant 0 : i32
    %dma_start3A_22 = tpu.memref_slice %arg3[%add3A, %dma_start3A_15, %dma_start3A_20, %dma_start3A_21] : memref<32x84x2x128xi32, #tpu.memory_space<hbm>> -> memref<1x1x2x128xi32, #tpu.memory_space<hbm>>
    %dma_start3A_23 = tpu.memref_squeeze %dma_start3A_22 : memref<1x1x2x128xi32, #tpu.memory_space<hbm>> -> memref<2x128xi32, #tpu.memory_space<hbm>>
    tpu.enqueue_dma source(%dma_start3A_23 : memref<2x128xi32, #tpu.memory_space<hbm>>) target(%arg11 : memref<2x128xi32, #tpu.memory_space<vmem>>) target_semaphore(%arg23 : memref<!tpu.dma_semaphore, #tpu.memory_space<semaphore_mem>>)
    %dma_start3A_24 = arith.constant 2 : i32
    %dma_start3A_25 = arith.constant 0 : i32
    %dma_start3A_26 = arith.constant 0 : i32
    %dma_start3A_27 = tpu.memref_slice %arg3[%add3A, %dma_start3A_24, %dma_start3A_25, %dma_start3A_26] : memref<32x84x2x128xi32, #tpu.memory_space<hbm>> -> memref<1x1x2x128xi32, #tpu.memory_space<hbm>>
    %dma_start3A_28 = tpu.memref_squeeze %dma_start3A_27 : memref<1x1x2x128xi32, #tpu.memory_space<hbm>> -> memref<2x128xi32, #tpu.memory_space<hbm>>
    %dma_start3A_29 = arith.constant 0 : i32
    %dma_start3A_30 = arith.constant 0 : i32
    %dma_start3A_31 = tpu.memref_slice %arg3[%add3A, %dma_start3A_24, %dma_start3A_29, %dma_start3A_30] : memref<32x84x2x128xi32, #tpu.memory_space<hbm>> -> memref<1x1x2x128xi32, #tpu.memory_space<hbm>>
    %dma_start3A_32 = tpu.memref_squeeze %dma_start3A_31 : memref<1x1x2x128xi32, #tpu.memory_space<hbm>> -> memref<2x128xi32, #tpu.memory_space<hbm>>
    tpu.enqueue_dma source(%dma_start3A_32 : memref<2x128xi32, #tpu.memory_space<hbm>>) target(%arg12 : memref<2x128xi32, #tpu.memory_space<vmem>>) target_semaphore(%arg24 : memref<!tpu.dma_semaphore, #tpu.memory_space<semaphore_mem>>)
    %scan3A = arith.constant 0 : i32
    %scan3A_33 = arith.constant 14 : i32
    %scan3A_34 = arith.addi %scan3A, %scan3A_33 : i32
    %scan3A_35 = arith.constant 1 : i32
    scf.for %scan3A_82 = %scan3A to %scan3A_34 step %scan3A_35  : i32 {
      %mul3A_83 = arith.constant 1 : i32
      %mul3A_84 = arith.muli %scan3A_82, %mul3A_83 : i32
      %add3A_85 = arith.constant 0 : i32
      %add3A_86 = arith.addi %add3A_85, %mul3A_84 : i32
      %mul3A_87 = arith.constant 6 : i32
      %mul3A_88 = arith.muli %add3A_86, %mul3A_87 : i32
      %add3A_89 = arith.constant 0 : i32
      %add3A_90 = arith.addi %mul3A_88, %add3A_89 : i32
      %ge3A = arith.constant 3 : i32
      %ge3A_91 = arith.cmpi sge, %add3A_90, %ge3A : i32
      %convert_element_type3A_92 = arith.extui %ge3A_91 : i1 to i32
      %cond3A_93 = arith.constant 0 : i32
      %cond3A_94 = arith.cmpi ne, %convert_element_type3A_92, %cond3A_93 : i32
      scf.if %cond3A_94 {
        %dma_wait3A_292 = arith.constant 1 : i32
        %dma_wait3A_293 = arith.constant 0 : i32
        %dma_wait3A_294 = tpu.memref_slice %arg13[%dma_wait3A_292, %dma_wait3A_293] : memref<2x128xi32, #tpu.memory_space<vmem>> -> memref<1x128xi32, #tpu.memory_space<vmem>>
        %dma_wait3A_295 = tpu.memref_squeeze %dma_wait3A_294 : memref<1x128xi32, #tpu.memory_space<vmem>> -> memref<128xi32, #tpu.memory_space<vmem>>
        %dma_wait3A_296 = arith.constant 0 : i32
        %dma_wait3A_297 = arith.constant 0 : i32
        %dma_wait3A_298 = tpu.memref_slice %arg6[%dma_wait3A_296, %dma_wait3A_297] : memref<10016x128xf32, #tpu.memory_space<vmem_shared>> -> memref<10016x128xf32, #tpu.memory_space<vmem_shared>>
        tpu.wait_indirect_dma semaphore(%arg19 : memref<!tpu.dma_semaphore, #tpu.memory_space<semaphore_mem>>) src(%arg7 : memref<128x128xf32, #tpu.memory_space<vmem>>) dst(%dma_wait3A_298 : memref<10016x128xf32, #tpu.memory_space<vmem_shared>>)
      } else {
      }
      %dma_wait3A_95 = arith.constant 0 : i32
      %dma_wait3A_96 = arith.constant 0 : i32
      %dma_wait3A_97 = tpu.memref_slice %arg3[%add3A, %add3A_90, %dma_wait3A_95, %dma_wait3A_96] : memref<32x84x2x128xi32, #tpu.memory_space<hbm>> -> memref<1x1x2x128xi32, #tpu.memory_space<hbm>>
      %dma_wait3A_98 = tpu.memref_squeeze %dma_wait3A_97 : memref<1x1x2x128xi32, #tpu.memory_space<hbm>> -> memref<2x128xi32, #tpu.memory_space<hbm>>
      %dma_wait3A_99 = arith.constant 0 : i32
      %dma_wait3A_100 = arith.constant 0 : i32
      %dma_wait3A_101 = tpu.memref_slice %arg3[%add3A, %add3A_90, %dma_wait3A_99, %dma_wait3A_100] : memref<32x84x2x128xi32, #tpu.memory_space<hbm>> -> memref<1x1x2x128xi32, #tpu.memory_space<hbm>>
      %dma_wait3A_102 = tpu.memref_squeeze %dma_wait3A_101 : memref<1x1x2x128xi32, #tpu.memory_space<hbm>> -> memref<2x128xi32, #tpu.memory_space<hbm>>
      tpu.wait_dma2 semaphore(%arg22 : memref<!tpu.dma_semaphore, #tpu.memory_space<semaphore_mem>>) src(%dma_wait3A_102 : memref<2x128xi32, #tpu.memory_space<hbm>>) dst(%arg10 : memref<2x128xi32, #tpu.memory_space<vmem>>)
      %dma_start3A_103 = arith.constant 0 : i32
      %dma_start3A_104 = arith.constant 0 : i32
      %dma_start3A_105 = tpu.memref_slice %arg10[%dma_start3A_103, %dma_start3A_104] : memref<2x128xi32, #tpu.memory_space<vmem>> -> memref<1x128xi32, #tpu.memory_space<vmem>>
      %dma_start3A_106 = tpu.memref_squeeze %dma_start3A_105 : memref<1x128xi32, #tpu.memory_space<vmem>> -> memref<128xi32, #tpu.memory_space<vmem>>
      %dma_start3A_107 = arith.constant 0 : i32
      %dma_start3A_108 = arith.constant 0 : i32
      %dma_start3A_109 = tpu.memref_slice %arg2[%dma_start3A_107, %dma_start3A_108] : memref<10000x128xf32, #tpu.memory_space<hbm>> -> memref<10000x128xf32, #tpu.memory_space<hbm>>
      tpu.enqueue_indirect_dma source(%dma_start3A_109 : memref<10000x128xf32, #tpu.memory_space<hbm>>) target(%arg7 : memref<128x128xf32, #tpu.memory_space<vmem>>) offsets(%dma_start3A_106 : memref<128xi32, #tpu.memory_space<vmem>>) semaphore(%arg16 : memref<!tpu.dma_semaphore, #tpu.memory_space<semaphore_mem>>)
      %add3A_110 = arith.constant 3 : i32
      %add3A_111 = arith.addi %add3A_90, %add3A_110 : i32
      %lt3A_112 = arith.constant 84 : i32
      %lt3A_113 = arith.cmpi slt, %add3A_111, %lt3A_112 : i32
      %convert_element_type3A_114 = arith.extui %lt3A_113 : i1 to i32
      %cond3A_115 = arith.constant 0 : i32
      %cond3A_116 = arith.cmpi ne, %convert_element_type3A_114, %cond3A_115 : i32
      scf.if %cond3A_116 {
        %add3A_292 = arith.constant 3 : i32
        %add3A_293 = arith.addi %add3A_90, %add3A_292 : i32
        %dma_start3A_294 = arith.constant 0 : i32
        %dma_start3A_295 = arith.constant 0 : i32
        %dma_start3A_296 = tpu.memref_slice %arg3[%add3A, %add3A_293, %dma_start3A_294, %dma_start3A_295] : memref<32x84x2x128xi32, #tpu.memory_space<hbm>> -> memref<1x1x2x128xi32, #tpu.memory_space<hbm>>
        %dma_start3A_297 = tpu.memref_squeeze %dma_start3A_296 : memref<1x1x2x128xi32, #tpu.memory_space<hbm>> -> memref<2x128xi32, #tpu.memory_space<hbm>>
        %dma_start3A_298 = arith.constant 0 : i32
        %dma_start3A_299 = arith.constant 0 : i32
        %dma_start3A_300 = tpu.memref_slice %arg3[%add3A, %add3A_293, %dma_start3A_298, %dma_start3A_299] : memref<32x84x2x128xi32, #tpu.memory_space<hbm>> -> memref<1x1x2x128xi32, #tpu.memory_space<hbm>>
        %dma_start3A_301 = tpu.memref_squeeze %dma_start3A_300 : memref<1x1x2x128xi32, #tpu.memory_space<hbm>> -> memref<2x128xi32, #tpu.memory_space<hbm>>
        tpu.enqueue_dma source(%dma_start3A_301 : memref<2x128xi32, #tpu.memory_space<hbm>>) target(%arg13 : memref<2x128xi32, #tpu.memory_space<vmem>>) target_semaphore(%arg25 : memref<!tpu.dma_semaphore, #tpu.memory_space<semaphore_mem>>)
      } else {
      }
      %ge3A_117 = arith.constant 1 : i32
      %ge3A_118 = arith.cmpi sge, %add3A_90, %ge3A_117 : i32
      %convert_element_type3A_119 = arith.extui %ge3A_118 : i1 to i32
      %cond3A_120 = arith.constant 0 : i32
      %cond3A_121 = arith.cmpi ne, %convert_element_type3A_119, %cond3A_120 : i32
      scf.if %cond3A_121 {
        %dma_wait3A_292 = arith.constant 0 : i32
        %dma_wait3A_293 = arith.constant 0 : i32
        %dma_wait3A_294 = tpu.memref_slice %arg15[%dma_wait3A_292, %dma_wait3A_293] : memref<2x128xi32, #tpu.memory_space<vmem>> -> memref<1x128xi32, #tpu.memory_space<vmem>>
        %dma_wait3A_295 = tpu.memref_squeeze %dma_wait3A_294 : memref<1x128xi32, #tpu.memory_space<vmem>> -> memref<128xi32, #tpu.memory_space<vmem>>
        %dma_wait3A_296 = arith.constant 0 : i32
        %dma_wait3A_297 = arith.constant 0 : i32
        %dma_wait3A_298 = tpu.memref_slice %arg2[%dma_wait3A_296, %dma_wait3A_297] : memref<10000x128xf32, #tpu.memory_space<hbm>> -> memref<10000x128xf32, #tpu.memory_space<hbm>>
        tpu.wait_indirect_dma semaphore(%arg18 : memref<!tpu.dma_semaphore, #tpu.memory_space<semaphore_mem>>) src(%dma_wait3A_298 : memref<10000x128xf32, #tpu.memory_space<hbm>>) dst(%arg9 : memref<128x128xf32, #tpu.memory_space<vmem>>)
        %dma_start3A_299 = arith.constant 1 : i32
        %dma_start3A_300 = arith.constant 0 : i32
        %dma_start3A_301 = tpu.memref_slice %arg15[%dma_start3A_299, %dma_start3A_300] : memref<2x128xi32, #tpu.memory_space<vmem>> -> memref<1x128xi32, #tpu.memory_space<vmem>>
        %dma_start3A_302 = tpu.memref_squeeze %dma_start3A_301 : memref<1x128xi32, #tpu.memory_space<vmem>> -> memref<128xi32, #tpu.memory_space<vmem>>
        %dma_start3A_303 = arith.constant 0 : i32
        %dma_start3A_304 = arith.constant 0 : i32
        %dma_start3A_305 = tpu.memref_slice %arg6[%dma_start3A_303, %dma_start3A_304] : memref<10016x128xf32, #tpu.memory_space<vmem_shared>> -> memref<10016x128xf32, #tpu.memory_space<vmem_shared>>
        tpu.enqueue_indirect_dma source(%arg9 : memref<128x128xf32, #tpu.memory_space<vmem>>) target(%dma_start3A_305 : memref<10016x128xf32, #tpu.memory_space<vmem_shared>>) offsets(%dma_start3A_302 : memref<128xi32, #tpu.memory_space<vmem>>) semaphore(%arg21 : memref<!tpu.dma_semaphore, #tpu.memory_space<semaphore_mem>>) {add = true}
      } else {
      }
      %add3A_122 = arith.constant 1 : i32
      %add3A_123 = arith.addi %mul3A_88, %add3A_122 : i32
      %ge3A_124 = arith.constant 3 : i32
      %ge3A_125 = arith.cmpi sge, %add3A_123, %ge3A_124 : i32
      %convert_element_type3A_126 = arith.extui %ge3A_125 : i1 to i32
      %cond3A_127 = arith.constant 0 : i32
      %cond3A_128 = arith.cmpi ne, %convert_element_type3A_126, %cond3A_127 : i32
      scf.if %cond3A_128 {
        %dma_wait3A_292 = arith.constant 1 : i32
        %dma_wait3A_293 = arith.constant 0 : i32
        %dma_wait3A_294 = tpu.memref_slice %arg14[%dma_wait3A_292, %dma_wait3A_293] : memref<2x128xi32, #tpu.memory_space<vmem>> -> memref<1x128xi32, #tpu.memory_space<vmem>>
        %dma_wait3A_295 = tpu.memref_squeeze %dma_wait3A_294 : memref<1x128xi32, #tpu.memory_space<vmem>> -> memref<128xi32, #tpu.memory_space<vmem>>
        %dma_wait3A_296 = arith.constant 0 : i32
        %dma_wait3A_297 = arith.constant 0 : i32
        %dma_wait3A_298 = tpu.memref_slice %arg6[%dma_wait3A_296, %dma_wait3A_297] : memref<10016x128xf32, #tpu.memory_space<vmem_shared>> -> memref<10016x128xf32, #tpu.memory_space<vmem_shared>>
        tpu.wait_indirect_dma semaphore(%arg20 : memref<!tpu.dma_semaphore, #tpu.memory_space<semaphore_mem>>) src(%arg8 : memref<128x128xf32, #tpu.memory_space<vmem>>) dst(%dma_wait3A_298 : memref<10016x128xf32, #tpu.memory_space<vmem_shared>>)
      } else {
      }
      %dma_wait3A_129 = arith.constant 0 : i32
      %dma_wait3A_130 = arith.constant 0 : i32
      %dma_wait3A_131 = tpu.memref_slice %arg3[%add3A, %add3A_123, %dma_wait3A_129, %dma_wait3A_130] : memref<32x84x2x128xi32, #tpu.memory_space<hbm>> -> memref<1x1x2x128xi32, #tpu.memory_space<hbm>>
      %dma_wait3A_132 = tpu.memref_squeeze %dma_wait3A_131 : memref<1x1x2x128xi32, #tpu.memory_space<hbm>> -> memref<2x128xi32, #tpu.memory_space<hbm>>
      %dma_wait3A_133 = arith.constant 0 : i32
      %dma_wait3A_134 = arith.constant 0 : i32
      %dma_wait3A_135 = tpu.memref_slice %arg3[%add3A, %add3A_123, %dma_wait3A_133, %dma_wait3A_134] : memref<32x84x2x128xi32, #tpu.memory_space<hbm>> -> memref<1x1x2x128xi32, #tpu.memory_space<hbm>>
      %dma_wait3A_136 = tpu.memref_squeeze %dma_wait3A_135 : memref<1x1x2x128xi32, #tpu.memory_space<hbm>> -> memref<2x128xi32, #tpu.memory_space<hbm>>
      tpu.wait_dma2 semaphore(%arg23 : memref<!tpu.dma_semaphore, #tpu.memory_space<semaphore_mem>>) src(%dma_wait3A_136 : memref<2x128xi32, #tpu.memory_space<hbm>>) dst(%arg11 : memref<2x128xi32, #tpu.memory_space<vmem>>)
      %dma_start3A_137 = arith.constant 0 : i32
      %dma_start3A_138 = arith.constant 0 : i32
      %dma_start3A_139 = tpu.memref_slice %arg11[%dma_start3A_137, %dma_start3A_138] : memref<2x128xi32, #tpu.memory_space<vmem>> -> memref<1x128xi32, #tpu.memory_space<vmem>>
      %dma_start3A_140 = tpu.memref_squeeze %dma_start3A_139 : memref<1x128xi32, #tpu.memory_space<vmem>> -> memref<128xi32, #tpu.memory_space<vmem>>
      %dma_start3A_141 = arith.constant 0 : i32
      %dma_start3A_142 = arith.constant 0 : i32
      %dma_start3A_143 = tpu.memref_slice %arg2[%dma_start3A_141, %dma_start3A_142] : memref<10000x128xf32, #tpu.memory_space<hbm>> -> memref<10000x128xf32, #tpu.memory_space<hbm>>
      tpu.enqueue_indirect_dma source(%dma_start3A_143 : memref<10000x128xf32, #tpu.memory_space<hbm>>) target(%arg8 : memref<128x128xf32, #tpu.memory_space<vmem>>) offsets(%dma_start3A_140 : memref<128xi32, #tpu.memory_space<vmem>>) semaphore(%arg17 : memref<!tpu.dma_semaphore, #tpu.memory_space<semaphore_mem>>)
      %add3A_144 = arith.constant 3 : i32
      %add3A_145 = arith.addi %add3A_123, %add3A_144 : i32
      %lt3A_146 = arith.constant 84 : i32
      %lt3A_147 = arith.cmpi slt, %add3A_145, %lt3A_146 : i32
      %convert_element_type3A_148 = arith.extui %lt3A_147 : i1 to i32
      %cond3A_149 = arith.constant 0 : i32
      %cond3A_150 = arith.cmpi ne, %convert_element_type3A_148, %cond3A_149 : i32
      scf.if %cond3A_150 {
        %add3A_292 = arith.constant 3 : i32
        %add3A_293 = arith.addi %add3A_123, %add3A_292 : i32
        %dma_start3A_294 = arith.constant 0 : i32
        %dma_start3A_295 = arith.constant 0 : i32
        %dma_start3A_296 = tpu.memref_slice %arg3[%add3A, %add3A_293, %dma_start3A_294, %dma_start3A_295] : memref<32x84x2x128xi32, #tpu.memory_space<hbm>> -> memref<1x1x2x128xi32, #tpu.memory_space<hbm>>
        %dma_start3A_297 = tpu.memref_squeeze %dma_start3A_296 : memref<1x1x2x128xi32, #tpu.memory_space<hbm>> -> memref<2x128xi32, #tpu.memory_space<hbm>>
        %dma_start3A_298 = arith.constant 0 : i32
        %dma_start3A_299 = arith.constant 0 : i32
        %dma_start3A_300 = tpu.memref_slice %arg3[%add3A, %add3A_293, %dma_start3A_298, %dma_start3A_299] : memref<32x84x2x128xi32, #tpu.memory_space<hbm>> -> memref<1x1x2x128xi32, #tpu.memory_space<hbm>>
        %dma_start3A_301 = tpu.memref_squeeze %dma_start3A_300 : memref<1x1x2x128xi32, #tpu.memory_space<hbm>> -> memref<2x128xi32, #tpu.memory_space<hbm>>
        tpu.enqueue_dma source(%dma_start3A_301 : memref<2x128xi32, #tpu.memory_space<hbm>>) target(%arg14 : memref<2x128xi32, #tpu.memory_space<vmem>>) target_semaphore(%arg26 : memref<!tpu.dma_semaphore, #tpu.memory_space<semaphore_mem>>)
      } else {
      }
      %ge3A_151 = arith.constant 1 : i32
      %ge3A_152 = arith.cmpi sge, %add3A_123, %ge3A_151 : i32
      %convert_element_type3A_153 = arith.extui %ge3A_152 : i1 to i32
      %cond3A_154 = arith.constant 0 : i32
      %cond3A_155 = arith.cmpi ne, %convert_element_type3A_153, %cond3A_154 : i32
      scf.if %cond3A_155 {
        %dma_wait3A_292 = arith.constant 0 : i32
        %dma_wait3A_293 = arith.constant 0 : i32
        %dma_wait3A_294 = tpu.memref_slice %arg10[%dma_wait3A_292, %dma_wait3A_293] : memref<2x128xi32, #tpu.memory_space<vmem>> -> memref<1x128xi32, #tpu.memory_space<vmem>>
        %dma_wait3A_295 = tpu.memref_squeeze %dma_wait3A_294 : memref<1x128xi32, #tpu.memory_space<vmem>> -> memref<128xi32, #tpu.memory_space<vmem>>
        %dma_wait3A_296 = arith.constant 0 : i32
        %dma_wait3A_297 = arith.constant 0 : i32
        %dma_wait3A_298 = tpu.memref_slice %arg2[%dma_wait3A_296, %dma_wait3A_297] : memref<10000x128xf32, #tpu.memory_space<hbm>> -> memref<10000x128xf32, #tpu.memory_space<hbm>>
        tpu.wait_indirect_dma semaphore(%arg16 : memref<!tpu.dma_semaphore, #tpu.memory_space<semaphore_mem>>) src(%dma_wait3A_298 : memref<10000x128xf32, #tpu.memory_space<hbm>>) dst(%arg7 : memref<128x128xf32, #tpu.memory_space<vmem>>)
        %dma_start3A_299 = arith.constant 1 : i32
        %dma_start3A_300 = arith.constant 0 : i32
        %dma_start3A_301 = tpu.memref_slice %arg10[%dma_start3A_299, %dma_start3A_300] : memref<2x128xi32, #tpu.memory_space<vmem>> -> memref<1x128xi32, #tpu.memory_space<vmem>>
        %dma_start3A_302 = tpu.memref_squeeze %dma_start3A_301 : memref<1x128xi32, #tpu.memory_space<vmem>> -> memref<128xi32, #tpu.memory_space<vmem>>
        %dma_start3A_303 = arith.constant 0 : i32
        %dma_start3A_304 = arith.constant 0 : i32
        %dma_start3A_305 = tpu.memref_slice %arg6[%dma_start3A_303, %dma_start3A_304] : memref<10016x128xf32, #tpu.memory_space<vmem_shared>> -> memref<10016x128xf32, #tpu.memory_space<vmem_shared>>
        tpu.enqueue_indirect_dma source(%arg7 : memref<128x128xf32, #tpu.memory_space<vmem>>) target(%dma_start3A_305 : memref<10016x128xf32, #tpu.memory_space<vmem_shared>>) offsets(%dma_start3A_302 : memref<128xi32, #tpu.memory_space<vmem>>) semaphore(%arg19 : memref<!tpu.dma_semaphore, #tpu.memory_space<semaphore_mem>>) {add = true}
      } else {
      }
      %add3A_156 = arith.constant 2 : i32
      %add3A_157 = arith.addi %mul3A_88, %add3A_156 : i32
      %ge3A_158 = arith.constant 3 : i32
      %ge3A_159 = arith.cmpi sge, %add3A_157, %ge3A_158 : i32
      %convert_element_type3A_160 = arith.extui %ge3A_159 : i1 to i32
      %cond3A_161 = arith.constant 0 : i32
      %cond3A_162 = arith.cmpi ne, %convert_element_type3A_160, %cond3A_161 : i32
      scf.if %cond3A_162 {
        %dma_wait3A_292 = arith.constant 1 : i32
        %dma_wait3A_293 = arith.constant 0 : i32
        %dma_wait3A_294 = tpu.memref_slice %arg15[%dma_wait3A_292, %dma_wait3A_293] : memref<2x128xi32, #tpu.memory_space<vmem>> -> memref<1x128xi32, #tpu.memory_space<vmem>>
        %dma_wait3A_295 = tpu.memref_squeeze %dma_wait3A_294 : memref<1x128xi32, #tpu.memory_space<vmem>> -> memref<128xi32, #tpu.memory_space<vmem>>
        %dma_wait3A_296 = arith.constant 0 : i32
        %dma_wait3A_297 = arith.constant 0 : i32
        %dma_wait3A_298 = tpu.memref_slice %arg6[%dma_wait3A_296, %dma_wait3A_297] : memref<10016x128xf32, #tpu.memory_space<vmem_shared>> -> memref<10016x128xf32, #tpu.memory_space<vmem_shared>>
        tpu.wait_indirect_dma semaphore(%arg21 : memref<!tpu.dma_semaphore, #tpu.memory_space<semaphore_mem>>) src(%arg9 : memref<128x128xf32, #tpu.memory_space<vmem>>) dst(%dma_wait3A_298 : memref<10016x128xf32, #tpu.memory_space<vmem_shared>>)
      } else {
      }
      %dma_wait3A_163 = arith.constant 0 : i32
      %dma_wait3A_164 = arith.constant 0 : i32
      %dma_wait3A_165 = tpu.memref_slice %arg3[%add3A, %add3A_157, %dma_wait3A_163, %dma_wait3A_164] : memref<32x84x2x128xi32, #tpu.memory_space<hbm>> -> memref<1x1x2x128xi32, #tpu.memory_space<hbm>>
      %dma_wait3A_166 = tpu.memref_squeeze %dma_wait3A_165 : memref<1x1x2x128xi32, #tpu.memory_space<hbm>> -> memref<2x128xi32, #tpu.memory_space<hbm>>
      %dma_wait3A_167 = arith.constant 0 : i32
      %dma_wait3A_168 = arith.constant 0 : i32
      %dma_wait3A_169 = tpu.memref_slice %arg3[%add3A, %add3A_157, %dma_wait3A_167, %dma_wait3A_168] : memref<32x84x2x128xi32, #tpu.memory_space<hbm>> -> memref<1x1x2x128xi32, #tpu.memory_space<hbm>>
      %dma_wait3A_170 = tpu.memref_squeeze %dma_wait3A_169 : memref<1x1x2x128xi32, #tpu.memory_space<hbm>> -> memref<2x128xi32, #tpu.memory_space<hbm>>
      tpu.wait_dma2 semaphore(%arg24 : memref<!tpu.dma_semaphore, #tpu.memory_space<semaphore_mem>>) src(%dma_wait3A_170 : memref<2x128xi32, #tpu.memory_space<hbm>>) dst(%arg12 : memref<2x128xi32, #tpu.memory_space<vmem>>)
      %dma_start3A_171 = arith.constant 0 : i32
      %dma_start3A_172 = arith.constant 0 : i32
      %dma_start3A_173 = tpu.memref_slice %arg12[%dma_start3A_171, %dma_start3A_172] : memref<2x128xi32, #tpu.memory_space<vmem>> -> memref<1x128xi32, #tpu.memory_space<vmem>>
      %dma_start3A_174 = tpu.memref_squeeze %dma_start3A_173 : memref<1x128xi32, #tpu.memory_space<vmem>> -> memref<128xi32, #tpu.memory_space<vmem>>
      %dma_start3A_175 = arith.constant 0 : i32
      %dma_start3A_176 = arith.constant 0 : i32
      %dma_start3A_177 = tpu.memref_slice %arg2[%dma_start3A_175, %dma_start3A_176] : memref<10000x128xf32, #tpu.memory_space<hbm>> -> memref<10000x128xf32, #tpu.memory_space<hbm>>
      tpu.enqueue_indirect_dma source(%dma_start3A_177 : memref<10000x128xf32, #tpu.memory_space<hbm>>) target(%arg9 : memref<128x128xf32, #tpu.memory_space<vmem>>) offsets(%dma_start3A_174 : memref<128xi32, #tpu.memory_space<vmem>>) semaphore(%arg18 : memref<!tpu.dma_semaphore, #tpu.memory_space<semaphore_mem>>)
      %add3A_178 = arith.constant 3 : i32
      %add3A_179 = arith.addi %add3A_157, %add3A_178 : i32
      %lt3A_180 = arith.constant 84 : i32
      %lt3A_181 = arith.cmpi slt, %add3A_179, %lt3A_180 : i32
      %convert_element_type3A_182 = arith.extui %lt3A_181 : i1 to i32
      %cond3A_183 = arith.constant 0 : i32
      %cond3A_184 = arith.cmpi ne, %convert_element_type3A_182, %cond3A_183 : i32
      scf.if %cond3A_184 {
        %add3A_292 = arith.constant 3 : i32
        %add3A_293 = arith.addi %add3A_157, %add3A_292 : i32
        %dma_start3A_294 = arith.constant 0 : i32
        %dma_start3A_295 = arith.constant 0 : i32
        %dma_start3A_296 = tpu.memref_slice %arg3[%add3A, %add3A_293, %dma_start3A_294, %dma_start3A_295] : memref<32x84x2x128xi32, #tpu.memory_space<hbm>> -> memref<1x1x2x128xi32, #tpu.memory_space<hbm>>
        %dma_start3A_297 = tpu.memref_squeeze %dma_start3A_296 : memref<1x1x2x128xi32, #tpu.memory_space<hbm>> -> memref<2x128xi32, #tpu.memory_space<hbm>>
        %dma_start3A_298 = arith.constant 0 : i32
        %dma_start3A_299 = arith.constant 0 : i32
        %dma_start3A_300 = tpu.memref_slice %arg3[%add3A, %add3A_293, %dma_start3A_298, %dma_start3A_299] : memref<32x84x2x128xi32, #tpu.memory_space<hbm>> -> memref<1x1x2x128xi32, #tpu.memory_space<hbm>>
        %dma_start3A_301 = tpu.memref_squeeze %dma_start3A_300 : memref<1x1x2x128xi32, #tpu.memory_space<hbm>> -> memref<2x128xi32, #tpu.memory_space<hbm>>
        tpu.enqueue_dma source(%dma_start3A_301 : memref<2x128xi32, #tpu.memory_space<hbm>>) target(%arg15 : memref<2x128xi32, #tpu.memory_space<vmem>>) target_semaphore(%arg27 : memref<!tpu.dma_semaphore, #tpu.memory_space<semaphore_mem>>)
      } else {
      }
      %ge3A_185 = arith.constant 1 : i32
      %ge3A_186 = arith.cmpi sge, %add3A_157, %ge3A_185 : i32
      %convert_element_type3A_187 = arith.extui %ge3A_186 : i1 to i32
      %cond3A_188 = arith.constant 0 : i32
      %cond3A_189 = arith.cmpi ne, %convert_element_type3A_187, %cond3A_188 : i32
      scf.if %cond3A_189 {
        %dma_wait3A_292 = arith.constant 0 : i32
        %dma_wait3A_293 = arith.constant 0 : i32
        %dma_wait3A_294 = tpu.memref_slice %arg11[%dma_wait3A_292, %dma_wait3A_293] : memref<2x128xi32, #tpu.memory_space<vmem>> -> memref<1x128xi32, #tpu.memory_space<vmem>>
        %dma_wait3A_295 = tpu.memref_squeeze %dma_wait3A_294 : memref<1x128xi32, #tpu.memory_space<vmem>> -> memref<128xi32, #tpu.memory_space<vmem>>
        %dma_wait3A_296 = arith.constant 0 : i32
        %dma_wait3A_297 = arith.constant 0 : i32
        %dma_wait3A_298 = tpu.memref_slice %arg2[%dma_wait3A_296, %dma_wait3A_297] : memref<10000x128xf32, #tpu.memory_space<hbm>> -> memref<10000x128xf32, #tpu.memory_space<hbm>>
        tpu.wait_indirect_dma semaphore(%arg17 : memref<!tpu.dma_semaphore, #tpu.memory_space<semaphore_mem>>) src(%dma_wait3A_298 : memref<10000x128xf32, #tpu.memory_space<hbm>>) dst(%arg8 : memref<128x128xf32, #tpu.memory_space<vmem>>)
        %dma_start3A_299 = arith.constant 1 : i32
        %dma_start3A_300 = arith.constant 0 : i32
        %dma_start3A_301 = tpu.memref_slice %arg11[%dma_start3A_299, %dma_start3A_300] : memref<2x128xi32, #tpu.memory_space<vmem>> -> memref<1x128xi32, #tpu.memory_space<vmem>>
        %dma_start3A_302 = tpu.memref_squeeze %dma_start3A_301 : memref<1x128xi32, #tpu.memory_space<vmem>> -> memref<128xi32, #tpu.memory_space<vmem>>
        %dma_start3A_303 = arith.constant 0 : i32
        %dma_start3A_304 = arith.constant 0 : i32
        %dma_start3A_305 = tpu.memref_slice %arg6[%dma_start3A_303, %dma_start3A_304] : memref<10016x128xf32, #tpu.memory_space<vmem_shared>> -> memref<10016x128xf32, #tpu.memory_space<vmem_shared>>
        tpu.enqueue_indirect_dma source(%arg8 : memref<128x128xf32, #tpu.memory_space<vmem>>) target(%dma_start3A_305 : memref<10016x128xf32, #tpu.memory_space<vmem_shared>>) offsets(%dma_start3A_302 : memref<128xi32, #tpu.memory_space<vmem>>) semaphore(%arg20 : memref<!tpu.dma_semaphore, #tpu.memory_space<semaphore_mem>>) {add = true}
      } else {
      }
      %add3A_190 = arith.constant 3 : i32
      %add3A_191 = arith.addi %mul3A_88, %add3A_190 : i32
      %ge3A_192 = arith.constant 3 : i32
      %ge3A_193 = arith.cmpi sge, %add3A_191, %ge3A_192 : i32
      %convert_element_type3A_194 = arith.extui %ge3A_193 : i1 to i32
      %cond3A_195 = arith.constant 0 : i32
      %cond3A_196 = arith.cmpi ne, %convert_element_type3A_194, %cond3A_195 : i32
      scf.if %cond3A_196 {
        %dma_wait3A_292 = arith.constant 1 : i32
        %dma_wait3A_293 = arith.constant 0 : i32
        %dma_wait3A_294 = tpu.memref_slice %arg10[%dma_wait3A_292, %dma_wait3A_293] : memref<2x128xi32, #tpu.memory_space<vmem>> -> memref<1x128xi32, #tpu.memory_space<vmem>>
        %dma_wait3A_295 = tpu.memref_squeeze %dma_wait3A_294 : memref<1x128xi32, #tpu.memory_space<vmem>> -> memref<128xi32, #tpu.memory_space<vmem>>
        %dma_wait3A_296 = arith.constant 0 : i32
        %dma_wait3A_297 = arith.constant 0 : i32
        %dma_wait3A_298 = tpu.memref_slice %arg6[%dma_wait3A_296, %dma_wait3A_297] : memref<10016x128xf32, #tpu.memory_space<vmem_shared>> -> memref<10016x128xf32, #tpu.memory_space<vmem_shared>>
        tpu.wait_indirect_dma semaphore(%arg19 : memref<!tpu.dma_semaphore, #tpu.memory_space<semaphore_mem>>) src(%arg7 : memref<128x128xf32, #tpu.memory_space<vmem>>) dst(%dma_wait3A_298 : memref<10016x128xf32, #tpu.memory_space<vmem_shared>>)
      } else {
      }
      %dma_wait3A_197 = arith.constant 0 : i32
      %dma_wait3A_198 = arith.constant 0 : i32
      %dma_wait3A_199 = tpu.memref_slice %arg3[%add3A, %add3A_191, %dma_wait3A_197, %dma_wait3A_198] : memref<32x84x2x128xi32, #tpu.memory_space<hbm>> -> memref<1x1x2x128xi32, #tpu.memory_space<hbm>>
      %dma_wait3A_200 = tpu.memref_squeeze %dma_wait3A_199 : memref<1x1x2x128xi32, #tpu.memory_space<hbm>> -> memref<2x128xi32, #tpu.memory_space<hbm>>
      %dma_wait3A_201 = arith.constant 0 : i32
      %dma_wait3A_202 = arith.constant 0 : i32
      %dma_wait3A_203 = tpu.memref_slice %arg3[%add3A, %add3A_191, %dma_wait3A_201, %dma_wait3A_202] : memref<32x84x2x128xi32, #tpu.memory_space<hbm>> -> memref<1x1x2x128xi32, #tpu.memory_space<hbm>>
      %dma_wait3A_204 = tpu.memref_squeeze %dma_wait3A_203 : memref<1x1x2x128xi32, #tpu.memory_space<hbm>> -> memref<2x128xi32, #tpu.memory_space<hbm>>
      tpu.wait_dma2 semaphore(%arg25 : memref<!tpu.dma_semaphore, #tpu.memory_space<semaphore_mem>>) src(%dma_wait3A_204 : memref<2x128xi32, #tpu.memory_space<hbm>>) dst(%arg13 : memref<2x128xi32, #tpu.memory_space<vmem>>)
      %dma_start3A_205 = arith.constant 0 : i32
      %dma_start3A_206 = arith.constant 0 : i32
      %dma_start3A_207 = tpu.memref_slice %arg13[%dma_start3A_205, %dma_start3A_206] : memref<2x128xi32, #tpu.memory_space<vmem>> -> memref<1x128xi32, #tpu.memory_space<vmem>>
      %dma_start3A_208 = tpu.memref_squeeze %dma_start3A_207 : memref<1x128xi32, #tpu.memory_space<vmem>> -> memref<128xi32, #tpu.memory_space<vmem>>
      %dma_start3A_209 = arith.constant 0 : i32
      %dma_start3A_210 = arith.constant 0 : i32
      %dma_start3A_211 = tpu.memref_slice %arg2[%dma_start3A_209, %dma_start3A_210] : memref<10000x128xf32, #tpu.memory_space<hbm>> -> memref<10000x128xf32, #tpu.memory_space<hbm>>
      tpu.enqueue_indirect_dma source(%dma_start3A_211 : memref<10000x128xf32, #tpu.memory_space<hbm>>) target(%arg7 : memref<128x128xf32, #tpu.memory_space<vmem>>) offsets(%dma_start3A_208 : memref<128xi32, #tpu.memory_space<vmem>>) semaphore(%arg16 : memref<!tpu.dma_semaphore, #tpu.memory_space<semaphore_mem>>)
      %add3A_212 = arith.constant 3 : i32
      %add3A_213 = arith.addi %add3A_191, %add3A_212 : i32
      %lt3A_214 = arith.constant 84 : i32
      %lt3A_215 = arith.cmpi slt, %add3A_213, %lt3A_214 : i32
      %convert_element_type3A_216 = arith.extui %lt3A_215 : i1 to i32
      %cond3A_217 = arith.constant 0 : i32
      %cond3A_218 = arith.cmpi ne, %convert_element_type3A_216, %cond3A_217 : i32
      scf.if %cond3A_218 {
        %add3A_292 = arith.constant 3 : i32
        %add3A_293 = arith.addi %add3A_191, %add3A_292 : i32
        %dma_start3A_294 = arith.constant 0 : i32
        %dma_start3A_295 = arith.constant 0 : i32
        %dma_start3A_296 = tpu.memref_slice %arg3[%add3A, %add3A_293, %dma_start3A_294, %dma_start3A_295] : memref<32x84x2x128xi32, #tpu.memory_space<hbm>> -> memref<1x1x2x128xi32, #tpu.memory_space<hbm>>
        %dma_start3A_297 = tpu.memref_squeeze %dma_start3A_296 : memref<1x1x2x128xi32, #tpu.memory_space<hbm>> -> memref<2x128xi32, #tpu.memory_space<hbm>>
        %dma_start3A_298 = arith.constant 0 : i32
        %dma_start3A_299 = arith.constant 0 : i32
        %dma_start3A_300 = tpu.memref_slice %arg3[%add3A, %add3A_293, %dma_start3A_298, %dma_start3A_299] : memref<32x84x2x128xi32, #tpu.memory_space<hbm>> -> memref<1x1x2x128xi32, #tpu.memory_space<hbm>>
        %dma_start3A_301 = tpu.memref_squeeze %dma_start3A_300 : memref<1x1x2x128xi32, #tpu.memory_space<hbm>> -> memref<2x128xi32, #tpu.memory_space<hbm>>
        tpu.enqueue_dma source(%dma_start3A_301 : memref<2x128xi32, #tpu.memory_space<hbm>>) target(%arg10 : memref<2x128xi32, #tpu.memory_space<vmem>>) target_semaphore(%arg22 : memref<!tpu.dma_semaphore, #tpu.memory_space<semaphore_mem>>)
      } else {
      }
      %ge3A_219 = arith.constant 1 : i32
      %ge3A_220 = arith.cmpi sge, %add3A_191, %ge3A_219 : i32
      %convert_element_type3A_221 = arith.extui %ge3A_220 : i1 to i32
      %cond3A_222 = arith.constant 0 : i32
      %cond3A_223 = arith.cmpi ne, %convert_element_type3A_221, %cond3A_222 : i32
      scf.if %cond3A_223 {
        %dma_wait3A_292 = arith.constant 0 : i32
        %dma_wait3A_293 = arith.constant 0 : i32
        %dma_wait3A_294 = tpu.memref_slice %arg12[%dma_wait3A_292, %dma_wait3A_293] : memref<2x128xi32, #tpu.memory_space<vmem>> -> memref<1x128xi32, #tpu.memory_space<vmem>>
        %dma_wait3A_295 = tpu.memref_squeeze %dma_wait3A_294 : memref<1x128xi32, #tpu.memory_space<vmem>> -> memref<128xi32, #tpu.memory_space<vmem>>
        %dma_wait3A_296 = arith.constant 0 : i32
        %dma_wait3A_297 = arith.constant 0 : i32
        %dma_wait3A_298 = tpu.memref_slice %arg2[%dma_wait3A_296, %dma_wait3A_297] : memref<10000x128xf32, #tpu.memory_space<hbm>> -> memref<10000x128xf32, #tpu.memory_space<hbm>>
        tpu.wait_indirect_dma semaphore(%arg18 : memref<!tpu.dma_semaphore, #tpu.memory_space<semaphore_mem>>) src(%dma_wait3A_298 : memref<10000x128xf32, #tpu.memory_space<hbm>>) dst(%arg9 : memref<128x128xf32, #tpu.memory_space<vmem>>)
        %dma_start3A_299 = arith.constant 1 : i32
        %dma_start3A_300 = arith.constant 0 : i32
        %dma_start3A_301 = tpu.memref_slice %arg12[%dma_start3A_299, %dma_start3A_300] : memref<2x128xi32, #tpu.memory_space<vmem>> -> memref<1x128xi32, #tpu.memory_space<vmem>>
        %dma_start3A_302 = tpu.memref_squeeze %dma_start3A_301 : memref<1x128xi32, #tpu.memory_space<vmem>> -> memref<128xi32, #tpu.memory_space<vmem>>
        %dma_start3A_303 = arith.constant 0 : i32
        %dma_start3A_304 = arith.constant 0 : i32
        %dma_start3A_305 = tpu.memref_slice %arg6[%dma_start3A_303, %dma_start3A_304] : memref<10016x128xf32, #tpu.memory_space<vmem_shared>> -> memref<10016x128xf32, #tpu.memory_space<vmem_shared>>
        tpu.enqueue_indirect_dma source(%arg9 : memref<128x128xf32, #tpu.memory_space<vmem>>) target(%dma_start3A_305 : memref<10016x128xf32, #tpu.memory_space<vmem_shared>>) offsets(%dma_start3A_302 : memref<128xi32, #tpu.memory_space<vmem>>) semaphore(%arg21 : memref<!tpu.dma_semaphore, #tpu.memory_space<semaphore_mem>>) {add = true}
      } else {
      }
      %add3A_224 = arith.constant 4 : i32
      %add3A_225 = arith.addi %mul3A_88, %add3A_224 : i32
      %ge3A_226 = arith.constant 3 : i32
      %ge3A_227 = arith.cmpi sge, %add3A_225, %ge3A_226 : i32
      %convert_element_type3A_228 = arith.extui %ge3A_227 : i1 to i32
      %cond3A_229 = arith.constant 0 : i32
      %cond3A_230 = arith.cmpi ne, %convert_element_type3A_228, %cond3A_229 : i32
      scf.if %cond3A_230 {
        %dma_wait3A_292 = arith.constant 1 : i32
        %dma_wait3A_293 = arith.constant 0 : i32
        %dma_wait3A_294 = tpu.memref_slice %arg11[%dma_wait3A_292, %dma_wait3A_293] : memref<2x128xi32, #tpu.memory_space<vmem>> -> memref<1x128xi32, #tpu.memory_space<vmem>>
        %dma_wait3A_295 = tpu.memref_squeeze %dma_wait3A_294 : memref<1x128xi32, #tpu.memory_space<vmem>> -> memref<128xi32, #tpu.memory_space<vmem>>
        %dma_wait3A_296 = arith.constant 0 : i32
        %dma_wait3A_297 = arith.constant 0 : i32
        %dma_wait3A_298 = tpu.memref_slice %arg6[%dma_wait3A_296, %dma_wait3A_297] : memref<10016x128xf32, #tpu.memory_space<vmem_shared>> -> memref<10016x128xf32, #tpu.memory_space<vmem_shared>>
        tpu.wait_indirect_dma semaphore(%arg20 : memref<!tpu.dma_semaphore, #tpu.memory_space<semaphore_mem>>) src(%arg8 : memref<128x128xf32, #tpu.memory_space<vmem>>) dst(%dma_wait3A_298 : memref<10016x128xf32, #tpu.memory_space<vmem_shared>>)
      } else {
      }
      %dma_wait3A_231 = arith.constant 0 : i32
      %dma_wait3A_232 = arith.constant 0 : i32
      %dma_wait3A_233 = tpu.memref_slice %arg3[%add3A, %add3A_225, %dma_wait3A_231, %dma_wait3A_232] : memref<32x84x2x128xi32, #tpu.memory_space<hbm>> -> memref<1x1x2x128xi32, #tpu.memory_space<hbm>>
      %dma_wait3A_234 = tpu.memref_squeeze %dma_wait3A_233 : memref<1x1x2x128xi32, #tpu.memory_space<hbm>> -> memref<2x128xi32, #tpu.memory_space<hbm>>
      %dma_wait3A_235 = arith.constant 0 : i32
      %dma_wait3A_236 = arith.constant 0 : i32
      %dma_wait3A_237 = tpu.memref_slice %arg3[%add3A, %add3A_225, %dma_wait3A_235, %dma_wait3A_236] : memref<32x84x2x128xi32, #tpu.memory_space<hbm>> -> memref<1x1x2x128xi32, #tpu.memory_space<hbm>>
      %dma_wait3A_238 = tpu.memref_squeeze %dma_wait3A_237 : memref<1x1x2x128xi32, #tpu.memory_space<hbm>> -> memref<2x128xi32, #tpu.memory_space<hbm>>
      tpu.wait_dma2 semaphore(%arg26 : memref<!tpu.dma_semaphore, #tpu.memory_space<semaphore_mem>>) src(%dma_wait3A_238 : memref<2x128xi32, #tpu.memory_space<hbm>>) dst(%arg14 : memref<2x128xi32, #tpu.memory_space<vmem>>)
      %dma_start3A_239 = arith.constant 0 : i32
      %dma_start3A_240 = arith.constant 0 : i32
      %dma_start3A_241 = tpu.memref_slice %arg14[%dma_start3A_239, %dma_start3A_240] : memref<2x128xi32, #tpu.memory_space<vmem>> -> memref<1x128xi32, #tpu.memory_space<vmem>>
      %dma_start3A_242 = tpu.memref_squeeze %dma_start3A_241 : memref<1x128xi32, #tpu.memory_space<vmem>> -> memref<128xi32, #tpu.memory_space<vmem>>
      %dma_start3A_243 = arith.constant 0 : i32
      %dma_start3A_244 = arith.constant 0 : i32
      %dma_start3A_245 = tpu.memref_slice %arg2[%dma_start3A_243, %dma_start3A_244] : memref<10000x128xf32, #tpu.memory_space<hbm>> -> memref<10000x128xf32, #tpu.memory_space<hbm>>
      tpu.enqueue_indirect_dma source(%dma_start3A_245 : memref<10000x128xf32, #tpu.memory_space<hbm>>) target(%arg8 : memref<128x128xf32, #tpu.memory_space<vmem>>) offsets(%dma_start3A_242 : memref<128xi32, #tpu.memory_space<vmem>>) semaphore(%arg17 : memref<!tpu.dma_semaphore, #tpu.memory_space<semaphore_mem>>)
      %add3A_246 = arith.constant 3 : i32
      %add3A_247 = arith.addi %add3A_225, %add3A_246 : i32
      %lt3A_248 = arith.constant 84 : i32
      %lt3A_249 = arith.cmpi slt, %add3A_247, %lt3A_248 : i32
      %convert_element_type3A_250 = arith.extui %lt3A_249 : i1 to i32
      %cond3A_251 = arith.constant 0 : i32
      %cond3A_252 = arith.cmpi ne, %convert_element_type3A_250, %cond3A_251 : i32
      scf.if %cond3A_252 {
        %add3A_292 = arith.constant 3 : i32
        %add3A_293 = arith.addi %add3A_225, %add3A_292 : i32
        %dma_start3A_294 = arith.constant 0 : i32
        %dma_start3A_295 = arith.constant 0 : i32
        %dma_start3A_296 = tpu.memref_slice %arg3[%add3A, %add3A_293, %dma_start3A_294, %dma_start3A_295] : memref<32x84x2x128xi32, #tpu.memory_space<hbm>> -> memref<1x1x2x128xi32, #tpu.memory_space<hbm>>
        %dma_start3A_297 = tpu.memref_squeeze %dma_start3A_296 : memref<1x1x2x128xi32, #tpu.memory_space<hbm>> -> memref<2x128xi32, #tpu.memory_space<hbm>>
        %dma_start3A_298 = arith.constant 0 : i32
        %dma_start3A_299 = arith.constant 0 : i32
        %dma_start3A_300 = tpu.memref_slice %arg3[%add3A, %add3A_293, %dma_start3A_298, %dma_start3A_299] : memref<32x84x2x128xi32, #tpu.memory_space<hbm>> -> memref<1x1x2x128xi32, #tpu.memory_space<hbm>>
        %dma_start3A_301 = tpu.memref_squeeze %dma_start3A_300 : memref<1x1x2x128xi32, #tpu.memory_space<hbm>> -> memref<2x128xi32, #tpu.memory_space<hbm>>
        tpu.enqueue_dma source(%dma_start3A_301 : memref<2x128xi32, #tpu.memory_space<hbm>>) target(%arg11 : memref<2x128xi32, #tpu.memory_space<vmem>>) target_semaphore(%arg23 : memref<!tpu.dma_semaphore, #tpu.memory_space<semaphore_mem>>)
      } else {
      }
      %ge3A_253 = arith.constant 1 : i32
      %ge3A_254 = arith.cmpi sge, %add3A_225, %ge3A_253 : i32
      %convert_element_type3A_255 = arith.extui %ge3A_254 : i1 to i32
      %cond3A_256 = arith.constant 0 : i32
      %cond3A_257 = arith.cmpi ne, %convert_element_type3A_255, %cond3A_256 : i32
      scf.if %cond3A_257 {
        %dma_wait3A_292 = arith.constant 0 : i32
        %dma_wait3A_293 = arith.constant 0 : i32
        %dma_wait3A_294 = tpu.memref_slice %arg13[%dma_wait3A_292, %dma_wait3A_293] : memref<2x128xi32, #tpu.memory_space<vmem>> -> memref<1x128xi32, #tpu.memory_space<vmem>>
        %dma_wait3A_295 = tpu.memref_squeeze %dma_wait3A_294 : memref<1x128xi32, #tpu.memory_space<vmem>> -> memref<128xi32, #tpu.memory_space<vmem>>
        %dma_wait3A_296 = arith.constant 0 : i32
        %dma_wait3A_297 = arith.constant 0 : i32
        %dma_wait3A_298 = tpu.memref_slice %arg2[%dma_wait3A_296, %dma_wait3A_297] : memref<10000x128xf32, #tpu.memory_space<hbm>> -> memref<10000x128xf32, #tpu.memory_space<hbm>>
        tpu.wait_indirect_dma semaphore(%arg16 : memref<!tpu.dma_semaphore, #tpu.memory_space<semaphore_mem>>) src(%dma_wait3A_298 : memref<10000x128xf32, #tpu.memory_space<hbm>>) dst(%arg7 : memref<128x128xf32, #tpu.memory_space<vmem>>)
        %dma_start3A_299 = arith.constant 1 : i32
        %dma_start3A_300 = arith.constant 0 : i32
        %dma_start3A_301 = tpu.memref_slice %arg13[%dma_start3A_299, %dma_start3A_300] : memref<2x128xi32, #tpu.memory_space<vmem>> -> memref<1x128xi32, #tpu.memory_space<vmem>>
        %dma_start3A_302 = tpu.memref_squeeze %dma_start3A_301 : memref<1x128xi32, #tpu.memory_space<vmem>> -> memref<128xi32, #tpu.memory_space<vmem>>
        %dma_start3A_303 = arith.constant 0 : i32
        %dma_start3A_304 = arith.constant 0 : i32
        %dma_start3A_305 = tpu.memref_slice %arg6[%dma_start3A_303, %dma_start3A_304] : memref<10016x128xf32, #tpu.memory_space<vmem_shared>> -> memref<10016x128xf32, #tpu.memory_space<vmem_shared>>
        tpu.enqueue_indirect_dma source(%arg7 : memref<128x128xf32, #tpu.memory_space<vmem>>) target(%dma_start3A_305 : memref<10016x128xf32, #tpu.memory_space<vmem_shared>>) offsets(%dma_start3A_302 : memref<128xi32, #tpu.memory_space<vmem>>) semaphore(%arg19 : memref<!tpu.dma_semaphore, #tpu.memory_space<semaphore_mem>>) {add = true}
      } else {
      }
      %add3A_258 = arith.constant 5 : i32
      %add3A_259 = arith.addi %mul3A_88, %add3A_258 : i32
      %ge3A_260 = arith.constant 3 : i32
      %ge3A_261 = arith.cmpi sge, %add3A_259, %ge3A_260 : i32
      %convert_element_type3A_262 = arith.extui %ge3A_261 : i1 to i32
      %cond3A_263 = arith.constant 0 : i32
      %cond3A_264 = arith.cmpi ne, %convert_element_type3A_262, %cond3A_263 : i32
      scf.if %cond3A_264 {
        %dma_wait3A_292 = arith.constant 1 : i32
        %dma_wait3A_293 = arith.constant 0 : i32
        %dma_wait3A_294 = tpu.memref_slice %arg12[%dma_wait3A_292, %dma_wait3A_293] : memref<2x128xi32, #tpu.memory_space<vmem>> -> memref<1x128xi32, #tpu.memory_space<vmem>>
        %dma_wait3A_295 = tpu.memref_squeeze %dma_wait3A_294 : memref<1x128xi32, #tpu.memory_space<vmem>> -> memref<128xi32, #tpu.memory_space<vmem>>
        %dma_wait3A_296 = arith.constant 0 : i32
        %dma_wait3A_297 = arith.constant 0 : i32
        %dma_wait3A_298 = tpu.memref_slice %arg6[%dma_wait3A_296, %dma_wait3A_297] : memref<10016x128xf32, #tpu.memory_space<vmem_shared>> -> memref<10016x128xf32, #tpu.memory_space<vmem_shared>>
        tpu.wait_indirect_dma semaphore(%arg21 : memref<!tpu.dma_semaphore, #tpu.memory_space<semaphore_mem>>) src(%arg9 : memref<128x128xf32, #tpu.memory_space<vmem>>) dst(%dma_wait3A_298 : memref<10016x128xf32, #tpu.memory_space<vmem_shared>>)
      } else {
      }
      %dma_wait3A_265 = arith.constant 0 : i32
      %dma_wait3A_266 = arith.constant 0 : i32
      %dma_wait3A_267 = tpu.memref_slice %arg3[%add3A, %add3A_259, %dma_wait3A_265, %dma_wait3A_266] : memref<32x84x2x128xi32, #tpu.memory_space<hbm>> -> memref<1x1x2x128xi32, #tpu.memory_space<hbm>>
      %dma_wait3A_268 = tpu.memref_squeeze %dma_wait3A_267 : memref<1x1x2x128xi32, #tpu.memory_space<hbm>> -> memref<2x128xi32, #tpu.memory_space<hbm>>
      %dma_wait3A_269 = arith.constant 0 : i32
      %dma_wait3A_270 = arith.constant 0 : i32
      %dma_wait3A_271 = tpu.memref_slice %arg3[%add3A, %add3A_259, %dma_wait3A_269, %dma_wait3A_270] : memref<32x84x2x128xi32, #tpu.memory_space<hbm>> -> memref<1x1x2x128xi32, #tpu.memory_space<hbm>>
      %dma_wait3A_272 = tpu.memref_squeeze %dma_wait3A_271 : memref<1x1x2x128xi32, #tpu.memory_space<hbm>> -> memref<2x128xi32, #tpu.memory_space<hbm>>
      tpu.wait_dma2 semaphore(%arg27 : memref<!tpu.dma_semaphore, #tpu.memory_space<semaphore_mem>>) src(%dma_wait3A_272 : memref<2x128xi32, #tpu.memory_space<hbm>>) dst(%arg15 : memref<2x128xi32, #tpu.memory_space<vmem>>)
      %dma_start3A_273 = arith.constant 0 : i32
      %dma_start3A_274 = arith.constant 0 : i32
      %dma_start3A_275 = tpu.memref_slice %arg15[%dma_start3A_273, %dma_start3A_274] : memref<2x128xi32, #tpu.memory_space<vmem>> -> memref<1x128xi32, #tpu.memory_space<vmem>>
      %dma_start3A_276 = tpu.memref_squeeze %dma_start3A_275 : memref<1x128xi32, #tpu.memory_space<vmem>> -> memref<128xi32, #tpu.memory_space<vmem>>
      %dma_start3A_277 = arith.constant 0 : i32
      %dma_start3A_278 = arith.constant 0 : i32
      %dma_start3A_279 = tpu.memref_slice %arg2[%dma_start3A_277, %dma_start3A_278] : memref<10000x128xf32, #tpu.memory_space<hbm>> -> memref<10000x128xf32, #tpu.memory_space<hbm>>
      tpu.enqueue_indirect_dma source(%dma_start3A_279 : memref<10000x128xf32, #tpu.memory_space<hbm>>) target(%arg9 : memref<128x128xf32, #tpu.memory_space<vmem>>) offsets(%dma_start3A_276 : memref<128xi32, #tpu.memory_space<vmem>>) semaphore(%arg18 : memref<!tpu.dma_semaphore, #tpu.memory_space<semaphore_mem>>)
      %add3A_280 = arith.constant 3 : i32
      %add3A_281 = arith.addi %add3A_259, %add3A_280 : i32
      %lt3A_282 = arith.constant 84 : i32
      %lt3A_283 = arith.cmpi slt, %add3A_281, %lt3A_282 : i32
      %convert_element_type3A_284 = arith.extui %lt3A_283 : i1 to i32
      %cond3A_285 = arith.constant 0 : i32
      %cond3A_286 = arith.cmpi ne, %convert_element_type3A_284, %cond3A_285 : i32
      scf.if %cond3A_286 {
        %add3A_292 = arith.constant 3 : i32
        %add3A_293 = arith.addi %add3A_259, %add3A_292 : i32
        %dma_start3A_294 = arith.constant 0 : i32
        %dma_start3A_295 = arith.constant 0 : i32
        %dma_start3A_296 = tpu.memref_slice %arg3[%add3A, %add3A_293, %dma_start3A_294, %dma_start3A_295] : memref<32x84x2x128xi32, #tpu.memory_space<hbm>> -> memref<1x1x2x128xi32, #tpu.memory_space<hbm>>
        %dma_start3A_297 = tpu.memref_squeeze %dma_start3A_296 : memref<1x1x2x128xi32, #tpu.memory_space<hbm>> -> memref<2x128xi32, #tpu.memory_space<hbm>>
        %dma_start3A_298 = arith.constant 0 : i32
        %dma_start3A_299 = arith.constant 0 : i32
        %dma_start3A_300 = tpu.memref_slice %arg3[%add3A, %add3A_293, %dma_start3A_298, %dma_start3A_299] : memref<32x84x2x128xi32, #tpu.memory_space<hbm>> -> memref<1x1x2x128xi32, #tpu.memory_space<hbm>>
        %dma_start3A_301 = tpu.memref_squeeze %dma_start3A_300 : memref<1x1x2x128xi32, #tpu.memory_space<hbm>> -> memref<2x128xi32, #tpu.memory_space<hbm>>
        tpu.enqueue_dma source(%dma_start3A_301 : memref<2x128xi32, #tpu.memory_space<hbm>>) target(%arg12 : memref<2x128xi32, #tpu.memory_space<vmem>>) target_semaphore(%arg24 : memref<!tpu.dma_semaphore, #tpu.memory_space<semaphore_mem>>)
      } else {
      }
      %ge3A_287 = arith.constant 1 : i32
      %ge3A_288 = arith.cmpi sge, %add3A_259, %ge3A_287 : i32
      %convert_element_type3A_289 = arith.extui %ge3A_288 : i1 to i32
      %cond3A_290 = arith.constant 0 : i32
      %cond3A_291 = arith.cmpi ne, %convert_element_type3A_289, %cond3A_290 : i32
      scf.if %cond3A_291 {
        %dma_wait3A_292 = arith.constant 0 : i32
        %dma_wait3A_293 = arith.constant 0 : i32
        %dma_wait3A_294 = tpu.memref_slice %arg14[%dma_wait3A_292, %dma_wait3A_293] : memref<2x128xi32, #tpu.memory_space<vmem>> -> memref<1x128xi32, #tpu.memory_space<vmem>>
        %dma_wait3A_295 = tpu.memref_squeeze %dma_wait3A_294 : memref<1x128xi32, #tpu.memory_space<vmem>> -> memref<128xi32, #tpu.memory_space<vmem>>
        %dma_wait3A_296 = arith.constant 0 : i32
        %dma_wait3A_297 = arith.constant 0 : i32
        %dma_wait3A_298 = tpu.memref_slice %arg2[%dma_wait3A_296, %dma_wait3A_297] : memref<10000x128xf32, #tpu.memory_space<hbm>> -> memref<10000x128xf32, #tpu.memory_space<hbm>>
        tpu.wait_indirect_dma semaphore(%arg17 : memref<!tpu.dma_semaphore, #tpu.memory_space<semaphore_mem>>) src(%dma_wait3A_298 : memref<10000x128xf32, #tpu.memory_space<hbm>>) dst(%arg8 : memref<128x128xf32, #tpu.memory_space<vmem>>)
        %dma_start3A_299 = arith.constant 1 : i32
        %dma_start3A_300 = arith.constant 0 : i32
        %dma_start3A_301 = tpu.memref_slice %arg14[%dma_start3A_299, %dma_start3A_300] : memref<2x128xi32, #tpu.memory_space<vmem>> -> memref<1x128xi32, #tpu.memory_space<vmem>>
        %dma_start3A_302 = tpu.memref_squeeze %dma_start3A_301 : memref<1x128xi32, #tpu.memory_space<vmem>> -> memref<128xi32, #tpu.memory_space<vmem>>
        %dma_start3A_303 = arith.constant 0 : i32
        %dma_start3A_304 = arith.constant 0 : i32
        %dma_start3A_305 = tpu.memref_slice %arg6[%dma_start3A_303, %dma_start3A_304] : memref<10016x128xf32, #tpu.memory_space<vmem_shared>> -> memref<10016x128xf32, #tpu.memory_space<vmem_shared>>
        tpu.enqueue_indirect_dma source(%arg8 : memref<128x128xf32, #tpu.memory_space<vmem>>) target(%dma_start3A_305 : memref<10016x128xf32, #tpu.memory_space<vmem_shared>>) offsets(%dma_start3A_302 : memref<128xi32, #tpu.memory_space<vmem>>) semaphore(%arg20 : memref<!tpu.dma_semaphore, #tpu.memory_space<semaphore_mem>>) {add = true}
      } else {
      }
    }
    %scan3A_36 = arith.constant 14 : i32
    %dma_wait3A = arith.constant 0 : i32
    %dma_wait3A_37 = arith.constant 0 : i32
    %dma_wait3A_38 = tpu.memref_slice %arg15[%dma_wait3A, %dma_wait3A_37] : memref<2x128xi32, #tpu.memory_space<vmem>> -> memref<1x128xi32, #tpu.memory_space<vmem>>
    %dma_wait3A_39 = tpu.memref_squeeze %dma_wait3A_38 : memref<1x128xi32, #tpu.memory_space<vmem>> -> memref<128xi32, #tpu.memory_space<vmem>>
    %dma_wait3A_40 = arith.constant 0 : i32
    %dma_wait3A_41 = arith.constant 0 : i32
    %dma_wait3A_42 = tpu.memref_slice %arg2[%dma_wait3A_40, %dma_wait3A_41] : memref<10000x128xf32, #tpu.memory_space<hbm>> -> memref<10000x128xf32, #tpu.memory_space<hbm>>
    tpu.wait_indirect_dma semaphore(%arg18 : memref<!tpu.dma_semaphore, #tpu.memory_space<semaphore_mem>>) src(%dma_wait3A_42 : memref<10000x128xf32, #tpu.memory_space<hbm>>) dst(%arg9 : memref<128x128xf32, #tpu.memory_space<vmem>>)
    %dma_start3A_43 = arith.constant 1 : i32
    %dma_start3A_44 = arith.constant 0 : i32
    %dma_start3A_45 = tpu.memref_slice %arg15[%dma_start3A_43, %dma_start3A_44] : memref<2x128xi32, #tpu.memory_space<vmem>> -> memref<1x128xi32, #tpu.memory_space<vmem>>
    %dma_start3A_46 = tpu.memref_squeeze %dma_start3A_45 : memref<1x128xi32, #tpu.memory_space<vmem>> -> memref<128xi32, #tpu.memory_space<vmem>>
    %dma_start3A_47 = arith.constant 0 : i32
    %dma_start3A_48 = arith.constant 0 : i32
    %dma_start3A_49 = tpu.memref_slice %arg6[%dma_start3A_47, %dma_start3A_48] : memref<10016x128xf32, #tpu.memory_space<vmem_shared>> -> memref<10016x128xf32, #tpu.memory_space<vmem_shared>>
    tpu.enqueue_indirect_dma source(%arg9 : memref<128x128xf32, #tpu.memory_space<vmem>>) target(%dma_start3A_49 : memref<10016x128xf32, #tpu.memory_space<vmem_shared>>) offsets(%dma_start3A_46 : memref<128xi32, #tpu.memory_space<vmem>>) semaphore(%arg21 : memref<!tpu.dma_semaphore, #tpu.memory_space<semaphore_mem>>) {add = true}
    %dma_wait3A_50 = arith.constant 1 : i32
    %dma_wait3A_51 = arith.constant 0 : i32
    %dma_wait3A_52 = tpu.memref_slice %arg13[%dma_wait3A_50, %dma_wait3A_51] : memref<2x128xi32, #tpu.memory_space<vmem>> -> memref<1x128xi32, #tpu.memory_space<vmem>>
    %dma_wait3A_53 = tpu.memref_squeeze %dma_wait3A_52 : memref<1x128xi32, #tpu.memory_space<vmem>> -> memref<128xi32, #tpu.memory_space<vmem>>
    %dma_wait3A_54 = arith.constant 0 : i32
    %dma_wait3A_55 = arith.constant 0 : i32
    %dma_wait3A_56 = tpu.memref_slice %arg6[%dma_wait3A_54, %dma_wait3A_55] : memref<10016x128xf32, #tpu.memory_space<vmem_shared>> -> memref<10016x128xf32, #tpu.memory_space<vmem_shared>>
    tpu.wait_indirect_dma semaphore(%arg19 : memref<!tpu.dma_semaphore, #tpu.memory_space<semaphore_mem>>) src(%arg7 : memref<128x128xf32, #tpu.memory_space<vmem>>) dst(%dma_wait3A_56 : memref<10016x128xf32, #tpu.memory_space<vmem_shared>>)
    %dma_wait3A_57 = arith.constant 1 : i32
    %dma_wait3A_58 = arith.constant 0 : i32
    %dma_wait3A_59 = tpu.memref_slice %arg14[%dma_wait3A_57, %dma_wait3A_58] : memref<2x128xi32, #tpu.memory_space<vmem>> -> memref<1x128xi32, #tpu.memory_space<vmem>>
    %dma_wait3A_60 = tpu.memref_squeeze %dma_wait3A_59 : memref<1x128xi32, #tpu.memory_space<vmem>> -> memref<128xi32, #tpu.memory_space<vmem>>
    %dma_wait3A_61 = arith.constant 0 : i32
    %dma_wait3A_62 = arith.constant 0 : i32
    %dma_wait3A_63 = tpu.memref_slice %arg6[%dma_wait3A_61, %dma_wait3A_62] : memref<10016x128xf32, #tpu.memory_space<vmem_shared>> -> memref<10016x128xf32, #tpu.memory_space<vmem_shared>>
    tpu.wait_indirect_dma semaphore(%arg20 : memref<!tpu.dma_semaphore, #tpu.memory_space<semaphore_mem>>) src(%arg8 : memref<128x128xf32, #tpu.memory_space<vmem>>) dst(%dma_wait3A_63 : memref<10016x128xf32, #tpu.memory_space<vmem_shared>>)
    %dma_wait3A_64 = arith.constant 1 : i32
    %dma_wait3A_65 = arith.constant 0 : i32
    %dma_wait3A_66 = tpu.memref_slice %arg15[%dma_wait3A_64, %dma_wait3A_65] : memref<2x128xi32, #tpu.memory_space<vmem>> -> memref<1x128xi32, #tpu.memory_space<vmem>>
    %dma_wait3A_67 = tpu.memref_squeeze %dma_wait3A_66 : memref<1x128xi32, #tpu.memory_space<vmem>> -> memref<128xi32, #tpu.memory_space<vmem>>
    %dma_wait3A_68 = arith.constant 0 : i32
    %dma_wait3A_69 = arith.constant 0 : i32
    %dma_wait3A_70 = tpu.memref_slice %arg6[%dma_wait3A_68, %dma_wait3A_69] : memref<10016x128xf32, #tpu.memory_space<vmem_shared>> -> memref<10016x128xf32, #tpu.memory_space<vmem_shared>>
    tpu.wait_indirect_dma semaphore(%arg21 : memref<!tpu.dma_semaphore, #tpu.memory_space<semaphore_mem>>) src(%arg9 : memref<128x128xf32, #tpu.memory_space<vmem>>) dst(%dma_wait3A_70 : memref<10016x128xf32, #tpu.memory_space<vmem_shared>>)
    %barrier3A_71 = arith.constant 0 : index
    tpu.barrier barrier_id(%barrier3A_71)
    %lt3A_72 = arith.constant 15 : i32
    %lt3A_73 = arith.cmpi slt, %arg1, %lt3A_72 : i32
    %convert_element_type3A_74 = arith.extui %lt3A_73 : i1 to i32
    %cond3A_75 = arith.constant 0 : i32
    %cond3A_76 = arith.cmpi ne, %convert_element_type3A_74, %cond3A_75 : i32
    scf.if %cond3A_76 {
      %mul3A_82 = arith.constant 640 : i32
      %mul3A_83 = arith.muli %arg1, %mul3A_82 : i32
      %mul3A_84 = arith.constant 640 : i32
      %mul3A_85 = arith.muli %arg1, %mul3A_84 : i32
      "tpu.region"() ({
        %run_scoped3A = tpu.sem_alloc : memref<!tpu.dma_semaphore, #tpu.memory_space<semaphore_mem>>
        %dma_start3A_86 = arith.constant 0 : i32
        %dma_start3A_87 = tpu.memref_slice %arg5[%arg0, %mul3A_85, %dma_start3A_86] : memref<2x10016x128xf32, #tpu.memory_space<hbm>> -> memref<1x640x128xf32, #tpu.memory_space<hbm>>
        %dma_start3A_88 = tpu.memref_squeeze %dma_start3A_87 : memref<1x640x128xf32, #tpu.memory_space<hbm>> -> memref<640x128xf32, #tpu.memory_space<hbm>>
        %dma_start3A_89 = arith.constant 0 : i32
        %dma_start3A_90 = tpu.memref_slice %arg6[%mul3A_83, %dma_start3A_89] : memref<10016x128xf32, #tpu.memory_space<vmem_shared>> -> memref<640x128xf32, #tpu.memory_space<vmem_shared>>
        tpu.enqueue_dma source(%dma_start3A_90 : memref<640x128xf32, #tpu.memory_space<vmem_shared>>) target(%dma_start3A_88 : memref<640x128xf32, #tpu.memory_space<hbm>>) target_semaphore(%run_scoped3A : memref<!tpu.dma_semaphore, #tpu.memory_space<semaphore_mem>>)
        %dma_wait3A_91 = arith.constant 0 : i32
        %dma_wait3A_92 = tpu.memref_slice %arg5[%arg0, %mul3A_85, %dma_wait3A_91] : memref<2x10016x128xf32, #tpu.memory_space<hbm>> -> memref<1x640x128xf32, #tpu.memory_space<hbm>>
        %dma_wait3A_93 = tpu.memref_squeeze %dma_wait3A_92 : memref<1x640x128xf32, #tpu.memory_space<hbm>> -> memref<640x128xf32, #tpu.memory_space<hbm>>
        %dma_wait3A_94 = arith.constant 0 : i32
        %dma_wait3A_95 = tpu.memref_slice %arg6[%mul3A_83, %dma_wait3A_94] : memref<10016x128xf32, #tpu.memory_space<vmem_shared>> -> memref<640x128xf32, #tpu.memory_space<vmem_shared>>
        tpu.wait_dma2 semaphore(%run_scoped3A : memref<!tpu.dma_semaphore, #tpu.memory_space<semaphore_mem>>) src(%dma_wait3A_95 : memref<640x128xf32, #tpu.memory_space<vmem_shared>>) dst(%dma_wait3A_93 : memref<640x128xf32, #tpu.memory_space<hbm>>)
        tpu.yield
      }) : () -> ()
    } else {
    }
    %eq3A_77 = arith.constant 15 : i32
    %eq3A_78 = arith.cmpi eq, %arg1, %eq3A_77 : i32
    %convert_element_type3A_79 = arith.extui %eq3A_78 : i1 to i32
    %cond3A_80 = arith.constant 0 : i32
    %cond3A_81 = arith.cmpi ne, %convert_element_type3A_79, %cond3A_80 : i32
    scf.if %cond3A_81 {
      "tpu.region"() ({
        %run_scoped3A = tpu.sem_alloc : memref<!tpu.dma_semaphore, #tpu.memory_space<semaphore_mem>>
        %dma_start3A_82 = arith.constant 9600 : i32
        %dma_start3A_83 = arith.constant 0 : i32
        %dma_start3A_84 = tpu.memref_slice %arg5[%arg0, %dma_start3A_82, %dma_start3A_83] : memref<2x10016x128xf32, #tpu.memory_space<hbm>> -> memref<1x416x128xf32, #tpu.memory_space<hbm>>
        %dma_start3A_85 = tpu.memref_squeeze %dma_start3A_84 : memref<1x416x128xf32, #tpu.memory_space<hbm>> -> memref<416x128xf32, #tpu.memory_space<hbm>>
        %dma_start3A_86 = arith.constant 9600 : i32
        %dma_start3A_87 = arith.constant 0 : i32
        %dma_start3A_88 = tpu.memref_slice %arg6[%dma_start3A_86, %dma_start3A_87] : memref<10016x128xf32, #tpu.memory_space<vmem_shared>> -> memref<416x128xf32, #tpu.memory_space<vmem_shared>>
        tpu.enqueue_dma source(%dma_start3A_88 : memref<416x128xf32, #tpu.memory_space<vmem_shared>>) target(%dma_start3A_85 : memref<416x128xf32, #tpu.memory_space<hbm>>) target_semaphore(%run_scoped3A : memref<!tpu.dma_semaphore, #tpu.memory_space<semaphore_mem>>)
        %dma_wait3A_89 = arith.constant 9600 : i32
        %dma_wait3A_90 = arith.constant 0 : i32
        %dma_wait3A_91 = tpu.memref_slice %arg5[%arg0, %dma_wait3A_89, %dma_wait3A_90] : memref<2x10016x128xf32, #tpu.memory_space<hbm>> -> memref<1x416x128xf32, #tpu.memory_space<hbm>>
        %dma_wait3A_92 = tpu.memref_squeeze %dma_wait3A_91 : memref<1x416x128xf32, #tpu.memory_space<hbm>> -> memref<416x128xf32, #tpu.memory_space<hbm>>
        %dma_wait3A_93 = arith.constant 9600 : i32
        %dma_wait3A_94 = arith.constant 0 : i32
        %dma_wait3A_95 = tpu.memref_slice %arg6[%dma_wait3A_93, %dma_wait3A_94] : memref<10016x128xf32, #tpu.memory_space<vmem_shared>> -> memref<416x128xf32, #tpu.memory_space<vmem_shared>>
        tpu.wait_dma2 semaphore(%run_scoped3A : memref<!tpu.dma_semaphore, #tpu.memory_space<semaphore_mem>>) src(%dma_wait3A_95 : memref<416x128xf32, #tpu.memory_space<vmem_shared>>) dst(%dma_wait3A_92 : memref<416x128xf32, #tpu.memory_space<hbm>>)
        tpu.yield
      }) : () -> ()
    } else {
    }
    return
  }
}

module attributes {stable_mosaic.version = 14 : i64} {
  func.func @_dinv_body(%arg0: memref<2x10240x8xf32, #tpu.memory_space<vmem>>, %arg1: memref<10000x1xf32, #tpu.memory_space<vmem>>) attributes {dimension_semantics = [], scalar_prefetch = 0 : i64, scratch_operands = 0 : i64, tpu.core_type = #tpu.core_type<tc>} {
    %get3A = arith.constant 0 : index
    %get3A_0 = arith.constant 0 : index
    %get3A_1 = arith.constant 0 : index
    %get3A_2 = vector.load %arg0[%get3A, %get3A_0, %get3A_1] : memref<2x10240x8xf32, #tpu.memory_space<vmem>>, vector<1x10240x8xf32>
    %get3A_3 = vector.shape_cast %get3A_2 : vector<1x10240x8xf32> to vector<10240x8xf32>
    %get3A_4 = arith.constant 1 : index
    %get3A_5 = arith.constant 0 : index
    %get3A_6 = arith.constant 0 : index
    %get3A_7 = vector.load %arg0[%get3A_4, %get3A_5, %get3A_6] : memref<2x10240x8xf32, #tpu.memory_space<vmem>>, vector<1x10240x8xf32>
    %get3A_8 = vector.shape_cast %get3A_7 : vector<1x10240x8xf32> to vector<10240x8xf32>
    %add3A = arith.addf %get3A_3, %get3A_8 : vector<10240x8xf32>
    %add3A_9 = arith.constant 1.000000e+00 : f32
    %add3A_10 = vector.broadcast %add3A_9 : f32 to vector<10240x8xf32>
    %add3A_11 = arith.addf %add3A, %add3A_10 : vector<10240x8xf32>
    %rsqrt3A = math.rsqrt %add3A_11 : vector<10240x8xf32>
    %slice3A = vector.extract_strided_slice %rsqrt3A {offsets = [0, 0], sizes = [10000, 1], strides = [1, 1]} : vector<10240x8xf32> to vector<10000x1xf32>
    %swap3A = arith.constant 0 : index
    %swap3A_12 = arith.constant 0 : index
    %swap3A_13 = vector.load %arg1[%swap3A, %swap3A_12] : memref<10000x1xf32, #tpu.memory_space<vmem>>, vector<10000x1xf32>
    tpu.vector_store %arg1[%swap3A, %swap3A_12], %slice3A {strides = array<i32>} : memref<10000x1xf32, #tpu.memory_space<vmem>>, vector<10000x1xf32>,
    return
  }
}

module attributes {stable_mosaic.version = 14 : i64} {
  func.func @_mm_scale_body(%arg0: i32, %arg1: memref<2000x128xf32, #tpu.memory_space<vmem>>, %arg2: memref<128x128xf32, #tpu.memory_space<vmem>>, %arg3: memref<2000x1xf32, #tpu.memory_space<vmem>>, %arg4: memref<2000x128xf32, #tpu.memory_space<vmem>>) attributes {dimension_semantics = [#tpu.dimension_semantics<arbitrary>], iteration_bounds = array<i64: 5>, scalar_prefetch = 0 : i64, scratch_operands = 0 : i64, tpu.core_type = #tpu.core_type<tc>, window_params = [{transform_indices = @transform_0, window_bounds = array<i64: 2000, 128>}, {pipeline_mode = #tpu.pipeline_mode<synchronous>, transform_indices = @transform_1, window_bounds = array<i64: 128, 128>}, {transform_indices = @transform_2, window_bounds = array<i64: 2000, 1>}, {transform_indices = @transform_3, window_bounds = array<i64: 2000, 128>}]} {
    %get3A = arith.constant 0 : index
    %get3A_0 = arith.constant 0 : index
    %get3A_1 = vector.load %arg1[%get3A, %get3A_0] : memref<2000x128xf32, #tpu.memory_space<vmem>>, vector<2000x128xf32>
    %get3A_2 = arith.constant 0 : index
    %get3A_3 = arith.constant 0 : index
    %get3A_4 = vector.load %arg2[%get3A_2, %get3A_3] : memref<128x128xf32, #tpu.memory_space<vmem>>, vector<128x128xf32>
    %dot_general3A = arith.constant dense<0.000000e+00> : vector<2000x128xf32>
    %dot_general3A_5 = tpu.matmul %get3A_1, %get3A_4, %dot_general3A {dimension_numbers = #tpu.dot_dimension_numbers<[1], [0], [0], [1], [0, 0, 1, 1], [], []>, transpose_lhs_hint = false} : vector<2000x128xf32>, vector<128x128xf32>, vector<2000x128xf32> -> vector<2000x128xf32>
    %get3A_6 = arith.constant 0 : index
    %get3A_7 = arith.constant 0 : index
    %get3A_8 = vector.load %arg3[%get3A_6, %get3A_7] : memref<2000x1xf32, #tpu.memory_space<vmem>>, vector<2000x1xf32>
    %mul3A = vector.broadcast %get3A_8 : vector<2000x1xf32> to vector<2000x128xf32>
    %mul3A_9 = arith.mulf %mul3A, %dot_general3A_5 : vector<2000x128xf32>
    %swap3A = arith.constant 0 : index
    %swap3A_10 = arith.constant 0 : index
    %swap3A_11 = vector.load %arg4[%swap3A, %swap3A_10] : memref<2000x128xf32, #tpu.memory_space<vmem>>, vector<2000x128xf32>
    tpu.vector_store %arg4[%swap3A, %swap3A_10], %mul3A_9 {strides = array<i32>} : memref<2000x128xf32, #tpu.memory_space<vmem>>, vector<2000x128xf32>,
    return
  }
  func.func @transform_0(%arg0: i32) -> (i32, i32) {
    %c0_i32 = arith.constant 0 : i32
    %c0_i32_0 = arith.constant 0 : i32
    return %arg0, %c0_i32 : i32, i32
  }
  func.func @transform_1(%arg0: i32) -> (i32, i32) {
    %c0_i32 = arith.constant 0 : i32
    %c0_i32_0 = arith.constant 0 : i32
    %c0_i32_1 = arith.constant 0 : i32
    return %c0_i32, %c0_i32_0 : i32, i32
  }
  func.func @transform_2(%arg0: i32) -> (i32, i32) {
    %c0_i32 = arith.constant 0 : i32
    %c0_i32_0 = arith.constant 0 : i32
    return %arg0, %c0_i32 : i32, i32
  }
  func.func @transform_3(%arg0: i32) -> (i32, i32) {
    %c0_i32 = arith.constant 0 : i32
    %c0_i32_0 = arith.constant 0 : i32
    return %arg0, %c0_i32 : i32, i32
  }
}

module attributes {stable_mosaic.version = 14 : i64} {
  func.func @_combine_mm_body(%arg0: i32, %arg1: memref<2x2000x128xf32, #tpu.memory_space<vmem>>, %arg2: memref<2000x128xf32, #tpu.memory_space<vmem>>, %arg3: memref<2000x1xf32, #tpu.memory_space<vmem>>, %arg4: memref<1x128xf32, #tpu.memory_space<vmem>>, %arg5: memref<128x128xf32, #tpu.memory_space<vmem>>, %arg6: memref<2000x128xf32, #tpu.memory_space<vmem>>) attributes {dimension_semantics = [#tpu.dimension_semantics<arbitrary>], iteration_bounds = array<i64: 5>, scalar_prefetch = 0 : i64, scratch_operands = 0 : i64, tpu.core_type = #tpu.core_type<tc>, window_params = [{transform_indices = @transform_0, window_bounds = array<i64: 2, 2000, 128>}, {transform_indices = @transform_1, window_bounds = array<i64: 2000, 128>}, {transform_indices = @transform_2, window_bounds = array<i64: 2000, 1>}, {pipeline_mode = #tpu.pipeline_mode<synchronous>, transform_indices = @transform_3, window_bounds = array<i64: 1, 128>}, {pipeline_mode = #tpu.pipeline_mode<synchronous>, transform_indices = @transform_4, window_bounds = array<i64: 128, 128>}, {transform_indices = @transform_5, window_bounds = array<i64: 2000, 128>}]} {
    %get3A = arith.constant 0 : index
    %get3A_0 = arith.constant 0 : index
    %get3A_1 = vector.load %arg3[%get3A, %get3A_0] : memref<2000x1xf32, #tpu.memory_space<vmem>>, vector<2000x1xf32>
    %get3A_2 = arith.constant 0 : index
    %get3A_3 = arith.constant 0 : index
    %get3A_4 = arith.constant 0 : index
    %get3A_5 = vector.load %arg1[%get3A_2, %get3A_3, %get3A_4] : memref<2x2000x128xf32, #tpu.memory_space<vmem>>, vector<1x2000x128xf32>
    %get3A_6 = vector.shape_cast %get3A_5 : vector<1x2000x128xf32> to vector<2000x128xf32>
    %get3A_7 = arith.constant 1 : index
    %get3A_8 = arith.constant 0 : index
    %get3A_9 = arith.constant 0 : index
    %get3A_10 = vector.load %arg1[%get3A_7, %get3A_8, %get3A_9] : memref<2x2000x128xf32, #tpu.memory_space<vmem>>, vector<1x2000x128xf32>
    %get3A_11 = vector.shape_cast %get3A_10 : vector<1x2000x128xf32> to vector<2000x128xf32>
    %add3A = arith.addf %get3A_6, %get3A_11 : vector<2000x128xf32>
    %get3A_12 = arith.constant 0 : index
    %get3A_13 = arith.constant 0 : index
    %get3A_14 = vector.load %arg2[%get3A_12, %get3A_13] : memref<2000x128xf32, #tpu.memory_space<vmem>>, vector<2000x128xf32>
    %add3A_15 = arith.addf %add3A, %get3A_14 : vector<2000x128xf32>
    %mul3A = vector.broadcast %get3A_1 : vector<2000x1xf32> to vector<2000x128xf32>
    %mul3A_16 = arith.mulf %mul3A, %add3A_15 : vector<2000x128xf32>
    %get3A_17 = arith.constant 0 : index
    %get3A_18 = arith.constant 0 : index
    %get3A_19 = vector.load %arg4[%get3A_17, %get3A_18] : memref<1x128xf32, #tpu.memory_space<vmem>>, vector<1x128xf32>
    %add3A_20 = vector.broadcast %get3A_19 : vector<1x128xf32> to vector<2000x128xf32>
    %add3A_21 = arith.addf %mul3A_16, %add3A_20 : vector<2000x128xf32>
    %max3A = arith.constant 0.000000e+00 : f32
    %max3A_22 = vector.broadcast %max3A : f32 to vector<2000x128xf32>
    %max3A_23 = arith.maximumf %add3A_21, %max3A_22 : vector<2000x128xf32>
    %get3A_24 = arith.constant 0 : index
    %get3A_25 = arith.constant 0 : index
    %get3A_26 = vector.load %arg5[%get3A_24, %get3A_25] : memref<128x128xf32, #tpu.memory_space<vmem>>, vector<128x128xf32>
    %dot_general3A = arith.constant dense<0.000000e+00> : vector<2000x128xf32>
    %dot_general3A_27 = tpu.matmul %max3A_23, %get3A_26, %dot_general3A {dimension_numbers = #tpu.dot_dimension_numbers<[1], [0], [0], [1], [0, 0, 1, 1], [], []>, transpose_lhs_hint = false} : vector<2000x128xf32>, vector<128x128xf32>, vector<2000x128xf32> -> vector<2000x128xf32>
    %get3A_28 = arith.constant 0 : index
    %get3A_29 = arith.constant 0 : index
    %get3A_30 = vector.load %arg3[%get3A_28, %get3A_29] : memref<2000x1xf32, #tpu.memory_space<vmem>>, vector<2000x1xf32>
    %mul3A_31 = vector.broadcast %get3A_30 : vector<2000x1xf32> to vector<2000x128xf32>
    %mul3A_32 = arith.mulf %mul3A_31, %dot_general3A_27 : vector<2000x128xf32>
    %swap3A = arith.constant 0 : index
    %swap3A_33 = arith.constant 0 : index
    %swap3A_34 = vector.load %arg6[%swap3A, %swap3A_33] : memref<2000x128xf32, #tpu.memory_space<vmem>>, vector<2000x128xf32>
    tpu.vector_store %arg6[%swap3A, %swap3A_33], %mul3A_32 {strides = array<i32>} : memref<2000x128xf32, #tpu.memory_space<vmem>>, vector<2000x128xf32>,
    return
  }
  func.func @transform_0(%arg0: i32) -> (i32, i32, i32) {
    %c0_i32 = arith.constant 0 : i32
    %c0_i32_0 = arith.constant 0 : i32
    %c0_i32_1 = arith.constant 0 : i32
    return %c0_i32, %arg0, %c0_i32_0 : i32, i32, i32
  }
  func.func @transform_1(%arg0: i32) -> (i32, i32) {
    %c0_i32 = arith.constant 0 : i32
    %c0_i32_0 = arith.constant 0 : i32
    return %arg0, %c0_i32 : i32, i32
  }
  func.func @transform_2(%arg0: i32) -> (i32, i32) {
    %c0_i32 = arith.constant 0 : i32
    %c0_i32_0 = arith.constant 0 : i32
    return %arg0, %c0_i32 : i32, i32
  }
  func.func @transform_3(%arg0: i32) -> (i32, i32) {
    %c0_i32 = arith.constant 0 : i32
    %c0_i32_0 = arith.constant 0 : i32
    %c0_i32_1 = arith.constant 0 : i32
    return %c0_i32, %c0_i32_0 : i32, i32
  }
  func.func @transform_4(%arg0: i32) -> (i32, i32) {
    %c0_i32 = arith.constant 0 : i32
    %c0_i32_0 = arith.constant 0 : i32
    %c0_i32_1 = arith.constant 0 : i32
    return %c0_i32, %c0_i32_0 : i32, i32
  }
  func.func @transform_5(%arg0: i32) -> (i32, i32) {
    %c0_i32 = arith.constant 0 : i32
    %c0_i32_0 = arith.constant 0 : i32
    return %arg0, %c0_i32 : i32, i32
  }
}

module attributes {stable_mosaic.version = 14 : i64} {
  func.func @_head_body(%arg0: i32, %arg1: memref<2x2000x128xf32, #tpu.memory_space<vmem>>, %arg2: memref<2000x128xf32, #tpu.memory_space<vmem>>, %arg3: memref<2000x1xf32, #tpu.memory_space<vmem>>, %arg4: memref<1x128xf32, #tpu.memory_space<vmem>>, %arg5: memref<128x128xf32, #tpu.memory_space<vmem>>, %arg6: memref<1x128xf32, #tpu.memory_space<vmem>>, %arg7: memref<1x128xf32, #tpu.memory_space<vmem>>, %arg8: memref<1x128xf32, #tpu.memory_space<vmem>>) attributes {dimension_semantics = [#tpu.dimension_semantics<arbitrary>], iteration_bounds = array<i64: 5>, scalar_prefetch = 0 : i64, scratch_operands = 1 : i64, tpu.core_type = #tpu.core_type<tc>, window_params = [{transform_indices = @transform_0, window_bounds = array<i64: 2, 2000, 128>}, {transform_indices = @transform_1, window_bounds = array<i64: 2000, 128>}, {transform_indices = @transform_2, window_bounds = array<i64: 2000, 1>}, {pipeline_mode = #tpu.pipeline_mode<synchronous>, transform_indices = @transform_3, window_bounds = array<i64: 1, 128>}, {pipeline_mode = #tpu.pipeline_mode<synchronous>, transform_indices = @transform_4, window_bounds = array<i64: 128, 128>}, {pipeline_mode = #tpu.pipeline_mode<synchronous>, transform_indices = @transform_5, window_bounds = array<i64: 1, 128>}, {pipeline_mode = #tpu.pipeline_mode<synchronous>, transform_indices = @transform_6, window_bounds = array<i64: 1, 128>}]} {
    %get3A = arith.constant 0 : index
    %get3A_0 = arith.constant 0 : index
    %get3A_1 = vector.load %arg3[%get3A, %get3A_0] : memref<2000x1xf32, #tpu.memory_space<vmem>>, vector<2000x1xf32>
    %get3A_2 = arith.constant 0 : index
    %get3A_3 = arith.constant 0 : index
    %get3A_4 = arith.constant 0 : index
    %get3A_5 = vector.load %arg1[%get3A_2, %get3A_3, %get3A_4] : memref<2x2000x128xf32, #tpu.memory_space<vmem>>, vector<1x2000x128xf32>
    %get3A_6 = vector.shape_cast %get3A_5 : vector<1x2000x128xf32> to vector<2000x128xf32>
    %get3A_7 = arith.constant 1 : index
    %get3A_8 = arith.constant 0 : index
    %get3A_9 = arith.constant 0 : index
    %get3A_10 = vector.load %arg1[%get3A_7, %get3A_8, %get3A_9] : memref<2x2000x128xf32, #tpu.memory_space<vmem>>, vector<1x2000x128xf32>
    %get3A_11 = vector.shape_cast %get3A_10 : vector<1x2000x128xf32> to vector<2000x128xf32>
    %add3A = arith.addf %get3A_6, %get3A_11 : vector<2000x128xf32>
    %get3A_12 = arith.constant 0 : index
    %get3A_13 = arith.constant 0 : index
    %get3A_14 = vector.load %arg2[%get3A_12, %get3A_13] : memref<2000x128xf32, #tpu.memory_space<vmem>>, vector<2000x128xf32>
    %add3A_15 = arith.addf %add3A, %get3A_14 : vector<2000x128xf32>
    %mul3A = vector.broadcast %get3A_1 : vector<2000x1xf32> to vector<2000x128xf32>
    %mul3A_16 = arith.mulf %mul3A, %add3A_15 : vector<2000x128xf32>
    %reduce_sum3A = arith.constant dense<0.000000e+00> : vector<128xf32>
    %reduce_sum3A_17 = vector.multi_reduction <add>, %mul3A_16, %reduce_sum3A [0] : vector<2000x128xf32> to vector<128xf32>
    %broadcast_in_dim3A = vector.shape_cast %reduce_sum3A_17 : vector<128xf32> to vector<1x128xf32>
    %eq3A = arith.constant 0 : i32
    %eq3A_18 = arith.cmpi eq, %arg0, %eq3A : i32
    %get3A_19 = arith.constant 0 : index
    %get3A_20 = arith.constant 0 : index
    %get3A_21 = vector.load %arg8[%get3A_19, %get3A_20] : memref<1x128xf32, #tpu.memory_space<vmem>>, vector<1x128xf32>
    %add3A_22 = arith.addf %get3A_21, %broadcast_in_dim3A : vector<1x128xf32>
    %select_n3A = arith.select %eq3A_18, %broadcast_in_dim3A, %add3A_22 : vector<1x128xf32>
    %swap3A = arith.constant 0 : index
    %swap3A_23 = arith.constant 0 : index
    %swap3A_24 = vector.load %arg8[%swap3A, %swap3A_23] : memref<1x128xf32, #tpu.memory_space<vmem>>, vector<1x128xf32>
    tpu.vector_store %arg8[%swap3A, %swap3A_23], %select_n3A {strides = array<i32>} : memref<1x128xf32, #tpu.memory_space<vmem>>, vector<1x128xf32>,
    %eq3A_25 = arith.constant 4 : i32
    %eq3A_26 = arith.cmpi eq, %arg0, %eq3A_25 : i32
    %convert_element_type3A = arith.extui %eq3A_26 : i1 to i32
    %cond3A = arith.constant 0 : i32
    %cond3A_27 = arith.cmpi ne, %convert_element_type3A, %cond3A : i32
    scf.if %cond3A_27 {
      %get3A_28 = arith.constant 0 : index
      %get3A_29 = arith.constant 0 : index
      %get3A_30 = vector.load %arg8[%get3A_28, %get3A_29] : memref<1x128xf32, #tpu.memory_space<vmem>>, vector<1x128xf32>
      %mul3A_31 = arith.constant 9.99999974E-5 : f32
      %mul3A_32 = vector.broadcast %mul3A_31 : f32 to vector<1x128xf32>
      %mul3A_33 = arith.mulf %get3A_30, %mul3A_32 : vector<1x128xf32>
      %get3A_34 = arith.constant 0 : index
      %get3A_35 = arith.constant 0 : index
      %get3A_36 = vector.load %arg4[%get3A_34, %get3A_35] : memref<1x128xf32, #tpu.memory_space<vmem>>, vector<1x128xf32>
      %add3A_37 = arith.addf %mul3A_33, %get3A_36 : vector<1x128xf32>
      %get3A_38 = arith.constant 0 : index
      %get3A_39 = arith.constant 0 : index
      %get3A_40 = vector.load %arg5[%get3A_38, %get3A_39] : memref<128x128xf32, #tpu.memory_space<vmem>>, vector<128x128xf32>
      %dot_general3A = arith.constant dense<0.000000e+00> : vector<1x128xf32>
      %dot_general3A_41 = tpu.matmul %add3A_37, %get3A_40, %dot_general3A {dimension_numbers = #tpu.dot_dimension_numbers<[1], [0], [0], [1], [0, 0, 1, 1], [], []>, transpose_lhs_hint = false} : vector<1x128xf32>, vector<128x128xf32>, vector<1x128xf32> -> vector<1x128xf32>
      %get3A_42 = arith.constant 0 : index
      %get3A_43 = arith.constant 0 : index
      %get3A_44 = vector.load %arg6[%get3A_42, %get3A_43] : memref<1x128xf32, #tpu.memory_space<vmem>>, vector<1x128xf32>
      %add3A_45 = arith.addf %dot_general3A_41, %get3A_44 : vector<1x128xf32>
      %swap3A_46 = arith.constant 0 : index
      %swap3A_47 = arith.constant 0 : index
      %swap3A_48 = vector.load %arg7[%swap3A_46, %swap3A_47] : memref<1x128xf32, #tpu.memory_space<vmem>>, vector<1x128xf32>
      tpu.vector_store %arg7[%swap3A_46, %swap3A_47], %add3A_45 {strides = array<i32>} : memref<1x128xf32, #tpu.memory_space<vmem>>, vector<1x128xf32>,
    } else {
    }
    return
  }
  func.func @transform_0(%arg0: i32) -> (i32, i32, i32) {
    %c0_i32 = arith.constant 0 : i32
    %c0_i32_0 = arith.constant 0 : i32
    %c0_i32_1 = arith.constant 0 : i32
    return %c0_i32, %arg0, %c0_i32_0 : i32, i32, i32
  }
  func.func @transform_1(%arg0: i32) -> (i32, i32) {
    %c0_i32 = arith.constant 0 : i32
    %c0_i32_0 = arith.constant 0 : i32
    return %arg0, %c0_i32 : i32, i32
  }
  func.func @transform_2(%arg0: i32) -> (i32, i32) {
    %c0_i32 = arith.constant 0 : i32
    %c0_i32_0 = arith.constant 0 : i32
    return %arg0, %c0_i32 : i32, i32
  }
  func.func @transform_3(%arg0: i32) -> (i32, i32) {
    %c0_i32 = arith.constant 0 : i32
    %c0_i32_0 = arith.constant 0 : i32
    %c0_i32_1 = arith.constant 0 : i32
    return %c0_i32, %c0_i32_0 : i32, i32
  }
  func.func @transform_4(%arg0: i32) -> (i32, i32) {
    %c0_i32 = arith.constant 0 : i32
    %c0_i32_0 = arith.constant 0 : i32
    %c0_i32_1 = arith.constant 0 : i32
    return %c0_i32, %c0_i32_0 : i32, i32
  }
  func.func @transform_5(%arg0: i32) -> (i32, i32) {
    %c0_i32 = arith.constant 0 : i32
    %c0_i32_0 = arith.constant 0 : i32
    %c0_i32_1 = arith.constant 0 : i32
    return %c0_i32, %c0_i32_0 : i32, i32
  }
  func.func @transform_6(%arg0: i32) -> (i32, i32) {
    %c0_i32 = arith.constant 0 : i32
    %c0_i32_0 = arith.constant 0 : i32
    %c0_i32_1 = arith.constant 0 : i32
    return %c0_i32, %c0_i32_0 : i32, i32
  }
}

</mosaic_0001>

<sc_bundles>
// kernel: kernel.11.cloned.1.call-start
scs
__scs_entry_jumppad:
0x0: {  	(pc) =	sbr.rel $0x88, $3  }
0x1: {  	(tag) =	ssettag $0x0;
	lr =	simm.s32 $0x1  }
0x2: {  	[smem:$0x3F97] =	sst lr;
	_ =	strace $0xD0000000  }
0x3: {  	_ = 	snop  }
0x4: {  	_ = 	snop  }
0x5: {  	_ = 	snop  }
0x6: {  	_ = 	snop  }
0x7: {  	_ = 	snop  }
__scs_overlays_trampoline_lowered:
0x8: {  	[smem:$0x3FA6] =	sst s0  }
0x9: {  	[smem:$0x3FA7] =	sst s1  }
0xa: {  	[smem:$0x3FA8] =	sst s2  }
0xb: {  	[smem:$0x3FA9] =	sst s3  }
0xc: {  	[smem:$0x3FAA] =	sst s4  }
0xd: {  	[smem:$0x3FAB] =	sst s5  }
0xe: {  	[smem:$0x3FAC] =	sst s6  }
0xf: {  	[smem:$0x3FAD] =	sst s7  }
0x10: {  	[smem:$0x3FAE] =	sst s8  }
0x11: {  	[smem:$0x3FAF] =	sst s9;
	s0 =	simm.s32 @!p0 $0x0  }
0x12: {  	s1 =	sld [smem:$0x3F95];
	s0 =	simm.s32 @p0 $0x1  }
0x13: {  	[smem:$0x3FB0] =	sst s0;
	s0 =	simm.s32 @!p1 $0x0  }
0x14: {  	s2 =	sld [smem:$0x3F94];
	s0 =	simm.s32 @p1 $0x1  }
0x15: {  	[smem:$0x3FB1] =	sst s0;
	s0 =	simm.s32 @!p2 $0x0  }
0x16: {  	s3 =	sld [smem:$0x3FDB];
	s0 =	simm.s32 @p2 $0x1  }
0x17: {  	s4 =	simm.s32 $0x1BF5;
	[smem:$0x3FB3] =	sst s0  }
0x18: {  	s0 =	sld [smem:$0x3F96];
	_ =	swait.ge [sflag:s4], $0x0  }
0x19: {  	s7 =	sld [smem:$0x3F97]  }
0x1a: {  	s8 =	sadd.s32 $0xFFFFE003, lr  }
0x1b: {  	s9 =	sadd.s32 $0xFFFFFEF7, lr;
	s5 =	simm.s32 $0xFFFFFFFF;
	p2 =	slt.u32 s8, $0xFFFFF086  }
0x1c: {  	p1 =	slt.u32 s9, $0xF7A;
	s5 =	simm.s32 @!p2 $0x0  }
0x1d: {  	s5 =	simm.s32 @p1 $0x1;
	p0 =	seq.s32 s7, s2  }
0x1e: {  	s7 =	smul.u32 @!p0 $0xF7A, s2;
	p2 =	seq.s32 @!p0 s5, $0x0  }
0x1f: {  	s9 =	smul.u32 $0xF7A, s1;
	s8 =	simm.s32 @!p0 $0x1BF5;
	p2 =	por !p2, p0  }
0x20: {  	[sflag:s8] =	ssyncset.s32 @!p0 $0xFFFFF086;
	s6 =	sadd.s32 @!p0 s3, s7;
	s7 =	simm.s32 @!p0 $0x108  }
0x21: {  	s3 =	sadd.s32 s3, s9;
	s6 =	sadd.s32 @!p0 $0x88, s6;
	s7 =	simm.s32 @p2 $0x1082  }
0x22: {  	[simem:s7], [sflag:s8] =	dma.local @!p0 [hbm:s6], $0xF7A  }
0x23: {  	s9 =	sor.u32 $0xD0000000, s2;
	s6 =	simm.s32 $0x108;
	_ =	swait.ge @!p0 [sflag:s8], $0x0  }
0x24: {  	s3 =	sadd.s32 $0x88, s3;
	s6 =	simm.s32 @!p1 $0x1082;
	[sflag:s4] =	ssyncset.s32 $0xFFFFF086  }
0x25: {  	[simem:s6], [sflag:s4] =	dma.local [hbm:s3], $0xF7A  }
0x26: {  	[smem:$0x3F97] =	sst s1;
	(tag) =	ssettag s2;
	_ =	strace s9  }
0x27: {  	s1 =	sld [smem:$0x3FA7]  }
0x28: {  	s2 =	sld [smem:$0x3FA8]  }
0x29: {  	s4 =	sld [smem:$0x3FAA]  }
0x2a: {  	p0 =	seq.s32 s5, $0x0;
	s5 =	sld [smem:$0x3FAB]  }
0x2b: {  	s6 =	sld [smem:$0x3FAC]  }
0x2c: {  	s7 =	sld [smem:$0x3FAD]  }
0x2d: {  	s3 =	simm.s32 $0x108;
	s8 =	sld [smem:$0x3FAE]  }
0x2e: {  	s3 =	simm.s32 @!p0 $0x1082;
	s9 =	sld [smem:$0x3FAF]  }
0x2f: {  	lr =	sadd.s32 s0, s3;
	s0 =	sld [smem:$0x3FA6]  }
0x30: {  	s3 =	sld [smem:$0x3FA9]  }
0x31: {  	[smem:$0x3FB2] =	sst s10  }
0x32: {  	s10 =	sld [smem:$0x3FB0];
	_ =	sdelay $0x3  }
0x33: {  	p0 =	seq.s32 s10, $0x1;
	s10 =	sld [smem:$0x3FB2];
	_ =	sdelay $0x3  }
0x34: {  	[smem:$0x3FB2] =	sst s10  }
0x35: {  	s10 =	sld [smem:$0x3FB1];
	_ =	sdelay $0x3  }
0x36: {  	p1 =	seq.s32 s10, $0x1;
	s10 =	sld [smem:$0x3FB2];
	_ =	sdelay $0x3  }
0x37: {  	[smem:$0x3FB2] =	sst s10  }
0x38: {  	s10 =	sld [smem:$0x3FB3]  }
0x39: {  	_ = 	snop;
	(pc) =	sbr.ind lr, $3  }
0x3a: {  	_ = 	snop  }
0x3b: {  	_ = 	snop  }
0x3c: {  	p2 =	seq.s32 s10, $0x1;
	s10 =	sld [smem:$0x3FB2]  }
0x3d: {  	_ =	shalt  }
0x3e: {  	_ =	shalt  }
0x3f: {  	_ =	shalt  }
0x40: {  	_ =	shalt  }
0x41: {  	_ =	shalt  }
0x42: {  	_ =	shalt  }
0x43: {  	_ =	shalt  }
0x44: {  	_ =	shalt  }
0x45: {  	_ =	shalt  }
0x46: {  	_ =	shalt  }
0x47: {  	_ =	shalt  }
0x48: {  	_ =	shalt  }
0x49: {  	_ =	shalt  }
0x4a: {  	_ =	shalt  }
0x4b: {  	_ =	shalt  }
0x4c: {  	_ =	shalt  }
0x4d: {  	_ =	shalt  }
0x4e: {  	_ =	shalt  }
0x4f: {  	_ =	shalt  }
0x50: {  	_ =	shalt  }
0x51: {  	_ =	shalt  }
0x52: {  	_ =	shalt  }
0x53: {  	_ =	shalt  }
0x54: {  	_ =	shalt  }
0x55: {  	_ =	shalt  }
0x56: {  	_ =	shalt  }
0x57: {  	_ =	shalt  }
0x58: {  	_ =	shalt  }
0x59: {  	_ =	shalt  }
0x5a: {  	_ =	shalt  }
0x5b: {  	_ =	shalt  }
0x5c: {  	_ =	shalt  }
0x5d: {  	_ =	shalt  }
0x5e: {  	_ =	shalt  }
0x5f: {  	_ =	shalt  }
0x60: {  	_ =	shalt  }
0x61: {  	_ =	shalt  }
0x62: {  	_ =	shalt  }
0x63: {  	_ =	shalt  }
0x64: {  	_ =	shalt  }
0x65: {  	_ =	shalt  }
0x66: {  	_ =	shalt  }
0x67: {  	_ =	shalt  }
0x68: {  	_ =	shalt  }
0x69: {  	_ =	shalt  }
0x6a: {  	_ =	shalt  }
0x6b: {  	_ =	shalt  }
0x6c: {  	_ =	shalt  }
0x6d: {  	_ =	shalt  }
0x6e: {  	_ =	shalt  }
0x6f: {  	_ =	shalt  }
0x70: {  	_ =	shalt  }
0x71: {  	_ =	shalt  }
0x72: {  	_ =	shalt  }
0x73: {  	_ =	shalt  }
0x74: {  	_ =	shalt  }
0x75: {  	_ =	shalt  }
0x76: {  	_ =	shalt  }
0x77: {  	_ =	shalt  }
0x78: {  	_ =	shalt  }
0x79: {  	_ =	shalt  }
0x7a: {  	_ =	shalt  }
0x7b: {  	_ =	shalt  }
0x7c: {  	_ =	shalt  }
0x7d: {  	_ =	shalt  }
0x7e: {  	_ =	shalt  }
0x7f: {  	_ =	shalt  }
0x80: {  	_ =	shalt  }
0x81: {  	_ =	shalt  }
0x82: {  	_ =	shalt  }
0x83: {  	_ =	shalt  }
0x84: {  	_ =	shalt  }
0x85: {  	_ =	shalt  }
0x86: {  	_ =	shalt  }
0x87: {  	_ =	shalt  }
.Lfunc_end0:
.L_simem_size_0:
called_computation_lowered:
.L_overlay_start_0:
0x88: {  	s2 =	sld [smem:$0x3FD9]  }
0x89: {  	s3 =	sld [smem:$0x3FFE];
	_ =	sdelay $0x1  }
0x8a: {  	s1 =	srdreg.scid  }
0x8b: {  	s0 =	sand.u32 $0x1, s1  }
0x8c: {  	s16 =	sshll.u32 s0, $0xA;
	s2 =	sadd.s32 s3, s2  }
0x8d: {  	s2 =	sadd.s32 s2, s16  }
0x8e: {  	[smem:$0x3FBE] =	sst s2  }
0x8f: {  	_ = 	snop  }
0x90: {  	(tm) =	ssettm $0x1  }
0x91: {  	s17 =	sld [smem:$0x3FFB];
	_ =	sdelay $0x3  }
0x92: {  	_ =	strace s17  }
0x93: {  	s2 =	sld [smem:$0x3FFC];
	_ =	sdelay $0x3  }
0x94: {  	_ =	strace s2  }
0x95: {  	s2 =	sld [smem:$0x3FFD];
	_ =	sdelay $0x3  }
0x96: {  	_ =	strace s2  }
0x97: {  	_ =	strace $0x8FFFFFFF  }
0x98: {  	s18 =	sld [smem:$0x3FDB];
	_ =	sdelay $0x1  }
0x99: {  	s19 =	simm.s32 $_scs_section_size  }
0x9a: {  	s4 =	simm.s32 $_size__tile_overlayer_lowered;
	s5 =	simm.s32 $_tile_overlayer_lowered  }
0x9b: {  	s22 =	simm.s32 $0x1BFF;
	s21 =	sshll.u32 s5, $0x1;
	s2 =	sadd.s32 s19, s18  }
0x9c: {  	s6 =	simm.s32 $0x0;
	s20 =	sshll.u32 s4, $0x1;
	s4 =	sadd.s32 s21, s2  }
0x9d: {  	[timem:s6], [sflag:s22] =	dma.local [hbm:s4], s20  }
0x9e: {  	_ =	swait.ge [sflag:s22], s20  }
0x9f: {  	s3 =	ssub.s32 $0x0, s20;
	[sflag:s22] =	ssyncset.done $0x0  }
0xa0: {  	[sflag:s22] =	ssyncadd.s32 s3;
	_ =	sdelay $0x1  }
0xa1: {  	s23 =	simm.s32 $0x1B8B  }
0xa2: {  	_ =	swait.ge [sflag:s23], $0x1  }
0xa3: {  	[sflag:s23] =	ssyncset.done $0x0  }
0xa4: {  	s25 =	simm.s32 $0x1B8E;
	s24 =	sld [smem:$0x3FFE];
	[sflag:s23] =	ssyncadd.s32 $0xFFFFFFFF  }
0xa5: {  	s26 =	simm.s32 $execute0_lowered;
	[smem:$0x3FD2] =	sst s25  }
0xa6: {  	s4 =	sshll.u32 s26, $0x1;
	_ =	strace $0x80000046;
	[dreg:$0x1] =	wrdreg $0xFFFFFFFF  }
0xa7: {  	s28 =	simm.s32 $_size_execute0_lowered;
	s2 =	sadd.s32 s2, s4;
	[dreg:$0x0] =	wrdreg $0x0  }
0xa8: {  	s4 =	sshll.u32 s28, $0x1;
	[dreg:$0x2] =	wrdreg s2  }
0xa9: {  	[dreg:$0x3] =	wrdreg s4  }
0xaa: {  	[dreg:$0x4] =	wrdreg $0xC0  }
0xab: {  	_ =	task [dreg:s6], $0x5FFFF  }
0xac: {  	[dreg:$0x1] =	wrdreg $0xFFFFFFFF  }
0xad: {  	[dreg:$0x0] =	wrdreg $0x60  }
0xae: {  	[dreg:$0x2] =	wrdreg s24  }
0xaf: {  	[dreg:$0x3] =	wrdreg $0x0  }
0xb0: {  	[dreg:$0x4] =	wrdreg $0x9  }
0xb1: {  	_ =	task.clear_ibuf [dreg:s6], $0x5FFFF;
	_ =	strace $0x90000046  }
0xb2: {  	s29 =	simm.s32 $0x9;
	_ =	strace $0x80000048  }
0xb3: {  	_ =	swait.ge [sflag:s29], $0x1  }
0xb4: {  	[sflag:s29] =	ssyncadd.s32 $0xFFFFFFFF  }
0xb5: {  	_ =	strace $0x90000048  }
0xb6: {  	_ =	sfence  }
0xb7: {  	s30 =	sld [smem:$0x0];
	_ =	sdelay $0x2  }
0xb8: {  	s31 =	sshll.u32 s1, $0xD;
	s1 =	sshrl.u32 s1, $0x2  }
0xb9: {  	s3 =	sand.u32 $0x4000, s31;
	s1 =	sadd.s32 s1, s30  }
0xba: {  	s0 =	sor.u32 s3, s0;
	s1 =	sshll.u32 s1, $0x11  }
0xbb: {  	s0 =	sor.u32 s1, s0  }
0xbc: {  	s0 =	sadd.s32 $0x8F2B, s0  }
0xbd: {  	[sflag:s0] =	ssyncadd.remote.s32 $0x1  }
0xbe: {  	_ =	sfence.sel $0xFFFF  }
0xbf: {  	[dreg:$0x0] =	wrdreg $0xFFFFFFFF;
	(pc) =	sbr.abs _section_cstart, $3  }
0xc0: {  	[dreg:$0x1] =	wrdreg $0xFFFFFFFF  }
0xc1: {  	_ =	task.clear_ibuf [dreg:s6], $0x2FFFF;
	_ =	strace $0x9FFFFFFF  }
0xc2: {  	(tm) =	ssettm $0x7FFFFFFF  }
0xc3: {  	_ =	shalt  }
tec
execute0_lowered:
.L_overlay_start_1:
0x0: {  	(tag) =	ssettag $0x1  }
0x1: {  	s6 =	rddreg [dreg:$0x0]  }
0x2: {  	s0 =	srdreg.scid;
	s2 =	rddreg [dreg:$0x1];
	s3 =	simm.s32 $0x0  }
0x3: {  	s14 =	simm.s32 $0x80;
	s5 =	sand.u32 $0x1, s0;
	s0 =	stileid.u32  }
0x4: {  	s15 =	simm.s32 $0x0;
	[smem:$0x7FF] =	sst s3;
	s7 =	smul.u32 $0x140000, s5  }
0x5: {  	s1 =	sshll.u32 s5, $0x4;
	s8 =	smul.u32 $0x14000, s0;
	s31 =	ssub.s32 $0x2, s5  }
0x6: {  	s10 =	smul.u32 $0x50000, s0;
	s5 =	sadd.s32 $0x19000, s6;
	s12 =	sshll.u32 s0, $0x6  }
0x7: {  	s1 =	sor.u32 s0, s1;
	s11 =	sshrl.u32 s31, $0x1;
	s12 =	sor.u32 $0x1C01, s12  }
0x8: {  	s4 =	smul.u32 $0xA80, s1;
	s1 =	rddreg [dreg:$0x2];
	_ =	strace $0x80000047  }
0x9: {  	s7 =	sadd.s32 s8, s7;
	s8 =	ssub.s32 s31, s11;
	s10 =	sshrl.u32 s10, $0x2  }
0xa: {  	s11 =	simm.s32 $0x6800;
	s7 =	sshrl.u32 s7, $0x3;
	s13 =	sadd.s32 s10, s2  }
0xb: {  	s8 =	smax.u32 s8, $0x1;
	s10 =	simm.s32 $0x1;
	s9 =	sadd.s32 s4, s6  }
0xc: {  	s4 =	sadd.s32 $0x18800, s6;
	s7 =	sadd.s32 s7, s6;
	s13 =	sshrl.u32 s13, $0x3  }
0xd: {  	s6 =	sadd.s32 $0x3800, s9;
	s7 =	sadd.s32 $0x1B800, s7;
	s9 =	simm.s32 $0x1400  }
.LBB2_1:
0xe: {  	[tilespmem:s9], [sflag:$0x1] =	stream.linear.gather [hbm4b:s6+s3], $0x5400, $0x38;
	[tilespmem:$0xA800] =	vst v63  }
0xf: {  	_ =	swait.ge [sflag:s10], $0x5400  }
0x10: {  	[sflag:s10] =	ssyncset.done $0x0  }
0x11: {  	[sflag:s10] =	ssyncadd.s32 $0xFFFFAC00  }
0x12: {  	[tilespmem:s11], [sflag:$0x1] =	stream.linear.gather [hbm4b:s4+s3], $0x4000, $0x38;
	[tilespmem:$0xA800] =	vst v63  }
0x13: {  	_ =	swait.ge [sflag:s10], $0x4000  }
0x14: {  	[sflag:s10] =	ssyncset.done $0x0  }
0x15: {  	[sflag:s10] =	ssyncadd.s32 $0xFFFFC000  }
0x16: {  	[spmem:s13], [sflag:s12] =	dma.local [hbm:s5], $0x2800  }
0x17: {  	_ =	swait.ge [sflag:s10], $0x2800  }
0x18: {  	[sflag:s10] =	ssyncset.done $0x0  }
0x19: {  	[sflag:s10] =	ssyncadd.s32 $0xFFFFD800  }
0x1a: {  	s16 =	simm.s32 $0x1480;
	[bflag:$0x0] =	sbarrier.arrive $0xFFFF  }
0x1b: {  	[spmem:s2] =	stream.indirect.scatter.add.f32 [tilespmem:s11], [sflag:$0x1], $0x8, s16, s14, $0xb8;
	[tilespmem:$0xA800] =	vst v63  }
0x1c: {  	s16 =	simm.s32 $0x600;
	_ =	swait.ge [sflag:s10], $0x400  }
.LBB2_2:
0x1d: {  	s17 =	sshra.s32 s16, $0x2;
	[sflag:s10] =	ssyncset.done $0x0;
	p0 =	sne.s32 s16, $0x14E00  }
.Ltmp0:
0x1e: {  	s17 =	sadd.s32 $0x1400, s17;
	[sflag:s10] =	ssyncadd.s32 $0xFFFFFC00;
	(pc) =	sbr.rel @p0 .LBB2_2-.Ltmp0, $3  }
0x1f: {  	[spmem:s2] =	stream.indirect.scatter.add.f32 [tilespmem:s11], [sflag:$0x1], $0x8, s17, s14, $0xb8;
	[tilespmem:$0xA800] =	vst v63  }
0x20: {  	s16 =	sadd.s32 $0x400, s16;
	_ =	sdelay $0x1  }
0x21: {  	_ =	swait.ge [sflag:s10], $0x400  }
0x22: {  	[sflag:s10] =	ssyncset.done $0x0;
	s15 =	sadd.s32 $0x1, s15  }
0x23: {  	[sflag:s10] =	ssyncadd.s32 $0xFFFFFC00;
	p0 =	sne.s32 s15, s8  }
.Ltmp1:
0x24: {  	[bflag:$0x0] =	sbarrier.arrive $0xFFFF;
	(pc) =	sbr.rel @p0 .LBB2_1-.Ltmp1, $4  }
0x25: {  	[hbm:s7], [sflag:s12] =	dma.local [spmem:s13], $0x2800  }
0x26: {  	_ =	swait.ge [sflag:s10], $0x2800  }
0x27: {  	[sflag:s10] =	ssyncset.done $0x0  }
0x28: {  	[sflag:s10] =	ssyncadd.s32 $0xFFFFD800  }
0x29: {  	_ =	sfence.sel $0x180000  }
0x2a: {  	[bflag:$0x0] =	sbarrier.arrive $0xFFFF  }
0x2b: {  	p0 =	sne.s32 s0, $0x0;
	_ =	strace $0x90000047  }
0x2c: {  	s0 =	sadd.s32 @!p0 $0x100000, s1;
	[bflag:$0x2] =	sbarrier.arrive $0xFFFF  }
0x2d: {  	[sflag:s0] =	ssyncadd.tile.s32 @!p0 $0x1;
	_ =	shalt  }
.Lfunc_end2:
_tile_overlayer_lowered:
.L_overlay_start_2:
0x2e: {  	(tag) =	ssettag $0x2  }
0x2f: {  	s0 =	rddreg [dreg:$0x0];
	s2 =	stileid.u32  }
0x30: {  	s1 =	rddreg [dreg:$0x1];
	p0 =	sne.s32 s2, $0x0  }
0x31: {  	s3 =	rddreg [dreg:$0x2];
	[bflag:$0x3] =	sbarrier.arrive $0xFFFF;
	s2 =	simm.s32 @!p0 $0x1C01  }
0x32: {  	[timem:s3], [sflag:s2] =	dma.local @!p0 [hbm:s0], s1  }
0x33: {  	s0 =	simm.s32 @!p0 $0x1  }
0x34: {  	_ =	swait.ge @!p0 [sflag:s0], s1  }
0x35: {  	s1 =	ssub.s32 @!p0 $0x0, s1;
	[sflag:s0] =	ssyncset.done @!p0 $0x0  }
0x36: {  	[sflag:s0] =	ssyncadd.s32 @!p0 s1  }
0x37: {  	[bflag:$0x3] =	sbarrier.arrive $0xFFFF  }
0x38: {  	_ =	shalt  }

// kernel: kernel.14.cloned.1.call-start
scs
__scs_entry_jumppad:
0x0: {  	(pc) =	sbr.rel $0x88, $3  }
0x1: {  	(tag) =	ssettag $0x0;
	lr =	simm.s32 $0x1  }
0x2: {  	[smem:$0x3F97] =	sst lr;
	_ =	strace $0xD0000000  }
0x3: {  	_ = 	snop  }
0x4: {  	_ = 	snop  }
0x5: {  	_ = 	snop  }
0x6: {  	_ = 	snop  }
0x7: {  	_ = 	snop  }
__scs_overlays_trampoline_lowered:
0x8: {  	[smem:$0x3FA6] =	sst s0  }
0x9: {  	[smem:$0x3FA7] =	sst s1  }
0xa: {  	[smem:$0x3FA8] =	sst s2  }
0xb: {  	[smem:$0x3FA9] =	sst s3  }
0xc: {  	[smem:$0x3FAA] =	sst s4  }
0xd: {  	[smem:$0x3FAB] =	sst s5  }
0xe: {  	[smem:$0x3FAC] =	sst s6  }
0xf: {  	[smem:$0x3FAD] =	sst s7  }
0x10: {  	[smem:$0x3FAE] =	sst s8  }
0x11: {  	[smem:$0x3FAF] =	sst s9;
	s0 =	simm.s32 @!p0 $0x0  }
0x12: {  	s1 =	sld [smem:$0x3F95];
	s0 =	simm.s32 @p0 $0x1  }
0x13: {  	[smem:$0x3FB0] =	sst s0;
	s0 =	simm.s32 @!p1 $0x0  }
0x14: {  	s2 =	sld [smem:$0x3F94];
	s0 =	simm.s32 @p1 $0x1  }
0x15: {  	[smem:$0x3FB1] =	sst s0;
	s0 =	simm.s32 @!p2 $0x0  }
0x16: {  	s3 =	sld [smem:$0x3FDB];
	s0 =	simm.s32 @p2 $0x1  }
0x17: {  	s4 =	simm.s32 $0x1BF5;
	[smem:$0x3FB3] =	sst s0  }
0x18: {  	s0 =	sld [smem:$0x3F96];
	_ =	swait.ge [sflag:s4], $0x0  }
0x19: {  	s7 =	sld [smem:$0x3F97]  }
0x1a: {  	s8 =	sadd.s32 $0xFFFFE003, lr  }
0x1b: {  	s9 =	sadd.s32 $0xFFFFFEF7, lr;
	s5 =	simm.s32 $0xFFFFFFFF;
	p2 =	slt.u32 s8, $0xFFFFF086  }
0x1c: {  	p1 =	slt.u32 s9, $0xF7A;
	s5 =	simm.s32 @!p2 $0x0  }
0x1d: {  	s5 =	simm.s32 @p1 $0x1;
	p0 =	seq.s32 s7, s2  }
0x1e: {  	s7 =	smul.u32 @!p0 $0xF7A, s2;
	p2 =	seq.s32 @!p0 s5, $0x0  }
0x1f: {  	s9 =	smul.u32 $0xF7A, s1;
	s8 =	simm.s32 @!p0 $0x1BF5;
	p2 =	por !p2, p0  }
0x20: {  	[sflag:s8] =	ssyncset.s32 @!p0 $0xFFFFF086;
	s6 =	sadd.s32 @!p0 s3, s7;
	s7 =	simm.s32 @!p0 $0x108  }
0x21: {  	s3 =	sadd.s32 s3, s9;
	s6 =	sadd.s32 @!p0 $0x88, s6;
	s7 =	simm.s32 @p2 $0x1082  }
0x22: {  	[simem:s7], [sflag:s8] =	dma.local @!p0 [hbm:s6], $0xF7A  }
0x23: {  	s9 =	sor.u32 $0xD0000000, s2;
	s6 =	simm.s32 $0x108;
	_ =	swait.ge @!p0 [sflag:s8], $0x0  }
0x24: {  	s3 =	sadd.s32 $0x88, s3;
	s6 =	simm.s32 @!p1 $0x1082;
	[sflag:s4] =	ssyncset.s32 $0xFFFFF086  }
0x25: {  	[simem:s6], [sflag:s4] =	dma.local [hbm:s3], $0xF7A  }
0x26: {  	[smem:$0x3F97] =	sst s1;
	(tag) =	ssettag s2;
	_ =	strace s9  }
0x27: {  	s1 =	sld [smem:$0x3FA7]  }
0x28: {  	s2 =	sld [smem:$0x3FA8]  }
0x29: {  	s4 =	sld [smem:$0x3FAA]  }
0x2a: {  	p0 =	seq.s32 s5, $0x0;
	s5 =	sld [smem:$0x3FAB]  }
0x2b: {  	s6 =	sld [smem:$0x3FAC]  }
0x2c: {  	s7 =	sld [smem:$0x3FAD]  }
0x2d: {  	s3 =	simm.s32 $0x108;
	s8 =	sld [smem:$0x3FAE]  }
0x2e: {  	s3 =	simm.s32 @!p0 $0x1082;
	s9 =	sld [smem:$0x3FAF]  }
0x2f: {  	lr =	sadd.s32 s0, s3;
	s0 =	sld [smem:$0x3FA6]  }
0x30: {  	s3 =	sld [smem:$0x3FA9]  }
0x31: {  	[smem:$0x3FB2] =	sst s10  }
0x32: {  	s10 =	sld [smem:$0x3FB0];
	_ =	sdelay $0x3  }
0x33: {  	p0 =	seq.s32 s10, $0x1;
	s10 =	sld [smem:$0x3FB2];
	_ =	sdelay $0x3  }
0x34: {  	[smem:$0x3FB2] =	sst s10  }
0x35: {  	s10 =	sld [smem:$0x3FB1];
	_ =	sdelay $0x3  }
0x36: {  	p1 =	seq.s32 s10, $0x1;
	s10 =	sld [smem:$0x3FB2];
	_ =	sdelay $0x3  }
0x37: {  	[smem:$0x3FB2] =	sst s10  }
0x38: {  	s10 =	sld [smem:$0x3FB3]  }
0x39: {  	_ = 	snop;
	(pc) =	sbr.ind lr, $3  }
0x3a: {  	_ = 	snop  }
0x3b: {  	_ = 	snop  }
0x3c: {  	p2 =	seq.s32 s10, $0x1;
	s10 =	sld [smem:$0x3FB2]  }
0x3d: {  	_ =	shalt  }
0x3e: {  	_ =	shalt  }
0x3f: {  	_ =	shalt  }
0x40: {  	_ =	shalt  }
0x41: {  	_ =	shalt  }
0x42: {  	_ =	shalt  }
0x43: {  	_ =	shalt  }
0x44: {  	_ =	shalt  }
0x45: {  	_ =	shalt  }
0x46: {  	_ =	shalt  }
0x47: {  	_ =	shalt  }
0x48: {  	_ =	shalt  }
0x49: {  	_ =	shalt  }
0x4a: {  	_ =	shalt  }
0x4b: {  	_ =	shalt  }
0x4c: {  	_ =	shalt  }
0x4d: {  	_ =	shalt  }
0x4e: {  	_ =	shalt  }
0x4f: {  	_ =	shalt  }
0x50: {  	_ =	shalt  }
0x51: {  	_ =	shalt  }
0x52: {  	_ =	shalt  }
0x53: {  	_ =	shalt  }
0x54: {  	_ =	shalt  }
0x55: {  	_ =	shalt  }
0x56: {  	_ =	shalt  }
0x57: {  	_ =	shalt  }
0x58: {  	_ =	shalt  }
0x59: {  	_ =	shalt  }
0x5a: {  	_ =	shalt  }
0x5b: {  	_ =	shalt  }
0x5c: {  	_ =	shalt  }
0x5d: {  	_ =	shalt  }
0x5e: {  	_ =	shalt  }
0x5f: {  	_ =	shalt  }
0x60: {  	_ =	shalt  }
0x61: {  	_ =	shalt  }
0x62: {  	_ =	shalt  }
0x63: {  	_ =	shalt  }
0x64: {  	_ =	shalt  }
0x65: {  	_ =	shalt  }
0x66: {  	_ =	shalt  }
0x67: {  	_ =	shalt  }
0x68: {  	_ =	shalt  }
0x69: {  	_ =	shalt  }
0x6a: {  	_ =	shalt  }
0x6b: {  	_ =	shalt  }
0x6c: {  	_ =	shalt  }
0x6d: {  	_ =	shalt  }
0x6e: {  	_ =	shalt  }
0x6f: {  	_ =	shalt  }
0x70: {  	_ =	shalt  }
0x71: {  	_ =	shalt  }
0x72: {  	_ =	shalt  }
0x73: {  	_ =	shalt  }
0x74: {  	_ =	shalt  }
0x75: {  	_ =	shalt  }
0x76: {  	_ =	shalt  }
0x77: {  	_ =	shalt  }
0x78: {  	_ =	shalt  }
0x79: {  	_ =	shalt  }
0x7a: {  	_ =	shalt  }
0x7b: {  	_ =	shalt  }
0x7c: {  	_ =	shalt  }
0x7d: {  	_ =	shalt  }
0x7e: {  	_ =	shalt  }
0x7f: {  	_ =	shalt  }
0x80: {  	_ =	shalt  }
0x81: {  	_ =	shalt  }
0x82: {  	_ =	shalt  }
0x83: {  	_ =	shalt  }
0x84: {  	_ =	shalt  }
0x85: {  	_ =	shalt  }
0x86: {  	_ =	shalt  }
0x87: {  	_ =	shalt  }
.Lfunc_end0:
.L_simem_size_0:
called_computation.1_lowered:
.L_overlay_start_0:
0x88: {  	s2 =	sld [smem:$0x3FD9]  }
0x89: {  	s3 =	sld [smem:$0x3FFE];
	_ =	sdelay $0x1  }
0x8a: {  	s1 =	srdreg.scid  }
0x8b: {  	s0 =	sand.u32 $0x1, s1  }
0x8c: {  	s16 =	sshll.u32 s0, $0xA;
	s2 =	sadd.s32 s3, s2  }
0x8d: {  	s2 =	sadd.s32 s2, s16  }
0x8e: {  	[smem:$0x3FBE] =	sst s2  }
0x8f: {  	_ = 	snop  }
0x90: {  	(tm) =	ssettm $0x1  }
0x91: {  	s17 =	sld [smem:$0x3FFB];
	_ =	sdelay $0x3  }
0x92: {  	_ =	strace s17  }
0x93: {  	s2 =	sld [smem:$0x3FFC];
	_ =	sdelay $0x3  }
0x94: {  	_ =	strace s2  }
0x95: {  	s2 =	sld [smem:$0x3FFD];
	_ =	sdelay $0x3  }
0x96: {  	_ =	strace s2  }
0x97: {  	_ =	strace $0x8FFFFFFF  }
0x98: {  	s18 =	sld [smem:$0x3FDB];
	_ =	sdelay $0x1  }
0x99: {  	s19 =	simm.s32 $_scs_section_size  }
0x9a: {  	s4 =	simm.s32 $_size__tile_overlayer_lowered;
	s5 =	simm.s32 $_tile_overlayer_lowered  }
0x9b: {  	s22 =	simm.s32 $0x1BFF;
	s21 =	sshll.u32 s5, $0x1;
	s2 =	sadd.s32 s19, s18  }
0x9c: {  	s6 =	simm.s32 $0x0;
	s20 =	sshll.u32 s4, $0x1;
	s4 =	sadd.s32 s21, s2  }
0x9d: {  	[timem:s6], [sflag:s22] =	dma.local [hbm:s4], s20  }
0x9e: {  	_ =	swait.ge [sflag:s22], s20  }
0x9f: {  	s3 =	ssub.s32 $0x0, s20;
	[sflag:s22] =	ssyncset.done $0x0  }
0xa0: {  	[sflag:s22] =	ssyncadd.s32 s3;
	_ =	sdelay $0x1  }
0xa1: {  	s23 =	simm.s32 $0x1B8B  }
0xa2: {  	_ =	swait.ge [sflag:s23], $0x1  }
0xa3: {  	[sflag:s23] =	ssyncset.done $0x0  }
0xa4: {  	s25 =	simm.s32 $0x1B8E;
	s24 =	sld [smem:$0x3FFE];
	[sflag:s23] =	ssyncadd.s32 $0xFFFFFFFF  }
0xa5: {  	s26 =	simm.s32 $execute0_lowered;
	[smem:$0x3FD2] =	sst s25  }
0xa6: {  	s4 =	sshll.u32 s26, $0x1;
	_ =	strace $0x80000049;
	[dreg:$0x1] =	wrdreg $0xFFFFFFFF  }
0xa7: {  	s28 =	simm.s32 $_size_execute0_lowered;
	s2 =	sadd.s32 s2, s4;
	[dreg:$0x0] =	wrdreg $0x0  }
0xa8: {  	s4 =	sshll.u32 s28, $0x1;
	[dreg:$0x2] =	wrdreg s2  }
0xa9: {  	[dreg:$0x3] =	wrdreg s4  }
0xaa: {  	[dreg:$0x4] =	wrdreg $0xC0  }
0xab: {  	_ =	task [dreg:s6], $0x5FFFF  }
0xac: {  	[dreg:$0x1] =	wrdreg $0xFFFFFFFF  }
0xad: {  	[dreg:$0x0] =	wrdreg $0x60  }
0xae: {  	[dreg:$0x2] =	wrdreg s24  }
0xaf: {  	[dreg:$0x3] =	wrdreg $0x0  }
0xb0: {  	[dreg:$0x4] =	wrdreg $0x9  }
0xb1: {  	_ =	task.clear_ibuf [dreg:s6], $0x5FFFF;
	_ =	strace $0x90000049  }
0xb2: {  	s29 =	simm.s32 $0x9;
	_ =	strace $0x8000004B  }
0xb3: {  	_ =	swait.ge [sflag:s29], $0x1  }
0xb4: {  	[sflag:s29] =	ssyncadd.s32 $0xFFFFFFFF  }
0xb5: {  	_ =	strace $0x9000004B  }
0xb6: {  	_ =	sfence  }
0xb7: {  	s30 =	sld [smem:$0x0];
	_ =	sdelay $0x2  }
0xb8: {  	s31 =	sshll.u32 s1, $0xD;
	s1 =	sshrl.u32 s1, $0x2  }
0xb9: {  	s3 =	sand.u32 $0x4000, s31;
	s1 =	sadd.s32 s1, s30  }
0xba: {  	s0 =	sor.u32 s3, s0;
	s1 =	sshll.u32 s1, $0x11  }
0xbb: {  	s0 =	sor.u32 s1, s0  }
0xbc: {  	s0 =	sadd.s32 $0x8F2B, s0  }
0xbd: {  	[sflag:s0] =	ssyncadd.remote.s32 $0x1  }
0xbe: {  	_ =	sfence.sel $0xFFFF  }
0xbf: {  	[dreg:$0x0] =	wrdreg $0xFFFFFFFF;
	(pc) =	sbr.abs _section_cstart, $3  }
0xc0: {  	[dreg:$0x1] =	wrdreg $0xFFFFFFFF  }
0xc1: {  	_ =	task.clear_ibuf [dreg:s6], $0x2FFFF;
	_ =	strace $0x9FFFFFFF  }
0xc2: {  	(tm) =	ssettm $0x7FFFFFFF  }
0xc3: {  	_ =	shalt  }
tec
execute0_lowered:
.L_overlay_start_1:
0x0: {  	(tag) =	ssettag $0x1  }
0x1: {  	s0 =	rddreg [dreg:$0x0]  }
0x2: {  	s1 =	rddreg [dreg:$0x1];
	s2 =	srdreg.scid  }
0x3: {  	s3 =	simm.s32 $0x0;
	s13 =	stileid.u32;
	s28 =	simm.s32 $0x1  }
0x4: {  	s29 =	simm.s32 $0x9;
	s30 =	simm.s32 $0x1B900;
	s31 =	simm.s32 $0x1FE00  }
0x5: {  	s2 =	sand.u32 $0x1, s2;
	[smem:$0x7FF] =	sst s3;
	s7 =	smul.u32 $0x50000, s13  }
0x6: {  	s5 =	sadd.s32 $0x3800, s0;
	s8 =	sadd.s32 $0x3FA00, s0;
	s11 =	smul.u32 $0x14000, s13  }
0x7: {  	s23 =	smul.u32 $0x5400, s13;
	s12 =	sadd.s32 $0x12C000, s1;
	p0 =	seq.s32 s13, $0xF  }
0x8: {  	s4 =	sshll.u32 s2, $0x4;
	_ =	strace $0x8000004A;
	s9 =	smul.u32 $0x139000, s2  }
0x9: {  	[dreg:$0xd] =	wrdreg s8;
	s22 =	ssub.s32 $0x2, s2;
	s2 =	smul.u32 $0x54000, s2  }
0xa: {  	s6 =	sor.u32 s13, s4;
	s4 =	sadd.s32 $0x18800, s0;
	s0 =	sadd.s32 $0x42200, s0  }
0xb: {  	s10 =	sshrl.u32 s22, $0x1;
	s7 =	sshrl.u32 s7, $0x2;
	s6 =	smul.u32 $0x5400, s6  }
0xc: {  	s8 =	ssub.s32 s22, s10;
	s7 =	sadd.s32 s7, s1;
	s24 =	sadd.s32 s11, s9  }
0xd: {  	s2 =	sadd.s32 s23, s2;
	s9 =	sshrl.u32 s9, $0x3;
	s22 =	simm.s32 $0x1F980  }
0xe: {  	s23 =	simm.s32 $0x1FA80;
	s10 =	sadd.s32 $0x800, s2;
	s11 =	sadd.s32 $0x700, s2  }
0xf: {  	s16 =	smax.u32 s8, $0x1;
	s17 =	sadd.s32 $0x500, s2;
	s18 =	sadd.s32 $0x600, s2  }
0x10: {  	s19 =	sadd.s32 $0x400, s2;
	s2 =	sor.u32 $0x300, s2;
	[dreg:$0x8] =	wrdreg s22  }
0x11: {  	[dreg:$0x9] =	wrdreg s23;
	s22 =	simm.s32 $0x13900;
	s23 =	simm.s32 $0x1FC00  }
0x12: {  	s8 =	simm.s32 $0xA;
	s6 =	sshrl.u32 s6, $0x3;
	[dreg:$0x13] =	wrdreg s16  }
0x13: {  	[dreg:$0x14] =	wrdreg s18;
	s2 =	sshrl.u32 s2, $0x3;
	s16 =	sshrl.u32 @!p0 s7, $0x3  }
0x14: {  	s7 =	simm.s32 $0xC;
	s14 =	sadd.s32 s5, s6;
	s6 =	sshrl.u32 s24, $0x3  }
0x15: {  	s21 =	sadd.s32 s2, s5;
	s24 =	simm.s32 $0x1FB80;
	[dreg:$0x17] =	wrdreg s16  }
0x16: {  	s2 =	simm.s32 $0x4;
	s25 =	sadd.s32 $0x20, s14;
	[dreg:$0xe] =	wrdreg s14  }
0x17: {  	s26 =	sadd.s32 $0x40, s14;
	s6 =	sadd.s32 s0, s6;
	[dreg:$0x7] =	wrdreg s21  }
0x18: {  	s0 =	sadd.s32 s0, s9;
	s14 =	sshrl.u32 s11, $0x3;
	[dreg:$0xa] =	wrdreg s24  }
0x19: {  	s21 =	simm.s32 $0x80;
	s24 =	simm.s32 $0x8;
	[dreg:$0xf] =	wrdreg s25  }
0x1a: {  	s9 =	simm.s32 $0x3;
	s11 =	simm.s32 $0xB;
	[dreg:$0x10] =	wrdreg s26  }
0x1b: {  	[dreg:$0x11] =	wrdreg s6;
	s6 =	sshrl.u32 s10, $0x3;
	s0 =	sadd.s32 $0x25800, s0  }
0x1c: {  	s15 =	sadd.s32 s14, s5;
	s14 =	sshrl.u32 @p0 s12, $0x3;
	[dreg:$0x12] =	wrdreg s0  }
0x1d: {  	s25 =	simm.s32 $0x1FC80;
	s26 =	simm.s32 $0x1FD80;
	[dreg:$0x4] =	wrdreg s15  }
0x1e: {  	s10 =	simm.s32 $0x5;
	s12 =	simm.s32 $0x6;
	[dreg:$0xb] =	wrdreg s25  }
0x1f: {  	s6 =	sadd.s32 s6, s5;
	s0 =	sshrl.u32 s17, $0x3;
	[dreg:$0xc] =	wrdreg s26  }
0x20: {  	s25 =	simm.s32 $0x17900;
	s26 =	simm.s32 $0x1FD00;
	[dreg:$0x15] =	wrdreg s14  }
0x21: {  	[dreg:$0x3] =	wrdreg s6;
	s0 =	sadd.s32 s0, s5;
	s6 =	sshrl.u32 s19, $0x3  }
0x22: {  	[dreg:$0x5] =	wrdreg s0;
	s20 =	sadd.s32 s6, s5;
	s0 =	sshll.u32 @!p0 s13, $0x6  }
0x23: {  	s17 =	simm.s32 $0x0;
	[dreg:$0x6] =	wrdreg s20;
	s15 =	sor.u32 @!p0 $0x1C0D, s0  }
0x24: {  	s20 =	simm.s32 $0x7;
	s0 =	simm.s32 $0x2;
	[dreg:$0x16] =	wrdreg s15  }
.LBB2_1:
0x25: {  	[dreg:$0x18] =	wrdreg s17  }
0x26: {  	s6 =	simm.s32 @p0 $0x1FCD;
	s13 =	rddreg [dreg:$0xd]  }
0x27: {  	[spmem:s14], [sflag:s6] =	dma.local @p0 [hbm:s13], $0x1A00  }
0x28: {  	s6 =	simm.s32 @p0 $0xD  }
0x29: {  	_ =	swait.ge @p0 [sflag:s6], $0x1A00  }
0x2a: {  	[sflag:s6] =	ssyncset.done @p0 $0x0  }
0x2b: {  	[sflag:s6] =	ssyncadd.s32 @p0 $0xFFFFE600;
	s6 =	simm.s32 @!p0 $0xD  }
0x2c: {  	[spmem:s16], [sflag:s15] =	dma.local @!p0 [hbm:s13], $0x2800  }
0x2d: {  	_ =	swait.ge @!p0 [sflag:s6], $0x2800  }
0x2e: {  	[sflag:s6] =	ssyncset.done @!p0 $0x0  }
0x2f: {  	[sflag:s6] =	ssyncadd.s32 @!p0 $0xFFFFD800  }
0x30: {  	[bflag:$0x0] =	sbarrier.arrive $0xFFFF  }
0x31: {  	p1 =	por $0x1, $0x1;
	s14 =	simm.s32 $0x1F900;
	s13 =	rddreg [dreg:$0xe]  }
0x32: {  	[tilespmem:s14], [sflag:$0x7] =	stream.linear.gather [hbm4b:s13+s3], $0x100, $0x38;
	[tilespmem:$0x1FF00] =	vst v63  }
0x33: {  	p1 =	por p1, p1;
	s16 =	simm.s32 $0x1FA00;
	s15 =	rddreg [dreg:$0xf]  }
0x34: {  	[tilespmem:s16], [sflag:$0x8] =	stream.linear.gather [hbm4b:s15+s3], $0x100, $0x38;
	[tilespmem:$0x1FF00] =	vst v63  }
0x35: {  	s18 =	simm.s32 $0x1FB00;
	s6 =	simm.s32 @!p1 $0x4;
	s17 =	rddreg [dreg:$0x10]  }
0x36: {  	[tilespmem:s18], [sflag:$0x9] =	stream.linear.gather [hbm4b:s17+s3], $0x100, $0x38;
	[tilespmem:$0x1FF00] =	vst v63  }
0x37: {  	_ =	swait.ge @!p1 [sflag:s6], $0x4000  }
0x38: {  	[sflag:s6] =	ssyncset.done @!p1 $0x0  }
0x39: {  	[sflag:s6] =	ssyncadd.s32 @!p1 $0xFFFFC000  }
0x3a: {  	_ =	swait.ge [sflag:s20], $0x100  }
0x3b: {  	[sflag:s20] =	ssyncset.done $0x0  }
0x3c: {  	s19 =	rddreg [dreg:$0x7];
	[sflag:s20] =	ssyncadd.s32 $0xFFFFFF00  }
0x3d: {  	[tilespmem:s22], [sflag:$0x1] =	stream.indirect.gather [hbm4b:s4+s21], $0x80, s14, s21, $0xb8;
	[tilespmem:$0x1FF00] =	vst v63  }
0x3e: {  	s13 =	simm.s32 @!p1 $0x3;
	s6 =	sadd.s32 $0x0, s19  }
0x3f: {  	[tilespmem:s23], [sflag:$0xA] =	stream.linear.gather [hbm4b:s6+s3], $0x100, $0x38;
	[tilespmem:$0x1FF00] =	vst v63  }
0x40: {  	_ =	swait.ge @!p1 [sflag:s13], $0x4000  }
0x41: {  	s15 =	simm.s32 @!p1 $0x1FE80;
	s14 =	simm.s32 @!p1 $0x5;
	[sflag:s13] =	ssyncset.done @!p1 $0x0  }
0x42: {  	s6 =	simm.s32 @!p1 $0x1B900;
	[sflag:s13] =	ssyncadd.s32 @!p1 $0xFFFFC000;
	s13 =	simm.s32 @!p1 $0x80  }
0x43: {  	[spmem:s1] =	stream.indirect.scatter.add.f32 @!p1 [tilespmem:s6], [sflag:$0x6], $0x80, s15, s13, $0xb8;
	[tilespmem:$0x1FF00] =	vst v63  }
0x44: {  	_ =	swait.ge @!p1 [sflag:s14], $0x4000  }
0x45: {  	[sflag:s14] =	ssyncset.done @!p1 $0x0  }
0x46: {  	[sflag:s14] =	ssyncadd.s32 @!p1 $0xFFFFC000  }
0x47: {  	_ =	swait.ge [sflag:s24], $0x100  }
0x48: {  	[sflag:s24] =	ssyncset.done $0x0  }
0x49: {  	s14 =	rddreg [dreg:$0x6];
	[sflag:s24] =	ssyncadd.s32 $0xFFFFFF00  }
0x4a: {  	[tilespmem:s25], [sflag:$0x2] =	stream.indirect.gather [hbm4b:s4+s21], $0x80, s16, s21, $0xb8;
	[tilespmem:$0x1FF00] =	vst v63  }
0x4b: {  	s6 =	sadd.s32 $0x0, s14  }
0x4c: {  	[tilespmem:s26], [sflag:$0xB] =	stream.linear.gather [hbm4b:s6+s3], $0x100, $0x38;
	[tilespmem:$0x1FF00] =	vst v63  }
0x4d: {  	_ =	swait.ge [sflag:s28], $0x4000  }
0x4e: {  	[sflag:s28] =	ssyncset.done $0x0  }
0x4f: {  	s13 =	simm.s32 @!p1 $0x6;
	s15 =	rddreg [dreg:$0x8];
	[sflag:s28] =	ssyncadd.s32 $0xFFFFC000  }
0x50: {  	[spmem:s1] =	stream.indirect.scatter.add.f32 [tilespmem:s22], [sflag:$0x4], $0x80, s15, s21, $0xb8;
	[tilespmem:$0x1FF00] =	vst v63  }
0x51: {  	_ =	swait.ge @!p1 [sflag:s13], $0x4000  }
0x52: {  	[sflag:s13] =	ssyncset.done @!p1 $0x0  }
0x53: {  	[sflag:s13] =	ssyncadd.s32 @!p1 $0xFFFFC000  }
0x54: {  	_ =	swait.ge [sflag:s29], $0x100  }
0x55: {  	[sflag:s29] =	ssyncset.done $0x0  }
0x56: {  	s16 =	rddreg [dreg:$0x5];
	[sflag:s29] =	ssyncadd.s32 $0xFFFFFF00  }
0x57: {  	[tilespmem:s30], [sflag:$0x3] =	stream.indirect.gather [hbm4b:s4+s21], $0x80, s18, s21, $0xb8;
	[tilespmem:$0x1FF00] =	vst v63  }
0x58: {  	s6 =	sadd.s32 $0x0, s16  }
0x59: {  	[tilespmem:s31], [sflag:$0xC] =	stream.linear.gather [hbm4b:s6+s3], $0x100, $0x38;
	[tilespmem:$0x1FF00] =	vst v63  }
0x5a: {  	_ =	swait.ge [sflag:s0], $0x4000  }
0x5b: {  	[sflag:s0] =	ssyncset.done $0x0  }
0x5c: {  	s17 =	rddreg [dreg:$0x9];
	[sflag:s0] =	ssyncadd.s32 $0xFFFFC000  }
0x5d: {  	[spmem:s1] =	stream.indirect.scatter.add.f32 [tilespmem:s25], [sflag:$0x5], $0x80, s17, s21, $0xb8;
	[tilespmem:$0x1FF00] =	vst v63  }
0x5e: {  	_ =	swait.ge [sflag:s2], $0x4000  }
0x5f: {  	[sflag:s2] =	ssyncset.done $0x0  }
0x60: {  	[sflag:s2] =	ssyncadd.s32 $0xFFFFC000  }
0x61: {  	_ =	swait.ge [sflag:s8], $0x100  }
0x62: {  	p1 =	por $0x0, $0x0;
	[sflag:s8] =	ssyncset.done $0x0;
	s16 =	rddreg [dreg:$0x14]  }
0x63: {  	[sflag:s8] =	ssyncadd.s32 $0xFFFFFF00;
	s6 =	sshrl.u32 @!p1 s16, $0x3  }
0x64: {  	[tilespmem:s22], [sflag:$0x1] =	stream.indirect.gather [hbm4b:s4+s21], $0x80, s23, s21, $0xb8;
	[tilespmem:$0x1FF00] =	vst v63  }
0x65: {  	s13 =	simm.s32 @!p1 $0x0;
	s14 =	simm.s32 @!p1 $0x1F900;
	s6 =	sadd.s32 @!p1 s5, s6  }
0x66: {  	[tilespmem:s14], [sflag:$0x7] =	stream.linear.gather @!p1 [hbm4b:s6+s13], $0x100, $0x38;
	[tilespmem:$0x1FF00] =	vst v63  }
0x67: {  	_ =	swait.ge [sflag:s9], $0x4000  }
0x68: {  	[sflag:s9] =	ssyncset.done $0x0  }
0x69: {  	s18 =	rddreg [dreg:$0xa];
	[sflag:s9] =	ssyncadd.s32 $0xFFFFC000  }
0x6a: {  	[spmem:s1] =	stream.indirect.scatter.add.f32 [tilespmem:s30], [sflag:$0x6], $0x80, s18, s21, $0xb8;
	[tilespmem:$0x1FF00] =	vst v63  }
0x6b: {  	_ =	swait.ge [sflag:s10], $0x4000  }
0x6c: {  	[sflag:s10] =	ssyncset.done $0x0  }
0x6d: {  	[sflag:s10] =	ssyncadd.s32 $0xFFFFC000  }
0x6e: {  	_ =	swait.ge [sflag:s11], $0x100  }
0x6f: {  	[sflag:s11] =	ssyncset.done $0x0  }
0x70: {  	s6 =	rddreg [dreg:$0x4];
	[sflag:s11] =	ssyncadd.s32 $0xFFFFFF00  }
0x71: {  	[tilespmem:s25], [sflag:$0x2] =	stream.indirect.gather [hbm4b:s4+s21], $0x80, s26, s21, $0xb8;
	[tilespmem:$0x1FF00] =	vst v63  }
0x72: {  	s14 =	simm.s32 @!p1 $0x1FA00;
	s6 =	sadd.s32 @!p1 $0x0, s6  }
0x73: {  	[tilespmem:s14], [sflag:$0x8] =	stream.linear.gather @!p1 [hbm4b:s6+s13], $0x100, $0x38;
	[tilespmem:$0x1FF00] =	vst v63  }
0x74: {  	_ =	swait.ge [sflag:s28], $0x4000  }
0x75: {  	[sflag:s28] =	ssyncset.done $0x0  }
0x76: {  	s19 =	rddreg [dreg:$0xb];
	[sflag:s28] =	ssyncadd.s32 $0xFFFFC000  }
0x77: {  	[spmem:s1] =	stream.indirect.scatter.add.f32 [tilespmem:s22], [sflag:$0x4], $0x80, s19, s21, $0xb8;
	[tilespmem:$0x1FF00] =	vst v63  }
0x78: {  	_ =	swait.ge [sflag:s12], $0x4000  }
0x79: {  	[sflag:s12] =	ssyncset.done $0x0  }
0x7a: {  	[sflag:s12] =	ssyncadd.s32 $0xFFFFC000  }
0x7b: {  	_ =	swait.ge [sflag:s7], $0x100  }
0x7c: {  	[sflag:s7] =	ssyncset.done $0x0  }
0x7d: {  	s6 =	rddreg [dreg:$0x3];
	[sflag:s7] =	ssyncadd.s32 $0xFFFFFF00  }
0x7e: {  	[tilespmem:s30], [sflag:$0x3] =	stream.indirect.gather [hbm4b:s4+s21], $0x80, s31, s21, $0xb8;
	[tilespmem:$0x1FF00] =	vst v63  }
0x7f: {  	s14 =	simm.s32 @!p1 $0x1FB00;
	s6 =	sadd.s32 @!p1 $0x0, s6  }
0x80: {  	[tilespmem:s14], [sflag:$0x9] =	stream.linear.gather @!p1 [hbm4b:s6+s13], $0x100, $0x38;
	[tilespmem:$0x1FF00] =	vst v63  }
0x81: {  	p6 =	por $0x0, $0x0;
	s15 =	simm.s32 $0x180;
	_ =	swait.ge [sflag:s0], $0x4000  }
0x82: {  	s13 =	simm.s32 $0xC0;
	p1 =	por p6, p6;
	[sflag:s0] =	ssyncset.done $0x0  }
0x83: {  	s14 =	sadd.s32 $0x600, s16;
	s6 =	rddreg [dreg:$0xc];
	[sflag:s0] =	ssyncadd.s32 $0xFFFFC000  }
.LBB2_2:
0x84: {  	s17 =	simm.s32 @!p1 $0x4  }
0x85: {  	[spmem:s1] =	stream.indirect.scatter.add.f32 [tilespmem:s25], [sflag:$0x5], $0x80, s6, s21, $0xb8;
	[tilespmem:$0x1FF00] =	vst v63  }
0x86: {  	_ =	swait.ge @!p1 [sflag:s17], $0x4000  }
0x87: {  	[sflag:s17] =	ssyncset.done @!p1 $0x0  }
0x88: {  	[sflag:s17] =	ssyncadd.s32 @!p1 $0xFFFFC000  }
0x89: {  	_ =	swait.ge [sflag:s20], $0x100  }
0x8a: {  	[sflag:s20] =	ssyncset.done $0x0  }
0x8b: {  	s18 =	simm.s32 $0x1F900;
	s19 =	rddreg [dreg:$0x7];
	[sflag:s20] =	ssyncadd.s32 $0xFFFFFF00  }
0x8c: {  	[tilespmem:s22], [sflag:$0x1] =	stream.indirect.gather [hbm4b:s4+s21], $0x80, s18, s21, $0xb8;
	[tilespmem:$0x1FF00] =	vst v63  }
0x8d: {  	s17 =	simm.s32 @!p1 $0x3;
	s6 =	sadd.s32 s13, s19  }
0x8e: {  	[tilespmem:s23], [sflag:$0xA] =	stream.linear.gather [hbm4b:s6+s3], $0x100, $0x38;
	[tilespmem:$0x1FF00] =	vst v63  }
0x8f: {  	_ =	swait.ge @!p1 [sflag:s17], $0x4000  }
0x90: {  	s19 =	simm.s32 @!p1 $0x1FE80;
	s18 =	simm.s32 @!p1 $0x5;
	[sflag:s17] =	ssyncset.done @!p1 $0x0  }
0x91: {  	s6 =	simm.s32 @!p1 $0x1B900;
	[sflag:s17] =	ssyncadd.s32 @!p1 $0xFFFFC000;
	s17 =	simm.s32 @!p1 $0x80  }
0x92: {  	[spmem:s1] =	stream.indirect.scatter.add.f32 @!p1 [tilespmem:s6], [sflag:$0x6], $0x80, s19, s17, $0xb8;
	[tilespmem:$0x1FF00] =	vst v63  }
0x93: {  	_ =	swait.ge @!p1 [sflag:s18], $0x4000  }
0x94: {  	[sflag:s18] =	ssyncset.done @!p1 $0x0  }
0x95: {  	[sflag:s18] =	ssyncadd.s32 @!p1 $0xFFFFC000  }
0x96: {  	_ =	swait.ge [sflag:s24], $0x100  }
0x97: {  	[sflag:s24] =	ssyncset.done $0x0  }
0x98: {  	s18 =	simm.s32 $0x1FA00;
	s19 =	rddreg [dreg:$0x6];
	[sflag:s24] =	ssyncadd.s32 $0xFFFFFF00  }
0x99: {  	[tilespmem:s25], [sflag:$0x2] =	stream.indirect.gather [hbm4b:s4+s21], $0x80, s18, s21, $0xb8;
	[tilespmem:$0x1FF00] =	vst v63  }
0x9a: {  	s6 =	sadd.s32 s13, s19  }
0x9b: {  	[tilespmem:s26], [sflag:$0xB] =	stream.linear.gather [hbm4b:s6+s3], $0x100, $0x38;
	[tilespmem:$0x1FF00] =	vst v63  }
0x9c: {  	_ =	swait.ge [sflag:s28], $0x4000  }
0x9d: {  	[sflag:s28] =	ssyncset.done $0x0  }
0x9e: {  	s17 =	simm.s32 @!p1 $0x6;
	s19 =	rddreg [dreg:$0x8];
	[sflag:s28] =	ssyncadd.s32 $0xFFFFC000  }
0x9f: {  	[spmem:s1] =	stream.indirect.scatter.add.f32 [tilespmem:s22], [sflag:$0x4], $0x80, s19, s21, $0xb8;
	[tilespmem:$0x1FF00] =	vst v63  }
0xa0: {  	_ =	swait.ge @!p1 [sflag:s17], $0x4000  }
0xa1: {  	[sflag:s17] =	ssyncset.done @!p1 $0x0  }
0xa2: {  	[sflag:s17] =	ssyncadd.s32 @!p1 $0xFFFFC000  }
0xa3: {  	_ =	swait.ge [sflag:s29], $0x100  }
0xa4: {  	[sflag:s29] =	ssyncset.done $0x0  }
0xa5: {  	s19 =	simm.s32 $0x1FB00;
	s18 =	rddreg [dreg:$0x5];
	[sflag:s29] =	ssyncadd.s32 $0xFFFFFF00  }
0xa6: {  	[tilespmem:s30], [sflag:$0x3] =	stream.indirect.gather [hbm4b:s4+s21], $0x80, s19, s21, $0xb8;
	[tilespmem:$0x1FF00] =	vst v63  }
0xa7: {  	s6 =	sadd.s32 s13, s18  }
0xa8: {  	[tilespmem:s31], [sflag:$0xC] =	stream.linear.gather [hbm4b:s6+s3], $0x100, $0x38;
	[tilespmem:$0x1FF00] =	vst v63  }
0xa9: {  	_ =	swait.ge [sflag:s0], $0x4000  }
0xaa: {  	[sflag:s0] =	ssyncset.done $0x0  }
0xab: {  	s17 =	rddreg [dreg:$0x9];
	[sflag:s0] =	ssyncadd.s32 $0xFFFFC000  }
0xac: {  	[spmem:s1] =	stream.indirect.scatter.add.f32 [tilespmem:s25], [sflag:$0x5], $0x80, s17, s21, $0xb8;
	[tilespmem:$0x1FF00] =	vst v63  }
0xad: {  	_ =	swait.ge [sflag:s2], $0x4000  }
0xae: {  	[sflag:s2] =	ssyncset.done $0x0  }
0xaf: {  	[sflag:s2] =	ssyncadd.s32 $0xFFFFC000  }
0xb0: {  	p3 =	seq.s32 s15, $0x0;
	_ =	swait.ge [sflag:s8], $0x100  }
0xb1: {  	p1 =	por p3, p3;
	p3 =	seq.s32 s13, $0x9C0;
	[sflag:s8] =	ssyncset.done $0x0  }
0xb2: {  	s17 =	sshrl.u32 @!p3 s14, $0x3;
	[sflag:s8] =	ssyncadd.s32 $0xFFFFFF00  }
0xb3: {  	[tilespmem:s22], [sflag:$0x1] =	stream.indirect.gather [hbm4b:s4+s21], $0x80, s23, s21, $0xb8;
	[tilespmem:$0x1FF00] =	vst v63  }
0xb4: {  	s18 =	simm.s32 @!p3 $0x1F900;
	s6 =	simm.s32 @!p3 $0x0;
	s17 =	sadd.s32 @!p3 s5, s17  }
0xb5: {  	[tilespmem:s18], [sflag:$0x7] =	stream.linear.gather @!p3 [hbm4b:s17+s6], $0x100, $0x38;
	[tilespmem:$0x1FF00] =	vst v63  }
0xb6: {  	_ =	swait.ge [sflag:s9], $0x4000  }
0xb7: {  	[sflag:s9] =	ssyncset.done $0x0  }
0xb8: {  	s18 =	rddreg [dreg:$0xa];
	[sflag:s9] =	ssyncadd.s32 $0xFFFFC000  }
0xb9: {  	[spmem:s1] =	stream.indirect.scatter.add.f32 [tilespmem:s30], [sflag:$0x6], $0x80, s18, s21, $0xb8;
	[tilespmem:$0x1FF00] =	vst v63  }
0xba: {  	_ =	swait.ge [sflag:s10], $0x4000  }
0xbb: {  	[sflag:s10] =	ssyncset.done $0x0  }
0xbc: {  	[sflag:s10] =	ssyncadd.s32 $0xFFFFC000  }
0xbd: {  	_ =	swait.ge [sflag:s11], $0x100  }
0xbe: {  	[sflag:s11] =	ssyncset.done $0x0  }
0xbf: {  	s17 =	rddreg [dreg:$0x4];
	[sflag:s11] =	ssyncadd.s32 $0xFFFFFF00  }
0xc0: {  	[tilespmem:s25], [sflag:$0x2] =	stream.indirect.gather [hbm4b:s4+s21], $0x80, s26, s21, $0xb8;
	[tilespmem:$0x1FF00] =	vst v63  }
0xc1: {  	s18 =	simm.s32 @!p3 $0x1FA00;
	s17 =	sadd.s32 @!p3 s13, s17  }
0xc2: {  	[tilespmem:s18], [sflag:$0x8] =	stream.linear.gather @!p3 [hbm4b:s17+s6], $0x100, $0x38;
	[tilespmem:$0x1FF00] =	vst v63  }
0xc3: {  	_ =	swait.ge [sflag:s28], $0x4000  }
0xc4: {  	[sflag:s28] =	ssyncset.done $0x0  }
0xc5: {  	s19 =	rddreg [dreg:$0xb];
	[sflag:s28] =	ssyncadd.s32 $0xFFFFC000  }
0xc6: {  	[spmem:s1] =	stream.indirect.scatter.add.f32 [tilespmem:s22], [sflag:$0x4], $0x80, s19, s21, $0xb8;
	[tilespmem:$0x1FF00] =	vst v63  }
0xc7: {  	_ =	swait.ge [sflag:s12], $0x4000  }
0xc8: {  	[sflag:s12] =	ssyncset.done $0x0  }
0xc9: {  	[sflag:s12] =	ssyncadd.s32 $0xFFFFC000  }
0xca: {  	_ =	swait.ge [sflag:s7], $0x100  }
0xcb: {  	s16 =	smov.u32 s15;
	s15 =	sadd.s32 $0xC0, s15;
	[sflag:s7] =	ssyncset.done $0x0  }
0xcc: {  	p2 =	sne.s32 s15, $0xA80;
	s17 =	rddreg [dreg:$0x3];
	[sflag:s7] =	ssyncadd.s32 $0xFFFFFF00  }
0xcd: {  	[tilespmem:s30], [sflag:$0x3] =	stream.indirect.gather [hbm4b:s4+s21], $0x80, s31, s21, $0xb8;
	[tilespmem:$0x1FF00] =	vst v63  }
.Ltmp0:
0xce: {  	s18 =	simm.s32 @!p3 $0x1FB00;
	s17 =	sadd.s32 @!p3 s13, s17;
	(pc) =	sbr.rel @p2 .LBB2_2-.Ltmp0, $4  }
0xcf: {  	[tilespmem:s18], [sflag:$0x9] =	stream.linear.gather @!p3 [hbm4b:s17+s6], $0x100, $0x38;
	[tilespmem:$0x1FF00] =	vst v63  }
0xd0: {  	_ =	swait.ge [sflag:s0], $0x4000  }
0xd1: {  	s14 =	sadd.s32 $0x600, s14;
	[sflag:s0] =	ssyncset.done $0x0  }
0xd2: {  	s13 =	smov.u32 s16;
	s6 =	rddreg [dreg:$0xc];
	[sflag:s0] =	ssyncadd.s32 $0xFFFFC000  }
0xd3: {  	s15 =	simm.s32 @!p1 $0x4  }
0xd4: {  	[spmem:s1] =	stream.indirect.scatter.add.f32 [tilespmem:s25], [sflag:$0x5], $0x80, s6, s21, $0xb8;
	[tilespmem:$0x1FF00] =	vst v63  }
0xd5: {  	_ =	swait.ge @!p1 [sflag:s15], $0x4000  }
0xd6: {  	[sflag:s15] =	ssyncset.done @!p1 $0x0  }
0xd7: {  	[sflag:s15] =	ssyncadd.s32 @!p1 $0xFFFFC000  }
0xd8: {  	_ =	swait.ge [sflag:s20], $0x100  }
0xd9: {  	[sflag:s20] =	ssyncset.done $0x0  }
0xda: {  	s17 =	simm.s32 $0x1F900;
	s16 =	rddreg [dreg:$0x7];
	[sflag:s20] =	ssyncadd.s32 $0xFFFFFF00  }
0xdb: {  	[tilespmem:s22], [sflag:$0x1] =	stream.indirect.gather [hbm4b:s4+s21], $0x80, s17, s21, $0xb8;
	[tilespmem:$0x1FF00] =	vst v63  }
0xdc: {  	s15 =	simm.s32 @!p1 $0x3;
	s6 =	sadd.s32 s13, s16  }
0xdd: {  	[tilespmem:s23], [sflag:$0xA] =	stream.linear.gather [hbm4b:s6+s3], $0x100, $0x38;
	[tilespmem:$0x1FF00] =	vst v63  }
0xde: {  	_ =	swait.ge @!p1 [sflag:s15], $0x4000  }
0xdf: {  	s16 =	simm.s32 @!p1 $0x1FE80;
	[sflag:s15] =	ssyncset.done @!p1 $0x0  }
0xe0: {  	s6 =	simm.s32 @!p1 $0x1B900;
	[sflag:s15] =	ssyncadd.s32 @!p1 $0xFFFFC000;
	s15 =	simm.s32 @!p1 $0x80  }
0xe1: {  	[spmem:s1] =	stream.indirect.scatter.add.f32 @!p1 [tilespmem:s6], [sflag:$0x6], $0x80, s16, s15, $0xb8;
	[tilespmem:$0x1FF00] =	vst v63  }
0xe2: {  	s6 =	simm.s32 @!p1 $0x5  }
0xe3: {  	_ =	swait.ge @!p1 [sflag:s6], $0x4000  }
0xe4: {  	[sflag:s6] =	ssyncset.done @!p1 $0x0  }
0xe5: {  	[sflag:s6] =	ssyncadd.s32 @!p1 $0xFFFFC000  }
0xe6: {  	_ =	swait.ge [sflag:s24], $0x100  }
0xe7: {  	[sflag:s24] =	ssyncset.done $0x0  }
0xe8: {  	s19 =	simm.s32 $0x1FA00;
	s18 =	rddreg [dreg:$0x6];
	[sflag:s24] =	ssyncadd.s32 $0xFFFFFF00  }
0xe9: {  	[tilespmem:s25], [sflag:$0x2] =	stream.indirect.gather [hbm4b:s4+s21], $0x80, s19, s21, $0xb8;
	[tilespmem:$0x1FF00] =	vst v63  }
0xea: {  	s6 =	sadd.s32 s13, s18  }
0xeb: {  	[tilespmem:s26], [sflag:$0xB] =	stream.linear.gather [hbm4b:s6+s3], $0x100, $0x38;
	[tilespmem:$0x1FF00] =	vst v63  }
0xec: {  	_ =	swait.ge [sflag:s28], $0x4000  }
0xed: {  	[sflag:s28] =	ssyncset.done $0x0  }
0xee: {  	s15 =	simm.s32 @!p1 $0x6;
	s16 =	rddreg [dreg:$0x8];
	[sflag:s28] =	ssyncadd.s32 $0xFFFFC000  }
0xef: {  	[spmem:s1] =	stream.indirect.scatter.add.f32 [tilespmem:s22], [sflag:$0x4], $0x80, s16, s21, $0xb8;
	[tilespmem:$0x1FF00] =	vst v63  }
0xf0: {  	_ =	swait.ge @!p1 [sflag:s15], $0x4000  }
0xf1: {  	[sflag:s15] =	ssyncset.done @!p1 $0x0  }
0xf2: {  	[sflag:s15] =	ssyncadd.s32 @!p1 $0xFFFFC000  }
0xf3: {  	_ =	swait.ge [sflag:s29], $0x100  }
0xf4: {  	[sflag:s29] =	ssyncset.done $0x0  }
0xf5: {  	s18 =	simm.s32 $0x1FB00;
	s17 =	rddreg [dreg:$0x5];
	[sflag:s29] =	ssyncadd.s32 $0xFFFFFF00  }
0xf6: {  	[tilespmem:s30], [sflag:$0x3] =	stream.indirect.gather [hbm4b:s4+s21], $0x80, s18, s21, $0xb8;
	[tilespmem:$0x1FF00] =	vst v63  }
0xf7: {  	s6 =	sadd.s32 s13, s17  }
0xf8: {  	[tilespmem:s31], [sflag:$0xC] =	stream.linear.gather [hbm4b:s6+s3], $0x100, $0x38;
	[tilespmem:$0x1FF00] =	vst v63  }
0xf9: {  	_ =	swait.ge [sflag:s0], $0x4000  }
0xfa: {  	[sflag:s0] =	ssyncset.done $0x0  }
0xfb: {  	s19 =	rddreg [dreg:$0x9];
	[sflag:s0] =	ssyncadd.s32 $0xFFFFC000  }
0xfc: {  	[spmem:s1] =	stream.indirect.scatter.add.f32 [tilespmem:s25], [sflag:$0x5], $0x80, s19, s21, $0xb8;
	[tilespmem:$0x1FF00] =	vst v63  }
0xfd: {  	_ =	swait.ge [sflag:s2], $0x4000  }
0xfe: {  	[sflag:s2] =	ssyncset.done $0x0  }
0xff: {  	[sflag:s2] =	ssyncadd.s32 $0xFFFFC000  }
0x100: {  	_ =	swait.ge [sflag:s8], $0x100  }
0x101: {  	p1 =	seq.s32 s13, $0x9C0;
	[sflag:s8] =	ssyncset.done $0x0  }
0x102: {  	s6 =	sshrl.u32 @!p1 s14, $0x3;
	[sflag:s8] =	ssyncadd.s32 $0xFFFFFF00  }
0x103: {  	[tilespmem:s22], [sflag:$0x1] =	stream.indirect.gather [hbm4b:s4+s21], $0x80, s23, s21, $0xb8;
	[tilespmem:$0x1FF00] =	vst v63  }
0x104: {  	s15 =	simm.s32 @!p1 $0x1F900;
	s14 =	simm.s32 @!p1 $0x0;
	s6 =	sadd.s32 @!p1 s5, s6  }
0x105: {  	[tilespmem:s15], [sflag:$0x7] =	stream.linear.gather @!p1 [hbm4b:s6+s14], $0x100, $0x38;
	[tilespmem:$0x1FF00] =	vst v63  }
0x106: {  	_ =	swait.ge [sflag:s9], $0x4000  }
0x107: {  	[sflag:s9] =	ssyncset.done $0x0  }
0x108: {  	s15 =	rddreg [dreg:$0xa];
	[sflag:s9] =	ssyncadd.s32 $0xFFFFC000  }
0x109: {  	[spmem:s1] =	stream.indirect.scatter.add.f32 [tilespmem:s30], [sflag:$0x6], $0x80, s15, s21, $0xb8;
	[tilespmem:$0x1FF00] =	vst v63  }
0x10a: {  	_ =	swait.ge [sflag:s10], $0x4000  }
0x10b: {  	[sflag:s10] =	ssyncset.done $0x0  }
0x10c: {  	[sflag:s10] =	ssyncadd.s32 $0xFFFFC000  }
0x10d: {  	_ =	swait.ge [sflag:s11], $0x100  }
0x10e: {  	[sflag:s11] =	ssyncset.done $0x0  }
0x10f: {  	s6 =	rddreg [dreg:$0x4];
	[sflag:s11] =	ssyncadd.s32 $0xFFFFFF00  }
0x110: {  	[tilespmem:s25], [sflag:$0x2] =	stream.indirect.gather [hbm4b:s4+s21], $0x80, s26, s21, $0xb8;
	[tilespmem:$0x1FF00] =	vst v63  }
0x111: {  	s15 =	simm.s32 @!p1 $0x1FA00;
	s6 =	sadd.s32 @!p1 s13, s6  }
0x112: {  	[tilespmem:s15], [sflag:$0x8] =	stream.linear.gather @!p1 [hbm4b:s6+s14], $0x100, $0x38;
	[tilespmem:$0x1FF00] =	vst v63  }
0x113: {  	_ =	swait.ge [sflag:s28], $0x4000  }
0x114: {  	[sflag:s28] =	ssyncset.done $0x0  }
0x115: {  	s16 =	rddreg [dreg:$0xb];
	[sflag:s28] =	ssyncadd.s32 $0xFFFFC000  }
0x116: {  	[spmem:s1] =	stream.indirect.scatter.add.f32 [tilespmem:s22], [sflag:$0x4], $0x80, s16, s21, $0xb8;
	[tilespmem:$0x1FF00] =	vst v63  }
0x117: {  	_ =	swait.ge [sflag:s12], $0x4000  }
0x118: {  	[sflag:s12] =	ssyncset.done $0x0  }
0x119: {  	[sflag:s12] =	ssyncadd.s32 $0xFFFFC000  }
0x11a: {  	_ =	swait.ge [sflag:s7], $0x100  }
0x11b: {  	[sflag:s7] =	ssyncset.done $0x0  }
0x11c: {  	s6 =	rddreg [dreg:$0x3];
	[sflag:s7] =	ssyncadd.s32 $0xFFFFFF00  }
0x11d: {  	[tilespmem:s30], [sflag:$0x3] =	stream.indirect.gather [hbm4b:s4+s21], $0x80, s31, s21, $0xb8;
	[tilespmem:$0x1FF00] =	vst v63  }
0x11e: {  	s6 =	sadd.s32 @!p1 s13, s6;
	s13 =	simm.s32 @!p1 $0x1FB00  }
0x11f: {  	[tilespmem:s13], [sflag:$0x9] =	stream.linear.gather @!p1 [hbm4b:s6+s14], $0x100, $0x38;
	[tilespmem:$0x1FF00] =	vst v63  }
0x120: {  	_ =	swait.ge [sflag:s0], $0x4000  }
0x121: {  	[sflag:s0] =	ssyncset.done $0x0  }
0x122: {  	s17 =	rddreg [dreg:$0xc];
	[sflag:s0] =	ssyncadd.s32 $0xFFFFC000  }
0x123: {  	[spmem:s1] =	stream.indirect.scatter.add.f32 [tilespmem:s25], [sflag:$0x5], $0x80, s17, s21, $0xb8;
	[tilespmem:$0x1FF00] =	vst v63  }
0x124: {  	_ =	swait.ge [sflag:s9], $0x4000  }
0x125: {  	[sflag:s9] =	ssyncset.done $0x0  }
0x126: {  	s18 =	simm.s32 $0x1FE80;
	[sflag:s9] =	ssyncadd.s32 $0xFFFFC000  }
0x127: {  	[spmem:s1] =	stream.indirect.scatter.add.f32 [tilespmem:s30], [sflag:$0x6], $0x80, s18, s21, $0xb8;
	[tilespmem:$0x1FF00] =	vst v63  }
0x128: {  	_ =	swait.ge [sflag:s2], $0x4000  }
0x129: {  	[sflag:s2] =	ssyncset.done $0x0  }
0x12a: {  	[sflag:s2] =	ssyncadd.s32 $0xFFFFC000  }
0x12b: {  	_ =	swait.ge [sflag:s10], $0x4000  }
0x12c: {  	[sflag:s10] =	ssyncset.done $0x0  }
0x12d: {  	[sflag:s10] =	ssyncadd.s32 $0xFFFFC000  }
0x12e: {  	_ =	swait.ge [sflag:s12], $0x4000  }
0x12f: {  	[sflag:s12] =	ssyncset.done $0x0  }
0x130: {  	[sflag:s12] =	ssyncadd.s32 $0xFFFFC000  }
0x131: {  	[bflag:$0x0] =	sbarrier.arrive $0xFFFF  }
0x132: {  	s13 =	rddreg [dreg:$0x12]  }
0x133: {  	s6 =	simm.s32 @p0 $0x1FCD;
	s14 =	rddreg [dreg:$0x15]  }
0x134: {  	[hbm:s13], [sflag:s6] =	dma.local @p0 [spmem:s14], $0x1A00  }
0x135: {  	s6 =	simm.s32 @p0 $0xD  }
0x136: {  	_ =	swait.ge @p0 [sflag:s6], $0x1A00  }
0x137: {  	s15 =	rddreg [dreg:$0x16]  }
0x138: {  	[sflag:s6] =	ssyncset.done @p0 $0x0;
	s16 =	rddreg [dreg:$0x17]  }
0x139: {  	[sflag:s6] =	ssyncadd.s32 @p0 $0xFFFFE600;
	s6 =	rddreg [dreg:$0x11]  }
0x13a: {  	[hbm:s6], [sflag:s15] =	dma.local @!p0 [spmem:s16], $0x2800  }
0x13b: {  	s6 =	simm.s32 @!p0 $0xD  }
0x13c: {  	_ =	swait.ge @!p0 [sflag:s6], $0x2800  }
0x13d: {  	s17 =	rddreg [dreg:$0x18]  }
0x13e: {  	s19 =	rddreg [dreg:$0x13];
	s17 =	sadd.s32 $0x1, s17  }
0x13f: {  	p1 =	sne.s32 s17, s19  }
.Ltmp1:
0x140: {  	_ = 	snop;
	(pc) =	sbr.rel @p1 .LBB2_1-.Ltmp1, $3  }
0x141: {  	_ =	sdelay $0x1  }
0x142: {  	[sflag:s6] =	ssyncset.done @!p0 $0x0  }
0x143: {  	[sflag:s6] =	ssyncadd.s32 @!p0 $0xFFFFD800  }
0x144: {  	_ =	sfence.sel $0x180000  }
0x145: {  	[bflag:$0x0] =	sbarrier.arrive $0xFFFF  }
0x146: {  	_ =	strace $0x9000004A  }
0x147: {  	s0 =	stileid.u32;
	[bflag:$0x2] =	sbarrier.arrive $0xFFFF  }
0x148: {  	p0 =	sne.s32 s0, $0x0;
	s0 =	rddreg [dreg:$0x2]  }
0x149: {  	s0 =	sadd.s32 @!p0 $0x100000, s0  }
0x14a: {  	[sflag:s0] =	ssyncadd.tile.s32 @!p0 $0x1;
	_ =	shalt  }
.Lfunc_end2:
_tile_overlayer_lowered:
.L_overlay_start_2:
0x14b: {  	(tag) =	ssettag $0x2  }
0x14c: {  	s0 =	rddreg [dreg:$0x0];
	s2 =	stileid.u32  }
0x14d: {  	s1 =	rddreg [dreg:$0x1];
	p0 =	sne.s32 s2, $0x0  }
0x14e: {  	s3 =	rddreg [dreg:$0x2];
	[bflag:$0x3] =	sbarrier.arrive $0xFFFF;
	s2 =	simm.s32 @!p0 $0x1C0D  }
0x14f: {  	[timem:s3], [sflag:s2] =	dma.local @!p0 [hbm:s0], s1  }
0x150: {  	s0 =	simm.s32 @!p0 $0xD  }
0x151: {  	_ =	swait.ge @!p0 [sflag:s0], s1  }
0x152: {  	s1 =	ssub.s32 @!p0 $0x0, s1;
	[sflag:s0] =	ssyncset.done @!p0 $0x0  }
0x153: {  	[sflag:s0] =	ssyncadd.s32 @!p0 s1  }
0x154: {  	[bflag:$0x3] =	sbarrier.arrive $0xFFFF  }
0x155: {  	_ =	shalt  }

// kernel: kernel.17.cloned.1.call-start
scs
__scs_entry_jumppad:
0x0: {  	(pc) =	sbr.rel $0x88, $3  }
0x1: {  	(tag) =	ssettag $0x0;
	lr =	simm.s32 $0x1  }
0x2: {  	[smem:$0x3F97] =	sst lr;
	_ =	strace $0xD0000000  }
0x3: {  	_ = 	snop  }
0x4: {  	_ = 	snop  }
0x5: {  	_ = 	snop  }
0x6: {  	_ = 	snop  }
0x7: {  	_ = 	snop  }
__scs_overlays_trampoline_lowered:
0x8: {  	[smem:$0x3FA6] =	sst s0  }
0x9: {  	[smem:$0x3FA7] =	sst s1  }
0xa: {  	[smem:$0x3FA8] =	sst s2  }
0xb: {  	[smem:$0x3FA9] =	sst s3  }
0xc: {  	[smem:$0x3FAA] =	sst s4  }
0xd: {  	[smem:$0x3FAB] =	sst s5  }
0xe: {  	[smem:$0x3FAC] =	sst s6  }
0xf: {  	[smem:$0x3FAD] =	sst s7  }
0x10: {  	[smem:$0x3FAE] =	sst s8  }
0x11: {  	[smem:$0x3FAF] =	sst s9;
	s0 =	simm.s32 @!p0 $0x0  }
0x12: {  	s1 =	sld [smem:$0x3F95];
	s0 =	simm.s32 @p0 $0x1  }
0x13: {  	[smem:$0x3FB0] =	sst s0;
	s0 =	simm.s32 @!p1 $0x0  }
0x14: {  	s2 =	sld [smem:$0x3F94];
	s0 =	simm.s32 @p1 $0x1  }
0x15: {  	[smem:$0x3FB1] =	sst s0;
	s0 =	simm.s32 @!p2 $0x0  }
0x16: {  	s3 =	sld [smem:$0x3FDB];
	s0 =	simm.s32 @p2 $0x1  }
0x17: {  	s4 =	simm.s32 $0x1BF5;
	[smem:$0x3FB3] =	sst s0  }
0x18: {  	s0 =	sld [smem:$0x3F96];
	_ =	swait.ge [sflag:s4], $0x0  }
0x19: {  	s7 =	sld [smem:$0x3F97]  }
0x1a: {  	s8 =	sadd.s32 $0xFFFFE003, lr  }
0x1b: {  	s9 =	sadd.s32 $0xFFFFFEF7, lr;
	s5 =	simm.s32 $0xFFFFFFFF;
	p2 =	slt.u32 s8, $0xFFFFF086  }
0x1c: {  	p1 =	slt.u32 s9, $0xF7A;
	s5 =	simm.s32 @!p2 $0x0  }
0x1d: {  	s5 =	simm.s32 @p1 $0x1;
	p0 =	seq.s32 s7, s2  }
0x1e: {  	s7 =	smul.u32 @!p0 $0xF7A, s2;
	p2 =	seq.s32 @!p0 s5, $0x0  }
0x1f: {  	s9 =	smul.u32 $0xF7A, s1;
	s8 =	simm.s32 @!p0 $0x1BF5;
	p2 =	por !p2, p0  }
0x20: {  	[sflag:s8] =	ssyncset.s32 @!p0 $0xFFFFF086;
	s6 =	sadd.s32 @!p0 s3, s7;
	s7 =	simm.s32 @!p0 $0x108  }
0x21: {  	s3 =	sadd.s32 s3, s9;
	s6 =	sadd.s32 @!p0 $0x88, s6;
	s7 =	simm.s32 @p2 $0x1082  }
0x22: {  	[simem:s7], [sflag:s8] =	dma.local @!p0 [hbm:s6], $0xF7A  }
0x23: {  	s9 =	sor.u32 $0xD0000000, s2;
	s6 =	simm.s32 $0x108;
	_ =	swait.ge @!p0 [sflag:s8], $0x0  }
0x24: {  	s3 =	sadd.s32 $0x88, s3;
	s6 =	simm.s32 @!p1 $0x1082;
	[sflag:s4] =	ssyncset.s32 $0xFFFFF086  }
0x25: {  	[simem:s6], [sflag:s4] =	dma.local [hbm:s3], $0xF7A  }
0x26: {  	[smem:$0x3F97] =	sst s1;
	(tag) =	ssettag s2;
	_ =	strace s9  }
0x27: {  	s1 =	sld [smem:$0x3FA7]  }
0x28: {  	s2 =	sld [smem:$0x3FA8]  }
0x29: {  	s4 =	sld [smem:$0x3FAA]  }
0x2a: {  	p0 =	seq.s32 s5, $0x0;
	s5 =	sld [smem:$0x3FAB]  }
0x2b: {  	s6 =	sld [smem:$0x3FAC]  }
0x2c: {  	s7 =	sld [smem:$0x3FAD]  }
0x2d: {  	s3 =	simm.s32 $0x108;
	s8 =	sld [smem:$0x3FAE]  }
0x2e: {  	s3 =	simm.s32 @!p0 $0x1082;
	s9 =	sld [smem:$0x3FAF]  }
0x2f: {  	lr =	sadd.s32 s0, s3;
	s0 =	sld [smem:$0x3FA6]  }
0x30: {  	s3 =	sld [smem:$0x3FA9]  }
0x31: {  	[smem:$0x3FB2] =	sst s10  }
0x32: {  	s10 =	sld [smem:$0x3FB0];
	_ =	sdelay $0x3  }
0x33: {  	p0 =	seq.s32 s10, $0x1;
	s10 =	sld [smem:$0x3FB2];
	_ =	sdelay $0x3  }
0x34: {  	[smem:$0x3FB2] =	sst s10  }
0x35: {  	s10 =	sld [smem:$0x3FB1];
	_ =	sdelay $0x3  }
0x36: {  	p1 =	seq.s32 s10, $0x1;
	s10 =	sld [smem:$0x3FB2];
	_ =	sdelay $0x3  }
0x37: {  	[smem:$0x3FB2] =	sst s10  }
0x38: {  	s10 =	sld [smem:$0x3FB3]  }
0x39: {  	_ = 	snop;
	(pc) =	sbr.ind lr, $3  }
0x3a: {  	_ = 	snop  }
0x3b: {  	_ = 	snop  }
0x3c: {  	p2 =	seq.s32 s10, $0x1;
	s10 =	sld [smem:$0x3FB2]  }
0x3d: {  	_ =	shalt  }
0x3e: {  	_ =	shalt  }
0x3f: {  	_ =	shalt  }
0x40: {  	_ =	shalt  }
0x41: {  	_ =	shalt  }
0x42: {  	_ =	shalt  }
0x43: {  	_ =	shalt  }
0x44: {  	_ =	shalt  }
0x45: {  	_ =	shalt  }
0x46: {  	_ =	shalt  }
0x47: {  	_ =	shalt  }
0x48: {  	_ =	shalt  }
0x49: {  	_ =	shalt  }
0x4a: {  	_ =	shalt  }
0x4b: {  	_ =	shalt  }
0x4c: {  	_ =	shalt  }
0x4d: {  	_ =	shalt  }
0x4e: {  	_ =	shalt  }
0x4f: {  	_ =	shalt  }
0x50: {  	_ =	shalt  }
0x51: {  	_ =	shalt  }
0x52: {  	_ =	shalt  }
0x53: {  	_ =	shalt  }
0x54: {  	_ =	shalt  }
0x55: {  	_ =	shalt  }
0x56: {  	_ =	shalt  }
0x57: {  	_ =	shalt  }
0x58: {  	_ =	shalt  }
0x59: {  	_ =	shalt  }
0x5a: {  	_ =	shalt  }
0x5b: {  	_ =	shalt  }
0x5c: {  	_ =	shalt  }
0x5d: {  	_ =	shalt  }
0x5e: {  	_ =	shalt  }
0x5f: {  	_ =	shalt  }
0x60: {  	_ =	shalt  }
0x61: {  	_ =	shalt  }
0x62: {  	_ =	shalt  }
0x63: {  	_ =	shalt  }
0x64: {  	_ =	shalt  }
0x65: {  	_ =	shalt  }
0x66: {  	_ =	shalt  }
0x67: {  	_ =	shalt  }
0x68: {  	_ =	shalt  }
0x69: {  	_ =	shalt  }
0x6a: {  	_ =	shalt  }
0x6b: {  	_ =	shalt  }
0x6c: {  	_ =	shalt  }
0x6d: {  	_ =	shalt  }
0x6e: {  	_ =	shalt  }
0x6f: {  	_ =	shalt  }
0x70: {  	_ =	shalt  }
0x71: {  	_ =	shalt  }
0x72: {  	_ =	shalt  }
0x73: {  	_ =	shalt  }
0x74: {  	_ =	shalt  }
0x75: {  	_ =	shalt  }
0x76: {  	_ =	shalt  }
0x77: {  	_ =	shalt  }
0x78: {  	_ =	shalt  }
0x79: {  	_ =	shalt  }
0x7a: {  	_ =	shalt  }
0x7b: {  	_ =	shalt  }
0x7c: {  	_ =	shalt  }
0x7d: {  	_ =	shalt  }
0x7e: {  	_ =	shalt  }
0x7f: {  	_ =	shalt  }
0x80: {  	_ =	shalt  }
0x81: {  	_ =	shalt  }
0x82: {  	_ =	shalt  }
0x83: {  	_ =	shalt  }
0x84: {  	_ =	shalt  }
0x85: {  	_ =	shalt  }
0x86: {  	_ =	shalt  }
0x87: {  	_ =	shalt  }
.Lfunc_end0:
.L_simem_size_0:
called_computation.2_lowered:
.L_overlay_start_0:
0x88: {  	s2 =	sld [smem:$0x3FD9]  }
0x89: {  	s3 =	sld [smem:$0x3FFE];
	_ =	sdelay $0x1  }
0x8a: {  	s1 =	srdreg.scid  }
0x8b: {  	s0 =	sand.u32 $0x1, s1  }
0x8c: {  	s16 =	sshll.u32 s0, $0xA;
	s2 =	sadd.s32 s3, s2  }
0x8d: {  	s2 =	sadd.s32 s2, s16  }
0x8e: {  	[smem:$0x3FBE] =	sst s2  }
0x8f: {  	_ = 	snop  }
0x90: {  	(tm) =	ssettm $0x1  }
0x91: {  	s17 =	sld [smem:$0x3FFB];
	_ =	sdelay $0x3  }
0x92: {  	_ =	strace s17  }
0x93: {  	s2 =	sld [smem:$0x3FFC];
	_ =	sdelay $0x3  }
0x94: {  	_ =	strace s2  }
0x95: {  	s2 =	sld [smem:$0x3FFD];
	_ =	sdelay $0x3  }
0x96: {  	_ =	strace s2  }
0x97: {  	_ =	strace $0x8FFFFFFF  }
0x98: {  	s18 =	sld [smem:$0x3FDB];
	_ =	sdelay $0x1  }
0x99: {  	s19 =	simm.s32 $_scs_section_size  }
0x9a: {  	s4 =	simm.s32 $_size__tile_overlayer_lowered;
	s5 =	simm.s32 $_tile_overlayer_lowered  }
0x9b: {  	s22 =	simm.s32 $0x1BFF;
	s21 =	sshll.u32 s5, $0x1;
	s2 =	sadd.s32 s19, s18  }
0x9c: {  	s6 =	simm.s32 $0x0;
	s20 =	sshll.u32 s4, $0x1;
	s4 =	sadd.s32 s21, s2  }
0x9d: {  	[timem:s6], [sflag:s22] =	dma.local [hbm:s4], s20  }
0x9e: {  	_ =	swait.ge [sflag:s22], s20  }
0x9f: {  	s3 =	ssub.s32 $0x0, s20;
	[sflag:s22] =	ssyncset.done $0x0  }
0xa0: {  	[sflag:s22] =	ssyncadd.s32 s3;
	_ =	sdelay $0x1  }
0xa1: {  	s23 =	simm.s32 $0x1B8B  }
0xa2: {  	_ =	swait.ge [sflag:s23], $0x1  }
0xa3: {  	[sflag:s23] =	ssyncset.done $0x0  }
0xa4: {  	s25 =	simm.s32 $0x1B8E;
	s24 =	sld [smem:$0x3FFE];
	[sflag:s23] =	ssyncadd.s32 $0xFFFFFFFF  }
0xa5: {  	s26 =	simm.s32 $execute0_lowered;
	[smem:$0x3FD2] =	sst s25  }
0xa6: {  	s4 =	sshll.u32 s26, $0x1;
	_ =	strace $0x8000004C;
	[dreg:$0x1] =	wrdreg $0xFFFFFFFF  }
0xa7: {  	s28 =	simm.s32 $_size_execute0_lowered;
	s2 =	sadd.s32 s2, s4;
	[dreg:$0x0] =	wrdreg $0x0  }
0xa8: {  	s4 =	sshll.u32 s28, $0x1;
	[dreg:$0x2] =	wrdreg s2  }
0xa9: {  	[dreg:$0x3] =	wrdreg s4  }
0xaa: {  	[dreg:$0x4] =	wrdreg $0xC0  }
0xab: {  	_ =	task [dreg:s6], $0x5FFFF  }
0xac: {  	[dreg:$0x1] =	wrdreg $0xFFFFFFFF  }
0xad: {  	[dreg:$0x0] =	wrdreg $0x60  }
0xae: {  	[dreg:$0x2] =	wrdreg s24  }
0xaf: {  	[dreg:$0x3] =	wrdreg $0x0  }
0xb0: {  	[dreg:$0x4] =	wrdreg $0x9  }
0xb1: {  	_ =	task.clear_ibuf [dreg:s6], $0x5FFFF;
	_ =	strace $0x9000004C  }
0xb2: {  	s29 =	simm.s32 $0x9;
	_ =	strace $0x8000004E  }
0xb3: {  	_ =	swait.ge [sflag:s29], $0x1  }
0xb4: {  	[sflag:s29] =	ssyncadd.s32 $0xFFFFFFFF  }
0xb5: {  	_ =	strace $0x9000004E  }
0xb6: {  	_ =	sfence  }
0xb7: {  	s30 =	sld [smem:$0x0];
	_ =	sdelay $0x2  }
0xb8: {  	s31 =	sshll.u32 s1, $0xD;
	s1 =	sshrl.u32 s1, $0x2  }
0xb9: {  	s3 =	sand.u32 $0x4000, s31;
	s1 =	sadd.s32 s1, s30  }
0xba: {  	s0 =	sor.u32 s3, s0;
	s1 =	sshll.u32 s1, $0x11  }
0xbb: {  	s0 =	sor.u32 s1, s0  }
0xbc: {  	s0 =	sadd.s32 $0x8F2B, s0  }
0xbd: {  	[sflag:s0] =	ssyncadd.remote.s32 $0x1  }
0xbe: {  	_ =	sfence.sel $0xFFFF  }
0xbf: {  	[dreg:$0x0] =	wrdreg $0xFFFFFFFF;
	(pc) =	sbr.abs _section_cstart, $3  }
0xc0: {  	[dreg:$0x1] =	wrdreg $0xFFFFFFFF  }
0xc1: {  	_ =	task.clear_ibuf [dreg:s6], $0x2FFFF;
	_ =	strace $0x9FFFFFFF  }
0xc2: {  	(tm) =	ssettm $0x7FFFFFFF  }
0xc3: {  	_ =	shalt  }
tec
execute0_lowered:
.L_overlay_start_1:
0x0: {  	(tag) =	ssettag $0x1  }
0x1: {  	s0 =	rddreg [dreg:$0x0]  }
0x2: {  	s1 =	rddreg [dreg:$0x1];
	s2 =	srdreg.scid  }
0x3: {  	s3 =	simm.s32 $0x0;
	s13 =	stileid.u32;
	s28 =	simm.s32 $0x1  }
0x4: {  	s29 =	simm.s32 $0x9;
	s30 =	simm.s32 $0x1B900;
	s31 =	simm.s32 $0x1FE00  }
0x5: {  	s2 =	sand.u32 $0x1, s2;
	[smem:$0x7FF] =	sst s3;
	s7 =	smul.u32 $0x50000, s13  }
0x6: {  	s5 =	sadd.s32 $0x3800, s0;
	s8 =	sadd.s32 $0x3FA00, s0;
	s11 =	smul.u32 $0x14000, s13  }
0x7: {  	s23 =	smul.u32 $0x5400, s13;
	s12 =	sadd.s32 $0x12C000, s1;
	p0 =	seq.s32 s13, $0xF  }
0x8: {  	s4 =	sshll.u32 s2, $0x4;
	_ =	strace $0x8000004D;
	s9 =	smul.u32 $0x139000, s2  }
0x9: {  	[dreg:$0xd] =	wrdreg s8;
	s22 =	ssub.s32 $0x2, s2;
	s2 =	smul.u32 $0x54000, s2  }
0xa: {  	s6 =	sor.u32 s13, s4;
	s4 =	sadd.s32 $0x18800, s0;
	s0 =	sadd.s32 $0x42200, s0  }
0xb: {  	s10 =	sshrl.u32 s22, $0x1;
	s7 =	sshrl.u32 s7, $0x2;
	s6 =	smul.u32 $0x5400, s6  }
0xc: {  	s8 =	ssub.s32 s22, s10;
	s7 =	sadd.s32 s7, s1;
	s24 =	sadd.s32 s11, s9  }
0xd: {  	s2 =	sadd.s32 s23, s2;
	s9 =	sshrl.u32 s9, $0x3;
	s22 =	simm.s32 $0x1F980  }
0xe: {  	s23 =	simm.s32 $0x1FA80;
	s10 =	sadd.s32 $0x800, s2;
	s11 =	sadd.s32 $0x700, s2  }
0xf: {  	s16 =	smax.u32 s8, $0x1;
	s17 =	sadd.s32 $0x500, s2;
	s18 =	sadd.s32 $0x600, s2  }
0x10: {  	s19 =	sadd.s32 $0x400, s2;
	s2 =	sor.u32 $0x300, s2;
	[dreg:$0x8] =	wrdreg s22  }
0x11: {  	[dreg:$0x9] =	wrdreg s23;
	s22 =	simm.s32 $0x13900;
	s23 =	simm.s32 $0x1FC00  }
0x12: {  	s8 =	simm.s32 $0xA;
	s6 =	sshrl.u32 s6, $0x3;
	[dreg:$0x13] =	wrdreg s16  }
0x13: {  	[dreg:$0x14] =	wrdreg s18;
	s2 =	sshrl.u32 s2, $0x3;
	s16 =	sshrl.u32 @!p0 s7, $0x3  }
0x14: {  	s7 =	simm.s32 $0xC;
	s14 =	sadd.s32 s5, s6;
	s6 =	sshrl.u32 s24, $0x3  }
0x15: {  	s21 =	sadd.s32 s2, s5;
	s24 =	simm.s32 $0x1FB80;
	[dreg:$0x17] =	wrdreg s16  }
0x16: {  	s2 =	simm.s32 $0x4;
	s25 =	sadd.s32 $0x20, s14;
	[dreg:$0xe] =	wrdreg s14  }
0x17: {  	s26 =	sadd.s32 $0x40, s14;
	s6 =	sadd.s32 s0, s6;
	[dreg:$0x7] =	wrdreg s21  }
0x18: {  	s0 =	sadd.s32 s0, s9;
	s14 =	sshrl.u32 s11, $0x3;
	[dreg:$0xa] =	wrdreg s24  }
0x19: {  	s21 =	simm.s32 $0x80;
	s24 =	simm.s32 $0x8;
	[dreg:$0xf] =	wrdreg s25  }
0x1a: {  	s9 =	simm.s32 $0x3;
	s11 =	simm.s32 $0xB;
	[dreg:$0x10] =	wrdreg s26  }
0x1b: {  	[dreg:$0x11] =	wrdreg s6;
	s6 =	sshrl.u32 s10, $0x3;
	s0 =	sadd.s32 $0x25800, s0  }
0x1c: {  	s15 =	sadd.s32 s14, s5;
	s14 =	sshrl.u32 @p0 s12, $0x3;
	[dreg:$0x12] =	wrdreg s0  }
0x1d: {  	s25 =	simm.s32 $0x1FC80;
	s26 =	simm.s32 $0x1FD80;
	[dreg:$0x4] =	wrdreg s15  }
0x1e: {  	s10 =	simm.s32 $0x5;
	s12 =	simm.s32 $0x6;
	[dreg:$0xb] =	wrdreg s25  }
0x1f: {  	s6 =	sadd.s32 s6, s5;
	s0 =	sshrl.u32 s17, $0x3;
	[dreg:$0xc] =	wrdreg s26  }
0x20: {  	s25 =	simm.s32 $0x17900;
	s26 =	simm.s32 $0x1FD00;
	[dreg:$0x15] =	wrdreg s14  }
0x21: {  	[dreg:$0x3] =	wrdreg s6;
	s0 =	sadd.s32 s0, s5;
	s6 =	sshrl.u32 s19, $0x3  }
0x22: {  	[dreg:$0x5] =	wrdreg s0;
	s20 =	sadd.s32 s6, s5;
	s0 =	sshll.u32 @!p0 s13, $0x6  }
0x23: {  	s17 =	simm.s32 $0x0;
	[dreg:$0x6] =	wrdreg s20;
	s15 =	sor.u32 @!p0 $0x1C0D, s0  }
0x24: {  	s20 =	simm.s32 $0x7;
	s0 =	simm.s32 $0x2;
	[dreg:$0x16] =	wrdreg s15  }
.LBB2_1:
0x25: {  	[dreg:$0x18] =	wrdreg s17  }
0x26: {  	s6 =	simm.s32 @p0 $0x1FCD;
	s13 =	rddreg [dreg:$0xd]  }
0x27: {  	[spmem:s14], [sflag:s6] =	dma.local @p0 [hbm:s13], $0x1A00  }
0x28: {  	s6 =	simm.s32 @p0 $0xD  }
0x29: {  	_ =	swait.ge @p0 [sflag:s6], $0x1A00  }
0x2a: {  	[sflag:s6] =	ssyncset.done @p0 $0x0  }
0x2b: {  	[sflag:s6] =	ssyncadd.s32 @p0 $0xFFFFE600;
	s6 =	simm.s32 @!p0 $0xD  }
0x2c: {  	[spmem:s16], [sflag:s15] =	dma.local @!p0 [hbm:s13], $0x2800  }
0x2d: {  	_ =	swait.ge @!p0 [sflag:s6], $0x2800  }
0x2e: {  	[sflag:s6] =	ssyncset.done @!p0 $0x0  }
0x2f: {  	[sflag:s6] =	ssyncadd.s32 @!p0 $0xFFFFD800  }
0x30: {  	[bflag:$0x0] =	sbarrier.arrive $0xFFFF  }
0x31: {  	p1 =	por $0x1, $0x1;
	s14 =	simm.s32 $0x1F900;
	s13 =	rddreg [dreg:$0xe]  }
0x32: {  	[tilespmem:s14], [sflag:$0x7] =	stream.linear.gather [hbm4b:s13+s3], $0x100, $0x38;
	[tilespmem:$0x1FF00] =	vst v63  }
0x33: {  	p1 =	por p1, p1;
	s16 =	simm.s32 $0x1FA00;
	s15 =	rddreg [dreg:$0xf]  }
0x34: {  	[tilespmem:s16], [sflag:$0x8] =	stream.linear.gather [hbm4b:s15+s3], $0x100, $0x38;
	[tilespmem:$0x1FF00] =	vst v63  }
0x35: {  	s18 =	simm.s32 $0x1FB00;
	s6 =	simm.s32 @!p1 $0x4;
	s17 =	rddreg [dreg:$0x10]  }
0x36: {  	[tilespmem:s18], [sflag:$0x9] =	stream.linear.gather [hbm4b:s17+s3], $0x100, $0x38;
	[tilespmem:$0x1FF00] =	vst v63  }
0x37: {  	_ =	swait.ge @!p1 [sflag:s6], $0x4000  }
0x38: {  	[sflag:s6] =	ssyncset.done @!p1 $0x0  }
0x39: {  	[sflag:s6] =	ssyncadd.s32 @!p1 $0xFFFFC000  }
0x3a: {  	_ =	swait.ge [sflag:s20], $0x100  }
0x3b: {  	[sflag:s20] =	ssyncset.done $0x0  }
0x3c: {  	s19 =	rddreg [dreg:$0x7];
	[sflag:s20] =	ssyncadd.s32 $0xFFFFFF00  }
0x3d: {  	[tilespmem:s22], [sflag:$0x1] =	stream.indirect.gather [hbm4b:s4+s21], $0x80, s14, s21, $0xb8;
	[tilespmem:$0x1FF00] =	vst v63  }
0x3e: {  	s13 =	simm.s32 @!p1 $0x3;
	s6 =	sadd.s32 $0x0, s19  }
0x3f: {  	[tilespmem:s23], [sflag:$0xA] =	stream.linear.gather [hbm4b:s6+s3], $0x100, $0x38;
	[tilespmem:$0x1FF00] =	vst v63  }
0x40: {  	_ =	swait.ge @!p1 [sflag:s13], $0x4000  }
0x41: {  	s15 =	simm.s32 @!p1 $0x1FE80;
	s14 =	simm.s32 @!p1 $0x5;
	[sflag:s13] =	ssyncset.done @!p1 $0x0  }
0x42: {  	s6 =	simm.s32 @!p1 $0x1B900;
	[sflag:s13] =	ssyncadd.s32 @!p1 $0xFFFFC000;
	s13 =	simm.s32 @!p1 $0x80  }
0x43: {  	[spmem:s1] =	stream.indirect.scatter.add.f32 @!p1 [tilespmem:s6], [sflag:$0x6], $0x80, s15, s13, $0xb8;
	[tilespmem:$0x1FF00] =	vst v63  }
0x44: {  	_ =	swait.ge @!p1 [sflag:s14], $0x4000  }
0x45: {  	[sflag:s14] =	ssyncset.done @!p1 $0x0  }
0x46: {  	[sflag:s14] =	ssyncadd.s32 @!p1 $0xFFFFC000  }
0x47: {  	_ =	swait.ge [sflag:s24], $0x100  }
0x48: {  	[sflag:s24] =	ssyncset.done $0x0  }
0x49: {  	s14 =	rddreg [dreg:$0x6];
	[sflag:s24] =	ssyncadd.s32 $0xFFFFFF00  }
0x4a: {  	[tilespmem:s25], [sflag:$0x2] =	stream.indirect.gather [hbm4b:s4+s21], $0x80, s16, s21, $0xb8;
	[tilespmem:$0x1FF00] =	vst v63  }
0x4b: {  	s6 =	sadd.s32 $0x0, s14  }
0x4c: {  	[tilespmem:s26], [sflag:$0xB] =	stream.linear.gather [hbm4b:s6+s3], $0x100, $0x38;
	[tilespmem:$0x1FF00] =	vst v63  }
0x4d: {  	_ =	swait.ge [sflag:s28], $0x4000  }
0x4e: {  	[sflag:s28] =	ssyncset.done $0x0  }
0x4f: {  	s13 =	simm.s32 @!p1 $0x6;
	s15 =	rddreg [dreg:$0x8];
	[sflag:s28] =	ssyncadd.s32 $0xFFFFC000  }
0x50: {  	[spmem:s1] =	stream.indirect.scatter.add.f32 [tilespmem:s22], [sflag:$0x4], $0x80, s15, s21, $0xb8;
	[tilespmem:$0x1FF00] =	vst v63  }
0x51: {  	_ =	swait.ge @!p1 [sflag:s13], $0x4000  }
0x52: {  	[sflag:s13] =	ssyncset.done @!p1 $0x0  }
0x53: {  	[sflag:s13] =	ssyncadd.s32 @!p1 $0xFFFFC000  }
0x54: {  	_ =	swait.ge [sflag:s29], $0x100  }
0x55: {  	[sflag:s29] =	ssyncset.done $0x0  }
0x56: {  	s16 =	rddreg [dreg:$0x5];
	[sflag:s29] =	ssyncadd.s32 $0xFFFFFF00  }
0x57: {  	[tilespmem:s30], [sflag:$0x3] =	stream.indirect.gather [hbm4b:s4+s21], $0x80, s18, s21, $0xb8;
	[tilespmem:$0x1FF00] =	vst v63  }
0x58: {  	s6 =	sadd.s32 $0x0, s16  }
0x59: {  	[tilespmem:s31], [sflag:$0xC] =	stream.linear.gather [hbm4b:s6+s3], $0x100, $0x38;
	[tilespmem:$0x1FF00] =	vst v63  }
0x5a: {  	_ =	swait.ge [sflag:s0], $0x4000  }
0x5b: {  	[sflag:s0] =	ssyncset.done $0x0  }
0x5c: {  	s17 =	rddreg [dreg:$0x9];
	[sflag:s0] =	ssyncadd.s32 $0xFFFFC000  }
0x5d: {  	[spmem:s1] =	stream.indirect.scatter.add.f32 [tilespmem:s25], [sflag:$0x5], $0x80, s17, s21, $0xb8;
	[tilespmem:$0x1FF00] =	vst v63  }
0x5e: {  	_ =	swait.ge [sflag:s2], $0x4000  }
0x5f: {  	[sflag:s2] =	ssyncset.done $0x0  }
0x60: {  	[sflag:s2] =	ssyncadd.s32 $0xFFFFC000  }
0x61: {  	_ =	swait.ge [sflag:s8], $0x100  }
0x62: {  	p1 =	por $0x0, $0x0;
	[sflag:s8] =	ssyncset.done $0x0;
	s16 =	rddreg [dreg:$0x14]  }
0x63: {  	[sflag:s8] =	ssyncadd.s32 $0xFFFFFF00;
	s6 =	sshrl.u32 @!p1 s16, $0x3  }
0x64: {  	[tilespmem:s22], [sflag:$0x1] =	stream.indirect.gather [hbm4b:s4+s21], $0x80, s23, s21, $0xb8;
	[tilespmem:$0x1FF00] =	vst v63  }
0x65: {  	s13 =	simm.s32 @!p1 $0x0;
	s14 =	simm.s32 @!p1 $0x1F900;
	s6 =	sadd.s32 @!p1 s5, s6  }
0x66: {  	[tilespmem:s14], [sflag:$0x7] =	stream.linear.gather @!p1 [hbm4b:s6+s13], $0x100, $0x38;
	[tilespmem:$0x1FF00] =	vst v63  }
0x67: {  	_ =	swait.ge [sflag:s9], $0x4000  }
0x68: {  	[sflag:s9] =	ssyncset.done $0x0  }
0x69: {  	s18 =	rddreg [dreg:$0xa];
	[sflag:s9] =	ssyncadd.s32 $0xFFFFC000  }
0x6a: {  	[spmem:s1] =	stream.indirect.scatter.add.f32 [tilespmem:s30], [sflag:$0x6], $0x80, s18, s21, $0xb8;
	[tilespmem:$0x1FF00] =	vst v63  }
0x6b: {  	_ =	swait.ge [sflag:s10], $0x4000  }
0x6c: {  	[sflag:s10] =	ssyncset.done $0x0  }
0x6d: {  	[sflag:s10] =	ssyncadd.s32 $0xFFFFC000  }
0x6e: {  	_ =	swait.ge [sflag:s11], $0x100  }
0x6f: {  	[sflag:s11] =	ssyncset.done $0x0  }
0x70: {  	s6 =	rddreg [dreg:$0x4];
	[sflag:s11] =	ssyncadd.s32 $0xFFFFFF00  }
0x71: {  	[tilespmem:s25], [sflag:$0x2] =	stream.indirect.gather [hbm4b:s4+s21], $0x80, s26, s21, $0xb8;
	[tilespmem:$0x1FF00] =	vst v63  }
0x72: {  	s14 =	simm.s32 @!p1 $0x1FA00;
	s6 =	sadd.s32 @!p1 $0x0, s6  }
0x73: {  	[tilespmem:s14], [sflag:$0x8] =	stream.linear.gather @!p1 [hbm4b:s6+s13], $0x100, $0x38;
	[tilespmem:$0x1FF00] =	vst v63  }
0x74: {  	_ =	swait.ge [sflag:s28], $0x4000  }
0x75: {  	[sflag:s28] =	ssyncset.done $0x0  }
0x76: {  	s19 =	rddreg [dreg:$0xb];
	[sflag:s28] =	ssyncadd.s32 $0xFFFFC000  }
0x77: {  	[spmem:s1] =	stream.indirect.scatter.add.f32 [tilespmem:s22], [sflag:$0x4], $0x80, s19, s21, $0xb8;
	[tilespmem:$0x1FF00] =	vst v63  }
0x78: {  	_ =	swait.ge [sflag:s12], $0x4000  }
0x79: {  	[sflag:s12] =	ssyncset.done $0x0  }
0x7a: {  	[sflag:s12] =	ssyncadd.s32 $0xFFFFC000  }
0x7b: {  	_ =	swait.ge [sflag:s7], $0x100  }
0x7c: {  	[sflag:s7] =	ssyncset.done $0x0  }
0x7d: {  	s6 =	rddreg [dreg:$0x3];
	[sflag:s7] =	ssyncadd.s32 $0xFFFFFF00  }
0x7e: {  	[tilespmem:s30], [sflag:$0x3] =	stream.indirect.gather [hbm4b:s4+s21], $0x80, s31, s21, $0xb8;
	[tilespmem:$0x1FF00] =	vst v63  }
0x7f: {  	s14 =	simm.s32 @!p1 $0x1FB00;
	s6 =	sadd.s32 @!p1 $0x0, s6  }
0x80: {  	[tilespmem:s14], [sflag:$0x9] =	stream.linear.gather @!p1 [hbm4b:s6+s13], $0x100, $0x38;
	[tilespmem:$0x1FF00] =	vst v63  }
0x81: {  	p6 =	por $0x0, $0x0;
	s15 =	simm.s32 $0x180;
	_ =	swait.ge [sflag:s0], $0x4000  }
0x82: {  	s13 =	simm.s32 $0xC0;
	p1 =	por p6, p6;
	[sflag:s0] =	ssyncset.done $0x0  }
0x83: {  	s14 =	sadd.s32 $0x600, s16;
	s6 =	rddreg [dreg:$0xc];
	[sflag:s0] =	ssyncadd.s32 $0xFFFFC000  }
.LBB2_2:
0x84: {  	s17 =	simm.s32 @!p1 $0x4  }
0x85: {  	[spmem:s1] =	stream.indirect.scatter.add.f32 [tilespmem:s25], [sflag:$0x5], $0x80, s6, s21, $0xb8;
	[tilespmem:$0x1FF00] =	vst v63  }
0x86: {  	_ =	swait.ge @!p1 [sflag:s17], $0x4000  }
0x87: {  	[sflag:s17] =	ssyncset.done @!p1 $0x0  }
0x88: {  	[sflag:s17] =	ssyncadd.s32 @!p1 $0xFFFFC000  }
0x89: {  	_ =	swait.ge [sflag:s20], $0x100  }
0x8a: {  	[sflag:s20] =	ssyncset.done $0x0  }
0x8b: {  	s18 =	simm.s32 $0x1F900;
	s19 =	rddreg [dreg:$0x7];
	[sflag:s20] =	ssyncadd.s32 $0xFFFFFF00  }
0x8c: {  	[tilespmem:s22], [sflag:$0x1] =	stream.indirect.gather [hbm4b:s4+s21], $0x80, s18, s21, $0xb8;
	[tilespmem:$0x1FF00] =	vst v63  }
0x8d: {  	s17 =	simm.s32 @!p1 $0x3;
	s6 =	sadd.s32 s13, s19  }
0x8e: {  	[tilespmem:s23], [sflag:$0xA] =	stream.linear.gather [hbm4b:s6+s3], $0x100, $0x38;
	[tilespmem:$0x1FF00] =	vst v63  }
0x8f: {  	_ =	swait.ge @!p1 [sflag:s17], $0x4000  }
0x90: {  	s19 =	simm.s32 @!p1 $0x1FE80;
	s18 =	simm.s32 @!p1 $0x5;
	[sflag:s17] =	ssyncset.done @!p1 $0x0  }
0x91: {  	s6 =	simm.s32 @!p1 $0x1B900;
	[sflag:s17] =	ssyncadd.s32 @!p1 $0xFFFFC000;
	s17 =	simm.s32 @!p1 $0x80  }
0x92: {  	[spmem:s1] =	stream.indirect.scatter.add.f32 @!p1 [tilespmem:s6], [sflag:$0x6], $0x80, s19, s17, $0xb8;
	[tilespmem:$0x1FF00] =	vst v63  }
0x93: {  	_ =	swait.ge @!p1 [sflag:s18], $0x4000  }
0x94: {  	[sflag:s18] =	ssyncset.done @!p1 $0x0  }
0x95: {  	[sflag:s18] =	ssyncadd.s32 @!p1 $0xFFFFC000  }
0x96: {  	_ =	swait.ge [sflag:s24], $0x100  }
0x97: {  	[sflag:s24] =	ssyncset.done $0x0  }
0x98: {  	s18 =	simm.s32 $0x1FA00;
	s19 =	rddreg [dreg:$0x6];
	[sflag:s24] =	ssyncadd.s32 $0xFFFFFF00  }
0x99: {  	[tilespmem:s25], [sflag:$0x2] =	stream.indirect.gather [hbm4b:s4+s21], $0x80, s18, s21, $0xb8;
	[tilespmem:$0x1FF00] =	vst v63  }
0x9a: {  	s6 =	sadd.s32 s13, s19  }
0x9b: {  	[tilespmem:s26], [sflag:$0xB] =	stream.linear.gather [hbm4b:s6+s3], $0x100, $0x38;
	[tilespmem:$0x1FF00] =	vst v63  }
0x9c: {  	_ =	swait.ge [sflag:s28], $0x4000  }
0x9d: {  	[sflag:s28] =	ssyncset.done $0x0  }
0x9e: {  	s17 =	simm.s32 @!p1 $0x6;
	s19 =	rddreg [dreg:$0x8];
	[sflag:s28] =	ssyncadd.s32 $0xFFFFC000  }
0x9f: {  	[spmem:s1] =	stream.indirect.scatter.add.f32 [tilespmem:s22], [sflag:$0x4], $0x80, s19, s21, $0xb8;
	[tilespmem:$0x1FF00] =	vst v63  }
0xa0: {  	_ =	swait.ge @!p1 [sflag:s17], $0x4000  }
0xa1: {  	[sflag:s17] =	ssyncset.done @!p1 $0x0  }
0xa2: {  	[sflag:s17] =	ssyncadd.s32 @!p1 $0xFFFFC000  }
0xa3: {  	_ =	swait.ge [sflag:s29], $0x100  }
0xa4: {  	[sflag:s29] =	ssyncset.done $0x0  }
0xa5: {  	s19 =	simm.s32 $0x1FB00;
	s18 =	rddreg [dreg:$0x5];
	[sflag:s29] =	ssyncadd.s32 $0xFFFFFF00  }
0xa6: {  	[tilespmem:s30], [sflag:$0x3] =	stream.indirect.gather [hbm4b:s4+s21], $0x80, s19, s21, $0xb8;
	[tilespmem:$0x1FF00] =	vst v63  }
0xa7: {  	s6 =	sadd.s32 s13, s18  }
0xa8: {  	[tilespmem:s31], [sflag:$0xC] =	stream.linear.gather [hbm4b:s6+s3], $0x100, $0x38;
	[tilespmem:$0x1FF00] =	vst v63  }
0xa9: {  	_ =	swait.ge [sflag:s0], $0x4000  }
0xaa: {  	[sflag:s0] =	ssyncset.done $0x0  }
0xab: {  	s17 =	rddreg [dreg:$0x9];
	[sflag:s0] =	ssyncadd.s32 $0xFFFFC000  }
0xac: {  	[spmem:s1] =	stream.indirect.scatter.add.f32 [tilespmem:s25], [sflag:$0x5], $0x80, s17, s21, $0xb8;
	[tilespmem:$0x1FF00] =	vst v63  }
0xad: {  	_ =	swait.ge [sflag:s2], $0x4000  }
0xae: {  	[sflag:s2] =	ssyncset.done $0x0  }
0xaf: {  	[sflag:s2] =	ssyncadd.s32 $0xFFFFC000  }
0xb0: {  	p3 =	seq.s32 s15, $0x0;
	_ =	swait.ge [sflag:s8], $0x100  }
0xb1: {  	p1 =	por p3, p3;
	p3 =	seq.s32 s13, $0x9C0;
	[sflag:s8] =	ssyncset.done $0x0  }
0xb2: {  	s17 =	sshrl.u32 @!p3 s14, $0x3;
	[sflag:s8] =	ssyncadd.s32 $0xFFFFFF00  }
0xb3: {  	[tilespmem:s22], [sflag:$0x1] =	stream.indirect.gather [hbm4b:s4+s21], $0x80, s23, s21, $0xb8;
	[tilespmem:$0x1FF00] =	vst v63  }
0xb4: {  	s18 =	simm.s32 @!p3 $0x1F900;
	s6 =	simm.s32 @!p3 $0x0;
	s17 =	sadd.s32 @!p3 s5, s17  }
0xb5: {  	[tilespmem:s18], [sflag:$0x7] =	stream.linear.gather @!p3 [hbm4b:s17+s6], $0x100, $0x38;
	[tilespmem:$0x1FF00] =	vst v63  }
0xb6: {  	_ =	swait.ge [sflag:s9], $0x4000  }
0xb7: {  	[sflag:s9] =	ssyncset.done $0x0  }
0xb8: {  	s18 =	rddreg [dreg:$0xa];
	[sflag:s9] =	ssyncadd.s32 $0xFFFFC000  }
0xb9: {  	[spmem:s1] =	stream.indirect.scatter.add.f32 [tilespmem:s30], [sflag:$0x6], $0x80, s18, s21, $0xb8;
	[tilespmem:$0x1FF00] =	vst v63  }
0xba: {  	_ =	swait.ge [sflag:s10], $0x4000  }
0xbb: {  	[sflag:s10] =	ssyncset.done $0x0  }
0xbc: {  	[sflag:s10] =	ssyncadd.s32 $0xFFFFC000  }
0xbd: {  	_ =	swait.ge [sflag:s11], $0x100  }
0xbe: {  	[sflag:s11] =	ssyncset.done $0x0  }
0xbf: {  	s17 =	rddreg [dreg:$0x4];
	[sflag:s11] =	ssyncadd.s32 $0xFFFFFF00  }
0xc0: {  	[tilespmem:s25], [sflag:$0x2] =	stream.indirect.gather [hbm4b:s4+s21], $0x80, s26, s21, $0xb8;
	[tilespmem:$0x1FF00] =	vst v63  }
0xc1: {  	s18 =	simm.s32 @!p3 $0x1FA00;
	s17 =	sadd.s32 @!p3 s13, s17  }
0xc2: {  	[tilespmem:s18], [sflag:$0x8] =	stream.linear.gather @!p3 [hbm4b:s17+s6], $0x100, $0x38;
	[tilespmem:$0x1FF00] =	vst v63  }
0xc3: {  	_ =	swait.ge [sflag:s28], $0x4000  }
0xc4: {  	[sflag:s28] =	ssyncset.done $0x0  }
0xc5: {  	s19 =	rddreg [dreg:$0xb];
	[sflag:s28] =	ssyncadd.s32 $0xFFFFC000  }
0xc6: {  	[spmem:s1] =	stream.indirect.scatter.add.f32 [tilespmem:s22], [sflag:$0x4], $0x80, s19, s21, $0xb8;
	[tilespmem:$0x1FF00] =	vst v63  }
0xc7: {  	_ =	swait.ge [sflag:s12], $0x4000  }
0xc8: {  	[sflag:s12] =	ssyncset.done $0x0  }
0xc9: {  	[sflag:s12] =	ssyncadd.s32 $0xFFFFC000  }
0xca: {  	_ =	swait.ge [sflag:s7], $0x100  }
0xcb: {  	s16 =	smov.u32 s15;
	s15 =	sadd.s32 $0xC0, s15;
	[sflag:s7] =	ssyncset.done $0x0  }
0xcc: {  	p2 =	sne.s32 s15, $0xA80;
	s17 =	rddreg [dreg:$0x3];
	[sflag:s7] =	ssyncadd.s32 $0xFFFFFF00  }
0xcd: {  	[tilespmem:s30], [sflag:$0x3] =	stream.indirect.gather [hbm4b:s4+s21], $0x80, s31, s21, $0xb8;
	[tilespmem:$0x1FF00] =	vst v63  }
.Ltmp0:
0xce: {  	s18 =	simm.s32 @!p3 $0x1FB00;
	s17 =	sadd.s32 @!p3 s13, s17;
	(pc) =	sbr.rel @p2 .LBB2_2-.Ltmp0, $4  }
0xcf: {  	[tilespmem:s18], [sflag:$0x9] =	stream.linear.gather @!p3 [hbm4b:s17+s6], $0x100, $0x38;
	[tilespmem:$0x1FF00] =	vst v63  }
0xd0: {  	_ =	swait.ge [sflag:s0], $0x4000  }
0xd1: {  	s14 =	sadd.s32 $0x600, s14;
	[sflag:s0] =	ssyncset.done $0x0  }
0xd2: {  	s13 =	smov.u32 s16;
	s6 =	rddreg [dreg:$0xc];
	[sflag:s0] =	ssyncadd.s32 $0xFFFFC000  }
0xd3: {  	s15 =	simm.s32 @!p1 $0x4  }
0xd4: {  	[spmem:s1] =	stream.indirect.scatter.add.f32 [tilespmem:s25], [sflag:$0x5], $0x80, s6, s21, $0xb8;
	[tilespmem:$0x1FF00] =	vst v63  }
0xd5: {  	_ =	swait.ge @!p1 [sflag:s15], $0x4000  }
0xd6: {  	[sflag:s15] =	ssyncset.done @!p1 $0x0  }
0xd7: {  	[sflag:s15] =	ssyncadd.s32 @!p1 $0xFFFFC000  }
0xd8: {  	_ =	swait.ge [sflag:s20], $0x100  }
0xd9: {  	[sflag:s20] =	ssyncset.done $0x0  }
0xda: {  	s17 =	simm.s32 $0x1F900;
	s16 =	rddreg [dreg:$0x7];
	[sflag:s20] =	ssyncadd.s32 $0xFFFFFF00  }
0xdb: {  	[tilespmem:s22], [sflag:$0x1] =	stream.indirect.gather [hbm4b:s4+s21], $0x80, s17, s21, $0xb8;
	[tilespmem:$0x1FF00] =	vst v63  }
0xdc: {  	s15 =	simm.s32 @!p1 $0x3;
	s6 =	sadd.s32 s13, s16  }
0xdd: {  	[tilespmem:s23], [sflag:$0xA] =	stream.linear.gather [hbm4b:s6+s3], $0x100, $0x38;
	[tilespmem:$0x1FF00] =	vst v63  }
0xde: {  	_ =	swait.ge @!p1 [sflag:s15], $0x4000  }
0xdf: {  	s16 =	simm.s32 @!p1 $0x1FE80;
	[sflag:s15] =	ssyncset.done @!p1 $0x0  }
0xe0: {  	s6 =	simm.s32 @!p1 $0x1B900;
	[sflag:s15] =	ssyncadd.s32 @!p1 $0xFFFFC000;
	s15 =	simm.s32 @!p1 $0x80  }
0xe1: {  	[spmem:s1] =	stream.indirect.scatter.add.f32 @!p1 [tilespmem:s6], [sflag:$0x6], $0x80, s16, s15, $0xb8;
	[tilespmem:$0x1FF00] =	vst v63  }
0xe2: {  	s6 =	simm.s32 @!p1 $0x5  }
0xe3: {  	_ =	swait.ge @!p1 [sflag:s6], $0x4000  }
0xe4: {  	[sflag:s6] =	ssyncset.done @!p1 $0x0  }
0xe5: {  	[sflag:s6] =	ssyncadd.s32 @!p1 $0xFFFFC000  }
0xe6: {  	_ =	swait.ge [sflag:s24], $0x100  }
0xe7: {  	[sflag:s24] =	ssyncset.done $0x0  }
0xe8: {  	s19 =	simm.s32 $0x1FA00;
	s18 =	rddreg [dreg:$0x6];
	[sflag:s24] =	ssyncadd.s32 $0xFFFFFF00  }
0xe9: {  	[tilespmem:s25], [sflag:$0x2] =	stream.indirect.gather [hbm4b:s4+s21], $0x80, s19, s21, $0xb8;
	[tilespmem:$0x1FF00] =	vst v63  }
0xea: {  	s6 =	sadd.s32 s13, s18  }
0xeb: {  	[tilespmem:s26], [sflag:$0xB] =	stream.linear.gather [hbm4b:s6+s3], $0x100, $0x38;
	[tilespmem:$0x1FF00] =	vst v63  }
0xec: {  	_ =	swait.ge [sflag:s28], $0x4000  }
0xed: {  	[sflag:s28] =	ssyncset.done $0x0  }
0xee: {  	s15 =	simm.s32 @!p1 $0x6;
	s16 =	rddreg [dreg:$0x8];
	[sflag:s28] =	ssyncadd.s32 $0xFFFFC000  }
0xef: {  	[spmem:s1] =	stream.indirect.scatter.add.f32 [tilespmem:s22], [sflag:$0x4], $0x80, s16, s21, $0xb8;
	[tilespmem:$0x1FF00] =	vst v63  }
0xf0: {  	_ =	swait.ge @!p1 [sflag:s15], $0x4000  }
0xf1: {  	[sflag:s15] =	ssyncset.done @!p1 $0x0  }
0xf2: {  	[sflag:s15] =	ssyncadd.s32 @!p1 $0xFFFFC000  }
0xf3: {  	_ =	swait.ge [sflag:s29], $0x100  }
0xf4: {  	[sflag:s29] =	ssyncset.done $0x0  }
0xf5: {  	s18 =	simm.s32 $0x1FB00;
	s17 =	rddreg [dreg:$0x5];
	[sflag:s29] =	ssyncadd.s32 $0xFFFFFF00  }
0xf6: {  	[tilespmem:s30], [sflag:$0x3] =	stream.indirect.gather [hbm4b:s4+s21], $0x80, s18, s21, $0xb8;
	[tilespmem:$0x1FF00] =	vst v63  }
0xf7: {  	s6 =	sadd.s32 s13, s17  }
0xf8: {  	[tilespmem:s31], [sflag:$0xC] =	stream.linear.gather [hbm4b:s6+s3], $0x100, $0x38;
	[tilespmem:$0x1FF00] =	vst v63  }
0xf9: {  	_ =	swait.ge [sflag:s0], $0x4000  }
0xfa: {  	[sflag:s0] =	ssyncset.done $0x0  }
0xfb: {  	s19 =	rddreg [dreg:$0x9];
	[sflag:s0] =	ssyncadd.s32 $0xFFFFC000  }
0xfc: {  	[spmem:s1] =	stream.indirect.scatter.add.f32 [tilespmem:s25], [sflag:$0x5], $0x80, s19, s21, $0xb8;
	[tilespmem:$0x1FF00] =	vst v63  }
0xfd: {  	_ =	swait.ge [sflag:s2], $0x4000  }
0xfe: {  	[sflag:s2] =	ssyncset.done $0x0  }
0xff: {  	[sflag:s2] =	ssyncadd.s32 $0xFFFFC000  }
0x100: {  	_ =	swait.ge [sflag:s8], $0x100  }
0x101: {  	p1 =	seq.s32 s13, $0x9C0;
	[sflag:s8] =	ssyncset.done $0x0  }
0x102: {  	s6 =	sshrl.u32 @!p1 s14, $0x3;
	[sflag:s8] =	ssyncadd.s32 $0xFFFFFF00  }
0x103: {  	[tilespmem:s22], [sflag:$0x1] =	stream.indirect.gather [hbm4b:s4+s21], $0x80, s23, s21, $0xb8;
	[tilespmem:$0x1FF00] =	vst v63  }
0x104: {  	s15 =	simm.s32 @!p1 $0x1F900;
	s14 =	simm.s32 @!p1 $0x0;
	s6 =	sadd.s32 @!p1 s5, s6  }
0x105: {  	[tilespmem:s15], [sflag:$0x7] =	stream.linear.gather @!p1 [hbm4b:s6+s14], $0x100, $0x38;
	[tilespmem:$0x1FF00] =	vst v63  }
0x106: {  	_ =	swait.ge [sflag:s9], $0x4000  }
0x107: {  	[sflag:s9] =	ssyncset.done $0x0  }
0x108: {  	s15 =	rddreg [dreg:$0xa];
	[sflag:s9] =	ssyncadd.s32 $0xFFFFC000  }
0x109: {  	[spmem:s1] =	stream.indirect.scatter.add.f32 [tilespmem:s30], [sflag:$0x6], $0x80, s15, s21, $0xb8;
	[tilespmem:$0x1FF00] =	vst v63  }
0x10a: {  	_ =	swait.ge [sflag:s10], $0x4000  }
0x10b: {  	[sflag:s10] =	ssyncset.done $0x0  }
0x10c: {  	[sflag:s10] =	ssyncadd.s32 $0xFFFFC000  }
0x10d: {  	_ =	swait.ge [sflag:s11], $0x100  }
0x10e: {  	[sflag:s11] =	ssyncset.done $0x0  }
0x10f: {  	s6 =	rddreg [dreg:$0x4];
	[sflag:s11] =	ssyncadd.s32 $0xFFFFFF00  }
0x110: {  	[tilespmem:s25], [sflag:$0x2] =	stream.indirect.gather [hbm4b:s4+s21], $0x80, s26, s21, $0xb8;
	[tilespmem:$0x1FF00] =	vst v63  }
0x111: {  	s15 =	simm.s32 @!p1 $0x1FA00;
	s6 =	sadd.s32 @!p1 s13, s6  }
0x112: {  	[tilespmem:s15], [sflag:$0x8] =	stream.linear.gather @!p1 [hbm4b:s6+s14], $0x100, $0x38;
	[tilespmem:$0x1FF00] =	vst v63  }
0x113: {  	_ =	swait.ge [sflag:s28], $0x4000  }
0x114: {  	[sflag:s28] =	ssyncset.done $0x0  }
0x115: {  	s16 =	rddreg [dreg:$0xb];
	[sflag:s28] =	ssyncadd.s32 $0xFFFFC000  }
0x116: {  	[spmem:s1] =	stream.indirect.scatter.add.f32 [tilespmem:s22], [sflag:$0x4], $0x80, s16, s21, $0xb8;
	[tilespmem:$0x1FF00] =	vst v63  }
0x117: {  	_ =	swait.ge [sflag:s12], $0x4000  }
0x118: {  	[sflag:s12] =	ssyncset.done $0x0  }
0x119: {  	[sflag:s12] =	ssyncadd.s32 $0xFFFFC000  }
0x11a: {  	_ =	swait.ge [sflag:s7], $0x100  }
0x11b: {  	[sflag:s7] =	ssyncset.done $0x0  }
0x11c: {  	s6 =	rddreg [dreg:$0x3];
	[sflag:s7] =	ssyncadd.s32 $0xFFFFFF00  }
0x11d: {  	[tilespmem:s30], [sflag:$0x3] =	stream.indirect.gather [hbm4b:s4+s21], $0x80, s31, s21, $0xb8;
	[tilespmem:$0x1FF00] =	vst v63  }
0x11e: {  	s6 =	sadd.s32 @!p1 s13, s6;
	s13 =	simm.s32 @!p1 $0x1FB00  }
0x11f: {  	[tilespmem:s13], [sflag:$0x9] =	stream.linear.gather @!p1 [hbm4b:s6+s14], $0x100, $0x38;
	[tilespmem:$0x1FF00] =	vst v63  }
0x120: {  	_ =	swait.ge [sflag:s0], $0x4000  }
0x121: {  	[sflag:s0] =	ssyncset.done $0x0  }
0x122: {  	s17 =	rddreg [dreg:$0xc];
	[sflag:s0] =	ssyncadd.s32 $0xFFFFC000  }
0x123: {  	[spmem:s1] =	stream.indirect.scatter.add.f32 [tilespmem:s25], [sflag:$0x5], $0x80, s17, s21, $0xb8;
	[tilespmem:$0x1FF00] =	vst v63  }
0x124: {  	_ =	swait.ge [sflag:s9], $0x4000  }
0x125: {  	[sflag:s9] =	ssyncset.done $0x0  }
0x126: {  	s18 =	simm.s32 $0x1FE80;
	[sflag:s9] =	ssyncadd.s32 $0xFFFFC000  }
0x127: {  	[spmem:s1] =	stream.indirect.scatter.add.f32 [tilespmem:s30], [sflag:$0x6], $0x80, s18, s21, $0xb8;
	[tilespmem:$0x1FF00] =	vst v63  }
0x128: {  	_ =	swait.ge [sflag:s2], $0x4000  }
0x129: {  	[sflag:s2] =	ssyncset.done $0x0  }
0x12a: {  	[sflag:s2] =	ssyncadd.s32 $0xFFFFC000  }
0x12b: {  	_ =	swait.ge [sflag:s10], $0x4000  }
0x12c: {  	[sflag:s10] =	ssyncset.done $0x0  }
0x12d: {  	[sflag:s10] =	ssyncadd.s32 $0xFFFFC000  }
0x12e: {  	_ =	swait.ge [sflag:s12], $0x4000  }
0x12f: {  	[sflag:s12] =	ssyncset.done $0x0  }
0x130: {  	[sflag:s12] =	ssyncadd.s32 $0xFFFFC000  }
0x131: {  	[bflag:$0x0] =	sbarrier.arrive $0xFFFF  }
0x132: {  	s13 =	rddreg [dreg:$0x12]  }
0x133: {  	s6 =	simm.s32 @p0 $0x1FCD;
	s14 =	rddreg [dreg:$0x15]  }
0x134: {  	[hbm:s13], [sflag:s6] =	dma.local @p0 [spmem:s14], $0x1A00  }
0x135: {  	s6 =	simm.s32 @p0 $0xD  }
0x136: {  	_ =	swait.ge @p0 [sflag:s6], $0x1A00  }
0x137: {  	s15 =	rddreg [dreg:$0x16]  }
0x138: {  	[sflag:s6] =	ssyncset.done @p0 $0x0;
	s16 =	rddreg [dreg:$0x17]  }
0x139: {  	[sflag:s6] =	ssyncadd.s32 @p0 $0xFFFFE600;
	s6 =	rddreg [dreg:$0x11]  }
0x13a: {  	[hbm:s6], [sflag:s15] =	dma.local @!p0 [spmem:s16], $0x2800  }
0x13b: {  	s6 =	simm.s32 @!p0 $0xD  }
0x13c: {  	_ =	swait.ge @!p0 [sflag:s6], $0x2800  }
0x13d: {  	s17 =	rddreg [dreg:$0x18]  }
0x13e: {  	s19 =	rddreg [dreg:$0x13];
	s17 =	sadd.s32 $0x1, s17  }
0x13f: {  	p1 =	sne.s32 s17, s19  }
.Ltmp1:
0x140: {  	_ = 	snop;
	(pc) =	sbr.rel @p1 .LBB2_1-.Ltmp1, $3  }
0x141: {  	_ =	sdelay $0x1  }
0x142: {  	[sflag:s6] =	ssyncset.done @!p0 $0x0  }
0x143: {  	[sflag:s6] =	ssyncadd.s32 @!p0 $0xFFFFD800  }
0x144: {  	_ =	sfence.sel $0x180000  }
0x145: {  	[bflag:$0x0] =	sbarrier.arrive $0xFFFF  }
0x146: {  	_ =	strace $0x9000004D  }
0x147: {  	s0 =	stileid.u32;
	[bflag:$0x2] =	sbarrier.arrive $0xFFFF  }
0x148: {  	p0 =	sne.s32 s0, $0x0;
	s0 =	rddreg [dreg:$0x2]  }
0x149: {  	s0 =	sadd.s32 @!p0 $0x100000, s0  }
0x14a: {  	[sflag:s0] =	ssyncadd.tile.s32 @!p0 $0x1;
	_ =	shalt  }
.Lfunc_end2:
_tile_overlayer_lowered:
.L_overlay_start_2:
0x14b: {  	(tag) =	ssettag $0x2  }
0x14c: {  	s0 =	rddreg [dreg:$0x0];
	s2 =	stileid.u32  }
0x14d: {  	s1 =	rddreg [dreg:$0x1];
	p0 =	sne.s32 s2, $0x0  }
0x14e: {  	s3 =	rddreg [dreg:$0x2];
	[bflag:$0x3] =	sbarrier.arrive $0xFFFF;
	s2 =	simm.s32 @!p0 $0x1C0D  }
0x14f: {  	[timem:s3], [sflag:s2] =	dma.local @!p0 [hbm:s0], s1  }
0x150: {  	s0 =	simm.s32 @!p0 $0xD  }
0x151: {  	_ =	swait.ge @!p0 [sflag:s0], s1  }
0x152: {  	s1 =	ssub.s32 @!p0 $0x0, s1;
	[sflag:s0] =	ssyncset.done @!p0 $0x0  }
0x153: {  	[sflag:s0] =	ssyncadd.s32 @!p0 s1  }
0x154: {  	[bflag:$0x3] =	sbarrier.arrive $0xFFFF  }
0x155: {  	_ =	shalt  }

// kernel: kernel.20.cloned.1.call-start
scs
__scs_entry_jumppad:
0x0: {  	(pc) =	sbr.rel $0x88, $3  }
0x1: {  	(tag) =	ssettag $0x0;
	lr =	simm.s32 $0x1  }
0x2: {  	[smem:$0x3F97] =	sst lr;
	_ =	strace $0xD0000000  }
0x3: {  	_ = 	snop  }
0x4: {  	_ = 	snop  }
0x5: {  	_ = 	snop  }
0x6: {  	_ = 	snop  }
0x7: {  	_ = 	snop  }
__scs_overlays_trampoline_lowered:
0x8: {  	[smem:$0x3FA6] =	sst s0  }
0x9: {  	[smem:$0x3FA7] =	sst s1  }
0xa: {  	[smem:$0x3FA8] =	sst s2  }
0xb: {  	[smem:$0x3FA9] =	sst s3  }
0xc: {  	[smem:$0x3FAA] =	sst s4  }
0xd: {  	[smem:$0x3FAB] =	sst s5  }
0xe: {  	[smem:$0x3FAC] =	sst s6  }
0xf: {  	[smem:$0x3FAD] =	sst s7  }
0x10: {  	[smem:$0x3FAE] =	sst s8  }
0x11: {  	[smem:$0x3FAF] =	sst s9;
	s0 =	simm.s32 @!p0 $0x0  }
0x12: {  	s1 =	sld [smem:$0x3F95];
	s0 =	simm.s32 @p0 $0x1  }
0x13: {  	[smem:$0x3FB0] =	sst s0;
	s0 =	simm.s32 @!p1 $0x0  }
0x14: {  	s2 =	sld [smem:$0x3F94];
	s0 =	simm.s32 @p1 $0x1  }
0x15: {  	[smem:$0x3FB1] =	sst s0;
	s0 =	simm.s32 @!p2 $0x0  }
0x16: {  	s3 =	sld [smem:$0x3FDB];
	s0 =	simm.s32 @p2 $0x1  }
0x17: {  	s4 =	simm.s32 $0x1BF5;
	[smem:$0x3FB3] =	sst s0  }
0x18: {  	s0 =	sld [smem:$0x3F96];
	_ =	swait.ge [sflag:s4], $0x0  }
0x19: {  	s7 =	sld [smem:$0x3F97]  }
0x1a: {  	s8 =	sadd.s32 $0xFFFFE003, lr  }
0x1b: {  	s9 =	sadd.s32 $0xFFFFFEF7, lr;
	s5 =	simm.s32 $0xFFFFFFFF;
	p2 =	slt.u32 s8, $0xFFFFF086  }
0x1c: {  	p1 =	slt.u32 s9, $0xF7A;
	s5 =	simm.s32 @!p2 $0x0  }
0x1d: {  	s5 =	simm.s32 @p1 $0x1;
	p0 =	seq.s32 s7, s2  }
0x1e: {  	s7 =	smul.u32 @!p0 $0xF7A, s2;
	p2 =	seq.s32 @!p0 s5, $0x0  }
0x1f: {  	s9 =	smul.u32 $0xF7A, s1;
	s8 =	simm.s32 @!p0 $0x1BF5;
	p2 =	por !p2, p0  }
0x20: {  	[sflag:s8] =	ssyncset.s32 @!p0 $0xFFFFF086;
	s6 =	sadd.s32 @!p0 s3, s7;
	s7 =	simm.s32 @!p0 $0x108  }
0x21: {  	s3 =	sadd.s32 s3, s9;
	s6 =	sadd.s32 @!p0 $0x88, s6;
	s7 =	simm.s32 @p2 $0x1082  }
0x22: {  	[simem:s7], [sflag:s8] =	dma.local @!p0 [hbm:s6], $0xF7A  }
0x23: {  	s9 =	sor.u32 $0xD0000000, s2;
	s6 =	simm.s32 $0x108;
	_ =	swait.ge @!p0 [sflag:s8], $0x0  }
0x24: {  	s3 =	sadd.s32 $0x88, s3;
	s6 =	simm.s32 @!p1 $0x1082;
	[sflag:s4] =	ssyncset.s32 $0xFFFFF086  }
0x25: {  	[simem:s6], [sflag:s4] =	dma.local [hbm:s3], $0xF7A  }
0x26: {  	[smem:$0x3F97] =	sst s1;
	(tag) =	ssettag s2;
	_ =	strace s9  }
0x27: {  	s1 =	sld [smem:$0x3FA7]  }
0x28: {  	s2 =	sld [smem:$0x3FA8]  }
0x29: {  	s4 =	sld [smem:$0x3FAA]  }
0x2a: {  	p0 =	seq.s32 s5, $0x0;
	s5 =	sld [smem:$0x3FAB]  }
0x2b: {  	s6 =	sld [smem:$0x3FAC]  }
0x2c: {  	s7 =	sld [smem:$0x3FAD]  }
0x2d: {  	s3 =	simm.s32 $0x108;
	s8 =	sld [smem:$0x3FAE]  }
0x2e: {  	s3 =	simm.s32 @!p0 $0x1082;
	s9 =	sld [smem:$0x3FAF]  }
0x2f: {  	lr =	sadd.s32 s0, s3;
	s0 =	sld [smem:$0x3FA6]  }
0x30: {  	s3 =	sld [smem:$0x3FA9]  }
0x31: {  	[smem:$0x3FB2] =	sst s10  }
0x32: {  	s10 =	sld [smem:$0x3FB0];
	_ =	sdelay $0x3  }
0x33: {  	p0 =	seq.s32 s10, $0x1;
	s10 =	sld [smem:$0x3FB2];
	_ =	sdelay $0x3  }
0x34: {  	[smem:$0x3FB2] =	sst s10  }
0x35: {  	s10 =	sld [smem:$0x3FB1];
	_ =	sdelay $0x3  }
0x36: {  	p1 =	seq.s32 s10, $0x1;
	s10 =	sld [smem:$0x3FB2];
	_ =	sdelay $0x3  }
0x37: {  	[smem:$0x3FB2] =	sst s10  }
0x38: {  	s10 =	sld [smem:$0x3FB3]  }
0x39: {  	_ = 	snop;
	(pc) =	sbr.ind lr, $3  }
0x3a: {  	_ = 	snop  }
0x3b: {  	_ = 	snop  }
0x3c: {  	p2 =	seq.s32 s10, $0x1;
	s10 =	sld [smem:$0x3FB2]  }
0x3d: {  	_ =	shalt  }
0x3e: {  	_ =	shalt  }
0x3f: {  	_ =	shalt  }
0x40: {  	_ =	shalt  }
0x41: {  	_ =	shalt  }
0x42: {  	_ =	shalt  }
0x43: {  	_ =	shalt  }
0x44: {  	_ =	shalt  }
0x45: {  	_ =	shalt  }
0x46: {  	_ =	shalt  }
0x47: {  	_ =	shalt  }
0x48: {  	_ =	shalt  }
0x49: {  	_ =	shalt  }
0x4a: {  	_ =	shalt  }
0x4b: {  	_ =	shalt  }
0x4c: {  	_ =	shalt  }
0x4d: {  	_ =	shalt  }
0x4e: {  	_ =	shalt  }
0x4f: {  	_ =	shalt  }
0x50: {  	_ =	shalt  }
0x51: {  	_ =	shalt  }
0x52: {  	_ =	shalt  }
0x53: {  	_ =	shalt  }
0x54: {  	_ =	shalt  }
0x55: {  	_ =	shalt  }
0x56: {  	_ =	shalt  }
0x57: {  	_ =	shalt  }
0x58: {  	_ =	shalt  }
0x59: {  	_ =	shalt  }
0x5a: {  	_ =	shalt  }
0x5b: {  	_ =	shalt  }
0x5c: {  	_ =	shalt  }
0x5d: {  	_ =	shalt  }
0x5e: {  	_ =	shalt  }
0x5f: {  	_ =	shalt  }
0x60: {  	_ =	shalt  }
0x61: {  	_ =	shalt  }
0x62: {  	_ =	shalt  }
0x63: {  	_ =	shalt  }
0x64: {  	_ =	shalt  }
0x65: {  	_ =	shalt  }
0x66: {  	_ =	shalt  }
0x67: {  	_ =	shalt  }
0x68: {  	_ =	shalt  }
0x69: {  	_ =	shalt  }
0x6a: {  	_ =	shalt  }
0x6b: {  	_ =	shalt  }
0x6c: {  	_ =	shalt  }
0x6d: {  	_ =	shalt  }
0x6e: {  	_ =	shalt  }
0x6f: {  	_ =	shalt  }
0x70: {  	_ =	shalt  }
0x71: {  	_ =	shalt  }
0x72: {  	_ =	shalt  }
0x73: {  	_ =	shalt  }
0x74: {  	_ =	shalt  }
0x75: {  	_ =	shalt  }
0x76: {  	_ =	shalt  }
0x77: {  	_ =	shalt  }
0x78: {  	_ =	shalt  }
0x79: {  	_ =	shalt  }
0x7a: {  	_ =	shalt  }
0x7b: {  	_ =	shalt  }
0x7c: {  	_ =	shalt  }
0x7d: {  	_ =	shalt  }
0x7e: {  	_ =	shalt  }
0x7f: {  	_ =	shalt  }
0x80: {  	_ =	shalt  }
0x81: {  	_ =	shalt  }
0x82: {  	_ =	shalt  }
0x83: {  	_ =	shalt  }
0x84: {  	_ =	shalt  }
0x85: {  	_ =	shalt  }
0x86: {  	_ =	shalt  }
0x87: {  	_ =	shalt  }
.Lfunc_end0:
.L_simem_size_0:
called_computation.3_lowered:
.L_overlay_start_0:
0x88: {  	s2 =	sld [smem:$0x3FD9]  }
0x89: {  	s3 =	sld [smem:$0x3FFE];
	_ =	sdelay $0x1  }
0x8a: {  	s1 =	srdreg.scid  }
0x8b: {  	s0 =	sand.u32 $0x1, s1  }
0x8c: {  	s16 =	sshll.u32 s0, $0xA;
	s2 =	sadd.s32 s3, s2  }
0x8d: {  	s2 =	sadd.s32 s2, s16  }
0x8e: {  	[smem:$0x3FBE] =	sst s2  }
0x8f: {  	_ = 	snop  }
0x90: {  	(tm) =	ssettm $0x1  }
0x91: {  	s17 =	sld [smem:$0x3FFB];
	_ =	sdelay $0x3  }
0x92: {  	_ =	strace s17  }
0x93: {  	s2 =	sld [smem:$0x3FFC];
	_ =	sdelay $0x3  }
0x94: {  	_ =	strace s2  }
0x95: {  	s2 =	sld [smem:$0x3FFD];
	_ =	sdelay $0x3  }
0x96: {  	_ =	strace s2  }
0x97: {  	_ =	strace $0x8FFFFFFF  }
0x98: {  	s18 =	sld [smem:$0x3FDB];
	_ =	sdelay $0x1  }
0x99: {  	s19 =	simm.s32 $_scs_section_size  }
0x9a: {  	s4 =	simm.s32 $_size__tile_overlayer_lowered;
	s5 =	simm.s32 $_tile_overlayer_lowered  }
0x9b: {  	s22 =	simm.s32 $0x1BFF;
	s21 =	sshll.u32 s5, $0x1;
	s2 =	sadd.s32 s19, s18  }
0x9c: {  	s6 =	simm.s32 $0x0;
	s20 =	sshll.u32 s4, $0x1;
	s4 =	sadd.s32 s21, s2  }
0x9d: {  	[timem:s6], [sflag:s22] =	dma.local [hbm:s4], s20  }
0x9e: {  	_ =	swait.ge [sflag:s22], s20  }
0x9f: {  	s3 =	ssub.s32 $0x0, s20;
	[sflag:s22] =	ssyncset.done $0x0  }
0xa0: {  	[sflag:s22] =	ssyncadd.s32 s3;
	_ =	sdelay $0x1  }
0xa1: {  	s23 =	simm.s32 $0x1B8B  }
0xa2: {  	_ =	swait.ge [sflag:s23], $0x1  }
0xa3: {  	[sflag:s23] =	ssyncset.done $0x0  }
0xa4: {  	s25 =	simm.s32 $0x1B8E;
	s24 =	sld [smem:$0x3FFE];
	[sflag:s23] =	ssyncadd.s32 $0xFFFFFFFF  }
0xa5: {  	s26 =	simm.s32 $execute0_lowered;
	[smem:$0x3FD2] =	sst s25  }
0xa6: {  	s4 =	sshll.u32 s26, $0x1;
	_ =	strace $0x8000004F;
	[dreg:$0x1] =	wrdreg $0xFFFFFFFF  }
0xa7: {  	s28 =	simm.s32 $_size_execute0_lowered;
	s2 =	sadd.s32 s2, s4;
	[dreg:$0x0] =	wrdreg $0x0  }
0xa8: {  	s4 =	sshll.u32 s28, $0x1;
	[dreg:$0x2] =	wrdreg s2  }
0xa9: {  	[dreg:$0x3] =	wrdreg s4  }
0xaa: {  	[dreg:$0x4] =	wrdreg $0xC0  }
0xab: {  	_ =	task [dreg:s6], $0x5FFFF  }
0xac: {  	[dreg:$0x1] =	wrdreg $0xFFFFFFFF  }
0xad: {  	[dreg:$0x0] =	wrdreg $0x60  }
0xae: {  	[dreg:$0x2] =	wrdreg s24  }
0xaf: {  	[dreg:$0x3] =	wrdreg $0x0  }
0xb0: {  	[dreg:$0x4] =	wrdreg $0x9  }
0xb1: {  	_ =	task.clear_ibuf [dreg:s6], $0x5FFFF;
	_ =	strace $0x9000004F  }
0xb2: {  	s29 =	simm.s32 $0x9;
	_ =	strace $0x80000051  }
0xb3: {  	_ =	swait.ge [sflag:s29], $0x1  }
0xb4: {  	[sflag:s29] =	ssyncadd.s32 $0xFFFFFFFF  }
0xb5: {  	_ =	strace $0x90000051  }
0xb6: {  	_ =	sfence  }
0xb7: {  	s30 =	sld [smem:$0x0];
	_ =	sdelay $0x2  }
0xb8: {  	s31 =	sshll.u32 s1, $0xD;
	s1 =	sshrl.u32 s1, $0x2  }
0xb9: {  	s3 =	sand.u32 $0x4000, s31;
	s1 =	sadd.s32 s1, s30  }
0xba: {  	s0 =	sor.u32 s3, s0;
	s1 =	sshll.u32 s1, $0x11  }
0xbb: {  	s0 =	sor.u32 s1, s0  }
0xbc: {  	s0 =	sadd.s32 $0x8F2B, s0  }
0xbd: {  	[sflag:s0] =	ssyncadd.remote.s32 $0x1  }
0xbe: {  	_ =	sfence.sel $0xFFFF  }
0xbf: {  	[dreg:$0x0] =	wrdreg $0xFFFFFFFF;
	(pc) =	sbr.abs _section_cstart, $3  }
0xc0: {  	[dreg:$0x1] =	wrdreg $0xFFFFFFFF  }
0xc1: {  	_ =	task.clear_ibuf [dreg:s6], $0x2FFFF;
	_ =	strace $0x9FFFFFFF  }
0xc2: {  	(tm) =	ssettm $0x7FFFFFFF  }
0xc3: {  	_ =	shalt  }
tec
execute0_lowered:
.L_overlay_start_1:
0x0: {  	(tag) =	ssettag $0x1  }
0x1: {  	s0 =	rddreg [dreg:$0x0]  }
0x2: {  	s1 =	rddreg [dreg:$0x1];
	s2 =	srdreg.scid  }
0x3: {  	s3 =	simm.s32 $0x0;
	s13 =	stileid.u32;
	s28 =	simm.s32 $0x1  }
0x4: {  	s29 =	simm.s32 $0x9;
	s30 =	simm.s32 $0x1B900;
	s31 =	simm.s32 $0x1FE00  }
0x5: {  	s2 =	sand.u32 $0x1, s2;
	[smem:$0x7FF] =	sst s3;
	s7 =	smul.u32 $0x50000, s13  }
0x6: {  	s5 =	sadd.s32 $0x3800, s0;
	s8 =	sadd.s32 $0x3FA00, s0;
	s11 =	smul.u32 $0x14000, s13  }
0x7: {  	s23 =	smul.u32 $0x5400, s13;
	s12 =	sadd.s32 $0x12C000, s1;
	p0 =	seq.s32 s13, $0xF  }
0x8: {  	s4 =	sshll.u32 s2, $0x4;
	_ =	strace $0x80000050;
	s9 =	smul.u32 $0x139000, s2  }
0x9: {  	[dreg:$0xd] =	wrdreg s8;
	s22 =	ssub.s32 $0x2, s2;
	s2 =	smul.u32 $0x54000, s2  }
0xa: {  	s6 =	sor.u32 s13, s4;
	s4 =	sadd.s32 $0x18800, s0;
	s0 =	sadd.s32 $0x42200, s0  }
0xb: {  	s10 =	sshrl.u32 s22, $0x1;
	s7 =	sshrl.u32 s7, $0x2;
	s6 =	smul.u32 $0x5400, s6  }
0xc: {  	s8 =	ssub.s32 s22, s10;
	s7 =	sadd.s32 s7, s1;
	s24 =	sadd.s32 s11, s9  }
0xd: {  	s2 =	sadd.s32 s23, s2;
	s9 =	sshrl.u32 s9, $0x3;
	s22 =	simm.s32 $0x1F980  }
0xe: {  	s23 =	simm.s32 $0x1FA80;
	s10 =	sadd.s32 $0x800, s2;
	s11 =	sadd.s32 $0x700, s2  }
0xf: {  	s16 =	smax.u32 s8, $0x1;
	s17 =	sadd.s32 $0x500, s2;
	s18 =	sadd.s32 $0x600, s2  }
0x10: {  	s19 =	sadd.s32 $0x400, s2;
	s2 =	sor.u32 $0x300, s2;
	[dreg:$0x8] =	wrdreg s22  }
0x11: {  	[dreg:$0x9] =	wrdreg s23;
	s22 =	simm.s32 $0x13900;
	s23 =	simm.s32 $0x1FC00  }
0x12: {  	s8 =	simm.s32 $0xA;
	s6 =	sshrl.u32 s6, $0x3;
	[dreg:$0x13] =	wrdreg s16  }
0x13: {  	[dreg:$0x14] =	wrdreg s18;
	s2 =	sshrl.u32 s2, $0x3;
	s16 =	sshrl.u32 @!p0 s7, $0x3  }
0x14: {  	s7 =	simm.s32 $0xC;
	s14 =	sadd.s32 s5, s6;
	s6 =	sshrl.u32 s24, $0x3  }
0x15: {  	s21 =	sadd.s32 s2, s5;
	s24 =	simm.s32 $0x1FB80;
	[dreg:$0x17] =	wrdreg s16  }
0x16: {  	s2 =	simm.s32 $0x4;
	s25 =	sadd.s32 $0x20, s14;
	[dreg:$0xe] =	wrdreg s14  }
0x17: {  	s26 =	sadd.s32 $0x40, s14;
	s6 =	sadd.s32 s0, s6;
	[dreg:$0x7] =	wrdreg s21  }
0x18: {  	s0 =	sadd.s32 s0, s9;
	s14 =	sshrl.u32 s11, $0x3;
	[dreg:$0xa] =	wrdreg s24  }
0x19: {  	s21 =	simm.s32 $0x80;
	s24 =	simm.s32 $0x8;
	[dreg:$0xf] =	wrdreg s25  }
0x1a: {  	s9 =	simm.s32 $0x3;
	s11 =	simm.s32 $0xB;
	[dreg:$0x10] =	wrdreg s26  }
0x1b: {  	[dreg:$0x11] =	wrdreg s6;
	s6 =	sshrl.u32 s10, $0x3;
	s0 =	sadd.s32 $0x25800, s0  }
0x1c: {  	s15 =	sadd.s32 s14, s5;
	s14 =	sshrl.u32 @p0 s12, $0x3;
	[dreg:$0x12] =	wrdreg s0  }
0x1d: {  	s25 =	simm.s32 $0x1FC80;
	s26 =	simm.s32 $0x1FD80;
	[dreg:$0x4] =	wrdreg s15  }
0x1e: {  	s10 =	simm.s32 $0x5;
	s12 =	simm.s32 $0x6;
	[dreg:$0xb] =	wrdreg s25  }
0x1f: {  	s6 =	sadd.s32 s6, s5;
	s0 =	sshrl.u32 s17, $0x3;
	[dreg:$0xc] =	wrdreg s26  }
0x20: {  	s25 =	simm.s32 $0x17900;
	s26 =	simm.s32 $0x1FD00;
	[dreg:$0x15] =	wrdreg s14  }
0x21: {  	[dreg:$0x3] =	wrdreg s6;
	s0 =	sadd.s32 s0, s5;
	s6 =	sshrl.u32 s19, $0x3  }
0x22: {  	[dreg:$0x5] =	wrdreg s0;
	s20 =	sadd.s32 s6, s5;
	s0 =	sshll.u32 @!p0 s13, $0x6  }
0x23: {  	s17 =	simm.s32 $0x0;
	[dreg:$0x6] =	wrdreg s20;
	s15 =	sor.u32 @!p0 $0x1C0D, s0  }
0x24: {  	s20 =	simm.s32 $0x7;
	s0 =	simm.s32 $0x2;
	[dreg:$0x16] =	wrdreg s15  }
.LBB2_1:
0x25: {  	[dreg:$0x18] =	wrdreg s17  }
0x26: {  	s6 =	simm.s32 @p0 $0x1FCD;
	s13 =	rddreg [dreg:$0xd]  }
0x27: {  	[spmem:s14], [sflag:s6] =	dma.local @p0 [hbm:s13], $0x1A00  }
0x28: {  	s6 =	simm.s32 @p0 $0xD  }
0x29: {  	_ =	swait.ge @p0 [sflag:s6], $0x1A00  }
0x2a: {  	[sflag:s6] =	ssyncset.done @p0 $0x0  }
0x2b: {  	[sflag:s6] =	ssyncadd.s32 @p0 $0xFFFFE600;
	s6 =	simm.s32 @!p0 $0xD  }
0x2c: {  	[spmem:s16], [sflag:s15] =	dma.local @!p0 [hbm:s13], $0x2800  }
0x2d: {  	_ =	swait.ge @!p0 [sflag:s6], $0x2800  }
0x2e: {  	[sflag:s6] =	ssyncset.done @!p0 $0x0  }
0x2f: {  	[sflag:s6] =	ssyncadd.s32 @!p0 $0xFFFFD800  }
0x30: {  	[bflag:$0x0] =	sbarrier.arrive $0xFFFF  }
0x31: {  	p1 =	por $0x1, $0x1;
	s14 =	simm.s32 $0x1F900;
	s13 =	rddreg [dreg:$0xe]  }
0x32: {  	[tilespmem:s14], [sflag:$0x7] =	stream.linear.gather [hbm4b:s13+s3], $0x100, $0x38;
	[tilespmem:$0x1FF00] =	vst v63  }
0x33: {  	p1 =	por p1, p1;
	s16 =	simm.s32 $0x1FA00;
	s15 =	rddreg [dreg:$0xf]  }
0x34: {  	[tilespmem:s16], [sflag:$0x8] =	stream.linear.gather [hbm4b:s15+s3], $0x100, $0x38;
	[tilespmem:$0x1FF00] =	vst v63  }
0x35: {  	s18 =	simm.s32 $0x1FB00;
	s6 =	simm.s32 @!p1 $0x4;
	s17 =	rddreg [dreg:$0x10]  }
0x36: {  	[tilespmem:s18], [sflag:$0x9] =	stream.linear.gather [hbm4b:s17+s3], $0x100, $0x38;
	[tilespmem:$0x1FF00] =	vst v63  }
0x37: {  	_ =	swait.ge @!p1 [sflag:s6], $0x4000  }
0x38: {  	[sflag:s6] =	ssyncset.done @!p1 $0x0  }
0x39: {  	[sflag:s6] =	ssyncadd.s32 @!p1 $0xFFFFC000  }
0x3a: {  	_ =	swait.ge [sflag:s20], $0x100  }
0x3b: {  	[sflag:s20] =	ssyncset.done $0x0  }
0x3c: {  	s19 =	rddreg [dreg:$0x7];
	[sflag:s20] =	ssyncadd.s32 $0xFFFFFF00  }
0x3d: {  	[tilespmem:s22], [sflag:$0x1] =	stream.indirect.gather [hbm4b:s4+s21], $0x80, s14, s21, $0xb8;
	[tilespmem:$0x1FF00] =	vst v63  }
0x3e: {  	s13 =	simm.s32 @!p1 $0x3;
	s6 =	sadd.s32 $0x0, s19  }
0x3f: {  	[tilespmem:s23], [sflag:$0xA] =	stream.linear.gather [hbm4b:s6+s3], $0x100, $0x38;
	[tilespmem:$0x1FF00] =	vst v63  }
0x40: {  	_ =	swait.ge @!p1 [sflag:s13], $0x4000  }
0x41: {  	s15 =	simm.s32 @!p1 $0x1FE80;
	s14 =	simm.s32 @!p1 $0x5;
	[sflag:s13] =	ssyncset.done @!p1 $0x0  }
0x42: {  	s6 =	simm.s32 @!p1 $0x1B900;
	[sflag:s13] =	ssyncadd.s32 @!p1 $0xFFFFC000;
	s13 =	simm.s32 @!p1 $0x80  }
0x43: {  	[spmem:s1] =	stream.indirect.scatter.add.f32 @!p1 [tilespmem:s6], [sflag:$0x6], $0x80, s15, s13, $0xb8;
	[tilespmem:$0x1FF00] =	vst v63  }
0x44: {  	_ =	swait.ge @!p1 [sflag:s14], $0x4000  }
0x45: {  	[sflag:s14] =	ssyncset.done @!p1 $0x0  }
0x46: {  	[sflag:s14] =	ssyncadd.s32 @!p1 $0xFFFFC000  }
0x47: {  	_ =	swait.ge [sflag:s24], $0x100  }
0x48: {  	[sflag:s24] =	ssyncset.done $0x0  }
0x49: {  	s14 =	rddreg [dreg:$0x6];
	[sflag:s24] =	ssyncadd.s32 $0xFFFFFF00  }
0x4a: {  	[tilespmem:s25], [sflag:$0x2] =	stream.indirect.gather [hbm4b:s4+s21], $0x80, s16, s21, $0xb8;
	[tilespmem:$0x1FF00] =	vst v63  }
0x4b: {  	s6 =	sadd.s32 $0x0, s14  }
0x4c: {  	[tilespmem:s26], [sflag:$0xB] =	stream.linear.gather [hbm4b:s6+s3], $0x100, $0x38;
	[tilespmem:$0x1FF00] =	vst v63  }
0x4d: {  	_ =	swait.ge [sflag:s28], $0x4000  }
0x4e: {  	[sflag:s28] =	ssyncset.done $0x0  }
0x4f: {  	s13 =	simm.s32 @!p1 $0x6;
	s15 =	rddreg [dreg:$0x8];
	[sflag:s28] =	ssyncadd.s32 $0xFFFFC000  }
0x50: {  	[spmem:s1] =	stream.indirect.scatter.add.f32 [tilespmem:s22], [sflag:$0x4], $0x80, s15, s21, $0xb8;
	[tilespmem:$0x1FF00] =	vst v63  }
0x51: {  	_ =	swait.ge @!p1 [sflag:s13], $0x4000  }
0x52: {  	[sflag:s13] =	ssyncset.done @!p1 $0x0  }
0x53: {  	[sflag:s13] =	ssyncadd.s32 @!p1 $0xFFFFC000  }
0x54: {  	_ =	swait.ge [sflag:s29], $0x100  }
0x55: {  	[sflag:s29] =	ssyncset.done $0x0  }
0x56: {  	s16 =	rddreg [dreg:$0x5];
	[sflag:s29] =	ssyncadd.s32 $0xFFFFFF00  }
0x57: {  	[tilespmem:s30], [sflag:$0x3] =	stream.indirect.gather [hbm4b:s4+s21], $0x80, s18, s21, $0xb8;
	[tilespmem:$0x1FF00] =	vst v63  }
0x58: {  	s6 =	sadd.s32 $0x0, s16  }
0x59: {  	[tilespmem:s31], [sflag:$0xC] =	stream.linear.gather [hbm4b:s6+s3], $0x100, $0x38;
	[tilespmem:$0x1FF00] =	vst v63  }
0x5a: {  	_ =	swait.ge [sflag:s0], $0x4000  }
0x5b: {  	[sflag:s0] =	ssyncset.done $0x0  }
0x5c: {  	s17 =	rddreg [dreg:$0x9];
	[sflag:s0] =	ssyncadd.s32 $0xFFFFC000  }
0x5d: {  	[spmem:s1] =	stream.indirect.scatter.add.f32 [tilespmem:s25], [sflag:$0x5], $0x80, s17, s21, $0xb8;
	[tilespmem:$0x1FF00] =	vst v63  }
0x5e: {  	_ =	swait.ge [sflag:s2], $0x4000  }
0x5f: {  	[sflag:s2] =	ssyncset.done $0x0  }
0x60: {  	[sflag:s2] =	ssyncadd.s32 $0xFFFFC000  }
0x61: {  	_ =	swait.ge [sflag:s8], $0x100  }
0x62: {  	p1 =	por $0x0, $0x0;
	[sflag:s8] =	ssyncset.done $0x0;
	s16 =	rddreg [dreg:$0x14]  }
0x63: {  	[sflag:s8] =	ssyncadd.s32 $0xFFFFFF00;
	s6 =	sshrl.u32 @!p1 s16, $0x3  }
0x64: {  	[tilespmem:s22], [sflag:$0x1] =	stream.indirect.gather [hbm4b:s4+s21], $0x80, s23, s21, $0xb8;
	[tilespmem:$0x1FF00] =	vst v63  }
0x65: {  	s13 =	simm.s32 @!p1 $0x0;
	s14 =	simm.s32 @!p1 $0x1F900;
	s6 =	sadd.s32 @!p1 s5, s6  }
0x66: {  	[tilespmem:s14], [sflag:$0x7] =	stream.linear.gather @!p1 [hbm4b:s6+s13], $0x100, $0x38;
	[tilespmem:$0x1FF00] =	vst v63  }
0x67: {  	_ =	swait.ge [sflag:s9], $0x4000  }
0x68: {  	[sflag:s9] =	ssyncset.done $0x0  }
0x69: {  	s18 =	rddreg [dreg:$0xa];
	[sflag:s9] =	ssyncadd.s32 $0xFFFFC000  }
0x6a: {  	[spmem:s1] =	stream.indirect.scatter.add.f32 [tilespmem:s30], [sflag:$0x6], $0x80, s18, s21, $0xb8;
	[tilespmem:$0x1FF00] =	vst v63  }
0x6b: {  	_ =	swait.ge [sflag:s10], $0x4000  }
0x6c: {  	[sflag:s10] =	ssyncset.done $0x0  }
0x6d: {  	[sflag:s10] =	ssyncadd.s32 $0xFFFFC000  }
0x6e: {  	_ =	swait.ge [sflag:s11], $0x100  }
0x6f: {  	[sflag:s11] =	ssyncset.done $0x0  }
0x70: {  	s6 =	rddreg [dreg:$0x4];
	[sflag:s11] =	ssyncadd.s32 $0xFFFFFF00  }
0x71: {  	[tilespmem:s25], [sflag:$0x2] =	stream.indirect.gather [hbm4b:s4+s21], $0x80, s26, s21, $0xb8;
	[tilespmem:$0x1FF00] =	vst v63  }
0x72: {  	s14 =	simm.s32 @!p1 $0x1FA00;
	s6 =	sadd.s32 @!p1 $0x0, s6  }
0x73: {  	[tilespmem:s14], [sflag:$0x8] =	stream.linear.gather @!p1 [hbm4b:s6+s13], $0x100, $0x38;
	[tilespmem:$0x1FF00] =	vst v63  }
0x74: {  	_ =	swait.ge [sflag:s28], $0x4000  }
0x75: {  	[sflag:s28] =	ssyncset.done $0x0  }
0x76: {  	s19 =	rddreg [dreg:$0xb];
	[sflag:s28] =	ssyncadd.s32 $0xFFFFC000  }
0x77: {  	[spmem:s1] =	stream.indirect.scatter.add.f32 [tilespmem:s22], [sflag:$0x4], $0x80, s19, s21, $0xb8;
	[tilespmem:$0x1FF00] =	vst v63  }
0x78: {  	_ =	swait.ge [sflag:s12], $0x4000  }
0x79: {  	[sflag:s12] =	ssyncset.done $0x0  }
0x7a: {  	[sflag:s12] =	ssyncadd.s32 $0xFFFFC000  }
0x7b: {  	_ =	swait.ge [sflag:s7], $0x100  }
0x7c: {  	[sflag:s7] =	ssyncset.done $0x0  }
0x7d: {  	s6 =	rddreg [dreg:$0x3];
	[sflag:s7] =	ssyncadd.s32 $0xFFFFFF00  }
0x7e: {  	[tilespmem:s30], [sflag:$0x3] =	stream.indirect.gather [hbm4b:s4+s21], $0x80, s31, s21, $0xb8;
	[tilespmem:$0x1FF00] =	vst v63  }
0x7f: {  	s14 =	simm.s32 @!p1 $0x1FB00;
	s6 =	sadd.s32 @!p1 $0x0, s6  }
0x80: {  	[tilespmem:s14], [sflag:$0x9] =	stream.linear.gather @!p1 [hbm4b:s6+s13], $0x100, $0x38;
	[tilespmem:$0x1FF00] =	vst v63  }
0x81: {  	p6 =	por $0x0, $0x0;
	s15 =	simm.s32 $0x180;
	_ =	swait.ge [sflag:s0], $0x4000  }
0x82: {  	s13 =	simm.s32 $0xC0;
	p1 =	por p6, p6;
	[sflag:s0] =	ssyncset.done $0x0  }
0x83: {  	s14 =	sadd.s32 $0x600, s16;
	s6 =	rddreg [dreg:$0xc];
	[sflag:s0] =	ssyncadd.s32 $0xFFFFC000  }
.LBB2_2:
0x84: {  	s17 =	simm.s32 @!p1 $0x4  }
0x85: {  	[spmem:s1] =	stream.indirect.scatter.add.f32 [tilespmem:s25], [sflag:$0x5], $0x80, s6, s21, $0xb8;
	[tilespmem:$0x1FF00] =	vst v63  }
0x86: {  	_ =	swait.ge @!p1 [sflag:s17], $0x4000  }
0x87: {  	[sflag:s17] =	ssyncset.done @!p1 $0x0  }
0x88: {  	[sflag:s17] =	ssyncadd.s32 @!p1 $0xFFFFC000  }
0x89: {  	_ =	swait.ge [sflag:s20], $0x100  }
0x8a: {  	[sflag:s20] =	ssyncset.done $0x0  }
0x8b: {  	s18 =	simm.s32 $0x1F900;
	s19 =	rddreg [dreg:$0x7];
	[sflag:s20] =	ssyncadd.s32 $0xFFFFFF00  }
0x8c: {  	[tilespmem:s22], [sflag:$0x1] =	stream.indirect.gather [hbm4b:s4+s21], $0x80, s18, s21, $0xb8;
	[tilespmem:$0x1FF00] =	vst v63  }
0x8d: {  	s17 =	simm.s32 @!p1 $0x3;
	s6 =	sadd.s32 s13, s19  }
0x8e: {  	[tilespmem:s23], [sflag:$0xA] =	stream.linear.gather [hbm4b:s6+s3], $0x100, $0x38;
	[tilespmem:$0x1FF00] =	vst v63  }
0x8f: {  	_ =	swait.ge @!p1 [sflag:s17], $0x4000  }
0x90: {  	s19 =	simm.s32 @!p1 $0x1FE80;
	s18 =	simm.s32 @!p1 $0x5;
	[sflag:s17] =	ssyncset.done @!p1 $0x0  }
0x91: {  	s6 =	simm.s32 @!p1 $0x1B900;
	[sflag:s17] =	ssyncadd.s32 @!p1 $0xFFFFC000;
	s17 =	simm.s32 @!p1 $0x80  }
0x92: {  	[spmem:s1] =	stream.indirect.scatter.add.f32 @!p1 [tilespmem:s6], [sflag:$0x6], $0x80, s19, s17, $0xb8;
	[tilespmem:$0x1FF00] =	vst v63  }
0x93: {  	_ =	swait.ge @!p1 [sflag:s18], $0x4000  }
0x94: {  	[sflag:s18] =	ssyncset.done @!p1 $0x0  }
0x95: {  	[sflag:s18] =	ssyncadd.s32 @!p1 $0xFFFFC000  }
0x96: {  	_ =	swait.ge [sflag:s24], $0x100  }
0x97: {  	[sflag:s24] =	ssyncset.done $0x0  }
0x98: {  	s18 =	simm.s32 $0x1FA00;
	s19 =	rddreg [dreg:$0x6];
	[sflag:s24] =	ssyncadd.s32 $0xFFFFFF00  }
0x99: {  	[tilespmem:s25], [sflag:$0x2] =	stream.indirect.gather [hbm4b:s4+s21], $0x80, s18, s21, $0xb8;
	[tilespmem:$0x1FF00] =	vst v63  }
0x9a: {  	s6 =	sadd.s32 s13, s19  }
0x9b: {  	[tilespmem:s26], [sflag:$0xB] =	stream.linear.gather [hbm4b:s6+s3], $0x100, $0x38;
	[tilespmem:$0x1FF00] =	vst v63  }
0x9c: {  	_ =	swait.ge [sflag:s28], $0x4000  }
0x9d: {  	[sflag:s28] =	ssyncset.done $0x0  }
0x9e: {  	s17 =	simm.s32 @!p1 $0x6;
	s19 =	rddreg [dreg:$0x8];
	[sflag:s28] =	ssyncadd.s32 $0xFFFFC000  }
0x9f: {  	[spmem:s1] =	stream.indirect.scatter.add.f32 [tilespmem:s22], [sflag:$0x4], $0x80, s19, s21, $0xb8;
	[tilespmem:$0x1FF00] =	vst v63  }
0xa0: {  	_ =	swait.ge @!p1 [sflag:s17], $0x4000  }
0xa1: {  	[sflag:s17] =	ssyncset.done @!p1 $0x0  }
0xa2: {  	[sflag:s17] =	ssyncadd.s32 @!p1 $0xFFFFC000  }
0xa3: {  	_ =	swait.ge [sflag:s29], $0x100  }
0xa4: {  	[sflag:s29] =	ssyncset.done $0x0  }
0xa5: {  	s19 =	simm.s32 $0x1FB00;
	s18 =	rddreg [dreg:$0x5];
	[sflag:s29] =	ssyncadd.s32 $0xFFFFFF00  }
0xa6: {  	[tilespmem:s30], [sflag:$0x3] =	stream.indirect.gather [hbm4b:s4+s21], $0x80, s19, s21, $0xb8;
	[tilespmem:$0x1FF00] =	vst v63  }
0xa7: {  	s6 =	sadd.s32 s13, s18  }
0xa8: {  	[tilespmem:s31], [sflag:$0xC] =	stream.linear.gather [hbm4b:s6+s3], $0x100, $0x38;
	[tilespmem:$0x1FF00] =	vst v63  }
0xa9: {  	_ =	swait.ge [sflag:s0], $0x4000  }
0xaa: {  	[sflag:s0] =	ssyncset.done $0x0  }
0xab: {  	s17 =	rddreg [dreg:$0x9];
	[sflag:s0] =	ssyncadd.s32 $0xFFFFC000  }
0xac: {  	[spmem:s1] =	stream.indirect.scatter.add.f32 [tilespmem:s25], [sflag:$0x5], $0x80, s17, s21, $0xb8;
	[tilespmem:$0x1FF00] =	vst v63  }
0xad: {  	_ =	swait.ge [sflag:s2], $0x4000  }
0xae: {  	[sflag:s2] =	ssyncset.done $0x0  }
0xaf: {  	[sflag:s2] =	ssyncadd.s32 $0xFFFFC000  }
0xb0: {  	p3 =	seq.s32 s15, $0x0;
	_ =	swait.ge [sflag:s8], $0x100  }
0xb1: {  	p1 =	por p3, p3;
	p3 =	seq.s32 s13, $0x9C0;
	[sflag:s8] =	ssyncset.done $0x0  }
0xb2: {  	s17 =	sshrl.u32 @!p3 s14, $0x3;
	[sflag:s8] =	ssyncadd.s32 $0xFFFFFF00  }
0xb3: {  	[tilespmem:s22], [sflag:$0x1] =	stream.indirect.gather [hbm4b:s4+s21], $0x80, s23, s21, $0xb8;
	[tilespmem:$0x1FF00] =	vst v63  }
0xb4: {  	s18 =	simm.s32 @!p3 $0x1F900;
	s6 =	simm.s32 @!p3 $0x0;
	s17 =	sadd.s32 @!p3 s5, s17  }
0xb5: {  	[tilespmem:s18], [sflag:$0x7] =	stream.linear.gather @!p3 [hbm4b:s17+s6], $0x100, $0x38;
	[tilespmem:$0x1FF00] =	vst v63  }
0xb6: {  	_ =	swait.ge [sflag:s9], $0x4000  }
0xb7: {  	[sflag:s9] =	ssyncset.done $0x0  }
0xb8: {  	s18 =	rddreg [dreg:$0xa];
	[sflag:s9] =	ssyncadd.s32 $0xFFFFC000  }
0xb9: {  	[spmem:s1] =	stream.indirect.scatter.add.f32 [tilespmem:s30], [sflag:$0x6], $0x80, s18, s21, $0xb8;
	[tilespmem:$0x1FF00] =	vst v63  }
0xba: {  	_ =	swait.ge [sflag:s10], $0x4000  }
0xbb: {  	[sflag:s10] =	ssyncset.done $0x0  }
0xbc: {  	[sflag:s10] =	ssyncadd.s32 $0xFFFFC000  }
0xbd: {  	_ =	swait.ge [sflag:s11], $0x100  }
0xbe: {  	[sflag:s11] =	ssyncset.done $0x0  }
0xbf: {  	s17 =	rddreg [dreg:$0x4];
	[sflag:s11] =	ssyncadd.s32 $0xFFFFFF00  }
0xc0: {  	[tilespmem:s25], [sflag:$0x2] =	stream.indirect.gather [hbm4b:s4+s21], $0x80, s26, s21, $0xb8;
	[tilespmem:$0x1FF00] =	vst v63  }
0xc1: {  	s18 =	simm.s32 @!p3 $0x1FA00;
	s17 =	sadd.s32 @!p3 s13, s17  }
0xc2: {  	[tilespmem:s18], [sflag:$0x8] =	stream.linear.gather @!p3 [hbm4b:s17+s6], $0x100, $0x38;
	[tilespmem:$0x1FF00] =	vst v63  }
0xc3: {  	_ =	swait.ge [sflag:s28], $0x4000  }
0xc4: {  	[sflag:s28] =	ssyncset.done $0x0  }
0xc5: {  	s19 =	rddreg [dreg:$0xb];
	[sflag:s28] =	ssyncadd.s32 $0xFFFFC000  }
0xc6: {  	[spmem:s1] =	stream.indirect.scatter.add.f32 [tilespmem:s22], [sflag:$0x4], $0x80, s19, s21, $0xb8;
	[tilespmem:$0x1FF00] =	vst v63  }
0xc7: {  	_ =	swait.ge [sflag:s12], $0x4000  }
0xc8: {  	[sflag:s12] =	ssyncset.done $0x0  }
0xc9: {  	[sflag:s12] =	ssyncadd.s32 $0xFFFFC000  }
0xca: {  	_ =	swait.ge [sflag:s7], $0x100  }
0xcb: {  	s16 =	smov.u32 s15;
	s15 =	sadd.s32 $0xC0, s15;
	[sflag:s7] =	ssyncset.done $0x0  }
0xcc: {  	p2 =	sne.s32 s15, $0xA80;
	s17 =	rddreg [dreg:$0x3];
	[sflag:s7] =	ssyncadd.s32 $0xFFFFFF00  }
0xcd: {  	[tilespmem:s30], [sflag:$0x3] =	stream.indirect.gather [hbm4b:s4+s21], $0x80, s31, s21, $0xb8;
	[tilespmem:$0x1FF00] =	vst v63  }
.Ltmp0:
0xce: {  	s18 =	simm.s32 @!p3 $0x1FB00;
	s17 =	sadd.s32 @!p3 s13, s17;
	(pc) =	sbr.rel @p2 .LBB2_2-.Ltmp0, $4  }
0xcf: {  	[tilespmem:s18], [sflag:$0x9] =	stream.linear.gather @!p3 [hbm4b:s17+s6], $0x100, $0x38;
	[tilespmem:$0x1FF00] =	vst v63  }
0xd0: {  	_ =	swait.ge [sflag:s0], $0x4000  }
0xd1: {  	s14 =	sadd.s32 $0x600, s14;
	[sflag:s0] =	ssyncset.done $0x0  }
0xd2: {  	s13 =	smov.u32 s16;
	s6 =	rddreg [dreg:$0xc];
	[sflag:s0] =	ssyncadd.s32 $0xFFFFC000  }
0xd3: {  	s15 =	simm.s32 @!p1 $0x4  }
0xd4: {  	[spmem:s1] =	stream.indirect.scatter.add.f32 [tilespmem:s25], [sflag:$0x5], $0x80, s6, s21, $0xb8;
	[tilespmem:$0x1FF00] =	vst v63  }
0xd5: {  	_ =	swait.ge @!p1 [sflag:s15], $0x4000  }
0xd6: {  	[sflag:s15] =	ssyncset.done @!p1 $0x0  }
0xd7: {  	[sflag:s15] =	ssyncadd.s32 @!p1 $0xFFFFC000  }
0xd8: {  	_ =	swait.ge [sflag:s20], $0x100  }
0xd9: {  	[sflag:s20] =	ssyncset.done $0x0  }
0xda: {  	s17 =	simm.s32 $0x1F900;
	s16 =	rddreg [dreg:$0x7];
	[sflag:s20] =	ssyncadd.s32 $0xFFFFFF00  }
0xdb: {  	[tilespmem:s22], [sflag:$0x1] =	stream.indirect.gather [hbm4b:s4+s21], $0x80, s17, s21, $0xb8;
	[tilespmem:$0x1FF00] =	vst v63  }
0xdc: {  	s15 =	simm.s32 @!p1 $0x3;
	s6 =	sadd.s32 s13, s16  }
0xdd: {  	[tilespmem:s23], [sflag:$0xA] =	stream.linear.gather [hbm4b:s6+s3], $0x100, $0x38;
	[tilespmem:$0x1FF00] =	vst v63  }
0xde: {  	_ =	swait.ge @!p1 [sflag:s15], $0x4000  }
0xdf: {  	s16 =	simm.s32 @!p1 $0x1FE80;
	[sflag:s15] =	ssyncset.done @!p1 $0x0  }
0xe0: {  	s6 =	simm.s32 @!p1 $0x1B900;
	[sflag:s15] =	ssyncadd.s32 @!p1 $0xFFFFC000;
	s15 =	simm.s32 @!p1 $0x80  }
0xe1: {  	[spmem:s1] =	stream.indirect.scatter.add.f32 @!p1 [tilespmem:s6], [sflag:$0x6], $0x80, s16, s15, $0xb8;
	[tilespmem:$0x1FF00] =	vst v63  }
0xe2: {  	s6 =	simm.s32 @!p1 $0x5  }
0xe3: {  	_ =	swait.ge @!p1 [sflag:s6], $0x4000  }
0xe4: {  	[sflag:s6] =	ssyncset.done @!p1 $0x0  }
0xe5: {  	[sflag:s6] =	ssyncadd.s32 @!p1 $0xFFFFC000  }
0xe6: {  	_ =	swait.ge [sflag:s24], $0x100  }
0xe7: {  	[sflag:s24] =	ssyncset.done $0x0  }
0xe8: {  	s19 =	simm.s32 $0x1FA00;
	s18 =	rddreg [dreg:$0x6];
	[sflag:s24] =	ssyncadd.s32 $0xFFFFFF00  }
0xe9: {  	[tilespmem:s25], [sflag:$0x2] =	stream.indirect.gather [hbm4b:s4+s21], $0x80, s19, s21, $0xb8;
	[tilespmem:$0x1FF00] =	vst v63  }
0xea: {  	s6 =	sadd.s32 s13, s18  }
0xeb: {  	[tilespmem:s26], [sflag:$0xB] =	stream.linear.gather [hbm4b:s6+s3], $0x100, $0x38;
	[tilespmem:$0x1FF00] =	vst v63  }
0xec: {  	_ =	swait.ge [sflag:s28], $0x4000  }
0xed: {  	[sflag:s28] =	ssyncset.done $0x0  }
0xee: {  	s15 =	simm.s32 @!p1 $0x6;
	s16 =	rddreg [dreg:$0x8];
	[sflag:s28] =	ssyncadd.s32 $0xFFFFC000  }
0xef: {  	[spmem:s1] =	stream.indirect.scatter.add.f32 [tilespmem:s22], [sflag:$0x4], $0x80, s16, s21, $0xb8;
	[tilespmem:$0x1FF00] =	vst v63  }
0xf0: {  	_ =	swait.ge @!p1 [sflag:s15], $0x4000  }
0xf1: {  	[sflag:s15] =	ssyncset.done @!p1 $0x0  }
0xf2: {  	[sflag:s15] =	ssyncadd.s32 @!p1 $0xFFFFC000  }
0xf3: {  	_ =	swait.ge [sflag:s29], $0x100  }
0xf4: {  	[sflag:s29] =	ssyncset.done $0x0  }
0xf5: {  	s18 =	simm.s32 $0x1FB00;
	s17 =	rddreg [dreg:$0x5];
	[sflag:s29] =	ssyncadd.s32 $0xFFFFFF00  }
0xf6: {  	[tilespmem:s30], [sflag:$0x3] =	stream.indirect.gather [hbm4b:s4+s21], $0x80, s18, s21, $0xb8;
	[tilespmem:$0x1FF00] =	vst v63  }
0xf7: {  	s6 =	sadd.s32 s13, s17  }
0xf8: {  	[tilespmem:s31], [sflag:$0xC] =	stream.linear.gather [hbm4b:s6+s3], $0x100, $0x38;
	[tilespmem:$0x1FF00] =	vst v63  }
0xf9: {  	_ =	swait.ge [sflag:s0], $0x4000  }
0xfa: {  	[sflag:s0] =	ssyncset.done $0x0  }
0xfb: {  	s19 =	rddreg [dreg:$0x9];
	[sflag:s0] =	ssyncadd.s32 $0xFFFFC000  }
0xfc: {  	[spmem:s1] =	stream.indirect.scatter.add.f32 [tilespmem:s25], [sflag:$0x5], $0x80, s19, s21, $0xb8;
	[tilespmem:$0x1FF00] =	vst v63  }
0xfd: {  	_ =	swait.ge [sflag:s2], $0x4000  }
0xfe: {  	[sflag:s2] =	ssyncset.done $0x0  }
0xff: {  	[sflag:s2] =	ssyncadd.s32 $0xFFFFC000  }
0x100: {  	_ =	swait.ge [sflag:s8], $0x100  }
0x101: {  	p1 =	seq.s32 s13, $0x9C0;
	[sflag:s8] =	ssyncset.done $0x0  }
0x102: {  	s6 =	sshrl.u32 @!p1 s14, $0x3;
	[sflag:s8] =	ssyncadd.s32 $0xFFFFFF00  }
0x103: {  	[tilespmem:s22], [sflag:$0x1] =	stream.indirect.gather [hbm4b:s4+s21], $0x80, s23, s21, $0xb8;
	[tilespmem:$0x1FF00] =	vst v63  }
0x104: {  	s15 =	simm.s32 @!p1 $0x1F900;
	s14 =	simm.s32 @!p1 $0x0;
	s6 =	sadd.s32 @!p1 s5, s6  }
0x105: {  	[tilespmem:s15], [sflag:$0x7] =	stream.linear.gather @!p1 [hbm4b:s6+s14], $0x100, $0x38;
	[tilespmem:$0x1FF00] =	vst v63  }
0x106: {  	_ =	swait.ge [sflag:s9], $0x4000  }
0x107: {  	[sflag:s9] =	ssyncset.done $0x0  }
0x108: {  	s15 =	rddreg [dreg:$0xa];
	[sflag:s9] =	ssyncadd.s32 $0xFFFFC000  }
0x109: {  	[spmem:s1] =	stream.indirect.scatter.add.f32 [tilespmem:s30], [sflag:$0x6], $0x80, s15, s21, $0xb8;
	[tilespmem:$0x1FF00] =	vst v63  }
0x10a: {  	_ =	swait.ge [sflag:s10], $0x4000  }
0x10b: {  	[sflag:s10] =	ssyncset.done $0x0  }
0x10c: {  	[sflag:s10] =	ssyncadd.s32 $0xFFFFC000  }
0x10d: {  	_ =	swait.ge [sflag:s11], $0x100  }
0x10e: {  	[sflag:s11] =	ssyncset.done $0x0  }
0x10f: {  	s6 =	rddreg [dreg:$0x4];
	[sflag:s11] =	ssyncadd.s32 $0xFFFFFF00  }
0x110: {  	[tilespmem:s25], [sflag:$0x2] =	stream.indirect.gather [hbm4b:s4+s21], $0x80, s26, s21, $0xb8;
	[tilespmem:$0x1FF00] =	vst v63  }
0x111: {  	s15 =	simm.s32 @!p1 $0x1FA00;
	s6 =	sadd.s32 @!p1 s13, s6  }
0x112: {  	[tilespmem:s15], [sflag:$0x8] =	stream.linear.gather @!p1 [hbm4b:s6+s14], $0x100, $0x38;
	[tilespmem:$0x1FF00] =	vst v63  }
0x113: {  	_ =	swait.ge [sflag:s28], $0x4000  }
0x114: {  	[sflag:s28] =	ssyncset.done $0x0  }
0x115: {  	s16 =	rddreg [dreg:$0xb];
	[sflag:s28] =	ssyncadd.s32 $0xFFFFC000  }
0x116: {  	[spmem:s1] =	stream.indirect.scatter.add.f32 [tilespmem:s22], [sflag:$0x4], $0x80, s16, s21, $0xb8;
	[tilespmem:$0x1FF00] =	vst v63  }
0x117: {  	_ =	swait.ge [sflag:s12], $0x4000  }
0x118: {  	[sflag:s12] =	ssyncset.done $0x0  }
0x119: {  	[sflag:s12] =	ssyncadd.s32 $0xFFFFC000  }
0x11a: {  	_ =	swait.ge [sflag:s7], $0x100  }
0x11b: {  	[sflag:s7] =	ssyncset.done $0x0  }
0x11c: {  	s6 =	rddreg [dreg:$0x3];
	[sflag:s7] =	ssyncadd.s32 $0xFFFFFF00  }
0x11d: {  	[tilespmem:s30], [sflag:$0x3] =	stream.indirect.gather [hbm4b:s4+s21], $0x80, s31, s21, $0xb8;
	[tilespmem:$0x1FF00] =	vst v63  }
0x11e: {  	s6 =	sadd.s32 @!p1 s13, s6;
	s13 =	simm.s32 @!p1 $0x1FB00  }
0x11f: {  	[tilespmem:s13], [sflag:$0x9] =	stream.linear.gather @!p1 [hbm4b:s6+s14], $0x100, $0x38;
	[tilespmem:$0x1FF00] =	vst v63  }
0x120: {  	_ =	swait.ge [sflag:s0], $0x4000  }
0x121: {  	[sflag:s0] =	ssyncset.done $0x0  }
0x122: {  	s17 =	rddreg [dreg:$0xc];
	[sflag:s0] =	ssyncadd.s32 $0xFFFFC000  }
0x123: {  	[spmem:s1] =	stream.indirect.scatter.add.f32 [tilespmem:s25], [sflag:$0x5], $0x80, s17, s21, $0xb8;
	[tilespmem:$0x1FF00] =	vst v63  }
0x124: {  	_ =	swait.ge [sflag:s9], $0x4000  }
0x125: {  	[sflag:s9] =	ssyncset.done $0x0  }
0x126: {  	s18 =	simm.s32 $0x1FE80;
	[sflag:s9] =	ssyncadd.s32 $0xFFFFC000  }
0x127: {  	[spmem:s1] =	stream.indirect.scatter.add.f32 [tilespmem:s30], [sflag:$0x6], $0x80, s18, s21, $0xb8;
	[tilespmem:$0x1FF00] =	vst v63  }
0x128: {  	_ =	swait.ge [sflag:s2], $0x4000  }
0x129: {  	[sflag:s2] =	ssyncset.done $0x0  }
0x12a: {  	[sflag:s2] =	ssyncadd.s32 $0xFFFFC000  }
0x12b: {  	_ =	swait.ge [sflag:s10], $0x4000  }
0x12c: {  	[sflag:s10] =	ssyncset.done $0x0  }
0x12d: {  	[sflag:s10] =	ssyncadd.s32 $0xFFFFC000  }
0x12e: {  	_ =	swait.ge [sflag:s12], $0x4000  }
0x12f: {  	[sflag:s12] =	ssyncset.done $0x0  }
0x130: {  	[sflag:s12] =	ssyncadd.s32 $0xFFFFC000  }
0x131: {  	[bflag:$0x0] =	sbarrier.arrive $0xFFFF  }
0x132: {  	s13 =	rddreg [dreg:$0x12]  }
0x133: {  	s6 =	simm.s32 @p0 $0x1FCD;
	s14 =	rddreg [dreg:$0x15]  }
0x134: {  	[hbm:s13], [sflag:s6] =	dma.local @p0 [spmem:s14], $0x1A00  }
0x135: {  	s6 =	simm.s32 @p0 $0xD  }
0x136: {  	_ =	swait.ge @p0 [sflag:s6], $0x1A00  }
0x137: {  	s15 =	rddreg [dreg:$0x16]  }
0x138: {  	[sflag:s6] =	ssyncset.done @p0 $0x0;
	s16 =	rddreg [dreg:$0x17]  }
0x139: {  	[sflag:s6] =	ssyncadd.s32 @p0 $0xFFFFE600;
	s6 =	rddreg [dreg:$0x11]  }
0x13a: {  	[hbm:s6], [sflag:s15] =	dma.local @!p0 [spmem:s16], $0x2800  }
0x13b: {  	s6 =	simm.s32 @!p0 $0xD  }
0x13c: {  	_ =	swait.ge @!p0 [sflag:s6], $0x2800  }
0x13d: {  	s17 =	rddreg [dreg:$0x18]  }
0x13e: {  	s19 =	rddreg [dreg:$0x13];
	s17 =	sadd.s32 $0x1, s17  }
0x13f: {  	p1 =	sne.s32 s17, s19  }
.Ltmp1:
0x140: {  	_ = 	snop;
	(pc) =	sbr.rel @p1 .LBB2_1-.Ltmp1, $3  }
0x141: {  	_ =	sdelay $0x1  }
0x142: {  	[sflag:s6] =	ssyncset.done @!p0 $0x0  }
0x143: {  	[sflag:s6] =	ssyncadd.s32 @!p0 $0xFFFFD800  }
0x144: {  	_ =	sfence.sel $0x180000  }
0x145: {  	[bflag:$0x0] =	sbarrier.arrive $0xFFFF  }
0x146: {  	_ =	strace $0x90000050  }
0x147: {  	s0 =	stileid.u32;
	[bflag:$0x2] =	sbarrier.arrive $0xFFFF  }
0x148: {  	p0 =	sne.s32 s0, $0x0;
	s0 =	rddreg [dreg:$0x2]  }
0x149: {  	s0 =	sadd.s32 @!p0 $0x100000, s0  }
0x14a: {  	[sflag:s0] =	ssyncadd.tile.s32 @!p0 $0x1;
	_ =	shalt  }
.Lfunc_end2:
_tile_overlayer_lowered:
.L_overlay_start_2:
0x14b: {  	(tag) =	ssettag $0x2  }
0x14c: {  	s0 =	rddreg [dreg:$0x0];
	s2 =	stileid.u32  }
0x14d: {  	s1 =	rddreg [dreg:$0x1];
	p0 =	sne.s32 s2, $0x0  }
0x14e: {  	s3 =	rddreg [dreg:$0x2];
	[bflag:$0x3] =	sbarrier.arrive $0xFFFF;
	s2 =	simm.s32 @!p0 $0x1C0D  }
0x14f: {  	[timem:s3], [sflag:s2] =	dma.local @!p0 [hbm:s0], s1  }
0x150: {  	s0 =	simm.s32 @!p0 $0xD  }
0x151: {  	_ =	swait.ge @!p0 [sflag:s0], s1  }
0x152: {  	s1 =	ssub.s32 @!p0 $0x0, s1;
	[sflag:s0] =	ssyncset.done @!p0 $0x0  }
0x153: {  	[sflag:s0] =	ssyncadd.s32 @!p0 s1  }
0x154: {  	[bflag:$0x3] =	sbarrier.arrive $0xFFFF  }
0x155: {  	_ =	shalt  }

</sc_bundles>
